<compile_context>
chip_gen: v7x
topology: tpu7x:2x2x1
jax: 0.10.2.dev20260603
libtpu: 0.0.44.dev20260713+nightly
codegen_flags: <defaults>
</compile_context>

<pallas_src>
import functools

import jax
import jax.numpy as jnp
from jax import lax
from jax.experimental import pallas as pl
from jax.experimental.pallas import tpu as pltpu
from jax.experimental.pallas import tpu_sc as plsc

NC = 2
NS = 16
NW = NC * NS
CHUNK = 80
LN_EPS = 1e-5


def _silu_ln(v, g, be):
    v = v * (1.0 / (1.0 + jnp.exp(-v)))
    mu = jnp.mean(v, axis=-1, keepdims=True)
    d = v - mu
    var = jnp.mean(d * d, axis=-1, keepdims=True)
    return d * lax.rsqrt(var + LN_EPS) * g + be



def _row_block(n):
    for blk in (1000, 500, 250, 200, 100, 50, 25, 8):
        if n % blk == 0:
            return blk
    return n


@functools.lru_cache(maxsize=None)
def _tc_stage0(n, d):
    blk = _row_block(n)

    def body(x_ref, w0_ref, b0_ref, g0_ref, be0_ref,
             w1_ref, b1_ref, g1_ref, be1_ref, h_ref, z_ref):
        h = _silu_ln(
            jnp.dot(x_ref[...], w0_ref[...], preferred_element_type=jnp.float32)
            + b0_ref[...], g0_ref[...], be0_ref[...])
        h_ref[...] = h
        z_ref[...] = _silu_ln(
            jnp.dot(h, w1_ref[...], preferred_element_type=jnp.float32)
            + b1_ref[...], g1_ref[...], be1_ref[...])

    mat = pl.BlockSpec((d, d), lambda i: (0, 0))
    vec = pl.BlockSpec((1, d), lambda i: (0, 0))
    row = pl.BlockSpec((blk, d), lambda i: (i, 0))
    return pl.pallas_call(
        body,
        grid=(n // blk,),
        in_specs=[row, mat, vec, vec, vec, mat, vec, vec, vec],
        out_specs=(row, row),
        out_shape=(jax.ShapeDtypeStruct((n, d), jnp.float32),
                   jax.ShapeDtypeStruct((n, d), jnp.float32)),
    )


@functools.lru_cache(maxsize=None)
def _tc_mid(n, d, n_pad, final):
    blk = _row_block(n)

    def combine(p_ref, dp_ref, hp_ref):
        deg = dp_ref[0, :, 0:1] + dp_ref[1, :, 0:1]
        return (p_ref[0] + p_ref[1]) / jnp.maximum(deg, 1.0) + hp_ref[...]

    if final:
        def body(p_ref, dp_ref, hp_ref, h_ref):
            h_ref[...] = combine(p_ref, dp_ref, hp_ref)
    else:
        def body(p_ref, dp_ref, hp_ref, w_ref, b_ref, g_ref, be_ref,
                 h_ref, z_ref):
            h = combine(p_ref, dp_ref, hp_ref)
            h_ref[...] = h
            z_ref[...] = _silu_ln(
                jnp.dot(h, w_ref[...], preferred_element_type=jnp.float32)
                + b_ref[...], g_ref[...], be_ref[...])

    p_spec = pl.BlockSpec((NC, blk, d), lambda i: (0, i, 0))
    row = pl.BlockSpec((blk, d), lambda i: (i, 0))
    mat = pl.BlockSpec((d, d), lambda i: (0, 0))
    vec = pl.BlockSpec((1, d), lambda i: (0, 0))
    out_sds = jax.ShapeDtypeStruct((n, d), jnp.float32)
    if final:
        in_specs = [p_spec, p_spec, row]
        out_specs, out_shape = row, out_sds
    else:
        in_specs = [p_spec, p_spec, row, mat, vec, vec, vec]
        out_specs, out_shape = (row, row), (out_sds, out_sds)
    return pl.pallas_call(
        body, grid=(n // blk,), in_specs=in_specs,
        out_specs=out_specs, out_shape=out_shape)



GCH = 80


def _pad_rows(n):
    rs = -(-n // NS)
    rs = -(-rs // GCH) * GCH
    if rs * NS == n:
        rs += GCH
    return rs, rs * NS


@functools.lru_cache(maxsize=None)
def _sc_agg(n, d, cpt):
    assert cpt % 2 == 1
    rs, n_pad = _pad_rows(n)

    mesh = plsc.VectorSubcoreMesh(core_axis_name="c", subcore_axis_name="s")

    def body(z_hbm, src_hbm, dst_hbm, out_hbm,
             src_all, dst_all, rows0, rows1, acc,
             semi, semG0, semG1, semS0, semS1):
        cid = lax.axis_index("c")
        sid = lax.axis_index("s")
        wid = cid * NS + sid

        pltpu.async_copy(src_hbm.at[wid], src_all, semi)
        pltpu.async_copy(dst_hbm.at[wid], dst_all, semi)

        def zero_rows(r, c):
            for cc in range(d // 16):
                rows0[r, pl.ds(cc * 16, 16)] = jnp.zeros((16,), jnp.float32)
            return c
        lax.fori_loop(0, GCH, zero_rows, 0)
        for j in range(rs // GCH):
            pltpu.sync_copy(rows0, acc.at[pl.ds(sid * rs + j * GCH, GCH)])

        pltpu.make_async_copy(src_hbm.at[wid], src_all, semi).wait()
        pltpu.make_async_copy(dst_hbm.at[wid], dst_all, semi).wait()

        plsc.subcore_barrier()

        def g_start(j, buf, sem):
            pltpu.async_copy(z_hbm.at[src_all.at[pl.ds(j * GCH, GCH)]], buf, sem)

        def g_wait(j, buf, sem):
            pltpu.make_async_copy(
                z_hbm.at[src_all.at[pl.ds(j * GCH, GCH)]], buf, sem).wait()

        def s_start(j, buf, sem):
            pltpu.async_copy(buf, acc.at[dst_all.at[j]], sem, add=True)

        def s_wait(j, buf, sem):
            pltpu.make_async_copy(buf, acc.at[dst_all.at[j]], sem).wait()

        g_start(0, rows0, semG0)
        g_wait(0, rows0, semG0)
        g_start(1, rows1, semG1)
        s_start(0, rows0, semS0)

        def step(jj, c):
            j0 = 2 * jj + 1
            g_wait(j0, rows1, semG1)
            s_wait(j0 - 1, rows0, semS0)
            g_start(j0 + 1, rows0, semG0)
            s_start(j0, rows1, semS1)
            g_wait(j0 + 1, rows0, semG0)
            s_wait(j0, rows1, semS1)
            g_start(j0 + 2, rows1, semG1)
            s_start(j0 + 1, rows0, semS0)
            return c
        lax.fori_loop(0, (cpt - 3) // 2, step, 0)

        g_wait(cpt - 2, rows1, semG1)
        s_wait(cpt - 3, rows0, semS0)
        g_start(cpt - 1, rows0, semG0)
        s_start(cpt - 2, rows1, semS1)
        g_wait(cpt - 1, rows0, semG0)
        s_wait(cpt - 2, rows1, semS1)
        s_start(cpt - 1, rows0, semS0)
        s_wait(cpt - 1, rows0, semS0)

        plsc.subcore_barrier()

        rb = sid * rs
        pltpu.sync_copy(acc.at[pl.ds(rb, rs)], out_hbm.at[cid, pl.ds(rb, rs)])

    kfn = pl.kernel(body,
                    out_type=jax.ShapeDtypeStruct((NC, n_pad, d), jnp.float32),
                    mesh=mesh,
                    scratch_types=(
                        pltpu.VMEM((cpt * GCH,), jnp.int32),
                        pltpu.VMEM((cpt, GCH), jnp.int32),
                        pltpu.VMEM((GCH, d), jnp.float32),
                        pltpu.VMEM((GCH, d), jnp.float32),
                        pltpu.VMEM_SHARED((n_pad, d), jnp.float32),
                        pltpu.SemaphoreType.DMA,
                        pltpu.SemaphoreType.DMA,
                        pltpu.SemaphoreType.DMA,
                        pltpu.SemaphoreType.DMA,
                        pltpu.SemaphoreType.DMA,
                    ))
    return kfn, n_pad


@functools.lru_cache(maxsize=None)
def _sc_deg(n, d, cpt):
    rs, n_pad = _pad_rows(n)

    mesh = plsc.VectorSubcoreMesh(core_axis_name="c", subcore_axis_name="s")

    def body(dst_hbm, out_hbm, dst_all, rows, acc, semi):
        cid = lax.axis_index("c")
        sid = lax.axis_index("s")
        wid = cid * NS + sid

        pltpu.async_copy(dst_hbm.at[wid], dst_all, semi)

        def fill(r, val):
            for cc in range(d // 16):
                rows[r, pl.ds(cc * 16, 16)] = jnp.full((16,), val, jnp.float32)
            return val
        lax.fori_loop(0, GCH, fill, 0.0)
        for j in range(rs // GCH):
            pltpu.sync_copy(rows, acc.at[pl.ds(sid * rs + j * GCH, GCH)])
        lax.fori_loop(0, GCH, fill, 1.0)

        pltpu.make_async_copy(dst_hbm.at[wid], dst_all, semi).wait()

        plsc.subcore_barrier()

        grp = 8

        def step(jj, c):
            for k in range(grp):
                pltpu.async_copy(rows, acc.at[dst_all.at[jj * grp + k]], semi,
                                 add=True)
            for k in range(grp):
                pltpu.make_async_copy(rows, acc.at[dst_all.at[jj * grp + k]],
                                      semi).wait()
            return c
        lax.fori_loop(0, cpt // grp, step, 0)
        for j in range(cpt - cpt % grp, cpt):
            pltpu.sync_copy(rows, acc.at[dst_all.at[j]], add=True)

        plsc.subcore_barrier()

        rb = sid * rs
        pltpu.sync_copy(acc.at[pl.ds(rb, rs)], out_hbm.at[cid, pl.ds(rb, rs)])

    kfn = pl.kernel(body,
                    out_type=jax.ShapeDtypeStruct((NC, n_pad, d), jnp.float32),
                    mesh=mesh,
                    scratch_types=(
                        pltpu.VMEM((cpt, GCH), jnp.int32),
                        pltpu.VMEM((GCH, d), jnp.float32),
                        pltpu.VMEM_SHARED((n_pad, d), jnp.float32),
                        pltpu.SemaphoreType.DMA,
                    ))
    return kfn


def kernel(x, edge_index, W_in, b_in, g_in, be_in, Wl, bl, gl, bel):
    n, d = x.shape
    e = edge_index.shape[1]
    src = edge_index[0]
    dst = edge_index[1]
    r1 = lambda v: v.reshape(1, d)

    cpt = -(-e // (NW * GCH))
    if cpt % 2 == 0:
        cpt += 1
    e_pad = cpt * GCH * NW
    if e_pad != e:
        pad = e_pad - e
        src = jnp.concatenate([src, jnp.zeros((pad,), jnp.int32)])
        dst = jnp.concatenate([dst, jnp.full((pad,), n, jnp.int32)])
    src2 = src.reshape(NW, cpt * GCH)
    dst3 = dst.reshape(NW, cpt, GCH)

    agg, n_pad = _sc_agg(n, d, cpt)
    dp = _sc_deg(n, d, cpt)(dst3)

    h0, z0 = _tc_stage0(n, d)(x, W_in, r1(b_in), r1(g_in), r1(be_in),
                              Wl[0], r1(bl[0]), r1(gl[0]), r1(bel[0]))
    p1 = agg(z0, src2, dst3)
    h1, z1 = _tc_mid(n, d, n_pad, False)(p1, dp, h0, Wl[1], r1(bl[1]),
                                         r1(gl[1]), r1(bel[1]))
    p2 = agg(z1, src2, dst3)
    h2, z2 = _tc_mid(n, d, n_pad, False)(p2, dp, h1, Wl[2], r1(bl[2]),
                                         r1(gl[2]), r1(bel[2]))
    p3 = agg(z2, src2, dst3)
    return _tc_mid(n, d, n_pad, True)(p3, dp, h2)

# --- scband reference (transcript-rebuilt; emitter-appended) ---
"""Pipeline reference for scband-gnnencoder-3736621548265 (READ-ONLY COPY).

The authoritative reference and input builder live on the scoring server;
editing this copy changes nothing except your own understanding.
"""

import jax, jax.numpy as jnp
import numpy as np

N_NODES = 10000
N_EDGES = 320000
D = 128
N_LAYERS = 3  # num_layers - 1


def _silu(v):
    return v * jax.nn.sigmoid(v)


def _layernorm(v, g, b, eps=1e-5):
    mu = jnp.mean(v, axis=-1, keepdims=True)
    var = jnp.mean((v - mu) ** 2, axis=-1, keepdims=True)
    return (v - mu) / jnp.sqrt(var + eps) * g + b


def setup_inputs(seed: int = 0) -> dict:
    key = jax.random.key(seed)
    ks = jax.random.split(key, 11)
    scale = 1.0 / np.sqrt(D)
    x = jax.random.normal(ks[0], (N_NODES, D), dtype=jnp.float32)
    edge_index = jax.random.randint(ks[1], (2, N_EDGES), 0, N_NODES, dtype=jnp.int32)
    W_in = jax.random.normal(ks[2], (D, D), dtype=jnp.float32) * scale
    b_in = jnp.zeros((D,), dtype=jnp.float32)
    g_in = jnp.ones((D,), dtype=jnp.float32)
    be_in = jnp.zeros((D,), dtype=jnp.float32)
    Wl = jax.random.normal(ks[3], (N_LAYERS, D, D), dtype=jnp.float32) * scale
    bl = jnp.zeros((N_LAYERS, D), dtype=jnp.float32)
    gl = jnp.ones((N_LAYERS, D), dtype=jnp.float32)
    bel = jnp.zeros((N_LAYERS, D), dtype=jnp.float32)
    return {"x": x, "edge_index": edge_index, "W_in": W_in, "b_in": b_in,
            "g_in": g_in, "be_in": be_in, "Wl": Wl, "bl": bl, "gl": gl, "bel": bel}


def reference(x, edge_index, W_in, b_in, g_in, be_in, Wl, bl, gl, bel):
    n = x.shape[0]
    src = edge_index[0]
    dst = edge_index[1]
    # InitialEmbedding: Linear -> SiLU -> LayerNorm
    h = _layernorm(_silu(x @ W_in + b_in), g_in, be_in)
    # precompute in-degree (mean aggregation denominator), clamped to >= 1
    deg = jax.ops.segment_sum(jnp.ones((src.shape[0],), dtype=x.dtype), dst, num_segments=n)
    deg = jnp.clip(deg, 1.0, None)
    for i in range(Wl.shape[0]):
        # GNNLayer: Linear -> SiLU -> LayerNorm, then mean aggregation of x_j over dst
        z = _layernorm(_silu(h @ Wl[i] + bl[i]), gl[i], bel[i])
        agg = jax.ops.segment_sum(z[src], dst, num_segments=n) / deg[:, None]
        h = agg + h  # residual in GNNEncoder
    return h

if __name__ == "__main__":
    import jax
    _d = setup_inputs()
    print(jax.jit(kernel)(*tuple(_d.values())))

</pallas_src>

<mosaic_0001>
#map = affine_map<(d0, d1) -> (0, 0)>
#map1 = affine_map<(d0, d1) -> (0, 0, 0)>
module attributes {stable_mosaic.version = 14 : i64} {
  func.func @body(%arg0: i32, %arg1: i32, %arg2: memref<10000x128xf32, #tpu.memory_space<hbm>>, %arg3: memref<32x10000xi32, #tpu.memory_space<hbm>>, %arg4: memref<32x125x80xi32, #tpu.memory_space<hbm>>, %arg5: memref<2x10240x128xf32, #tpu.memory_space<hbm>>, %arg6: memref<10000xi32, #tpu.memory_space<vmem>>, %arg7: memref<125x80xi32, #tpu.memory_space<vmem>>, %arg8: memref<80x128xf32, #tpu.memory_space<vmem>>, %arg9: memref<80x128xf32, #tpu.memory_space<vmem>>, %arg10: memref<10240x128xf32, #tpu.memory_space<vmem_shared>>, %arg11: memref<!tpu.dma_semaphore, #tpu.memory_space<semaphore_mem>>, %arg12: memref<!tpu.dma_semaphore, #tpu.memory_space<semaphore_mem>>, %arg13: memref<!tpu.dma_semaphore, #tpu.memory_space<semaphore_mem>>, %arg14: memref<!tpu.dma_semaphore, #tpu.memory_space<semaphore_mem>>, %arg15: memref<!tpu.dma_semaphore, #tpu.memory_space<semaphore_mem>>) attributes {dimension_semantics = [#tpu.dimension_semantics<core_parallel>, #tpu.dimension_semantics<subcore_parallel>], iteration_bounds = array<i64: 2, 16>, scalar_prefetch = 0 : i64, scratch_operands = 10 : i64, tpu.core_type = #tpu.core_type<sc_vector_subcore>, window_params = [{transform_indices = #map}, {transform_indices = #map}, {transform_indices = #map1}, {transform_indices = #map1}]} {
    %mul3A = arith.constant 16 : i32
    %mul3A_0 = arith.muli %arg0, %mul3A : i32
    %add3A = arith.addi %mul3A_0, %arg1 : i32
    %dma_start3A = arith.constant 0 : i32
    %dma_start3A_1 = tpu.memref_slice %arg3[%add3A, %dma_start3A] : memref<32x10000xi32, #tpu.memory_space<hbm>> -> memref<1x10000xi32, #tpu.memory_space<hbm>>
    %dma_start3A_2 = tpu.memref_squeeze %dma_start3A_1 : memref<1x10000xi32, #tpu.memory_space<hbm>> -> memref<10000xi32, #tpu.memory_space<hbm>>
    %dma_start3A_3 = arith.constant 0 : i32
    %dma_start3A_4 = tpu.memref_slice %arg3[%add3A, %dma_start3A_3] : memref<32x10000xi32, #tpu.memory_space<hbm>> -> memref<1x10000xi32, #tpu.memory_space<hbm>>
    %dma_start3A_5 = tpu.memref_squeeze %dma_start3A_4 : memref<1x10000xi32, #tpu.memory_space<hbm>> -> memref<10000xi32, #tpu.memory_space<hbm>>
    tpu.enqueue_dma source(%dma_start3A_5 : memref<10000xi32, #tpu.memory_space<hbm>>) target(%arg6 : memref<10000xi32, #tpu.memory_space<vmem>>) target_semaphore(%arg11 : memref<!tpu.dma_semaphore, #tpu.memory_space<semaphore_mem>>)
    %dma_start3A_6 = arith.constant 0 : i32
    %dma_start3A_7 = arith.constant 0 : i32
    %dma_start3A_8 = tpu.memref_slice %arg4[%add3A, %dma_start3A_6, %dma_start3A_7] : memref<32x125x80xi32, #tpu.memory_space<hbm>> -> memref<1x125x80xi32, #tpu.memory_space<hbm>>
    %dma_start3A_9 = tpu.memref_squeeze %dma_start3A_8 : memref<1x125x80xi32, #tpu.memory_space<hbm>> -> memref<125x80xi32, #tpu.memory_space<hbm>>
    %dma_start3A_10 = arith.constant 0 : i32
    %dma_start3A_11 = arith.constant 0 : i32
    %dma_start3A_12 = tpu.memref_slice %arg4[%add3A, %dma_start3A_10, %dma_start3A_11] : memref<32x125x80xi32, #tpu.memory_space<hbm>> -> memref<1x125x80xi32, #tpu.memory_space<hbm>>
    %dma_start3A_13 = tpu.memref_squeeze %dma_start3A_12 : memref<1x125x80xi32, #tpu.memory_space<hbm>> -> memref<125x80xi32, #tpu.memory_space<hbm>>
    tpu.enqueue_dma source(%dma_start3A_13 : memref<125x80xi32, #tpu.memory_space<hbm>>) target(%arg7 : memref<125x80xi32, #tpu.memory_space<vmem>>) target_semaphore(%arg11 : memref<!tpu.dma_semaphore, #tpu.memory_space<semaphore_mem>>)
    %scan3A = arith.constant 0 : i32
    %scan3A_14 = arith.constant 0 : i32
    %scan3A_15 = arith.constant 80 : i32
    %scan3A_16 = arith.addi %scan3A_14, %scan3A_15 : i32
    %scan3A_17 = arith.constant 1 : i32
    scf.for %scan3A_145 = %scan3A_14 to %scan3A_16 step %scan3A_17  : i32 {
      %broadcast_in_dim3A = arith.constant 0.000000e+00 : f32
      %broadcast_in_dim3A_146 = vector.broadcast %broadcast_in_dim3A : f32 to vector<16xf32>
      %swap3A = arith.index_cast %scan3A_145 : i32 to index
      %swap3A_147 = arith.constant 0 : index
      %swap3A_148 = tpu.vector_load %arg8[%swap3A, %swap3A_147] {strides = array<i32>} : memref<80x128xf32, #tpu.memory_space<vmem>>, vector<1x16xf32>,
      %swap3A_149 = vector.shape_cast %swap3A_148 : vector<1x16xf32> to vector<16xf32>
      %swap3A_150 = vector.shape_cast %broadcast_in_dim3A_146 : vector<16xf32> to vector<1x16xf32>
      tpu.vector_store %arg8[%swap3A, %swap3A_147], %swap3A_150 {strides = array<i32>} : memref<80x128xf32, #tpu.memory_space<vmem>>, vector<1x16xf32>,
      %broadcast_in_dim3A_151 = arith.constant 0.000000e+00 : f32
      %broadcast_in_dim3A_152 = vector.broadcast %broadcast_in_dim3A_151 : f32 to vector<16xf32>
      %swap3A_153 = arith.index_cast %scan3A_145 : i32 to index
      %swap3A_154 = arith.constant 16 : index
      %swap3A_155 = tpu.vector_load %arg8[%swap3A_153, %swap3A_154] {strides = array<i32>} : memref<80x128xf32, #tpu.memory_space<vmem>>, vector<1x16xf32>,
      %swap3A_156 = vector.shape_cast %swap3A_155 : vector<1x16xf32> to vector<16xf32>
      %swap3A_157 = vector.shape_cast %broadcast_in_dim3A_152 : vector<16xf32> to vector<1x16xf32>
      tpu.vector_store %arg8[%swap3A_153, %swap3A_154], %swap3A_157 {strides = array<i32>} : memref<80x128xf32, #tpu.memory_space<vmem>>, vector<1x16xf32>,
      %broadcast_in_dim3A_158 = arith.constant 0.000000e+00 : f32
      %broadcast_in_dim3A_159 = vector.broadcast %broadcast_in_dim3A_158 : f32 to vector<16xf32>
      %swap3A_160 = arith.index_cast %scan3A_145 : i32 to index
      %swap3A_161 = arith.constant 32 : index
      %swap3A_162 = tpu.vector_load %arg8[%swap3A_160, %swap3A_161] {strides = array<i32>} : memref<80x128xf32, #tpu.memory_space<vmem>>, vector<1x16xf32>,
      %swap3A_163 = vector.shape_cast %swap3A_162 : vector<1x16xf32> to vector<16xf32>
      %swap3A_164 = vector.shape_cast %broadcast_in_dim3A_159 : vector<16xf32> to vector<1x16xf32>
      tpu.vector_store %arg8[%swap3A_160, %swap3A_161], %swap3A_164 {strides = array<i32>} : memref<80x128xf32, #tpu.memory_space<vmem>>, vector<1x16xf32>,
      %broadcast_in_dim3A_165 = arith.constant 0.000000e+00 : f32
      %broadcast_in_dim3A_166 = vector.broadcast %broadcast_in_dim3A_165 : f32 to vector<16xf32>
      %swap3A_167 = arith.index_cast %scan3A_145 : i32 to index
      %swap3A_168 = arith.constant 48 : index
      %swap3A_169 = tpu.vector_load %arg8[%swap3A_167, %swap3A_168] {strides = array<i32>} : memref<80x128xf32, #tpu.memory_space<vmem>>, vector<1x16xf32>,
      %swap3A_170 = vector.shape_cast %swap3A_169 : vector<1x16xf32> to vector<16xf32>
      %swap3A_171 = vector.shape_cast %broadcast_in_dim3A_166 : vector<16xf32> to vector<1x16xf32>
      tpu.vector_store %arg8[%swap3A_167, %swap3A_168], %swap3A_171 {strides = array<i32>} : memref<80x128xf32, #tpu.memory_space<vmem>>, vector<1x16xf32>,
      %broadcast_in_dim3A_172 = arith.constant 0.000000e+00 : f32
      %broadcast_in_dim3A_173 = vector.broadcast %broadcast_in_dim3A_172 : f32 to vector<16xf32>
      %swap3A_174 = arith.index_cast %scan3A_145 : i32 to index
      %swap3A_175 = arith.constant 64 : index
      %swap3A_176 = tpu.vector_load %arg8[%swap3A_174, %swap3A_175] {strides = array<i32>} : memref<80x128xf32, #tpu.memory_space<vmem>>, vector<1x16xf32>,
      %swap3A_177 = vector.shape_cast %swap3A_176 : vector<1x16xf32> to vector<16xf32>
      %swap3A_178 = vector.shape_cast %broadcast_in_dim3A_173 : vector<16xf32> to vector<1x16xf32>
      tpu.vector_store %arg8[%swap3A_174, %swap3A_175], %swap3A_178 {strides = array<i32>} : memref<80x128xf32, #tpu.memory_space<vmem>>, vector<1x16xf32>,
      %broadcast_in_dim3A_179 = arith.constant 0.000000e+00 : f32
      %broadcast_in_dim3A_180 = vector.broadcast %broadcast_in_dim3A_179 : f32 to vector<16xf32>
      %swap3A_181 = arith.index_cast %scan3A_145 : i32 to index
      %swap3A_182 = arith.constant 80 : index
      %swap3A_183 = tpu.vector_load %arg8[%swap3A_181, %swap3A_182] {strides = array<i32>} : memref<80x128xf32, #tpu.memory_space<vmem>>, vector<1x16xf32>,
      %swap3A_184 = vector.shape_cast %swap3A_183 : vector<1x16xf32> to vector<16xf32>
      %swap3A_185 = vector.shape_cast %broadcast_in_dim3A_180 : vector<16xf32> to vector<1x16xf32>
      tpu.vector_store %arg8[%swap3A_181, %swap3A_182], %swap3A_185 {strides = array<i32>} : memref<80x128xf32, #tpu.memory_space<vmem>>, vector<1x16xf32>,
      %broadcast_in_dim3A_186 = arith.constant 0.000000e+00 : f32
      %broadcast_in_dim3A_187 = vector.broadcast %broadcast_in_dim3A_186 : f32 to vector<16xf32>
      %swap3A_188 = arith.index_cast %scan3A_145 : i32 to index
      %swap3A_189 = arith.constant 96 : index
      %swap3A_190 = tpu.vector_load %arg8[%swap3A_188, %swap3A_189] {strides = array<i32>} : memref<80x128xf32, #tpu.memory_space<vmem>>, vector<1x16xf32>,
      %swap3A_191 = vector.shape_cast %swap3A_190 : vector<1x16xf32> to vector<16xf32>
      %swap3A_192 = vector.shape_cast %broadcast_in_dim3A_187 : vector<16xf32> to vector<1x16xf32>
      tpu.vector_store %arg8[%swap3A_188, %swap3A_189], %swap3A_192 {strides = array<i32>} : memref<80x128xf32, #tpu.memory_space<vmem>>, vector<1x16xf32>,
      %broadcast_in_dim3A_193 = arith.constant 0.000000e+00 : f32
      %broadcast_in_dim3A_194 = vector.broadcast %broadcast_in_dim3A_193 : f32 to vector<16xf32>
      %swap3A_195 = arith.index_cast %scan3A_145 : i32 to index
      %swap3A_196 = arith.constant 112 : index
      %swap3A_197 = tpu.vector_load %arg8[%swap3A_195, %swap3A_196] {strides = array<i32>} : memref<80x128xf32, #tpu.memory_space<vmem>>, vector<1x16xf32>,
      %swap3A_198 = vector.shape_cast %swap3A_197 : vector<1x16xf32> to vector<16xf32>
      %swap3A_199 = vector.shape_cast %broadcast_in_dim3A_194 : vector<16xf32> to vector<1x16xf32>
      tpu.vector_store %arg8[%swap3A_195, %swap3A_196], %swap3A_199 {strides = array<i32>} : memref<80x128xf32, #tpu.memory_space<vmem>>, vector<1x16xf32>,
    }
    %scan3A_18 = arith.constant 80 : i32
    %mul3A_19 = arith.constant 640 : i32
    %mul3A_20 = arith.muli %arg1, %mul3A_19 : i32
    %add3A_21 = arith.constant 0 : i32
    %add3A_22 = arith.addi %mul3A_20, %add3A_21 : i32
    "tpu.region"() ({
      %run_scoped3A = tpu.sem_alloc : memref<!tpu.dma_semaphore, #tpu.memory_space<semaphore_mem>>
      %dma_start3A_145 = arith.constant 0 : i32
      %dma_start3A_146 = tpu.memref_slice %arg10[%add3A_22, %dma_start3A_145] : memref<10240x128xf32, #tpu.memory_space<vmem_shared>> -> memref<80x128xf32, #tpu.memory_space<vmem_shared>>
      %dma_start3A_147 = arith.constant 0 : i32
      %dma_start3A_148 = tpu.memref_slice %arg10[%add3A_22, %dma_start3A_147] : memref<10240x128xf32, #tpu.memory_space<vmem_shared>> -> memref<80x128xf32, #tpu.memory_space<vmem_shared>>
      tpu.enqueue_dma source(%arg8 : memref<80x128xf32, #tpu.memory_space<vmem>>) target(%dma_start3A_148 : memref<80x128xf32, #tpu.memory_space<vmem_shared>>) target_semaphore(%run_scoped3A : memref<!tpu.dma_semaphore, #tpu.memory_space<semaphore_mem>>)
      %dma_wait3A_149 = arith.constant 0 : i32
      %dma_wait3A_150 = tpu.memref_slice %arg10[%add3A_22, %dma_wait3A_149] : memref<10240x128xf32, #tpu.memory_space<vmem_shared>> -> memref<80x128xf32, #tpu.memory_space<vmem_shared>>
      %dma_wait3A_151 = arith.constant 0 : i32
      %dma_wait3A_152 = tpu.memref_slice %arg10[%add3A_22, %dma_wait3A_151] : memref<10240x128xf32, #tpu.memory_space<vmem_shared>> -> memref<80x128xf32, #tpu.memory_space<vmem_shared>>
      tpu.wait_dma2 semaphore(%run_scoped3A : memref<!tpu.dma_semaphore, #tpu.memory_space<semaphore_mem>>) src(%arg8 : memref<80x128xf32, #tpu.memory_space<vmem>>) dst(%dma_wait3A_152 : memref<80x128xf32, #tpu.memory_space<vmem_shared>>)
      tpu.yield
    }) : () -> ()
    %mul3A_23 = arith.constant 640 : i32
    %mul3A_24 = arith.muli %arg1, %mul3A_23 : i32
    %add3A_25 = arith.constant 80 : i32
    %add3A_26 = arith.addi %mul3A_24, %add3A_25 : i32
    "tpu.region"() ({
      %run_scoped3A = tpu.sem_alloc : memref<!tpu.dma_semaphore, #tpu.memory_space<semaphore_mem>>
      %dma_start3A_145 = arith.constant 0 : i32
      %dma_start3A_146 = tpu.memref_slice %arg10[%add3A_26, %dma_start3A_145] : memref<10240x128xf32, #tpu.memory_space<vmem_shared>> -> memref<80x128xf32, #tpu.memory_space<vmem_shared>>
      %dma_start3A_147 = arith.constant 0 : i32
      %dma_start3A_148 = tpu.memref_slice %arg10[%add3A_26, %dma_start3A_147] : memref<10240x128xf32, #tpu.memory_space<vmem_shared>> -> memref<80x128xf32, #tpu.memory_space<vmem_shared>>
      tpu.enqueue_dma source(%arg8 : memref<80x128xf32, #tpu.memory_space<vmem>>) target(%dma_start3A_148 : memref<80x128xf32, #tpu.memory_space<vmem_shared>>) target_semaphore(%run_scoped3A : memref<!tpu.dma_semaphore, #tpu.memory_space<semaphore_mem>>)
      %dma_wait3A_149 = arith.constant 0 : i32
      %dma_wait3A_150 = tpu.memref_slice %arg10[%add3A_26, %dma_wait3A_149] : memref<10240x128xf32, #tpu.memory_space<vmem_shared>> -> memref<80x128xf32, #tpu.memory_space<vmem_shared>>
      %dma_wait3A_151 = arith.constant 0 : i32
      %dma_wait3A_152 = tpu.memref_slice %arg10[%add3A_26, %dma_wait3A_151] : memref<10240x128xf32, #tpu.memory_space<vmem_shared>> -> memref<80x128xf32, #tpu.memory_space<vmem_shared>>
      tpu.wait_dma2 semaphore(%run_scoped3A : memref<!tpu.dma_semaphore, #tpu.memory_space<semaphore_mem>>) src(%arg8 : memref<80x128xf32, #tpu.memory_space<vmem>>) dst(%dma_wait3A_152 : memref<80x128xf32, #tpu.memory_space<vmem_shared>>)
      tpu.yield
    }) : () -> ()
    %mul3A_27 = arith.constant 640 : i32
    %mul3A_28 = arith.muli %arg1, %mul3A_27 : i32
    %add3A_29 = arith.constant 160 : i32
    %add3A_30 = arith.addi %mul3A_28, %add3A_29 : i32
    "tpu.region"() ({
      %run_scoped3A = tpu.sem_alloc : memref<!tpu.dma_semaphore, #tpu.memory_space<semaphore_mem>>
      %dma_start3A_145 = arith.constant 0 : i32
      %dma_start3A_146 = tpu.memref_slice %arg10[%add3A_30, %dma_start3A_145] : memref<10240x128xf32, #tpu.memory_space<vmem_shared>> -> memref<80x128xf32, #tpu.memory_space<vmem_shared>>
      %dma_start3A_147 = arith.constant 0 : i32
      %dma_start3A_148 = tpu.memref_slice %arg10[%add3A_30, %dma_start3A_147] : memref<10240x128xf32, #tpu.memory_space<vmem_shared>> -> memref<80x128xf32, #tpu.memory_space<vmem_shared>>
      tpu.enqueue_dma source(%arg8 : memref<80x128xf32, #tpu.memory_space<vmem>>) target(%dma_start3A_148 : memref<80x128xf32, #tpu.memory_space<vmem_shared>>) target_semaphore(%run_scoped3A : memref<!tpu.dma_semaphore, #tpu.memory_space<semaphore_mem>>)
      %dma_wait3A_149 = arith.constant 0 : i32
      %dma_wait3A_150 = tpu.memref_slice %arg10[%add3A_30, %dma_wait3A_149] : memref<10240x128xf32, #tpu.memory_space<vmem_shared>> -> memref<80x128xf32, #tpu.memory_space<vmem_shared>>
      %dma_wait3A_151 = arith.constant 0 : i32
      %dma_wait3A_152 = tpu.memref_slice %arg10[%add3A_30, %dma_wait3A_151] : memref<10240x128xf32, #tpu.memory_space<vmem_shared>> -> memref<80x128xf32, #tpu.memory_space<vmem_shared>>
      tpu.wait_dma2 semaphore(%run_scoped3A : memref<!tpu.dma_semaphore, #tpu.memory_space<semaphore_mem>>) src(%arg8 : memref<80x128xf32, #tpu.memory_space<vmem>>) dst(%dma_wait3A_152 : memref<80x128xf32, #tpu.memory_space<vmem_shared>>)
      tpu.yield
    }) : () -> ()
    %mul3A_31 = arith.constant 640 : i32
    %mul3A_32 = arith.muli %arg1, %mul3A_31 : i32
    %add3A_33 = arith.constant 240 : i32
    %add3A_34 = arith.addi %mul3A_32, %add3A_33 : i32
    "tpu.region"() ({
      %run_scoped3A = tpu.sem_alloc : memref<!tpu.dma_semaphore, #tpu.memory_space<semaphore_mem>>
      %dma_start3A_145 = arith.constant 0 : i32
      %dma_start3A_146 = tpu.memref_slice %arg10[%add3A_34, %dma_start3A_145] : memref<10240x128xf32, #tpu.memory_space<vmem_shared>> -> memref<80x128xf32, #tpu.memory_space<vmem_shared>>
      %dma_start3A_147 = arith.constant 0 : i32
      %dma_start3A_148 = tpu.memref_slice %arg10[%add3A_34, %dma_start3A_147] : memref<10240x128xf32, #tpu.memory_space<vmem_shared>> -> memref<80x128xf32, #tpu.memory_space<vmem_shared>>
      tpu.enqueue_dma source(%arg8 : memref<80x128xf32, #tpu.memory_space<vmem>>) target(%dma_start3A_148 : memref<80x128xf32, #tpu.memory_space<vmem_shared>>) target_semaphore(%run_scoped3A : memref<!tpu.dma_semaphore, #tpu.memory_space<semaphore_mem>>)
      %dma_wait3A_149 = arith.constant 0 : i32
      %dma_wait3A_150 = tpu.memref_slice %arg10[%add3A_34, %dma_wait3A_149] : memref<10240x128xf32, #tpu.memory_space<vmem_shared>> -> memref<80x128xf32, #tpu.memory_space<vmem_shared>>
      %dma_wait3A_151 = arith.constant 0 : i32
      %dma_wait3A_152 = tpu.memref_slice %arg10[%add3A_34, %dma_wait3A_151] : memref<10240x128xf32, #tpu.memory_space<vmem_shared>> -> memref<80x128xf32, #tpu.memory_space<vmem_shared>>
      tpu.wait_dma2 semaphore(%run_scoped3A : memref<!tpu.dma_semaphore, #tpu.memory_space<semaphore_mem>>) src(%arg8 : memref<80x128xf32, #tpu.memory_space<vmem>>) dst(%dma_wait3A_152 : memref<80x128xf32, #tpu.memory_space<vmem_shared>>)
      tpu.yield
    }) : () -> ()
    %mul3A_35 = arith.constant 640 : i32
    %mul3A_36 = arith.muli %arg1, %mul3A_35 : i32
    %add3A_37 = arith.constant 320 : i32
    %add3A_38 = arith.addi %mul3A_36, %add3A_37 : i32
    "tpu.region"() ({
      %run_scoped3A = tpu.sem_alloc : memref<!tpu.dma_semaphore, #tpu.memory_space<semaphore_mem>>
      %dma_start3A_145 = arith.constant 0 : i32
      %dma_start3A_146 = tpu.memref_slice %arg10[%add3A_38, %dma_start3A_145] : memref<10240x128xf32, #tpu.memory_space<vmem_shared>> -> memref<80x128xf32, #tpu.memory_space<vmem_shared>>
      %dma_start3A_147 = arith.constant 0 : i32
      %dma_start3A_148 = tpu.memref_slice %arg10[%add3A_38, %dma_start3A_147] : memref<10240x128xf32, #tpu.memory_space<vmem_shared>> -> memref<80x128xf32, #tpu.memory_space<vmem_shared>>
      tpu.enqueue_dma source(%arg8 : memref<80x128xf32, #tpu.memory_space<vmem>>) target(%dma_start3A_148 : memref<80x128xf32, #tpu.memory_space<vmem_shared>>) target_semaphore(%run_scoped3A : memref<!tpu.dma_semaphore, #tpu.memory_space<semaphore_mem>>)
      %dma_wait3A_149 = arith.constant 0 : i32
      %dma_wait3A_150 = tpu.memref_slice %arg10[%add3A_38, %dma_wait3A_149] : memref<10240x128xf32, #tpu.memory_space<vmem_shared>> -> memref<80x128xf32, #tpu.memory_space<vmem_shared>>
      %dma_wait3A_151 = arith.constant 0 : i32
      %dma_wait3A_152 = tpu.memref_slice %arg10[%add3A_38, %dma_wait3A_151] : memref<10240x128xf32, #tpu.memory_space<vmem_shared>> -> memref<80x128xf32, #tpu.memory_space<vmem_shared>>
      tpu.wait_dma2 semaphore(%run_scoped3A : memref<!tpu.dma_semaphore, #tpu.memory_space<semaphore_mem>>) src(%arg8 : memref<80x128xf32, #tpu.memory_space<vmem>>) dst(%dma_wait3A_152 : memref<80x128xf32, #tpu.memory_space<vmem_shared>>)
      tpu.yield
    }) : () -> ()
    %mul3A_39 = arith.constant 640 : i32
    %mul3A_40 = arith.muli %arg1, %mul3A_39 : i32
    %add3A_41 = arith.constant 400 : i32
    %add3A_42 = arith.addi %mul3A_40, %add3A_41 : i32
    "tpu.region"() ({
      %run_scoped3A = tpu.sem_alloc : memref<!tpu.dma_semaphore, #tpu.memory_space<semaphore_mem>>
      %dma_start3A_145 = arith.constant 0 : i32
      %dma_start3A_146 = tpu.memref_slice %arg10[%add3A_42, %dma_start3A_145] : memref<10240x128xf32, #tpu.memory_space<vmem_shared>> -> memref<80x128xf32, #tpu.memory_space<vmem_shared>>
      %dma_start3A_147 = arith.constant 0 : i32
      %dma_start3A_148 = tpu.memref_slice %arg10[%add3A_42, %dma_start3A_147] : memref<10240x128xf32, #tpu.memory_space<vmem_shared>> -> memref<80x128xf32, #tpu.memory_space<vmem_shared>>
      tpu.enqueue_dma source(%arg8 : memref<80x128xf32, #tpu.memory_space<vmem>>) target(%dma_start3A_148 : memref<80x128xf32, #tpu.memory_space<vmem_shared>>) target_semaphore(%run_scoped3A : memref<!tpu.dma_semaphore, #tpu.memory_space<semaphore_mem>>)
      %dma_wait3A_149 = arith.constant 0 : i32
      %dma_wait3A_150 = tpu.memref_slice %arg10[%add3A_42, %dma_wait3A_149] : memref<10240x128xf32, #tpu.memory_space<vmem_shared>> -> memref<80x128xf32, #tpu.memory_space<vmem_shared>>
      %dma_wait3A_151 = arith.constant 0 : i32
      %dma_wait3A_152 = tpu.memref_slice %arg10[%add3A_42, %dma_wait3A_151] : memref<10240x128xf32, #tpu.memory_space<vmem_shared>> -> memref<80x128xf32, #tpu.memory_space<vmem_shared>>
      tpu.wait_dma2 semaphore(%run_scoped3A : memref<!tpu.dma_semaphore, #tpu.memory_space<semaphore_mem>>) src(%arg8 : memref<80x128xf32, #tpu.memory_space<vmem>>) dst(%dma_wait3A_152 : memref<80x128xf32, #tpu.memory_space<vmem_shared>>)
      tpu.yield
    }) : () -> ()
    %mul3A_43 = arith.constant 640 : i32
    %mul3A_44 = arith.muli %arg1, %mul3A_43 : i32
    %add3A_45 = arith.constant 480 : i32
    %add3A_46 = arith.addi %mul3A_44, %add3A_45 : i32
    "tpu.region"() ({
      %run_scoped3A = tpu.sem_alloc : memref<!tpu.dma_semaphore, #tpu.memory_space<semaphore_mem>>
      %dma_start3A_145 = arith.constant 0 : i32
      %dma_start3A_146 = tpu.memref_slice %arg10[%add3A_46, %dma_start3A_145] : memref<10240x128xf32, #tpu.memory_space<vmem_shared>> -> memref<80x128xf32, #tpu.memory_space<vmem_shared>>
      %dma_start3A_147 = arith.constant 0 : i32
      %dma_start3A_148 = tpu.memref_slice %arg10[%add3A_46, %dma_start3A_147] : memref<10240x128xf32, #tpu.memory_space<vmem_shared>> -> memref<80x128xf32, #tpu.memory_space<vmem_shared>>
      tpu.enqueue_dma source(%arg8 : memref<80x128xf32, #tpu.memory_space<vmem>>) target(%dma_start3A_148 : memref<80x128xf32, #tpu.memory_space<vmem_shared>>) target_semaphore(%run_scoped3A : memref<!tpu.dma_semaphore, #tpu.memory_space<semaphore_mem>>)
      %dma_wait3A_149 = arith.constant 0 : i32
      %dma_wait3A_150 = tpu.memref_slice %arg10[%add3A_46, %dma_wait3A_149] : memref<10240x128xf32, #tpu.memory_space<vmem_shared>> -> memref<80x128xf32, #tpu.memory_space<vmem_shared>>
      %dma_wait3A_151 = arith.constant 0 : i32
      %dma_wait3A_152 = tpu.memref_slice %arg10[%add3A_46, %dma_wait3A_151] : memref<10240x128xf32, #tpu.memory_space<vmem_shared>> -> memref<80x128xf32, #tpu.memory_space<vmem_shared>>
      tpu.wait_dma2 semaphore(%run_scoped3A : memref<!tpu.dma_semaphore, #tpu.memory_space<semaphore_mem>>) src(%arg8 : memref<80x128xf32, #tpu.memory_space<vmem>>) dst(%dma_wait3A_152 : memref<80x128xf32, #tpu.memory_space<vmem_shared>>)
      tpu.yield
    }) : () -> ()
    %mul3A_47 = arith.constant 640 : i32
    %mul3A_48 = arith.muli %arg1, %mul3A_47 : i32
    %add3A_49 = arith.constant 560 : i32
    %add3A_50 = arith.addi %mul3A_48, %add3A_49 : i32
    "tpu.region"() ({
      %run_scoped3A = tpu.sem_alloc : memref<!tpu.dma_semaphore, #tpu.memory_space<semaphore_mem>>
      %dma_start3A_145 = arith.constant 0 : i32
      %dma_start3A_146 = tpu.memref_slice %arg10[%add3A_50, %dma_start3A_145] : memref<10240x128xf32, #tpu.memory_space<vmem_shared>> -> memref<80x128xf32, #tpu.memory_space<vmem_shared>>
      %dma_start3A_147 = arith.constant 0 : i32
      %dma_start3A_148 = tpu.memref_slice %arg10[%add3A_50, %dma_start3A_147] : memref<10240x128xf32, #tpu.memory_space<vmem_shared>> -> memref<80x128xf32, #tpu.memory_space<vmem_shared>>
      tpu.enqueue_dma source(%arg8 : memref<80x128xf32, #tpu.memory_space<vmem>>) target(%dma_start3A_148 : memref<80x128xf32, #tpu.memory_space<vmem_shared>>) target_semaphore(%run_scoped3A : memref<!tpu.dma_semaphore, #tpu.memory_space<semaphore_mem>>)
      %dma_wait3A_149 = arith.constant 0 : i32
      %dma_wait3A_150 = tpu.memref_slice %arg10[%add3A_50, %dma_wait3A_149] : memref<10240x128xf32, #tpu.memory_space<vmem_shared>> -> memref<80x128xf32, #tpu.memory_space<vmem_shared>>
      %dma_wait3A_151 = arith.constant 0 : i32
      %dma_wait3A_152 = tpu.memref_slice %arg10[%add3A_50, %dma_wait3A_151] : memref<10240x128xf32, #tpu.memory_space<vmem_shared>> -> memref<80x128xf32, #tpu.memory_space<vmem_shared>>
      tpu.wait_dma2 semaphore(%run_scoped3A : memref<!tpu.dma_semaphore, #tpu.memory_space<semaphore_mem>>) src(%arg8 : memref<80x128xf32, #tpu.memory_space<vmem>>) dst(%dma_wait3A_152 : memref<80x128xf32, #tpu.memory_space<vmem_shared>>)
      tpu.yield
    }) : () -> ()
    %dma_wait3A = arith.constant 0 : i32
    %dma_wait3A_51 = tpu.memref_slice %arg3[%add3A, %dma_wait3A] : memref<32x10000xi32, #tpu.memory_space<hbm>> -> memref<1x10000xi32, #tpu.memory_space<hbm>>
    %dma_wait3A_52 = tpu.memref_squeeze %dma_wait3A_51 : memref<1x10000xi32, #tpu.memory_space<hbm>> -> memref<10000xi32, #tpu.memory_space<hbm>>
    %dma_wait3A_53 = arith.constant 0 : i32
    %dma_wait3A_54 = tpu.memref_slice %arg3[%add3A, %dma_wait3A_53] : memref<32x10000xi32, #tpu.memory_space<hbm>> -> memref<1x10000xi32, #tpu.memory_space<hbm>>
    %dma_wait3A_55 = tpu.memref_squeeze %dma_wait3A_54 : memref<1x10000xi32, #tpu.memory_space<hbm>> -> memref<10000xi32, #tpu.memory_space<hbm>>
    tpu.wait_dma2 semaphore(%arg11 : memref<!tpu.dma_semaphore, #tpu.memory_space<semaphore_mem>>) src(%dma_wait3A_55 : memref<10000xi32, #tpu.memory_space<hbm>>) dst(%arg6 : memref<10000xi32, #tpu.memory_space<vmem>>)
    %dma_wait3A_56 = arith.constant 0 : i32
    %dma_wait3A_57 = arith.constant 0 : i32
    %dma_wait3A_58 = tpu.memref_slice %arg4[%add3A, %dma_wait3A_56, %dma_wait3A_57] : memref<32x125x80xi32, #tpu.memory_space<hbm>> -> memref<1x125x80xi32, #tpu.memory_space<hbm>>
    %dma_wait3A_59 = tpu.memref_squeeze %dma_wait3A_58 : memref<1x125x80xi32, #tpu.memory_space<hbm>> -> memref<125x80xi32, #tpu.memory_space<hbm>>
    %dma_wait3A_60 = arith.constant 0 : i32
    %dma_wait3A_61 = arith.constant 0 : i32
    %dma_wait3A_62 = tpu.memref_slice %arg4[%add3A, %dma_wait3A_60, %dma_wait3A_61] : memref<32x125x80xi32, #tpu.memory_space<hbm>> -> memref<1x125x80xi32, #tpu.memory_space<hbm>>
    %dma_wait3A_63 = tpu.memref_squeeze %dma_wait3A_62 : memref<1x125x80xi32, #tpu.memory_space<hbm>> -> memref<125x80xi32, #tpu.memory_space<hbm>>
    tpu.wait_dma2 semaphore(%arg11 : memref<!tpu.dma_semaphore, #tpu.memory_space<semaphore_mem>>) src(%dma_wait3A_63 : memref<125x80xi32, #tpu.memory_space<hbm>>) dst(%arg7 : memref<125x80xi32, #tpu.memory_space<vmem>>)
    %barrier3A = arith.constant 0 : index
    tpu.barrier barrier_id(%barrier3A)
    %dma_start3A_64 = arith.constant 0 : i32
    %dma_start3A_65 = tpu.memref_slice %arg6[%dma_start3A_64] : memref<10000xi32, #tpu.memory_space<vmem>> -> memref<80xi32, #tpu.memory_space<vmem>>
    %dma_start3A_66 = arith.constant 0 : i32
    %dma_start3A_67 = arith.constant 0 : i32
    %dma_start3A_68 = tpu.memref_slice %arg2[%dma_start3A_66, %dma_start3A_67] : memref<10000x128xf32, #tpu.memory_space<hbm>> -> memref<10000x128xf32, #tpu.memory_space<hbm>>
    tpu.enqueue_indirect_dma source(%dma_start3A_68 : memref<10000x128xf32, #tpu.memory_space<hbm>>) target(%arg8 : memref<80x128xf32, #tpu.memory_space<vmem>>) offsets(%dma_start3A_65 : memref<80xi32, #tpu.memory_space<vmem>>) semaphore(%arg12 : memref<!tpu.dma_semaphore, #tpu.memory_space<semaphore_mem>>)
    %dma_wait3A_69 = arith.constant 0 : i32
    %dma_wait3A_70 = tpu.memref_slice %arg6[%dma_wait3A_69] : memref<10000xi32, #tpu.memory_space<vmem>> -> memref<80xi32, #tpu.memory_space<vmem>>
    %dma_wait3A_71 = arith.constant 0 : i32
    %dma_wait3A_72 = arith.constant 0 : i32
    %dma_wait3A_73 = tpu.memref_slice %arg2[%dma_wait3A_71, %dma_wait3A_72] : memref<10000x128xf32, #tpu.memory_space<hbm>> -> memref<10000x128xf32, #tpu.memory_space<hbm>>
    tpu.wait_indirect_dma semaphore(%arg12 : memref<!tpu.dma_semaphore, #tpu.memory_space<semaphore_mem>>) src(%dma_wait3A_73 : memref<10000x128xf32, #tpu.memory_space<hbm>>) dst(%arg8 : memref<80x128xf32, #tpu.memory_space<vmem>>)
    %dma_start3A_74 = arith.constant 80 : i32
    %dma_start3A_75 = tpu.memref_slice %arg6[%dma_start3A_74] : memref<10000xi32, #tpu.memory_space<vmem>> -> memref<80xi32, #tpu.memory_space<vmem>>
    %dma_start3A_76 = arith.constant 0 : i32
    %dma_start3A_77 = arith.constant 0 : i32
    %dma_start3A_78 = tpu.memref_slice %arg2[%dma_start3A_76, %dma_start3A_77] : memref<10000x128xf32, #tpu.memory_space<hbm>> -> memref<10000x128xf32, #tpu.memory_space<hbm>>
    tpu.enqueue_indirect_dma source(%dma_start3A_78 : memref<10000x128xf32, #tpu.memory_space<hbm>>) target(%arg9 : memref<80x128xf32, #tpu.memory_space<vmem>>) offsets(%dma_start3A_75 : memref<80xi32, #tpu.memory_space<vmem>>) semaphore(%arg13 : memref<!tpu.dma_semaphore, #tpu.memory_space<semaphore_mem>>)
    %dma_start3A_79 = arith.constant 0 : i32
    %dma_start3A_80 = arith.constant 0 : i32
    %dma_start3A_81 = tpu.memref_slice %arg7[%dma_start3A_79, %dma_start3A_80] : memref<125x80xi32, #tpu.memory_space<vmem>> -> memref<1x80xi32, #tpu.memory_space<vmem>>
    %dma_start3A_82 = tpu.memref_squeeze %dma_start3A_81 : memref<1x80xi32, #tpu.memory_space<vmem>> -> memref<80xi32, #tpu.memory_space<vmem>>
    %dma_start3A_83 = arith.constant 0 : i32
    %dma_start3A_84 = arith.constant 0 : i32
    %dma_start3A_85 = tpu.memref_slice %arg10[%dma_start3A_83, %dma_start3A_84] : memref<10240x128xf32, #tpu.memory_space<vmem_shared>> -> memref<10240x128xf32, #tpu.memory_space<vmem_shared>>
    tpu.enqueue_indirect_dma source(%arg8 : memref<80x128xf32, #tpu.memory_space<vmem>>) target(%dma_start3A_85 : memref<10240x128xf32, #tpu.memory_space<vmem_shared>>) offsets(%dma_start3A_82 : memref<80xi32, #tpu.memory_space<vmem>>) semaphore(%arg14 : memref<!tpu.dma_semaphore, #tpu.memory_space<semaphore_mem>>) {add = true}
    %scan3A_86 = arith.constant 0 : i32
    %scan3A_87 = arith.constant 0 : i32
    %scan3A_88 = arith.constant 61 : i32
    %scan3A_89 = arith.addi %scan3A_87, %scan3A_88 : i32
    %scan3A_90 = arith.constant 1 : i32
    scf.for %scan3A_145 = %scan3A_87 to %scan3A_89 step %scan3A_90  : i32 {
      %mul3A_146 = arith.constant 2 : i32
      %mul3A_147 = arith.muli %mul3A_146, %scan3A_145 : i32
      %add3A_148 = arith.constant 1 : i32
      %add3A_149 = arith.addi %mul3A_147, %add3A_148 : i32
      %mul3A_150 = arith.constant 80 : i32
      %mul3A_151 = arith.muli %add3A_149, %mul3A_150 : i32
      %dma_wait3A_152 = tpu.memref_slice %arg6[%mul3A_151] : memref<10000xi32, #tpu.memory_space<vmem>> -> memref<80xi32, #tpu.memory_space<vmem>>
      %dma_wait3A_153 = arith.constant 0 : i32
      %dma_wait3A_154 = arith.constant 0 : i32
      %dma_wait3A_155 = tpu.memref_slice %arg2[%dma_wait3A_153, %dma_wait3A_154] : memref<10000x128xf32, #tpu.memory_space<hbm>> -> memref<10000x128xf32, #tpu.memory_space<hbm>>
      tpu.wait_indirect_dma semaphore(%arg13 : memref<!tpu.dma_semaphore, #tpu.memory_space<semaphore_mem>>) src(%dma_wait3A_155 : memref<10000x128xf32, #tpu.memory_space<hbm>>) dst(%arg9 : memref<80x128xf32, #tpu.memory_space<vmem>>)
      %sub3A = arith.constant 1 : i32
      %sub3A_156 = arith.subi %add3A_149, %sub3A : i32
      %dma_wait3A_157 = arith.constant 0 : i32
      %dma_wait3A_158 = tpu.memref_slice %arg7[%sub3A_156, %dma_wait3A_157] : memref<125x80xi32, #tpu.memory_space<vmem>> -> memref<1x80xi32, #tpu.memory_space<vmem>>
      %dma_wait3A_159 = tpu.memref_squeeze %dma_wait3A_158 : memref<1x80xi32, #tpu.memory_space<vmem>> -> memref<80xi32, #tpu.memory_space<vmem>>
      %dma_wait3A_160 = arith.constant 0 : i32
      %dma_wait3A_161 = arith.constant 0 : i32
      %dma_wait3A_162 = tpu.memref_slice %arg10[%dma_wait3A_160, %dma_wait3A_161] : memref<10240x128xf32, #tpu.memory_space<vmem_shared>> -> memref<10240x128xf32, #tpu.memory_space<vmem_shared>>
      tpu.wait_indirect_dma semaphore(%arg14 : memref<!tpu.dma_semaphore, #tpu.memory_space<semaphore_mem>>) src(%arg8 : memref<80x128xf32, #tpu.memory_space<vmem>>) dst(%dma_wait3A_162 : memref<10240x128xf32, #tpu.memory_space<vmem_shared>>)
      %add3A_163 = arith.constant 1 : i32
      %add3A_164 = arith.addi %add3A_149, %add3A_163 : i32
      %mul3A_165 = arith.constant 80 : i32
      %mul3A_166 = arith.muli %add3A_164, %mul3A_165 : i32
      %dma_start3A_167 = tpu.memref_slice %arg6[%mul3A_166] : memref<10000xi32, #tpu.memory_space<vmem>> -> memref<80xi32, #tpu.memory_space<vmem>>
      %dma_start3A_168 = arith.constant 0 : i32
      %dma_start3A_169 = arith.constant 0 : i32
      %dma_start3A_170 = tpu.memref_slice %arg2[%dma_start3A_168, %dma_start3A_169] : memref<10000x128xf32, #tpu.memory_space<hbm>> -> memref<10000x128xf32, #tpu.memory_space<hbm>>
      tpu.enqueue_indirect_dma source(%dma_start3A_170 : memref<10000x128xf32, #tpu.memory_space<hbm>>) target(%arg8 : memref<80x128xf32, #tpu.memory_space<vmem>>) offsets(%dma_start3A_167 : memref<80xi32, #tpu.memory_space<vmem>>) semaphore(%arg12 : memref<!tpu.dma_semaphore, #tpu.memory_space<semaphore_mem>>)
      %dma_start3A_171 = arith.constant 0 : i32
      %dma_start3A_172 = tpu.memref_slice %arg7[%add3A_149, %dma_start3A_171] : memref<125x80xi32, #tpu.memory_space<vmem>> -> memref<1x80xi32, #tpu.memory_space<vmem>>
      %dma_start3A_173 = tpu.memref_squeeze %dma_start3A_172 : memref<1x80xi32, #tpu.memory_space<vmem>> -> memref<80xi32, #tpu.memory_space<vmem>>
      %dma_start3A_174 = arith.constant 0 : i32
      %dma_start3A_175 = arith.constant 0 : i32
      %dma_start3A_176 = tpu.memref_slice %arg10[%dma_start3A_174, %dma_start3A_175] : memref<10240x128xf32, #tpu.memory_space<vmem_shared>> -> memref<10240x128xf32, #tpu.memory_space<vmem_shared>>
      tpu.enqueue_indirect_dma source(%arg9 : memref<80x128xf32, #tpu.memory_space<vmem>>) target(%dma_start3A_176 : memref<10240x128xf32, #tpu.memory_space<vmem_shared>>) offsets(%dma_start3A_173 : memref<80xi32, #tpu.memory_space<vmem>>) semaphore(%arg15 : memref<!tpu.dma_semaphore, #tpu.memory_space<semaphore_mem>>) {add = true}
      %add3A_177 = arith.constant 1 : i32
      %add3A_178 = arith.addi %add3A_149, %add3A_177 : i32
      %mul3A_179 = arith.constant 80 : i32
      %mul3A_180 = arith.muli %add3A_178, %mul3A_179 : i32
      %dma_wait3A_181 = tpu.memref_slice %arg6[%mul3A_180] : memref<10000xi32, #tpu.memory_space<vmem>> -> memref<80xi32, #tpu.memory_space<vmem>>
      %dma_wait3A_182 = arith.constant 0 : i32
      %dma_wait3A_183 = arith.constant 0 : i32
      %dma_wait3A_184 = tpu.memref_slice %arg2[%dma_wait3A_182, %dma_wait3A_183] : memref<10000x128xf32, #tpu.memory_space<hbm>> -> memref<10000x128xf32, #tpu.memory_space<hbm>>
      tpu.wait_indirect_dma semaphore(%arg12 : memref<!tpu.dma_semaphore, #tpu.memory_space<semaphore_mem>>) src(%dma_wait3A_184 : memref<10000x128xf32, #tpu.memory_space<hbm>>) dst(%arg8 : memref<80x128xf32, #tpu.memory_space<vmem>>)
      %dma_wait3A_185 = arith.constant 0 : i32
      %dma_wait3A_186 = tpu.memref_slice %arg7[%add3A_149, %dma_wait3A_185] : memref<125x80xi32, #tpu.memory_space<vmem>> -> memref<1x80xi32, #tpu.memory_space<vmem>>
      %dma_wait3A_187 = tpu.memref_squeeze %dma_wait3A_186 : memref<1x80xi32, #tpu.memory_space<vmem>> -> memref<80xi32, #tpu.memory_space<vmem>>
      %dma_wait3A_188 = arith.constant 0 : i32
      %dma_wait3A_189 = arith.constant 0 : i32
      %dma_wait3A_190 = tpu.memref_slice %arg10[%dma_wait3A_188, %dma_wait3A_189] : memref<10240x128xf32, #tpu.memory_space<vmem_shared>> -> memref<10240x128xf32, #tpu.memory_space<vmem_shared>>
      tpu.wait_indirect_dma semaphore(%arg15 : memref<!tpu.dma_semaphore, #tpu.memory_space<semaphore_mem>>) src(%arg9 : memref<80x128xf32, #tpu.memory_space<vmem>>) dst(%dma_wait3A_190 : memref<10240x128xf32, #tpu.memory_space<vmem_shared>>)
      %add3A_191 = arith.constant 2 : i32
      %add3A_192 = arith.addi %add3A_149, %add3A_191 : i32
      %mul3A_193 = arith.constant 80 : i32
      %mul3A_194 = arith.muli %add3A_192, %mul3A_193 : i32
      %dma_start3A_195 = tpu.memref_slice %arg6[%mul3A_194] : memref<10000xi32, #tpu.memory_space<vmem>> -> memref<80xi32, #tpu.memory_space<vmem>>
      %dma_start3A_196 = arith.constant 0 : i32
      %dma_start3A_197 = arith.constant 0 : i32
      %dma_start3A_198 = tpu.memref_slice %arg2[%dma_start3A_196, %dma_start3A_197] : memref<10000x128xf32, #tpu.memory_space<hbm>> -> memref<10000x128xf32, #tpu.memory_space<hbm>>
      tpu.enqueue_indirect_dma source(%dma_start3A_198 : memref<10000x128xf32, #tpu.memory_space<hbm>>) target(%arg9 : memref<80x128xf32, #tpu.memory_space<vmem>>) offsets(%dma_start3A_195 : memref<80xi32, #tpu.memory_space<vmem>>) semaphore(%arg13 : memref<!tpu.dma_semaphore, #tpu.memory_space<semaphore_mem>>)
      %add3A_199 = arith.constant 1 : i32
      %add3A_200 = arith.addi %add3A_149, %add3A_199 : i32
      %dma_start3A_201 = arith.constant 0 : i32
      %dma_start3A_202 = tpu.memref_slice %arg7[%add3A_200, %dma_start3A_201] : memref<125x80xi32, #tpu.memory_space<vmem>> -> memref<1x80xi32, #tpu.memory_space<vmem>>
      %dma_start3A_203 = tpu.memref_squeeze %dma_start3A_202 : memref<1x80xi32, #tpu.memory_space<vmem>> -> memref<80xi32, #tpu.memory_space<vmem>>
      %dma_start3A_204 = arith.constant 0 : i32
      %dma_start3A_205 = arith.constant 0 : i32
      %dma_start3A_206 = tpu.memref_slice %arg10[%dma_start3A_204, %dma_start3A_205] : memref<10240x128xf32, #tpu.memory_space<vmem_shared>> -> memref<10240x128xf32, #tpu.memory_space<vmem_shared>>
      tpu.enqueue_indirect_dma source(%arg8 : memref<80x128xf32, #tpu.memory_space<vmem>>) target(%dma_start3A_206 : memref<10240x128xf32, #tpu.memory_space<vmem_shared>>) offsets(%dma_start3A_203 : memref<80xi32, #tpu.memory_space<vmem>>) semaphore(%arg14 : memref<!tpu.dma_semaphore, #tpu.memory_space<semaphore_mem>>) {add = true}
    }
    %scan3A_91 = arith.constant 61 : i32
    %dma_wait3A_92 = arith.constant 9840 : i32
    %dma_wait3A_93 = tpu.memref_slice %arg6[%dma_wait3A_92] : memref<10000xi32, #tpu.memory_space<vmem>> -> memref<80xi32, #tpu.memory_space<vmem>>
    %dma_wait3A_94 = arith.constant 0 : i32
    %dma_wait3A_95 = arith.constant 0 : i32
    %dma_wait3A_96 = tpu.memref_slice %arg2[%dma_wait3A_94, %dma_wait3A_95] : memref<10000x128xf32, #tpu.memory_space<hbm>> -> memref<10000x128xf32, #tpu.memory_space<hbm>>
    tpu.wait_indirect_dma semaphore(%arg13 : memref<!tpu.dma_semaphore, #tpu.memory_space<semaphore_mem>>) src(%dma_wait3A_96 : memref<10000x128xf32, #tpu.memory_space<hbm>>) dst(%arg9 : memref<80x128xf32, #tpu.memory_space<vmem>>)
    %dma_wait3A_97 = arith.constant 122 : i32
    %dma_wait3A_98 = arith.constant 0 : i32
    %dma_wait3A_99 = tpu.memref_slice %arg7[%dma_wait3A_97, %dma_wait3A_98] : memref<125x80xi32, #tpu.memory_space<vmem>> -> memref<1x80xi32, #tpu.memory_space<vmem>>
    %dma_wait3A_100 = tpu.memref_squeeze %dma_wait3A_99 : memref<1x80xi32, #tpu.memory_space<vmem>> -> memref<80xi32, #tpu.memory_space<vmem>>
    %dma_wait3A_101 = arith.constant 0 : i32
    %dma_wait3A_102 = arith.constant 0 : i32
    %dma_wait3A_103 = tpu.memref_slice %arg10[%dma_wait3A_101, %dma_wait3A_102] : memref<10240x128xf32, #tpu.memory_space<vmem_shared>> -> memref<10240x128xf32, #tpu.memory_space<vmem_shared>>
    tpu.wait_indirect_dma semaphore(%arg14 : memref<!tpu.dma_semaphore, #tpu.memory_space<semaphore_mem>>) src(%arg8 : memref<80x128xf32, #tpu.memory_space<vmem>>) dst(%dma_wait3A_103 : memref<10240x128xf32, #tpu.memory_space<vmem_shared>>)
    %dma_start3A_104 = arith.constant 9920 : i32
    %dma_start3A_105 = tpu.memref_slice %arg6[%dma_start3A_104] : memref<10000xi32, #tpu.memory_space<vmem>> -> memref<80xi32, #tpu.memory_space<vmem>>
    %dma_start3A_106 = arith.constant 0 : i32
    %dma_start3A_107 = arith.constant 0 : i32
    %dma_start3A_108 = tpu.memref_slice %arg2[%dma_start3A_106, %dma_start3A_107] : memref<10000x128xf32, #tpu.memory_space<hbm>> -> memref<10000x128xf32, #tpu.memory_space<hbm>>
    tpu.enqueue_indirect_dma source(%dma_start3A_108 : memref<10000x128xf32, #tpu.memory_space<hbm>>) target(%arg8 : memref<80x128xf32, #tpu.memory_space<vmem>>) offsets(%dma_start3A_105 : memref<80xi32, #tpu.memory_space<vmem>>) semaphore(%arg12 : memref<!tpu.dma_semaphore, #tpu.memory_space<semaphore_mem>>)
    %dma_start3A_109 = arith.constant 123 : i32
    %dma_start3A_110 = arith.constant 0 : i32
    %dma_start3A_111 = tpu.memref_slice %arg7[%dma_start3A_109, %dma_start3A_110] : memref<125x80xi32, #tpu.memory_space<vmem>> -> memref<1x80xi32, #tpu.memory_space<vmem>>
    %dma_start3A_112 = tpu.memref_squeeze %dma_start3A_111 : memref<1x80xi32, #tpu.memory_space<vmem>> -> memref<80xi32, #tpu.memory_space<vmem>>
    %dma_start3A_113 = arith.constant 0 : i32
    %dma_start3A_114 = arith.constant 0 : i32
    %dma_start3A_115 = tpu.memref_slice %arg10[%dma_start3A_113, %dma_start3A_114] : memref<10240x128xf32, #tpu.memory_space<vmem_shared>> -> memref<10240x128xf32, #tpu.memory_space<vmem_shared>>
    tpu.enqueue_indirect_dma source(%arg9 : memref<80x128xf32, #tpu.memory_space<vmem>>) target(%dma_start3A_115 : memref<10240x128xf32, #tpu.memory_space<vmem_shared>>) offsets(%dma_start3A_112 : memref<80xi32, #tpu.memory_space<vmem>>) semaphore(%arg15 : memref<!tpu.dma_semaphore, #tpu.memory_space<semaphore_mem>>) {add = true}
    %dma_wait3A_116 = arith.constant 9920 : i32
    %dma_wait3A_117 = tpu.memref_slice %arg6[%dma_wait3A_116] : memref<10000xi32, #tpu.memory_space<vmem>> -> memref<80xi32, #tpu.memory_space<vmem>>
    %dma_wait3A_118 = arith.constant 0 : i32
    %dma_wait3A_119 = arith.constant 0 : i32
    %dma_wait3A_120 = tpu.memref_slice %arg2[%dma_wait3A_118, %dma_wait3A_119] : memref<10000x128xf32, #tpu.memory_space<hbm>> -> memref<10000x128xf32, #tpu.memory_space<hbm>>
    tpu.wait_indirect_dma semaphore(%arg12 : memref<!tpu.dma_semaphore, #tpu.memory_space<semaphore_mem>>) src(%dma_wait3A_120 : memref<10000x128xf32, #tpu.memory_space<hbm>>) dst(%arg8 : memref<80x128xf32, #tpu.memory_space<vmem>>)
    %dma_wait3A_121 = arith.constant 123 : i32
    %dma_wait3A_122 = arith.constant 0 : i32
    %dma_wait3A_123 = tpu.memref_slice %arg7[%dma_wait3A_121, %dma_wait3A_122] : memref<125x80xi32, #tpu.memory_space<vmem>> -> memref<1x80xi32, #tpu.memory_space<vmem>>
    %dma_wait3A_124 = tpu.memref_squeeze %dma_wait3A_123 : memref<1x80xi32, #tpu.memory_space<vmem>> -> memref<80xi32, #tpu.memory_space<vmem>>
    %dma_wait3A_125 = arith.constant 0 : i32
    %dma_wait3A_126 = arith.constant 0 : i32
    %dma_wait3A_127 = tpu.memref_slice %arg10[%dma_wait3A_125, %dma_wait3A_126] : memref<10240x128xf32, #tpu.memory_space<vmem_shared>> -> memref<10240x128xf32, #tpu.memory_space<vmem_shared>>
    tpu.wait_indirect_dma semaphore(%arg15 : memref<!tpu.dma_semaphore, #tpu.memory_space<semaphore_mem>>) src(%arg9 : memref<80x128xf32, #tpu.memory_space<vmem>>) dst(%dma_wait3A_127 : memref<10240x128xf32, #tpu.memory_space<vmem_shared>>)
    %dma_start3A_128 = arith.constant 124 : i32
    %dma_start3A_129 = arith.constant 0 : i32
    %dma_start3A_130 = tpu.memref_slice %arg7[%dma_start3A_128, %dma_start3A_129] : memref<125x80xi32, #tpu.memory_space<vmem>> -> memref<1x80xi32, #tpu.memory_space<vmem>>
    %dma_start3A_131 = tpu.memref_squeeze %dma_start3A_130 : memref<1x80xi32, #tpu.memory_space<vmem>> -> memref<80xi32, #tpu.memory_space<vmem>>
    %dma_start3A_132 = arith.constant 0 : i32
    %dma_start3A_133 = arith.constant 0 : i32
    %dma_start3A_134 = tpu.memref_slice %arg10[%dma_start3A_132, %dma_start3A_133] : memref<10240x128xf32, #tpu.memory_space<vmem_shared>> -> memref<10240x128xf32, #tpu.memory_space<vmem_shared>>
    tpu.enqueue_indirect_dma source(%arg8 : memref<80x128xf32, #tpu.memory_space<vmem>>) target(%dma_start3A_134 : memref<10240x128xf32, #tpu.memory_space<vmem_shared>>) offsets(%dma_start3A_131 : memref<80xi32, #tpu.memory_space<vmem>>) semaphore(%arg14 : memref<!tpu.dma_semaphore, #tpu.memory_space<semaphore_mem>>) {add = true}
    %dma_wait3A_135 = arith.constant 124 : i32
    %dma_wait3A_136 = arith.constant 0 : i32
    %dma_wait3A_137 = tpu.memref_slice %arg7[%dma_wait3A_135, %dma_wait3A_136] : memref<125x80xi32, #tpu.memory_space<vmem>> -> memref<1x80xi32, #tpu.memory_space<vmem>>
    %dma_wait3A_138 = tpu.memref_squeeze %dma_wait3A_137 : memref<1x80xi32, #tpu.memory_space<vmem>> -> memref<80xi32, #tpu.memory_space<vmem>>
    %dma_wait3A_139 = arith.constant 0 : i32
    %dma_wait3A_140 = arith.constant 0 : i32
    %dma_wait3A_141 = tpu.memref_slice %arg10[%dma_wait3A_139, %dma_wait3A_140] : memref<10240x128xf32, #tpu.memory_space<vmem_shared>> -> memref<10240x128xf32, #tpu.memory_space<vmem_shared>>
    tpu.wait_indirect_dma semaphore(%arg14 : memref<!tpu.dma_semaphore, #tpu.memory_space<semaphore_mem>>) src(%arg8 : memref<80x128xf32, #tpu.memory_space<vmem>>) dst(%dma_wait3A_141 : memref<10240x128xf32, #tpu.memory_space<vmem_shared>>)
    %barrier3A_142 = arith.constant 0 : index
    tpu.barrier barrier_id(%barrier3A_142)
    %mul3A_143 = arith.constant 640 : i32
    %mul3A_144 = arith.muli %arg1, %mul3A_143 : i32
    "tpu.region"() ({
      %run_scoped3A = tpu.sem_alloc : memref<!tpu.dma_semaphore, #tpu.memory_space<semaphore_mem>>
      %dma_start3A_145 = arith.constant 0 : i32
      %dma_start3A_146 = tpu.memref_slice %arg5[%arg0, %mul3A_144, %dma_start3A_145] : memref<2x10240x128xf32, #tpu.memory_space<hbm>> -> memref<1x640x128xf32, #tpu.memory_space<hbm>>
      %dma_start3A_147 = tpu.memref_squeeze %dma_start3A_146 : memref<1x640x128xf32, #tpu.memory_space<hbm>> -> memref<640x128xf32, #tpu.memory_space<hbm>>
      %dma_start3A_148 = arith.constant 0 : i32
      %dma_start3A_149 = tpu.memref_slice %arg10[%mul3A_144, %dma_start3A_148] : memref<10240x128xf32, #tpu.memory_space<vmem_shared>> -> memref<640x128xf32, #tpu.memory_space<vmem_shared>>
      tpu.enqueue_dma source(%dma_start3A_149 : memref<640x128xf32, #tpu.memory_space<vmem_shared>>) target(%dma_start3A_147 : memref<640x128xf32, #tpu.memory_space<hbm>>) target_semaphore(%run_scoped3A : memref<!tpu.dma_semaphore, #tpu.memory_space<semaphore_mem>>)
      %dma_wait3A_150 = arith.constant 0 : i32
      %dma_wait3A_151 = tpu.memref_slice %arg5[%arg0, %mul3A_144, %dma_wait3A_150] : memref<2x10240x128xf32, #tpu.memory_space<hbm>> -> memref<1x640x128xf32, #tpu.memory_space<hbm>>
      %dma_wait3A_152 = tpu.memref_squeeze %dma_wait3A_151 : memref<1x640x128xf32, #tpu.memory_space<hbm>> -> memref<640x128xf32, #tpu.memory_space<hbm>>
      %dma_wait3A_153 = arith.constant 0 : i32
      %dma_wait3A_154 = tpu.memref_slice %arg10[%mul3A_144, %dma_wait3A_153] : memref<10240x128xf32, #tpu.memory_space<vmem_shared>> -> memref<640x128xf32, #tpu.memory_space<vmem_shared>>
      tpu.wait_dma2 semaphore(%run_scoped3A : memref<!tpu.dma_semaphore, #tpu.memory_space<semaphore_mem>>) src(%dma_wait3A_154 : memref<640x128xf32, #tpu.memory_space<vmem_shared>>) dst(%dma_wait3A_152 : memref<640x128xf32, #tpu.memory_space<hbm>>)
      tpu.yield
    }) : () -> ()
    return
  }
}

#map = affine_map<(d0, d1) -> (0, 0, 0)>
module attributes {stable_mosaic.version = 14 : i64} {
  func.func @body(%arg0: i32, %arg1: i32, %arg2: memref<32x125x80xi32, #tpu.memory_space<hbm>>, %arg3: memref<2x10240x128xf32, #tpu.memory_space<hbm>>, %arg4: memref<125x80xi32, #tpu.memory_space<vmem>>, %arg5: memref<80x128xf32, #tpu.memory_space<vmem>>, %arg6: memref<10240x128xf32, #tpu.memory_space<vmem_shared>>, %arg7: memref<!tpu.dma_semaphore, #tpu.memory_space<semaphore_mem>>) attributes {dimension_semantics = [#tpu.dimension_semantics<core_parallel>, #tpu.dimension_semantics<subcore_parallel>], iteration_bounds = array<i64: 2, 16>, scalar_prefetch = 0 : i64, scratch_operands = 4 : i64, tpu.core_type = #tpu.core_type<sc_vector_subcore>, window_params = [{transform_indices = #map}, {transform_indices = #map}]} {
    %mul3A = arith.constant 16 : i32
    %mul3A_0 = arith.muli %arg0, %mul3A : i32
    %add3A = arith.addi %mul3A_0, %arg1 : i32
    %dma_start3A = arith.constant 0 : i32
    %dma_start3A_1 = arith.constant 0 : i32
    %dma_start3A_2 = tpu.memref_slice %arg2[%add3A, %dma_start3A, %dma_start3A_1] : memref<32x125x80xi32, #tpu.memory_space<hbm>> -> memref<1x125x80xi32, #tpu.memory_space<hbm>>
    %dma_start3A_3 = tpu.memref_squeeze %dma_start3A_2 : memref<1x125x80xi32, #tpu.memory_space<hbm>> -> memref<125x80xi32, #tpu.memory_space<hbm>>
    %dma_start3A_4 = arith.constant 0 : i32
    %dma_start3A_5 = arith.constant 0 : i32
    %dma_start3A_6 = tpu.memref_slice %arg2[%add3A, %dma_start3A_4, %dma_start3A_5] : memref<32x125x80xi32, #tpu.memory_space<hbm>> -> memref<1x125x80xi32, #tpu.memory_space<hbm>>
    %dma_start3A_7 = tpu.memref_squeeze %dma_start3A_6 : memref<1x125x80xi32, #tpu.memory_space<hbm>> -> memref<125x80xi32, #tpu.memory_space<hbm>>
    tpu.enqueue_dma source(%dma_start3A_7 : memref<125x80xi32, #tpu.memory_space<hbm>>) target(%arg4 : memref<125x80xi32, #tpu.memory_space<vmem>>) target_semaphore(%arg7 : memref<!tpu.dma_semaphore, #tpu.memory_space<semaphore_mem>>)
    %scan3A = arith.constant 0.000000e+00 : f32
    %scan3A_8 = arith.constant 0 : i32
    %scan3A_9 = arith.constant 80 : i32
    %scan3A_10 = arith.addi %scan3A_8, %scan3A_9 : i32
    %scan3A_11 = arith.constant 1 : i32
    scf.for %scan3A_71 = %scan3A_8 to %scan3A_10 step %scan3A_11  : i32 {
      %broadcast_in_dim3A = vector.broadcast %scan3A : f32 to vector<16xf32>
      %swap3A = arith.index_cast %scan3A_71 : i32 to index
      %swap3A_72 = arith.constant 0 : index
      %swap3A_73 = tpu.vector_load %arg5[%swap3A, %swap3A_72] {strides = array<i32>} : memref<80x128xf32, #tpu.memory_space<vmem>>, vector<1x16xf32>,
      %swap3A_74 = vector.shape_cast %swap3A_73 : vector<1x16xf32> to vector<16xf32>
      %swap3A_75 = vector.shape_cast %broadcast_in_dim3A : vector<16xf32> to vector<1x16xf32>
      tpu.vector_store %arg5[%swap3A, %swap3A_72], %swap3A_75 {strides = array<i32>} : memref<80x128xf32, #tpu.memory_space<vmem>>, vector<1x16xf32>,
      %broadcast_in_dim3A_76 = vector.broadcast %scan3A : f32 to vector<16xf32>
      %swap3A_77 = arith.index_cast %scan3A_71 : i32 to index
      %swap3A_78 = arith.constant 16 : index
      %swap3A_79 = tpu.vector_load %arg5[%swap3A_77, %swap3A_78] {strides = array<i32>} : memref<80x128xf32, #tpu.memory_space<vmem>>, vector<1x16xf32>,
      %swap3A_80 = vector.shape_cast %swap3A_79 : vector<1x16xf32> to vector<16xf32>
      %swap3A_81 = vector.shape_cast %broadcast_in_dim3A_76 : vector<16xf32> to vector<1x16xf32>
      tpu.vector_store %arg5[%swap3A_77, %swap3A_78], %swap3A_81 {strides = array<i32>} : memref<80x128xf32, #tpu.memory_space<vmem>>, vector<1x16xf32>,
      %broadcast_in_dim3A_82 = vector.broadcast %scan3A : f32 to vector<16xf32>
      %swap3A_83 = arith.index_cast %scan3A_71 : i32 to index
      %swap3A_84 = arith.constant 32 : index
      %swap3A_85 = tpu.vector_load %arg5[%swap3A_83, %swap3A_84] {strides = array<i32>} : memref<80x128xf32, #tpu.memory_space<vmem>>, vector<1x16xf32>,
      %swap3A_86 = vector.shape_cast %swap3A_85 : vector<1x16xf32> to vector<16xf32>
      %swap3A_87 = vector.shape_cast %broadcast_in_dim3A_82 : vector<16xf32> to vector<1x16xf32>
      tpu.vector_store %arg5[%swap3A_83, %swap3A_84], %swap3A_87 {strides = array<i32>} : memref<80x128xf32, #tpu.memory_space<vmem>>, vector<1x16xf32>,
      %broadcast_in_dim3A_88 = vector.broadcast %scan3A : f32 to vector<16xf32>
      %swap3A_89 = arith.index_cast %scan3A_71 : i32 to index
      %swap3A_90 = arith.constant 48 : index
      %swap3A_91 = tpu.vector_load %arg5[%swap3A_89, %swap3A_90] {strides = array<i32>} : memref<80x128xf32, #tpu.memory_space<vmem>>, vector<1x16xf32>,
      %swap3A_92 = vector.shape_cast %swap3A_91 : vector<1x16xf32> to vector<16xf32>
      %swap3A_93 = vector.shape_cast %broadcast_in_dim3A_88 : vector<16xf32> to vector<1x16xf32>
      tpu.vector_store %arg5[%swap3A_89, %swap3A_90], %swap3A_93 {strides = array<i32>} : memref<80x128xf32, #tpu.memory_space<vmem>>, vector<1x16xf32>,
      %broadcast_in_dim3A_94 = vector.broadcast %scan3A : f32 to vector<16xf32>
      %swap3A_95 = arith.index_cast %scan3A_71 : i32 to index
      %swap3A_96 = arith.constant 64 : index
      %swap3A_97 = tpu.vector_load %arg5[%swap3A_95, %swap3A_96] {strides = array<i32>} : memref<80x128xf32, #tpu.memory_space<vmem>>, vector<1x16xf32>,
      %swap3A_98 = vector.shape_cast %swap3A_97 : vector<1x16xf32> to vector<16xf32>
      %swap3A_99 = vector.shape_cast %broadcast_in_dim3A_94 : vector<16xf32> to vector<1x16xf32>
      tpu.vector_store %arg5[%swap3A_95, %swap3A_96], %swap3A_99 {strides = array<i32>} : memref<80x128xf32, #tpu.memory_space<vmem>>, vector<1x16xf32>,
      %broadcast_in_dim3A_100 = vector.broadcast %scan3A : f32 to vector<16xf32>
      %swap3A_101 = arith.index_cast %scan3A_71 : i32 to index
      %swap3A_102 = arith.constant 80 : index
      %swap3A_103 = tpu.vector_load %arg5[%swap3A_101, %swap3A_102] {strides = array<i32>} : memref<80x128xf32, #tpu.memory_space<vmem>>, vector<1x16xf32>,
      %swap3A_104 = vector.shape_cast %swap3A_103 : vector<1x16xf32> to vector<16xf32>
      %swap3A_105 = vector.shape_cast %broadcast_in_dim3A_100 : vector<16xf32> to vector<1x16xf32>
      tpu.vector_store %arg5[%swap3A_101, %swap3A_102], %swap3A_105 {strides = array<i32>} : memref<80x128xf32, #tpu.memory_space<vmem>>, vector<1x16xf32>,
      %broadcast_in_dim3A_106 = vector.broadcast %scan3A : f32 to vector<16xf32>
      %swap3A_107 = arith.index_cast %scan3A_71 : i32 to index
      %swap3A_108 = arith.constant 96 : index
      %swap3A_109 = tpu.vector_load %arg5[%swap3A_107, %swap3A_108] {strides = array<i32>} : memref<80x128xf32, #tpu.memory_space<vmem>>, vector<1x16xf32>,
      %swap3A_110 = vector.shape_cast %swap3A_109 : vector<1x16xf32> to vector<16xf32>
      %swap3A_111 = vector.shape_cast %broadcast_in_dim3A_106 : vector<16xf32> to vector<1x16xf32>
      tpu.vector_store %arg5[%swap3A_107, %swap3A_108], %swap3A_111 {strides = array<i32>} : memref<80x128xf32, #tpu.memory_space<vmem>>, vector<1x16xf32>,
      %broadcast_in_dim3A_112 = vector.broadcast %scan3A : f32 to vector<16xf32>
      %swap3A_113 = arith.index_cast %scan3A_71 : i32 to index
      %swap3A_114 = arith.constant 112 : index
      %swap3A_115 = tpu.vector_load %arg5[%swap3A_113, %swap3A_114] {strides = array<i32>} : memref<80x128xf32, #tpu.memory_space<vmem>>, vector<1x16xf32>,
      %swap3A_116 = vector.shape_cast %swap3A_115 : vector<1x16xf32> to vector<16xf32>
      %swap3A_117 = vector.shape_cast %broadcast_in_dim3A_112 : vector<16xf32> to vector<1x16xf32>
      tpu.vector_store %arg5[%swap3A_113, %swap3A_114], %swap3A_117 {strides = array<i32>} : memref<80x128xf32, #tpu.memory_space<vmem>>, vector<1x16xf32>,
    }
    %scan3A_12 = arith.constant 80 : i32
    %mul3A_13 = arith.constant 640 : i32
    %mul3A_14 = arith.muli %arg1, %mul3A_13 : i32
    %add3A_15 = arith.constant 0 : i32
    %add3A_16 = arith.addi %mul3A_14, %add3A_15 : i32
    "tpu.region"() ({
      %run_scoped3A_71 = tpu.sem_alloc : memref<!tpu.dma_semaphore, #tpu.memory_space<semaphore_mem>>
      %dma_start3A_72 = arith.constant 0 : i32
      %dma_start3A_73 = tpu.memref_slice %arg6[%add3A_16, %dma_start3A_72] : memref<10240x128xf32, #tpu.memory_space<vmem_shared>> -> memref<80x128xf32, #tpu.memory_space<vmem_shared>>
      %dma_start3A_74 = arith.constant 0 : i32
      %dma_start3A_75 = tpu.memref_slice %arg6[%add3A_16, %dma_start3A_74] : memref<10240x128xf32, #tpu.memory_space<vmem_shared>> -> memref<80x128xf32, #tpu.memory_space<vmem_shared>>
      tpu.enqueue_dma source(%arg5 : memref<80x128xf32, #tpu.memory_space<vmem>>) target(%dma_start3A_75 : memref<80x128xf32, #tpu.memory_space<vmem_shared>>) target_semaphore(%run_scoped3A_71 : memref<!tpu.dma_semaphore, #tpu.memory_space<semaphore_mem>>)
      %dma_wait3A_76 = arith.constant 0 : i32
      %dma_wait3A_77 = tpu.memref_slice %arg6[%add3A_16, %dma_wait3A_76] : memref<10240x128xf32, #tpu.memory_space<vmem_shared>> -> memref<80x128xf32, #tpu.memory_space<vmem_shared>>
      %dma_wait3A_78 = arith.constant 0 : i32
      %dma_wait3A_79 = tpu.memref_slice %arg6[%add3A_16, %dma_wait3A_78] : memref<10240x128xf32, #tpu.memory_space<vmem_shared>> -> memref<80x128xf32, #tpu.memory_space<vmem_shared>>
      tpu.wait_dma2 semaphore(%run_scoped3A_71 : memref<!tpu.dma_semaphore, #tpu.memory_space<semaphore_mem>>) src(%arg5 : memref<80x128xf32, #tpu.memory_space<vmem>>) dst(%dma_wait3A_79 : memref<80x128xf32, #tpu.memory_space<vmem_shared>>)
      tpu.yield
    }) : () -> ()
    %mul3A_17 = arith.constant 640 : i32
    %mul3A_18 = arith.muli %arg1, %mul3A_17 : i32
    %add3A_19 = arith.constant 80 : i32
    %add3A_20 = arith.addi %mul3A_18, %add3A_19 : i32
    "tpu.region"() ({
      %run_scoped3A_71 = tpu.sem_alloc : memref<!tpu.dma_semaphore, #tpu.memory_space<semaphore_mem>>
      %dma_start3A_72 = arith.constant 0 : i32
      %dma_start3A_73 = tpu.memref_slice %arg6[%add3A_20, %dma_start3A_72] : memref<10240x128xf32, #tpu.memory_space<vmem_shared>> -> memref<80x128xf32, #tpu.memory_space<vmem_shared>>
      %dma_start3A_74 = arith.constant 0 : i32
      %dma_start3A_75 = tpu.memref_slice %arg6[%add3A_20, %dma_start3A_74] : memref<10240x128xf32, #tpu.memory_space<vmem_shared>> -> memref<80x128xf32, #tpu.memory_space<vmem_shared>>
      tpu.enqueue_dma source(%arg5 : memref<80x128xf32, #tpu.memory_space<vmem>>) target(%dma_start3A_75 : memref<80x128xf32, #tpu.memory_space<vmem_shared>>) target_semaphore(%run_scoped3A_71 : memref<!tpu.dma_semaphore, #tpu.memory_space<semaphore_mem>>)
      %dma_wait3A_76 = arith.constant 0 : i32
      %dma_wait3A_77 = tpu.memref_slice %arg6[%add3A_20, %dma_wait3A_76] : memref<10240x128xf32, #tpu.memory_space<vmem_shared>> -> memref<80x128xf32, #tpu.memory_space<vmem_shared>>
      %dma_wait3A_78 = arith.constant 0 : i32
      %dma_wait3A_79 = tpu.memref_slice %arg6[%add3A_20, %dma_wait3A_78] : memref<10240x128xf32, #tpu.memory_space<vmem_shared>> -> memref<80x128xf32, #tpu.memory_space<vmem_shared>>
      tpu.wait_dma2 semaphore(%run_scoped3A_71 : memref<!tpu.dma_semaphore, #tpu.memory_space<semaphore_mem>>) src(%arg5 : memref<80x128xf32, #tpu.memory_space<vmem>>) dst(%dma_wait3A_79 : memref<80x128xf32, #tpu.memory_space<vmem_shared>>)
      tpu.yield
    }) : () -> ()
    %mul3A_21 = arith.constant 640 : i32
    %mul3A_22 = arith.muli %arg1, %mul3A_21 : i32
    %add3A_23 = arith.constant 160 : i32
    %add3A_24 = arith.addi %mul3A_22, %add3A_23 : i32
    "tpu.region"() ({
      %run_scoped3A_71 = tpu.sem_alloc : memref<!tpu.dma_semaphore, #tpu.memory_space<semaphore_mem>>
      %dma_start3A_72 = arith.constant 0 : i32
      %dma_start3A_73 = tpu.memref_slice %arg6[%add3A_24, %dma_start3A_72] : memref<10240x128xf32, #tpu.memory_space<vmem_shared>> -> memref<80x128xf32, #tpu.memory_space<vmem_shared>>
      %dma_start3A_74 = arith.constant 0 : i32
      %dma_start3A_75 = tpu.memref_slice %arg6[%add3A_24, %dma_start3A_74] : memref<10240x128xf32, #tpu.memory_space<vmem_shared>> -> memref<80x128xf32, #tpu.memory_space<vmem_shared>>
      tpu.enqueue_dma source(%arg5 : memref<80x128xf32, #tpu.memory_space<vmem>>) target(%dma_start3A_75 : memref<80x128xf32, #tpu.memory_space<vmem_shared>>) target_semaphore(%run_scoped3A_71 : memref<!tpu.dma_semaphore, #tpu.memory_space<semaphore_mem>>)
      %dma_wait3A_76 = arith.constant 0 : i32
      %dma_wait3A_77 = tpu.memref_slice %arg6[%add3A_24, %dma_wait3A_76] : memref<10240x128xf32, #tpu.memory_space<vmem_shared>> -> memref<80x128xf32, #tpu.memory_space<vmem_shared>>
      %dma_wait3A_78 = arith.constant 0 : i32
      %dma_wait3A_79 = tpu.memref_slice %arg6[%add3A_24, %dma_wait3A_78] : memref<10240x128xf32, #tpu.memory_space<vmem_shared>> -> memref<80x128xf32, #tpu.memory_space<vmem_shared>>
      tpu.wait_dma2 semaphore(%run_scoped3A_71 : memref<!tpu.dma_semaphore, #tpu.memory_space<semaphore_mem>>) src(%arg5 : memref<80x128xf32, #tpu.memory_space<vmem>>) dst(%dma_wait3A_79 : memref<80x128xf32, #tpu.memory_space<vmem_shared>>)
      tpu.yield
    }) : () -> ()
    %mul3A_25 = arith.constant 640 : i32
    %mul3A_26 = arith.muli %arg1, %mul3A_25 : i32
    %add3A_27 = arith.constant 240 : i32
    %add3A_28 = arith.addi %mul3A_26, %add3A_27 : i32
    "tpu.region"() ({
      %run_scoped3A_71 = tpu.sem_alloc : memref<!tpu.dma_semaphore, #tpu.memory_space<semaphore_mem>>
      %dma_start3A_72 = arith.constant 0 : i32
      %dma_start3A_73 = tpu.memref_slice %arg6[%add3A_28, %dma_start3A_72] : memref<10240x128xf32, #tpu.memory_space<vmem_shared>> -> memref<80x128xf32, #tpu.memory_space<vmem_shared>>
      %dma_start3A_74 = arith.constant 0 : i32
      %dma_start3A_75 = tpu.memref_slice %arg6[%add3A_28, %dma_start3A_74] : memref<10240x128xf32, #tpu.memory_space<vmem_shared>> -> memref<80x128xf32, #tpu.memory_space<vmem_shared>>
      tpu.enqueue_dma source(%arg5 : memref<80x128xf32, #tpu.memory_space<vmem>>) target(%dma_start3A_75 : memref<80x128xf32, #tpu.memory_space<vmem_shared>>) target_semaphore(%run_scoped3A_71 : memref<!tpu.dma_semaphore, #tpu.memory_space<semaphore_mem>>)
      %dma_wait3A_76 = arith.constant 0 : i32
      %dma_wait3A_77 = tpu.memref_slice %arg6[%add3A_28, %dma_wait3A_76] : memref<10240x128xf32, #tpu.memory_space<vmem_shared>> -> memref<80x128xf32, #tpu.memory_space<vmem_shared>>
      %dma_wait3A_78 = arith.constant 0 : i32
      %dma_wait3A_79 = tpu.memref_slice %arg6[%add3A_28, %dma_wait3A_78] : memref<10240x128xf32, #tpu.memory_space<vmem_shared>> -> memref<80x128xf32, #tpu.memory_space<vmem_shared>>
      tpu.wait_dma2 semaphore(%run_scoped3A_71 : memref<!tpu.dma_semaphore, #tpu.memory_space<semaphore_mem>>) src(%arg5 : memref<80x128xf32, #tpu.memory_space<vmem>>) dst(%dma_wait3A_79 : memref<80x128xf32, #tpu.memory_space<vmem_shared>>)
      tpu.yield
    }) : () -> ()
    %mul3A_29 = arith.constant 640 : i32
    %mul3A_30 = arith.muli %arg1, %mul3A_29 : i32
    %add3A_31 = arith.constant 320 : i32
    %add3A_32 = arith.addi %mul3A_30, %add3A_31 : i32
    "tpu.region"() ({
      %run_scoped3A_71 = tpu.sem_alloc : memref<!tpu.dma_semaphore, #tpu.memory_space<semaphore_mem>>
      %dma_start3A_72 = arith.constant 0 : i32
      %dma_start3A_73 = tpu.memref_slice %arg6[%add3A_32, %dma_start3A_72] : memref<10240x128xf32, #tpu.memory_space<vmem_shared>> -> memref<80x128xf32, #tpu.memory_space<vmem_shared>>
      %dma_start3A_74 = arith.constant 0 : i32
      %dma_start3A_75 = tpu.memref_slice %arg6[%add3A_32, %dma_start3A_74] : memref<10240x128xf32, #tpu.memory_space<vmem_shared>> -> memref<80x128xf32, #tpu.memory_space<vmem_shared>>
      tpu.enqueue_dma source(%arg5 : memref<80x128xf32, #tpu.memory_space<vmem>>) target(%dma_start3A_75 : memref<80x128xf32, #tpu.memory_space<vmem_shared>>) target_semaphore(%run_scoped3A_71 : memref<!tpu.dma_semaphore, #tpu.memory_space<semaphore_mem>>)
      %dma_wait3A_76 = arith.constant 0 : i32
      %dma_wait3A_77 = tpu.memref_slice %arg6[%add3A_32, %dma_wait3A_76] : memref<10240x128xf32, #tpu.memory_space<vmem_shared>> -> memref<80x128xf32, #tpu.memory_space<vmem_shared>>
      %dma_wait3A_78 = arith.constant 0 : i32
      %dma_wait3A_79 = tpu.memref_slice %arg6[%add3A_32, %dma_wait3A_78] : memref<10240x128xf32, #tpu.memory_space<vmem_shared>> -> memref<80x128xf32, #tpu.memory_space<vmem_shared>>
      tpu.wait_dma2 semaphore(%run_scoped3A_71 : memref<!tpu.dma_semaphore, #tpu.memory_space<semaphore_mem>>) src(%arg5 : memref<80x128xf32, #tpu.memory_space<vmem>>) dst(%dma_wait3A_79 : memref<80x128xf32, #tpu.memory_space<vmem_shared>>)
      tpu.yield
    }) : () -> ()
    %mul3A_33 = arith.constant 640 : i32
    %mul3A_34 = arith.muli %arg1, %mul3A_33 : i32
    %add3A_35 = arith.constant 400 : i32
    %add3A_36 = arith.addi %mul3A_34, %add3A_35 : i32
    "tpu.region"() ({
      %run_scoped3A_71 = tpu.sem_alloc : memref<!tpu.dma_semaphore, #tpu.memory_space<semaphore_mem>>
      %dma_start3A_72 = arith.constant 0 : i32
      %dma_start3A_73 = tpu.memref_slice %arg6[%add3A_36, %dma_start3A_72] : memref<10240x128xf32, #tpu.memory_space<vmem_shared>> -> memref<80x128xf32, #tpu.memory_space<vmem_shared>>
      %dma_start3A_74 = arith.constant 0 : i32
      %dma_start3A_75 = tpu.memref_slice %arg6[%add3A_36, %dma_start3A_74] : memref<10240x128xf32, #tpu.memory_space<vmem_shared>> -> memref<80x128xf32, #tpu.memory_space<vmem_shared>>
      tpu.enqueue_dma source(%arg5 : memref<80x128xf32, #tpu.memory_space<vmem>>) target(%dma_start3A_75 : memref<80x128xf32, #tpu.memory_space<vmem_shared>>) target_semaphore(%run_scoped3A_71 : memref<!tpu.dma_semaphore, #tpu.memory_space<semaphore_mem>>)
      %dma_wait3A_76 = arith.constant 0 : i32
      %dma_wait3A_77 = tpu.memref_slice %arg6[%add3A_36, %dma_wait3A_76] : memref<10240x128xf32, #tpu.memory_space<vmem_shared>> -> memref<80x128xf32, #tpu.memory_space<vmem_shared>>
      %dma_wait3A_78 = arith.constant 0 : i32
      %dma_wait3A_79 = tpu.memref_slice %arg6[%add3A_36, %dma_wait3A_78] : memref<10240x128xf32, #tpu.memory_space<vmem_shared>> -> memref<80x128xf32, #tpu.memory_space<vmem_shared>>
      tpu.wait_dma2 semaphore(%run_scoped3A_71 : memref<!tpu.dma_semaphore, #tpu.memory_space<semaphore_mem>>) src(%arg5 : memref<80x128xf32, #tpu.memory_space<vmem>>) dst(%dma_wait3A_79 : memref<80x128xf32, #tpu.memory_space<vmem_shared>>)
      tpu.yield
    }) : () -> ()
    %mul3A_37 = arith.constant 640 : i32
    %mul3A_38 = arith.muli %arg1, %mul3A_37 : i32
    %add3A_39 = arith.constant 480 : i32
    %add3A_40 = arith.addi %mul3A_38, %add3A_39 : i32
    "tpu.region"() ({
      %run_scoped3A_71 = tpu.sem_alloc : memref<!tpu.dma_semaphore, #tpu.memory_space<semaphore_mem>>
      %dma_start3A_72 = arith.constant 0 : i32
      %dma_start3A_73 = tpu.memref_slice %arg6[%add3A_40, %dma_start3A_72] : memref<10240x128xf32, #tpu.memory_space<vmem_shared>> -> memref<80x128xf32, #tpu.memory_space<vmem_shared>>
      %dma_start3A_74 = arith.constant 0 : i32
      %dma_start3A_75 = tpu.memref_slice %arg6[%add3A_40, %dma_start3A_74] : memref<10240x128xf32, #tpu.memory_space<vmem_shared>> -> memref<80x128xf32, #tpu.memory_space<vmem_shared>>
      tpu.enqueue_dma source(%arg5 : memref<80x128xf32, #tpu.memory_space<vmem>>) target(%dma_start3A_75 : memref<80x128xf32, #tpu.memory_space<vmem_shared>>) target_semaphore(%run_scoped3A_71 : memref<!tpu.dma_semaphore, #tpu.memory_space<semaphore_mem>>)
      %dma_wait3A_76 = arith.constant 0 : i32
      %dma_wait3A_77 = tpu.memref_slice %arg6[%add3A_40, %dma_wait3A_76] : memref<10240x128xf32, #tpu.memory_space<vmem_shared>> -> memref<80x128xf32, #tpu.memory_space<vmem_shared>>
      %dma_wait3A_78 = arith.constant 0 : i32
      %dma_wait3A_79 = tpu.memref_slice %arg6[%add3A_40, %dma_wait3A_78] : memref<10240x128xf32, #tpu.memory_space<vmem_shared>> -> memref<80x128xf32, #tpu.memory_space<vmem_shared>>
      tpu.wait_dma2 semaphore(%run_scoped3A_71 : memref<!tpu.dma_semaphore, #tpu.memory_space<semaphore_mem>>) src(%arg5 : memref<80x128xf32, #tpu.memory_space<vmem>>) dst(%dma_wait3A_79 : memref<80x128xf32, #tpu.memory_space<vmem_shared>>)
      tpu.yield
    }) : () -> ()
    %mul3A_41 = arith.constant 640 : i32
    %mul3A_42 = arith.muli %arg1, %mul3A_41 : i32
    %add3A_43 = arith.constant 560 : i32
    %add3A_44 = arith.addi %mul3A_42, %add3A_43 : i32
    "tpu.region"() ({
      %run_scoped3A_71 = tpu.sem_alloc : memref<!tpu.dma_semaphore, #tpu.memory_space<semaphore_mem>>
      %dma_start3A_72 = arith.constant 0 : i32
      %dma_start3A_73 = tpu.memref_slice %arg6[%add3A_44, %dma_start3A_72] : memref<10240x128xf32, #tpu.memory_space<vmem_shared>> -> memref<80x128xf32, #tpu.memory_space<vmem_shared>>
      %dma_start3A_74 = arith.constant 0 : i32
      %dma_start3A_75 = tpu.memref_slice %arg6[%add3A_44, %dma_start3A_74] : memref<10240x128xf32, #tpu.memory_space<vmem_shared>> -> memref<80x128xf32, #tpu.memory_space<vmem_shared>>
      tpu.enqueue_dma source(%arg5 : memref<80x128xf32, #tpu.memory_space<vmem>>) target(%dma_start3A_75 : memref<80x128xf32, #tpu.memory_space<vmem_shared>>) target_semaphore(%run_scoped3A_71 : memref<!tpu.dma_semaphore, #tpu.memory_space<semaphore_mem>>)
      %dma_wait3A_76 = arith.constant 0 : i32
      %dma_wait3A_77 = tpu.memref_slice %arg6[%add3A_44, %dma_wait3A_76] : memref<10240x128xf32, #tpu.memory_space<vmem_shared>> -> memref<80x128xf32, #tpu.memory_space<vmem_shared>>
      %dma_wait3A_78 = arith.constant 0 : i32
      %dma_wait3A_79 = tpu.memref_slice %arg6[%add3A_44, %dma_wait3A_78] : memref<10240x128xf32, #tpu.memory_space<vmem_shared>> -> memref<80x128xf32, #tpu.memory_space<vmem_shared>>
      tpu.wait_dma2 semaphore(%run_scoped3A_71 : memref<!tpu.dma_semaphore, #tpu.memory_space<semaphore_mem>>) src(%arg5 : memref<80x128xf32, #tpu.memory_space<vmem>>) dst(%dma_wait3A_79 : memref<80x128xf32, #tpu.memory_space<vmem_shared>>)
      tpu.yield
    }) : () -> ()
    %scan3A_45 = arith.constant 1.000000e+00 : f32
    %scan3A_46 = arith.constant 0 : i32
    %scan3A_47 = arith.constant 80 : i32
    %scan3A_48 = arith.addi %scan3A_46, %scan3A_47 : i32
    %scan3A_49 = arith.constant 1 : i32
    scf.for %scan3A_71 = %scan3A_46 to %scan3A_48 step %scan3A_49  : i32 {
      %broadcast_in_dim3A = vector.broadcast %scan3A_45 : f32 to vector<16xf32>
      %swap3A = arith.index_cast %scan3A_71 : i32 to index
      %swap3A_72 = arith.constant 0 : index
      %swap3A_73 = tpu.vector_load %arg5[%swap3A, %swap3A_72] {strides = array<i32>} : memref<80x128xf32, #tpu.memory_space<vmem>>, vector<1x16xf32>,
      %swap3A_74 = vector.shape_cast %swap3A_73 : vector<1x16xf32> to vector<16xf32>
      %swap3A_75 = vector.shape_cast %broadcast_in_dim3A : vector<16xf32> to vector<1x16xf32>
      tpu.vector_store %arg5[%swap3A, %swap3A_72], %swap3A_75 {strides = array<i32>} : memref<80x128xf32, #tpu.memory_space<vmem>>, vector<1x16xf32>,
      %broadcast_in_dim3A_76 = vector.broadcast %scan3A_45 : f32 to vector<16xf32>
      %swap3A_77 = arith.index_cast %scan3A_71 : i32 to index
      %swap3A_78 = arith.constant 16 : index
      %swap3A_79 = tpu.vector_load %arg5[%swap3A_77, %swap3A_78] {strides = array<i32>} : memref<80x128xf32, #tpu.memory_space<vmem>>, vector<1x16xf32>,
      %swap3A_80 = vector.shape_cast %swap3A_79 : vector<1x16xf32> to vector<16xf32>
      %swap3A_81 = vector.shape_cast %broadcast_in_dim3A_76 : vector<16xf32> to vector<1x16xf32>
      tpu.vector_store %arg5[%swap3A_77, %swap3A_78], %swap3A_81 {strides = array<i32>} : memref<80x128xf32, #tpu.memory_space<vmem>>, vector<1x16xf32>,
      %broadcast_in_dim3A_82 = vector.broadcast %scan3A_45 : f32 to vector<16xf32>
      %swap3A_83 = arith.index_cast %scan3A_71 : i32 to index
      %swap3A_84 = arith.constant 32 : index
      %swap3A_85 = tpu.vector_load %arg5[%swap3A_83, %swap3A_84] {strides = array<i32>} : memref<80x128xf32, #tpu.memory_space<vmem>>, vector<1x16xf32>,
      %swap3A_86 = vector.shape_cast %swap3A_85 : vector<1x16xf32> to vector<16xf32>
      %swap3A_87 = vector.shape_cast %broadcast_in_dim3A_82 : vector<16xf32> to vector<1x16xf32>
      tpu.vector_store %arg5[%swap3A_83, %swap3A_84], %swap3A_87 {strides = array<i32>} : memref<80x128xf32, #tpu.memory_space<vmem>>, vector<1x16xf32>,
      %broadcast_in_dim3A_88 = vector.broadcast %scan3A_45 : f32 to vector<16xf32>
      %swap3A_89 = arith.index_cast %scan3A_71 : i32 to index
      %swap3A_90 = arith.constant 48 : index
      %swap3A_91 = tpu.vector_load %arg5[%swap3A_89, %swap3A_90] {strides = array<i32>} : memref<80x128xf32, #tpu.memory_space<vmem>>, vector<1x16xf32>,
      %swap3A_92 = vector.shape_cast %swap3A_91 : vector<1x16xf32> to vector<16xf32>
      %swap3A_93 = vector.shape_cast %broadcast_in_dim3A_88 : vector<16xf32> to vector<1x16xf32>
      tpu.vector_store %arg5[%swap3A_89, %swap3A_90], %swap3A_93 {strides = array<i32>} : memref<80x128xf32, #tpu.memory_space<vmem>>, vector<1x16xf32>,
      %broadcast_in_dim3A_94 = vector.broadcast %scan3A_45 : f32 to vector<16xf32>
      %swap3A_95 = arith.index_cast %scan3A_71 : i32 to index
      %swap3A_96 = arith.constant 64 : index
      %swap3A_97 = tpu.vector_load %arg5[%swap3A_95, %swap3A_96] {strides = array<i32>} : memref<80x128xf32, #tpu.memory_space<vmem>>, vector<1x16xf32>,
      %swap3A_98 = vector.shape_cast %swap3A_97 : vector<1x16xf32> to vector<16xf32>
      %swap3A_99 = vector.shape_cast %broadcast_in_dim3A_94 : vector<16xf32> to vector<1x16xf32>
      tpu.vector_store %arg5[%swap3A_95, %swap3A_96], %swap3A_99 {strides = array<i32>} : memref<80x128xf32, #tpu.memory_space<vmem>>, vector<1x16xf32>,
      %broadcast_in_dim3A_100 = vector.broadcast %scan3A_45 : f32 to vector<16xf32>
      %swap3A_101 = arith.index_cast %scan3A_71 : i32 to index
      %swap3A_102 = arith.constant 80 : index
      %swap3A_103 = tpu.vector_load %arg5[%swap3A_101, %swap3A_102] {strides = array<i32>} : memref<80x128xf32, #tpu.memory_space<vmem>>, vector<1x16xf32>,
      %swap3A_104 = vector.shape_cast %swap3A_103 : vector<1x16xf32> to vector<16xf32>
      %swap3A_105 = vector.shape_cast %broadcast_in_dim3A_100 : vector<16xf32> to vector<1x16xf32>
      tpu.vector_store %arg5[%swap3A_101, %swap3A_102], %swap3A_105 {strides = array<i32>} : memref<80x128xf32, #tpu.memory_space<vmem>>, vector<1x16xf32>,
      %broadcast_in_dim3A_106 = vector.broadcast %scan3A_45 : f32 to vector<16xf32>
      %swap3A_107 = arith.index_cast %scan3A_71 : i32 to index
      %swap3A_108 = arith.constant 96 : index
      %swap3A_109 = tpu.vector_load %arg5[%swap3A_107, %swap3A_108] {strides = array<i32>} : memref<80x128xf32, #tpu.memory_space<vmem>>, vector<1x16xf32>,
      %swap3A_110 = vector.shape_cast %swap3A_109 : vector<1x16xf32> to vector<16xf32>
      %swap3A_111 = vector.shape_cast %broadcast_in_dim3A_106 : vector<16xf32> to vector<1x16xf32>
      tpu.vector_store %arg5[%swap3A_107, %swap3A_108], %swap3A_111 {strides = array<i32>} : memref<80x128xf32, #tpu.memory_space<vmem>>, vector<1x16xf32>,
      %broadcast_in_dim3A_112 = vector.broadcast %scan3A_45 : f32 to vector<16xf32>
      %swap3A_113 = arith.index_cast %scan3A_71 : i32 to index
      %swap3A_114 = arith.constant 112 : index
      %swap3A_115 = tpu.vector_load %arg5[%swap3A_113, %swap3A_114] {strides = array<i32>} : memref<80x128xf32, #tpu.memory_space<vmem>>, vector<1x16xf32>,
      %swap3A_116 = vector.shape_cast %swap3A_115 : vector<1x16xf32> to vector<16xf32>
      %swap3A_117 = vector.shape_cast %broadcast_in_dim3A_112 : vector<16xf32> to vector<1x16xf32>
      tpu.vector_store %arg5[%swap3A_113, %swap3A_114], %swap3A_117 {strides = array<i32>} : memref<80x128xf32, #tpu.memory_space<vmem>>, vector<1x16xf32>,
    }
    %scan3A_50 = arith.constant 80 : i32
    %dma_wait3A = arith.constant 0 : i32
    %dma_wait3A_51 = arith.constant 0 : i32
    %dma_wait3A_52 = tpu.memref_slice %arg2[%add3A, %dma_wait3A, %dma_wait3A_51] : memref<32x125x80xi32, #tpu.memory_space<hbm>> -> memref<1x125x80xi32, #tpu.memory_space<hbm>>
    %dma_wait3A_53 = tpu.memref_squeeze %dma_wait3A_52 : memref<1x125x80xi32, #tpu.memory_space<hbm>> -> memref<125x80xi32, #tpu.memory_space<hbm>>
    %dma_wait3A_54 = arith.constant 0 : i32
    %dma_wait3A_55 = arith.constant 0 : i32
    %dma_wait3A_56 = tpu.memref_slice %arg2[%add3A, %dma_wait3A_54, %dma_wait3A_55] : memref<32x125x80xi32, #tpu.memory_space<hbm>> -> memref<1x125x80xi32, #tpu.memory_space<hbm>>
    %dma_wait3A_57 = tpu.memref_squeeze %dma_wait3A_56 : memref<1x125x80xi32, #tpu.memory_space<hbm>> -> memref<125x80xi32, #tpu.memory_space<hbm>>
    tpu.wait_dma2 semaphore(%arg7 : memref<!tpu.dma_semaphore, #tpu.memory_space<semaphore_mem>>) src(%dma_wait3A_57 : memref<125x80xi32, #tpu.memory_space<hbm>>) dst(%arg4 : memref<125x80xi32, #tpu.memory_space<vmem>>)
    %barrier3A = arith.constant 0 : index
    tpu.barrier barrier_id(%barrier3A)
    %scan3A_58 = arith.constant 0 : i32
    %scan3A_59 = arith.constant 0 : i32
    %scan3A_60 = arith.constant 15 : i32
    %scan3A_61 = arith.addi %scan3A_59, %scan3A_60 : i32
    %scan3A_62 = arith.constant 1 : i32
    scf.for %scan3A_71 = %scan3A_59 to %scan3A_61 step %scan3A_62  : i32 {
      %mul3A_72 = arith.constant 8 : i32
      %mul3A_73 = arith.muli %scan3A_71, %mul3A_72 : i32
      %add3A_74 = arith.constant 0 : i32
      %add3A_75 = arith.addi %mul3A_73, %add3A_74 : i32
      %dma_start3A_76 = arith.constant 0 : i32
      %dma_start3A_77 = tpu.memref_slice %arg4[%add3A_75, %dma_start3A_76] : memref<125x80xi32, #tpu.memory_space<vmem>> -> memref<1x80xi32, #tpu.memory_space<vmem>>
      %dma_start3A_78 = tpu.memref_squeeze %dma_start3A_77 : memref<1x80xi32, #tpu.memory_space<vmem>> -> memref<80xi32, #tpu.memory_space<vmem>>
      %dma_start3A_79 = arith.constant 0 : i32
      %dma_start3A_80 = arith.constant 0 : i32
      %dma_start3A_81 = tpu.memref_slice %arg6[%dma_start3A_79, %dma_start3A_80] : memref<10240x128xf32, #tpu.memory_space<vmem_shared>> -> memref<10240x128xf32, #tpu.memory_space<vmem_shared>>
      tpu.enqueue_indirect_dma source(%arg5 : memref<80x128xf32, #tpu.memory_space<vmem>>) target(%dma_start3A_81 : memref<10240x128xf32, #tpu.memory_space<vmem_shared>>) offsets(%dma_start3A_78 : memref<80xi32, #tpu.memory_space<vmem>>) semaphore(%arg7 : memref<!tpu.dma_semaphore, #tpu.memory_space<semaphore_mem>>) {add = true}
      %mul3A_82 = arith.constant 8 : i32
      %mul3A_83 = arith.muli %scan3A_71, %mul3A_82 : i32
      %add3A_84 = arith.constant 1 : i32
      %add3A_85 = arith.addi %mul3A_83, %add3A_84 : i32
      %dma_start3A_86 = arith.constant 0 : i32
      %dma_start3A_87 = tpu.memref_slice %arg4[%add3A_85, %dma_start3A_86] : memref<125x80xi32, #tpu.memory_space<vmem>> -> memref<1x80xi32, #tpu.memory_space<vmem>>
      %dma_start3A_88 = tpu.memref_squeeze %dma_start3A_87 : memref<1x80xi32, #tpu.memory_space<vmem>> -> memref<80xi32, #tpu.memory_space<vmem>>
      %dma_start3A_89 = arith.constant 0 : i32
      %dma_start3A_90 = arith.constant 0 : i32
      %dma_start3A_91 = tpu.memref_slice %arg6[%dma_start3A_89, %dma_start3A_90] : memref<10240x128xf32, #tpu.memory_space<vmem_shared>> -> memref<10240x128xf32, #tpu.memory_space<vmem_shared>>
      tpu.enqueue_indirect_dma source(%arg5 : memref<80x128xf32, #tpu.memory_space<vmem>>) target(%dma_start3A_91 : memref<10240x128xf32, #tpu.memory_space<vmem_shared>>) offsets(%dma_start3A_88 : memref<80xi32, #tpu.memory_space<vmem>>) semaphore(%arg7 : memref<!tpu.dma_semaphore, #tpu.memory_space<semaphore_mem>>) {add = true}
      %mul3A_92 = arith.constant 8 : i32
      %mul3A_93 = arith.muli %scan3A_71, %mul3A_92 : i32
      %add3A_94 = arith.constant 2 : i32
      %add3A_95 = arith.addi %mul3A_93, %add3A_94 : i32
      %dma_start3A_96 = arith.constant 0 : i32
      %dma_start3A_97 = tpu.memref_slice %arg4[%add3A_95, %dma_start3A_96] : memref<125x80xi32, #tpu.memory_space<vmem>> -> memref<1x80xi32, #tpu.memory_space<vmem>>
      %dma_start3A_98 = tpu.memref_squeeze %dma_start3A_97 : memref<1x80xi32, #tpu.memory_space<vmem>> -> memref<80xi32, #tpu.memory_space<vmem>>
      %dma_start3A_99 = arith.constant 0 : i32
      %dma_start3A_100 = arith.constant 0 : i32
      %dma_start3A_101 = tpu.memref_slice %arg6[%dma_start3A_99, %dma_start3A_100] : memref<10240x128xf32, #tpu.memory_space<vmem_shared>> -> memref<10240x128xf32, #tpu.memory_space<vmem_shared>>
      tpu.enqueue_indirect_dma source(%arg5 : memref<80x128xf32, #tpu.memory_space<vmem>>) target(%dma_start3A_101 : memref<10240x128xf32, #tpu.memory_space<vmem_shared>>) offsets(%dma_start3A_98 : memref<80xi32, #tpu.memory_space<vmem>>) semaphore(%arg7 : memref<!tpu.dma_semaphore, #tpu.memory_space<semaphore_mem>>) {add = true}
      %mul3A_102 = arith.constant 8 : i32
      %mul3A_103 = arith.muli %scan3A_71, %mul3A_102 : i32
      %add3A_104 = arith.constant 3 : i32
      %add3A_105 = arith.addi %mul3A_103, %add3A_104 : i32
      %dma_start3A_106 = arith.constant 0 : i32
      %dma_start3A_107 = tpu.memref_slice %arg4[%add3A_105, %dma_start3A_106] : memref<125x80xi32, #tpu.memory_space<vmem>> -> memref<1x80xi32, #tpu.memory_space<vmem>>
      %dma_start3A_108 = tpu.memref_squeeze %dma_start3A_107 : memref<1x80xi32, #tpu.memory_space<vmem>> -> memref<80xi32, #tpu.memory_space<vmem>>
      %dma_start3A_109 = arith.constant 0 : i32
      %dma_start3A_110 = arith.constant 0 : i32
      %dma_start3A_111 = tpu.memref_slice %arg6[%dma_start3A_109, %dma_start3A_110] : memref<10240x128xf32, #tpu.memory_space<vmem_shared>> -> memref<10240x128xf32, #tpu.memory_space<vmem_shared>>
      tpu.enqueue_indirect_dma source(%arg5 : memref<80x128xf32, #tpu.memory_space<vmem>>) target(%dma_start3A_111 : memref<10240x128xf32, #tpu.memory_space<vmem_shared>>) offsets(%dma_start3A_108 : memref<80xi32, #tpu.memory_space<vmem>>) semaphore(%arg7 : memref<!tpu.dma_semaphore, #tpu.memory_space<semaphore_mem>>) {add = true}
      %mul3A_112 = arith.constant 8 : i32
      %mul3A_113 = arith.muli %scan3A_71, %mul3A_112 : i32
      %add3A_114 = arith.constant 4 : i32
      %add3A_115 = arith.addi %mul3A_113, %add3A_114 : i32
      %dma_start3A_116 = arith.constant 0 : i32
      %dma_start3A_117 = tpu.memref_slice %arg4[%add3A_115, %dma_start3A_116] : memref<125x80xi32, #tpu.memory_space<vmem>> -> memref<1x80xi32, #tpu.memory_space<vmem>>
      %dma_start3A_118 = tpu.memref_squeeze %dma_start3A_117 : memref<1x80xi32, #tpu.memory_space<vmem>> -> memref<80xi32, #tpu.memory_space<vmem>>
      %dma_start3A_119 = arith.constant 0 : i32
      %dma_start3A_120 = arith.constant 0 : i32
      %dma_start3A_121 = tpu.memref_slice %arg6[%dma_start3A_119, %dma_start3A_120] : memref<10240x128xf32, #tpu.memory_space<vmem_shared>> -> memref<10240x128xf32, #tpu.memory_space<vmem_shared>>
      tpu.enqueue_indirect_dma source(%arg5 : memref<80x128xf32, #tpu.memory_space<vmem>>) target(%dma_start3A_121 : memref<10240x128xf32, #tpu.memory_space<vmem_shared>>) offsets(%dma_start3A_118 : memref<80xi32, #tpu.memory_space<vmem>>) semaphore(%arg7 : memref<!tpu.dma_semaphore, #tpu.memory_space<semaphore_mem>>) {add = true}
      %mul3A_122 = arith.constant 8 : i32
      %mul3A_123 = arith.muli %scan3A_71, %mul3A_122 : i32
      %add3A_124 = arith.constant 5 : i32
      %add3A_125 = arith.addi %mul3A_123, %add3A_124 : i32
      %dma_start3A_126 = arith.constant 0 : i32
      %dma_start3A_127 = tpu.memref_slice %arg4[%add3A_125, %dma_start3A_126] : memref<125x80xi32, #tpu.memory_space<vmem>> -> memref<1x80xi32, #tpu.memory_space<vmem>>
      %dma_start3A_128 = tpu.memref_squeeze %dma_start3A_127 : memref<1x80xi32, #tpu.memory_space<vmem>> -> memref<80xi32, #tpu.memory_space<vmem>>
      %dma_start3A_129 = arith.constant 0 : i32
      %dma_start3A_130 = arith.constant 0 : i32
      %dma_start3A_131 = tpu.memref_slice %arg6[%dma_start3A_129, %dma_start3A_130] : memref<10240x128xf32, #tpu.memory_space<vmem_shared>> -> memref<10240x128xf32, #tpu.memory_space<vmem_shared>>
      tpu.enqueue_indirect_dma source(%arg5 : memref<80x128xf32, #tpu.memory_space<vmem>>) target(%dma_start3A_131 : memref<10240x128xf32, #tpu.memory_space<vmem_shared>>) offsets(%dma_start3A_128 : memref<80xi32, #tpu.memory_space<vmem>>) semaphore(%arg7 : memref<!tpu.dma_semaphore, #tpu.memory_space<semaphore_mem>>) {add = true}
      %mul3A_132 = arith.constant 8 : i32
      %mul3A_133 = arith.muli %scan3A_71, %mul3A_132 : i32
      %add3A_134 = arith.constant 6 : i32
      %add3A_135 = arith.addi %mul3A_133, %add3A_134 : i32
      %dma_start3A_136 = arith.constant 0 : i32
      %dma_start3A_137 = tpu.memref_slice %arg4[%add3A_135, %dma_start3A_136] : memref<125x80xi32, #tpu.memory_space<vmem>> -> memref<1x80xi32, #tpu.memory_space<vmem>>
      %dma_start3A_138 = tpu.memref_squeeze %dma_start3A_137 : memref<1x80xi32, #tpu.memory_space<vmem>> -> memref<80xi32, #tpu.memory_space<vmem>>
      %dma_start3A_139 = arith.constant 0 : i32
      %dma_start3A_140 = arith.constant 0 : i32
      %dma_start3A_141 = tpu.memref_slice %arg6[%dma_start3A_139, %dma_start3A_140] : memref<10240x128xf32, #tpu.memory_space<vmem_shared>> -> memref<10240x128xf32, #tpu.memory_space<vmem_shared>>
      tpu.enqueue_indirect_dma source(%arg5 : memref<80x128xf32, #tpu.memory_space<vmem>>) target(%dma_start3A_141 : memref<10240x128xf32, #tpu.memory_space<vmem_shared>>) offsets(%dma_start3A_138 : memref<80xi32, #tpu.memory_space<vmem>>) semaphore(%arg7 : memref<!tpu.dma_semaphore, #tpu.memory_space<semaphore_mem>>) {add = true}
      %mul3A_142 = arith.constant 8 : i32
      %mul3A_143 = arith.muli %scan3A_71, %mul3A_142 : i32
      %add3A_144 = arith.constant 7 : i32
      %add3A_145 = arith.addi %mul3A_143, %add3A_144 : i32
      %dma_start3A_146 = arith.constant 0 : i32
      %dma_start3A_147 = tpu.memref_slice %arg4[%add3A_145, %dma_start3A_146] : memref<125x80xi32, #tpu.memory_space<vmem>> -> memref<1x80xi32, #tpu.memory_space<vmem>>
      %dma_start3A_148 = tpu.memref_squeeze %dma_start3A_147 : memref<1x80xi32, #tpu.memory_space<vmem>> -> memref<80xi32, #tpu.memory_space<vmem>>
      %dma_start3A_149 = arith.constant 0 : i32
      %dma_start3A_150 = arith.constant 0 : i32
      %dma_start3A_151 = tpu.memref_slice %arg6[%dma_start3A_149, %dma_start3A_150] : memref<10240x128xf32, #tpu.memory_space<vmem_shared>> -> memref<10240x128xf32, #tpu.memory_space<vmem_shared>>
      tpu.enqueue_indirect_dma source(%arg5 : memref<80x128xf32, #tpu.memory_space<vmem>>) target(%dma_start3A_151 : memref<10240x128xf32, #tpu.memory_space<vmem_shared>>) offsets(%dma_start3A_148 : memref<80xi32, #tpu.memory_space<vmem>>) semaphore(%arg7 : memref<!tpu.dma_semaphore, #tpu.memory_space<semaphore_mem>>) {add = true}
      %mul3A_152 = arith.constant 8 : i32
      %mul3A_153 = arith.muli %scan3A_71, %mul3A_152 : i32
      %add3A_154 = arith.constant 0 : i32
      %add3A_155 = arith.addi %mul3A_153, %add3A_154 : i32
      %dma_wait3A_156 = arith.constant 0 : i32
      %dma_wait3A_157 = tpu.memref_slice %arg4[%add3A_155, %dma_wait3A_156] : memref<125x80xi32, #tpu.memory_space<vmem>> -> memref<1x80xi32, #tpu.memory_space<vmem>>
      %dma_wait3A_158 = tpu.memref_squeeze %dma_wait3A_157 : memref<1x80xi32, #tpu.memory_space<vmem>> -> memref<80xi32, #tpu.memory_space<vmem>>
      %dma_wait3A_159 = arith.constant 0 : i32
      %dma_wait3A_160 = arith.constant 0 : i32
      %dma_wait3A_161 = tpu.memref_slice %arg6[%dma_wait3A_159, %dma_wait3A_160] : memref<10240x128xf32, #tpu.memory_space<vmem_shared>> -> memref<10240x128xf32, #tpu.memory_space<vmem_shared>>
      tpu.wait_indirect_dma semaphore(%arg7 : memref<!tpu.dma_semaphore, #tpu.memory_space<semaphore_mem>>) src(%arg5 : memref<80x128xf32, #tpu.memory_space<vmem>>) dst(%dma_wait3A_161 : memref<10240x128xf32, #tpu.memory_space<vmem_shared>>)
      %mul3A_162 = arith.constant 8 : i32
      %mul3A_163 = arith.muli %scan3A_71, %mul3A_162 : i32
      %add3A_164 = arith.constant 1 : i32
      %add3A_165 = arith.addi %mul3A_163, %add3A_164 : i32
      %dma_wait3A_166 = arith.constant 0 : i32
      %dma_wait3A_167 = tpu.memref_slice %arg4[%add3A_165, %dma_wait3A_166] : memref<125x80xi32, #tpu.memory_space<vmem>> -> memref<1x80xi32, #tpu.memory_space<vmem>>
      %dma_wait3A_168 = tpu.memref_squeeze %dma_wait3A_167 : memref<1x80xi32, #tpu.memory_space<vmem>> -> memref<80xi32, #tpu.memory_space<vmem>>
      %dma_wait3A_169 = arith.constant 0 : i32
      %dma_wait3A_170 = arith.constant 0 : i32
      %dma_wait3A_171 = tpu.memref_slice %arg6[%dma_wait3A_169, %dma_wait3A_170] : memref<10240x128xf32, #tpu.memory_space<vmem_shared>> -> memref<10240x128xf32, #tpu.memory_space<vmem_shared>>
      tpu.wait_indirect_dma semaphore(%arg7 : memref<!tpu.dma_semaphore, #tpu.memory_space<semaphore_mem>>) src(%arg5 : memref<80x128xf32, #tpu.memory_space<vmem>>) dst(%dma_wait3A_171 : memref<10240x128xf32, #tpu.memory_space<vmem_shared>>)
      %mul3A_172 = arith.constant 8 : i32
      %mul3A_173 = arith.muli %scan3A_71, %mul3A_172 : i32
      %add3A_174 = arith.constant 2 : i32
      %add3A_175 = arith.addi %mul3A_173, %add3A_174 : i32
      %dma_wait3A_176 = arith.constant 0 : i32
      %dma_wait3A_177 = tpu.memref_slice %arg4[%add3A_175, %dma_wait3A_176] : memref<125x80xi32, #tpu.memory_space<vmem>> -> memref<1x80xi32, #tpu.memory_space<vmem>>
      %dma_wait3A_178 = tpu.memref_squeeze %dma_wait3A_177 : memref<1x80xi32, #tpu.memory_space<vmem>> -> memref<80xi32, #tpu.memory_space<vmem>>
      %dma_wait3A_179 = arith.constant 0 : i32
      %dma_wait3A_180 = arith.constant 0 : i32
      %dma_wait3A_181 = tpu.memref_slice %arg6[%dma_wait3A_179, %dma_wait3A_180] : memref<10240x128xf32, #tpu.memory_space<vmem_shared>> -> memref<10240x128xf32, #tpu.memory_space<vmem_shared>>
      tpu.wait_indirect_dma semaphore(%arg7 : memref<!tpu.dma_semaphore, #tpu.memory_space<semaphore_mem>>) src(%arg5 : memref<80x128xf32, #tpu.memory_space<vmem>>) dst(%dma_wait3A_181 : memref<10240x128xf32, #tpu.memory_space<vmem_shared>>)
      %mul3A_182 = arith.constant 8 : i32
      %mul3A_183 = arith.muli %scan3A_71, %mul3A_182 : i32
      %add3A_184 = arith.constant 3 : i32
      %add3A_185 = arith.addi %mul3A_183, %add3A_184 : i32
      %dma_wait3A_186 = arith.constant 0 : i32
      %dma_wait3A_187 = tpu.memref_slice %arg4[%add3A_185, %dma_wait3A_186] : memref<125x80xi32, #tpu.memory_space<vmem>> -> memref<1x80xi32, #tpu.memory_space<vmem>>
      %dma_wait3A_188 = tpu.memref_squeeze %dma_wait3A_187 : memref<1x80xi32, #tpu.memory_space<vmem>> -> memref<80xi32, #tpu.memory_space<vmem>>
      %dma_wait3A_189 = arith.constant 0 : i32
      %dma_wait3A_190 = arith.constant 0 : i32
      %dma_wait3A_191 = tpu.memref_slice %arg6[%dma_wait3A_189, %dma_wait3A_190] : memref<10240x128xf32, #tpu.memory_space<vmem_shared>> -> memref<10240x128xf32, #tpu.memory_space<vmem_shared>>
      tpu.wait_indirect_dma semaphore(%arg7 : memref<!tpu.dma_semaphore, #tpu.memory_space<semaphore_mem>>) src(%arg5 : memref<80x128xf32, #tpu.memory_space<vmem>>) dst(%dma_wait3A_191 : memref<10240x128xf32, #tpu.memory_space<vmem_shared>>)
      %mul3A_192 = arith.constant 8 : i32
      %mul3A_193 = arith.muli %scan3A_71, %mul3A_192 : i32
      %add3A_194 = arith.constant 4 : i32
      %add3A_195 = arith.addi %mul3A_193, %add3A_194 : i32
      %dma_wait3A_196 = arith.constant 0 : i32
      %dma_wait3A_197 = tpu.memref_slice %arg4[%add3A_195, %dma_wait3A_196] : memref<125x80xi32, #tpu.memory_space<vmem>> -> memref<1x80xi32, #tpu.memory_space<vmem>>
      %dma_wait3A_198 = tpu.memref_squeeze %dma_wait3A_197 : memref<1x80xi32, #tpu.memory_space<vmem>> -> memref<80xi32, #tpu.memory_space<vmem>>
      %dma_wait3A_199 = arith.constant 0 : i32
      %dma_wait3A_200 = arith.constant 0 : i32
      %dma_wait3A_201 = tpu.memref_slice %arg6[%dma_wait3A_199, %dma_wait3A_200] : memref<10240x128xf32, #tpu.memory_space<vmem_shared>> -> memref<10240x128xf32, #tpu.memory_space<vmem_shared>>
      tpu.wait_indirect_dma semaphore(%arg7 : memref<!tpu.dma_semaphore, #tpu.memory_space<semaphore_mem>>) src(%arg5 : memref<80x128xf32, #tpu.memory_space<vmem>>) dst(%dma_wait3A_201 : memref<10240x128xf32, #tpu.memory_space<vmem_shared>>)
      %mul3A_202 = arith.constant 8 : i32
      %mul3A_203 = arith.muli %scan3A_71, %mul3A_202 : i32
      %add3A_204 = arith.constant 5 : i32
      %add3A_205 = arith.addi %mul3A_203, %add3A_204 : i32
      %dma_wait3A_206 = arith.constant 0 : i32
      %dma_wait3A_207 = tpu.memref_slice %arg4[%add3A_205, %dma_wait3A_206] : memref<125x80xi32, #tpu.memory_space<vmem>> -> memref<1x80xi32, #tpu.memory_space<vmem>>
      %dma_wait3A_208 = tpu.memref_squeeze %dma_wait3A_207 : memref<1x80xi32, #tpu.memory_space<vmem>> -> memref<80xi32, #tpu.memory_space<vmem>>
      %dma_wait3A_209 = arith.constant 0 : i32
      %dma_wait3A_210 = arith.constant 0 : i32
      %dma_wait3A_211 = tpu.memref_slice %arg6[%dma_wait3A_209, %dma_wait3A_210] : memref<10240x128xf32, #tpu.memory_space<vmem_shared>> -> memref<10240x128xf32, #tpu.memory_space<vmem_shared>>
      tpu.wait_indirect_dma semaphore(%arg7 : memref<!tpu.dma_semaphore, #tpu.memory_space<semaphore_mem>>) src(%arg5 : memref<80x128xf32, #tpu.memory_space<vmem>>) dst(%dma_wait3A_211 : memref<10240x128xf32, #tpu.memory_space<vmem_shared>>)
      %mul3A_212 = arith.constant 8 : i32
      %mul3A_213 = arith.muli %scan3A_71, %mul3A_212 : i32
      %add3A_214 = arith.constant 6 : i32
      %add3A_215 = arith.addi %mul3A_213, %add3A_214 : i32
      %dma_wait3A_216 = arith.constant 0 : i32
      %dma_wait3A_217 = tpu.memref_slice %arg4[%add3A_215, %dma_wait3A_216] : memref<125x80xi32, #tpu.memory_space<vmem>> -> memref<1x80xi32, #tpu.memory_space<vmem>>
      %dma_wait3A_218 = tpu.memref_squeeze %dma_wait3A_217 : memref<1x80xi32, #tpu.memory_space<vmem>> -> memref<80xi32, #tpu.memory_space<vmem>>
      %dma_wait3A_219 = arith.constant 0 : i32
      %dma_wait3A_220 = arith.constant 0 : i32
      %dma_wait3A_221 = tpu.memref_slice %arg6[%dma_wait3A_219, %dma_wait3A_220] : memref<10240x128xf32, #tpu.memory_space<vmem_shared>> -> memref<10240x128xf32, #tpu.memory_space<vmem_shared>>
      tpu.wait_indirect_dma semaphore(%arg7 : memref<!tpu.dma_semaphore, #tpu.memory_space<semaphore_mem>>) src(%arg5 : memref<80x128xf32, #tpu.memory_space<vmem>>) dst(%dma_wait3A_221 : memref<10240x128xf32, #tpu.memory_space<vmem_shared>>)
      %mul3A_222 = arith.constant 8 : i32
      %mul3A_223 = arith.muli %scan3A_71, %mul3A_222 : i32
      %add3A_224 = arith.constant 7 : i32
      %add3A_225 = arith.addi %mul3A_223, %add3A_224 : i32
      %dma_wait3A_226 = arith.constant 0 : i32
      %dma_wait3A_227 = tpu.memref_slice %arg4[%add3A_225, %dma_wait3A_226] : memref<125x80xi32, #tpu.memory_space<vmem>> -> memref<1x80xi32, #tpu.memory_space<vmem>>
      %dma_wait3A_228 = tpu.memref_squeeze %dma_wait3A_227 : memref<1x80xi32, #tpu.memory_space<vmem>> -> memref<80xi32, #tpu.memory_space<vmem>>
      %dma_wait3A_229 = arith.constant 0 : i32
      %dma_wait3A_230 = arith.constant 0 : i32
      %dma_wait3A_231 = tpu.memref_slice %arg6[%dma_wait3A_229, %dma_wait3A_230] : memref<10240x128xf32, #tpu.memory_space<vmem_shared>> -> memref<10240x128xf32, #tpu.memory_space<vmem_shared>>
      tpu.wait_indirect_dma semaphore(%arg7 : memref<!tpu.dma_semaphore, #tpu.memory_space<semaphore_mem>>) src(%arg5 : memref<80x128xf32, #tpu.memory_space<vmem>>) dst(%dma_wait3A_231 : memref<10240x128xf32, #tpu.memory_space<vmem_shared>>)
    }
    %scan3A_63 = arith.constant 15 : i32
    %run_scoped3A = arith.constant 120 : i32
    "tpu.region"() ({
      %run_scoped3A_71 = tpu.sem_alloc : memref<!tpu.dma_semaphore, #tpu.memory_space<semaphore_mem>>
      %dma_start3A_72 = arith.constant 0 : i32
      %dma_start3A_73 = tpu.memref_slice %arg4[%run_scoped3A, %dma_start3A_72] : memref<125x80xi32, #tpu.memory_space<vmem>> -> memref<1x80xi32, #tpu.memory_space<vmem>>
      %dma_start3A_74 = tpu.memref_squeeze %dma_start3A_73 : memref<1x80xi32, #tpu.memory_space<vmem>> -> memref<80xi32, #tpu.memory_space<vmem>>
      %dma_start3A_75 = arith.constant 0 : i32
      %dma_start3A_76 = arith.constant 0 : i32
      %dma_start3A_77 = tpu.memref_slice %arg6[%dma_start3A_75, %dma_start3A_76] : memref<10240x128xf32, #tpu.memory_space<vmem_shared>> -> memref<10240x128xf32, #tpu.memory_space<vmem_shared>>
      tpu.enqueue_indirect_dma source(%arg5 : memref<80x128xf32, #tpu.memory_space<vmem>>) target(%dma_start3A_77 : memref<10240x128xf32, #tpu.memory_space<vmem_shared>>) offsets(%dma_start3A_74 : memref<80xi32, #tpu.memory_space<vmem>>) semaphore(%run_scoped3A_71 : memref<!tpu.dma_semaphore, #tpu.memory_space<semaphore_mem>>) {add = true}
      %dma_wait3A_78 = arith.constant 0 : i32
      %dma_wait3A_79 = tpu.memref_slice %arg4[%run_scoped3A, %dma_wait3A_78] : memref<125x80xi32, #tpu.memory_space<vmem>> -> memref<1x80xi32, #tpu.memory_space<vmem>>
      %dma_wait3A_80 = tpu.memref_squeeze %dma_wait3A_79 : memref<1x80xi32, #tpu.memory_space<vmem>> -> memref<80xi32, #tpu.memory_space<vmem>>
      %dma_wait3A_81 = arith.constant 0 : i32
      %dma_wait3A_82 = arith.constant 0 : i32
      %dma_wait3A_83 = tpu.memref_slice %arg6[%dma_wait3A_81, %dma_wait3A_82] : memref<10240x128xf32, #tpu.memory_space<vmem_shared>> -> memref<10240x128xf32, #tpu.memory_space<vmem_shared>>
      tpu.wait_indirect_dma semaphore(%run_scoped3A_71 : memref<!tpu.dma_semaphore, #tpu.memory_space<semaphore_mem>>) src(%arg5 : memref<80x128xf32, #tpu.memory_space<vmem>>) dst(%dma_wait3A_83 : memref<10240x128xf32, #tpu.memory_space<vmem_shared>>)
      tpu.yield
    }) : () -> ()
    %run_scoped3A_64 = arith.constant 121 : i32
    "tpu.region"() ({
      %run_scoped3A_71 = tpu.sem_alloc : memref<!tpu.dma_semaphore, #tpu.memory_space<semaphore_mem>>
      %dma_start3A_72 = arith.constant 0 : i32
      %dma_start3A_73 = tpu.memref_slice %arg4[%run_scoped3A_64, %dma_start3A_72] : memref<125x80xi32, #tpu.memory_space<vmem>> -> memref<1x80xi32, #tpu.memory_space<vmem>>
      %dma_start3A_74 = tpu.memref_squeeze %dma_start3A_73 : memref<1x80xi32, #tpu.memory_space<vmem>> -> memref<80xi32, #tpu.memory_space<vmem>>
      %dma_start3A_75 = arith.constant 0 : i32
      %dma_start3A_76 = arith.constant 0 : i32
      %dma_start3A_77 = tpu.memref_slice %arg6[%dma_start3A_75, %dma_start3A_76] : memref<10240x128xf32, #tpu.memory_space<vmem_shared>> -> memref<10240x128xf32, #tpu.memory_space<vmem_shared>>
      tpu.enqueue_indirect_dma source(%arg5 : memref<80x128xf32, #tpu.memory_space<vmem>>) target(%dma_start3A_77 : memref<10240x128xf32, #tpu.memory_space<vmem_shared>>) offsets(%dma_start3A_74 : memref<80xi32, #tpu.memory_space<vmem>>) semaphore(%run_scoped3A_71 : memref<!tpu.dma_semaphore, #tpu.memory_space<semaphore_mem>>) {add = true}
      %dma_wait3A_78 = arith.constant 0 : i32
      %dma_wait3A_79 = tpu.memref_slice %arg4[%run_scoped3A_64, %dma_wait3A_78] : memref<125x80xi32, #tpu.memory_space<vmem>> -> memref<1x80xi32, #tpu.memory_space<vmem>>
      %dma_wait3A_80 = tpu.memref_squeeze %dma_wait3A_79 : memref<1x80xi32, #tpu.memory_space<vmem>> -> memref<80xi32, #tpu.memory_space<vmem>>
      %dma_wait3A_81 = arith.constant 0 : i32
      %dma_wait3A_82 = arith.constant 0 : i32
      %dma_wait3A_83 = tpu.memref_slice %arg6[%dma_wait3A_81, %dma_wait3A_82] : memref<10240x128xf32, #tpu.memory_space<vmem_shared>> -> memref<10240x128xf32, #tpu.memory_space<vmem_shared>>
      tpu.wait_indirect_dma semaphore(%run_scoped3A_71 : memref<!tpu.dma_semaphore, #tpu.memory_space<semaphore_mem>>) src(%arg5 : memref<80x128xf32, #tpu.memory_space<vmem>>) dst(%dma_wait3A_83 : memref<10240x128xf32, #tpu.memory_space<vmem_shared>>)
      tpu.yield
    }) : () -> ()
    %run_scoped3A_65 = arith.constant 122 : i32
    "tpu.region"() ({
      %run_scoped3A_71 = tpu.sem_alloc : memref<!tpu.dma_semaphore, #tpu.memory_space<semaphore_mem>>
      %dma_start3A_72 = arith.constant 0 : i32
      %dma_start3A_73 = tpu.memref_slice %arg4[%run_scoped3A_65, %dma_start3A_72] : memref<125x80xi32, #tpu.memory_space<vmem>> -> memref<1x80xi32, #tpu.memory_space<vmem>>
      %dma_start3A_74 = tpu.memref_squeeze %dma_start3A_73 : memref<1x80xi32, #tpu.memory_space<vmem>> -> memref<80xi32, #tpu.memory_space<vmem>>
      %dma_start3A_75 = arith.constant 0 : i32
      %dma_start3A_76 = arith.constant 0 : i32
      %dma_start3A_77 = tpu.memref_slice %arg6[%dma_start3A_75, %dma_start3A_76] : memref<10240x128xf32, #tpu.memory_space<vmem_shared>> -> memref<10240x128xf32, #tpu.memory_space<vmem_shared>>
      tpu.enqueue_indirect_dma source(%arg5 : memref<80x128xf32, #tpu.memory_space<vmem>>) target(%dma_start3A_77 : memref<10240x128xf32, #tpu.memory_space<vmem_shared>>) offsets(%dma_start3A_74 : memref<80xi32, #tpu.memory_space<vmem>>) semaphore(%run_scoped3A_71 : memref<!tpu.dma_semaphore, #tpu.memory_space<semaphore_mem>>) {add = true}
      %dma_wait3A_78 = arith.constant 0 : i32
      %dma_wait3A_79 = tpu.memref_slice %arg4[%run_scoped3A_65, %dma_wait3A_78] : memref<125x80xi32, #tpu.memory_space<vmem>> -> memref<1x80xi32, #tpu.memory_space<vmem>>
      %dma_wait3A_80 = tpu.memref_squeeze %dma_wait3A_79 : memref<1x80xi32, #tpu.memory_space<vmem>> -> memref<80xi32, #tpu.memory_space<vmem>>
      %dma_wait3A_81 = arith.constant 0 : i32
      %dma_wait3A_82 = arith.constant 0 : i32
      %dma_wait3A_83 = tpu.memref_slice %arg6[%dma_wait3A_81, %dma_wait3A_82] : memref<10240x128xf32, #tpu.memory_space<vmem_shared>> -> memref<10240x128xf32, #tpu.memory_space<vmem_shared>>
      tpu.wait_indirect_dma semaphore(%run_scoped3A_71 : memref<!tpu.dma_semaphore, #tpu.memory_space<semaphore_mem>>) src(%arg5 : memref<80x128xf32, #tpu.memory_space<vmem>>) dst(%dma_wait3A_83 : memref<10240x128xf32, #tpu.memory_space<vmem_shared>>)
      tpu.yield
    }) : () -> ()
    %run_scoped3A_66 = arith.constant 123 : i32
    "tpu.region"() ({
      %run_scoped3A_71 = tpu.sem_alloc : memref<!tpu.dma_semaphore, #tpu.memory_space<semaphore_mem>>
      %dma_start3A_72 = arith.constant 0 : i32
      %dma_start3A_73 = tpu.memref_slice %arg4[%run_scoped3A_66, %dma_start3A_72] : memref<125x80xi32, #tpu.memory_space<vmem>> -> memref<1x80xi32, #tpu.memory_space<vmem>>
      %dma_start3A_74 = tpu.memref_squeeze %dma_start3A_73 : memref<1x80xi32, #tpu.memory_space<vmem>> -> memref<80xi32, #tpu.memory_space<vmem>>
      %dma_start3A_75 = arith.constant 0 : i32
      %dma_start3A_76 = arith.constant 0 : i32
      %dma_start3A_77 = tpu.memref_slice %arg6[%dma_start3A_75, %dma_start3A_76] : memref<10240x128xf32, #tpu.memory_space<vmem_shared>> -> memref<10240x128xf32, #tpu.memory_space<vmem_shared>>
      tpu.enqueue_indirect_dma source(%arg5 : memref<80x128xf32, #tpu.memory_space<vmem>>) target(%dma_start3A_77 : memref<10240x128xf32, #tpu.memory_space<vmem_shared>>) offsets(%dma_start3A_74 : memref<80xi32, #tpu.memory_space<vmem>>) semaphore(%run_scoped3A_71 : memref<!tpu.dma_semaphore, #tpu.memory_space<semaphore_mem>>) {add = true}
      %dma_wait3A_78 = arith.constant 0 : i32
      %dma_wait3A_79 = tpu.memref_slice %arg4[%run_scoped3A_66, %dma_wait3A_78] : memref<125x80xi32, #tpu.memory_space<vmem>> -> memref<1x80xi32, #tpu.memory_space<vmem>>
      %dma_wait3A_80 = tpu.memref_squeeze %dma_wait3A_79 : memref<1x80xi32, #tpu.memory_space<vmem>> -> memref<80xi32, #tpu.memory_space<vmem>>
      %dma_wait3A_81 = arith.constant 0 : i32
      %dma_wait3A_82 = arith.constant 0 : i32
      %dma_wait3A_83 = tpu.memref_slice %arg6[%dma_wait3A_81, %dma_wait3A_82] : memref<10240x128xf32, #tpu.memory_space<vmem_shared>> -> memref<10240x128xf32, #tpu.memory_space<vmem_shared>>
      tpu.wait_indirect_dma semaphore(%run_scoped3A_71 : memref<!tpu.dma_semaphore, #tpu.memory_space<semaphore_mem>>) src(%arg5 : memref<80x128xf32, #tpu.memory_space<vmem>>) dst(%dma_wait3A_83 : memref<10240x128xf32, #tpu.memory_space<vmem_shared>>)
      tpu.yield
    }) : () -> ()
    %run_scoped3A_67 = arith.constant 124 : i32
    "tpu.region"() ({
      %run_scoped3A_71 = tpu.sem_alloc : memref<!tpu.dma_semaphore, #tpu.memory_space<semaphore_mem>>
      %dma_start3A_72 = arith.constant 0 : i32
      %dma_start3A_73 = tpu.memref_slice %arg4[%run_scoped3A_67, %dma_start3A_72] : memref<125x80xi32, #tpu.memory_space<vmem>> -> memref<1x80xi32, #tpu.memory_space<vmem>>
      %dma_start3A_74 = tpu.memref_squeeze %dma_start3A_73 : memref<1x80xi32, #tpu.memory_space<vmem>> -> memref<80xi32, #tpu.memory_space<vmem>>
      %dma_start3A_75 = arith.constant 0 : i32
      %dma_start3A_76 = arith.constant 0 : i32
      %dma_start3A_77 = tpu.memref_slice %arg6[%dma_start3A_75, %dma_start3A_76] : memref<10240x128xf32, #tpu.memory_space<vmem_shared>> -> memref<10240x128xf32, #tpu.memory_space<vmem_shared>>
      tpu.enqueue_indirect_dma source(%arg5 : memref<80x128xf32, #tpu.memory_space<vmem>>) target(%dma_start3A_77 : memref<10240x128xf32, #tpu.memory_space<vmem_shared>>) offsets(%dma_start3A_74 : memref<80xi32, #tpu.memory_space<vmem>>) semaphore(%run_scoped3A_71 : memref<!tpu.dma_semaphore, #tpu.memory_space<semaphore_mem>>) {add = true}
      %dma_wait3A_78 = arith.constant 0 : i32
      %dma_wait3A_79 = tpu.memref_slice %arg4[%run_scoped3A_67, %dma_wait3A_78] : memref<125x80xi32, #tpu.memory_space<vmem>> -> memref<1x80xi32, #tpu.memory_space<vmem>>
      %dma_wait3A_80 = tpu.memref_squeeze %dma_wait3A_79 : memref<1x80xi32, #tpu.memory_space<vmem>> -> memref<80xi32, #tpu.memory_space<vmem>>
      %dma_wait3A_81 = arith.constant 0 : i32
      %dma_wait3A_82 = arith.constant 0 : i32
      %dma_wait3A_83 = tpu.memref_slice %arg6[%dma_wait3A_81, %dma_wait3A_82] : memref<10240x128xf32, #tpu.memory_space<vmem_shared>> -> memref<10240x128xf32, #tpu.memory_space<vmem_shared>>
      tpu.wait_indirect_dma semaphore(%run_scoped3A_71 : memref<!tpu.dma_semaphore, #tpu.memory_space<semaphore_mem>>) src(%arg5 : memref<80x128xf32, #tpu.memory_space<vmem>>) dst(%dma_wait3A_83 : memref<10240x128xf32, #tpu.memory_space<vmem_shared>>)
      tpu.yield
    }) : () -> ()
    %barrier3A_68 = arith.constant 0 : index
    tpu.barrier barrier_id(%barrier3A_68)
    %mul3A_69 = arith.constant 640 : i32
    %mul3A_70 = arith.muli %arg1, %mul3A_69 : i32
    "tpu.region"() ({
      %run_scoped3A_71 = tpu.sem_alloc : memref<!tpu.dma_semaphore, #tpu.memory_space<semaphore_mem>>
      %dma_start3A_72 = arith.constant 0 : i32
      %dma_start3A_73 = tpu.memref_slice %arg3[%arg0, %mul3A_70, %dma_start3A_72] : memref<2x10240x128xf32, #tpu.memory_space<hbm>> -> memref<1x640x128xf32, #tpu.memory_space<hbm>>
      %dma_start3A_74 = tpu.memref_squeeze %dma_start3A_73 : memref<1x640x128xf32, #tpu.memory_space<hbm>> -> memref<640x128xf32, #tpu.memory_space<hbm>>
      %dma_start3A_75 = arith.constant 0 : i32
      %dma_start3A_76 = tpu.memref_slice %arg6[%mul3A_70, %dma_start3A_75] : memref<10240x128xf32, #tpu.memory_space<vmem_shared>> -> memref<640x128xf32, #tpu.memory_space<vmem_shared>>
      tpu.enqueue_dma source(%dma_start3A_76 : memref<640x128xf32, #tpu.memory_space<vmem_shared>>) target(%dma_start3A_74 : memref<640x128xf32, #tpu.memory_space<hbm>>) target_semaphore(%run_scoped3A_71 : memref<!tpu.dma_semaphore, #tpu.memory_space<semaphore_mem>>)
      %dma_wait3A_77 = arith.constant 0 : i32
      %dma_wait3A_78 = tpu.memref_slice %arg3[%arg0, %mul3A_70, %dma_wait3A_77] : memref<2x10240x128xf32, #tpu.memory_space<hbm>> -> memref<1x640x128xf32, #tpu.memory_space<hbm>>
      %dma_wait3A_79 = tpu.memref_squeeze %dma_wait3A_78 : memref<1x640x128xf32, #tpu.memory_space<hbm>> -> memref<640x128xf32, #tpu.memory_space<hbm>>
      %dma_wait3A_80 = arith.constant 0 : i32
      %dma_wait3A_81 = tpu.memref_slice %arg6[%mul3A_70, %dma_wait3A_80] : memref<10240x128xf32, #tpu.memory_space<vmem_shared>> -> memref<640x128xf32, #tpu.memory_space<vmem_shared>>
      tpu.wait_dma2 semaphore(%run_scoped3A_71 : memref<!tpu.dma_semaphore, #tpu.memory_space<semaphore_mem>>) src(%dma_wait3A_81 : memref<640x128xf32, #tpu.memory_space<vmem_shared>>) dst(%dma_wait3A_79 : memref<640x128xf32, #tpu.memory_space<hbm>>)
      tpu.yield
    }) : () -> ()
    return
  }
}

#map = affine_map<(d0, d1) -> (0, 0)>
#map1 = affine_map<(d0, d1) -> (0, 0, 0)>
module attributes {stable_mosaic.version = 14 : i64} {
  func.func @body(%arg0: i32, %arg1: i32, %arg2: memref<10000x128xf32, #tpu.memory_space<hbm>>, %arg3: memref<32x10000xi32, #tpu.memory_space<hbm>>, %arg4: memref<32x125x80xi32, #tpu.memory_space<hbm>>, %arg5: memref<2x10240x128xf32, #tpu.memory_space<hbm>>, %arg6: memref<10000xi32, #tpu.memory_space<vmem>>, %arg7: memref<125x80xi32, #tpu.memory_space<vmem>>, %arg8: memref<80x128xf32, #tpu.memory_space<vmem>>, %arg9: memref<80x128xf32, #tpu.memory_space<vmem>>, %arg10: memref<10240x128xf32, #tpu.memory_space<vmem_shared>>, %arg11: memref<!tpu.dma_semaphore, #tpu.memory_space<semaphore_mem>>, %arg12: memref<!tpu.dma_semaphore, #tpu.memory_space<semaphore_mem>>, %arg13: memref<!tpu.dma_semaphore, #tpu.memory_space<semaphore_mem>>, %arg14: memref<!tpu.dma_semaphore, #tpu.memory_space<semaphore_mem>>, %arg15: memref<!tpu.dma_semaphore, #tpu.memory_space<semaphore_mem>>) attributes {dimension_semantics = [#tpu.dimension_semantics<core_parallel>, #tpu.dimension_semantics<subcore_parallel>], iteration_bounds = array<i64: 2, 16>, scalar_prefetch = 0 : i64, scratch_operands = 10 : i64, tpu.core_type = #tpu.core_type<sc_vector_subcore>, window_params = [{transform_indices = #map}, {transform_indices = #map}, {transform_indices = #map1}, {transform_indices = #map1}]} {
    %mul3A = arith.constant 16 : i32
    %mul3A_0 = arith.muli %arg0, %mul3A : i32
    %add3A = arith.addi %mul3A_0, %arg1 : i32
    %dma_start3A = arith.constant 0 : i32
    %dma_start3A_1 = tpu.memref_slice %arg3[%add3A, %dma_start3A] : memref<32x10000xi32, #tpu.memory_space<hbm>> -> memref<1x10000xi32, #tpu.memory_space<hbm>>
    %dma_start3A_2 = tpu.memref_squeeze %dma_start3A_1 : memref<1x10000xi32, #tpu.memory_space<hbm>> -> memref<10000xi32, #tpu.memory_space<hbm>>
    %dma_start3A_3 = arith.constant 0 : i32
    %dma_start3A_4 = tpu.memref_slice %arg3[%add3A, %dma_start3A_3] : memref<32x10000xi32, #tpu.memory_space<hbm>> -> memref<1x10000xi32, #tpu.memory_space<hbm>>
    %dma_start3A_5 = tpu.memref_squeeze %dma_start3A_4 : memref<1x10000xi32, #tpu.memory_space<hbm>> -> memref<10000xi32, #tpu.memory_space<hbm>>
    tpu.enqueue_dma source(%dma_start3A_5 : memref<10000xi32, #tpu.memory_space<hbm>>) target(%arg6 : memref<10000xi32, #tpu.memory_space<vmem>>) target_semaphore(%arg11 : memref<!tpu.dma_semaphore, #tpu.memory_space<semaphore_mem>>)
    %dma_start3A_6 = arith.constant 0 : i32
    %dma_start3A_7 = arith.constant 0 : i32
    %dma_start3A_8 = tpu.memref_slice %arg4[%add3A, %dma_start3A_6, %dma_start3A_7] : memref<32x125x80xi32, #tpu.memory_space<hbm>> -> memref<1x125x80xi32, #tpu.memory_space<hbm>>
    %dma_start3A_9 = tpu.memref_squeeze %dma_start3A_8 : memref<1x125x80xi32, #tpu.memory_space<hbm>> -> memref<125x80xi32, #tpu.memory_space<hbm>>
    %dma_start3A_10 = arith.constant 0 : i32
    %dma_start3A_11 = arith.constant 0 : i32
    %dma_start3A_12 = tpu.memref_slice %arg4[%add3A, %dma_start3A_10, %dma_start3A_11] : memref<32x125x80xi32, #tpu.memory_space<hbm>> -> memref<1x125x80xi32, #tpu.memory_space<hbm>>
    %dma_start3A_13 = tpu.memref_squeeze %dma_start3A_12 : memref<1x125x80xi32, #tpu.memory_space<hbm>> -> memref<125x80xi32, #tpu.memory_space<hbm>>
    tpu.enqueue_dma source(%dma_start3A_13 : memref<125x80xi32, #tpu.memory_space<hbm>>) target(%arg7 : memref<125x80xi32, #tpu.memory_space<vmem>>) target_semaphore(%arg11 : memref<!tpu.dma_semaphore, #tpu.memory_space<semaphore_mem>>)
    %scan3A = arith.constant 0 : i32
    %scan3A_14 = arith.constant 0 : i32
    %scan3A_15 = arith.constant 80 : i32
    %scan3A_16 = arith.addi %scan3A_14, %scan3A_15 : i32
    %scan3A_17 = arith.constant 1 : i32
    scf.for %scan3A_145 = %scan3A_14 to %scan3A_16 step %scan3A_17  : i32 {
      %broadcast_in_dim3A = arith.constant 0.000000e+00 : f32
      %broadcast_in_dim3A_146 = vector.broadcast %broadcast_in_dim3A : f32 to vector<16xf32>
      %swap3A = arith.index_cast %scan3A_145 : i32 to index
      %swap3A_147 = arith.constant 0 : index
      %swap3A_148 = tpu.vector_load %arg8[%swap3A, %swap3A_147] {strides = array<i32>} : memref<80x128xf32, #tpu.memory_space<vmem>>, vector<1x16xf32>,
      %swap3A_149 = vector.shape_cast %swap3A_148 : vector<1x16xf32> to vector<16xf32>
      %swap3A_150 = vector.shape_cast %broadcast_in_dim3A_146 : vector<16xf32> to vector<1x16xf32>
      tpu.vector_store %arg8[%swap3A, %swap3A_147], %swap3A_150 {strides = array<i32>} : memref<80x128xf32, #tpu.memory_space<vmem>>, vector<1x16xf32>,
      %broadcast_in_dim3A_151 = arith.constant 0.000000e+00 : f32
      %broadcast_in_dim3A_152 = vector.broadcast %broadcast_in_dim3A_151 : f32 to vector<16xf32>
      %swap3A_153 = arith.index_cast %scan3A_145 : i32 to index
      %swap3A_154 = arith.constant 16 : index
      %swap3A_155 = tpu.vector_load %arg8[%swap3A_153, %swap3A_154] {strides = array<i32>} : memref<80x128xf32, #tpu.memory_space<vmem>>, vector<1x16xf32>,
      %swap3A_156 = vector.shape_cast %swap3A_155 : vector<1x16xf32> to vector<16xf32>
      %swap3A_157 = vector.shape_cast %broadcast_in_dim3A_152 : vector<16xf32> to vector<1x16xf32>
      tpu.vector_store %arg8[%swap3A_153, %swap3A_154], %swap3A_157 {strides = array<i32>} : memref<80x128xf32, #tpu.memory_space<vmem>>, vector<1x16xf32>,
      %broadcast_in_dim3A_158 = arith.constant 0.000000e+00 : f32
      %broadcast_in_dim3A_159 = vector.broadcast %broadcast_in_dim3A_158 : f32 to vector<16xf32>
      %swap3A_160 = arith.index_cast %scan3A_145 : i32 to index
      %swap3A_161 = arith.constant 32 : index
      %swap3A_162 = tpu.vector_load %arg8[%swap3A_160, %swap3A_161] {strides = array<i32>} : memref<80x128xf32, #tpu.memory_space<vmem>>, vector<1x16xf32>,
      %swap3A_163 = vector.shape_cast %swap3A_162 : vector<1x16xf32> to vector<16xf32>
      %swap3A_164 = vector.shape_cast %broadcast_in_dim3A_159 : vector<16xf32> to vector<1x16xf32>
      tpu.vector_store %arg8[%swap3A_160, %swap3A_161], %swap3A_164 {strides = array<i32>} : memref<80x128xf32, #tpu.memory_space<vmem>>, vector<1x16xf32>,
      %broadcast_in_dim3A_165 = arith.constant 0.000000e+00 : f32
      %broadcast_in_dim3A_166 = vector.broadcast %broadcast_in_dim3A_165 : f32 to vector<16xf32>
      %swap3A_167 = arith.index_cast %scan3A_145 : i32 to index
      %swap3A_168 = arith.constant 48 : index
      %swap3A_169 = tpu.vector_load %arg8[%swap3A_167, %swap3A_168] {strides = array<i32>} : memref<80x128xf32, #tpu.memory_space<vmem>>, vector<1x16xf32>,
      %swap3A_170 = vector.shape_cast %swap3A_169 : vector<1x16xf32> to vector<16xf32>
      %swap3A_171 = vector.shape_cast %broadcast_in_dim3A_166 : vector<16xf32> to vector<1x16xf32>
      tpu.vector_store %arg8[%swap3A_167, %swap3A_168], %swap3A_171 {strides = array<i32>} : memref<80x128xf32, #tpu.memory_space<vmem>>, vector<1x16xf32>,
      %broadcast_in_dim3A_172 = arith.constant 0.000000e+00 : f32
      %broadcast_in_dim3A_173 = vector.broadcast %broadcast_in_dim3A_172 : f32 to vector<16xf32>
      %swap3A_174 = arith.index_cast %scan3A_145 : i32 to index
      %swap3A_175 = arith.constant 64 : index
      %swap3A_176 = tpu.vector_load %arg8[%swap3A_174, %swap3A_175] {strides = array<i32>} : memref<80x128xf32, #tpu.memory_space<vmem>>, vector<1x16xf32>,
      %swap3A_177 = vector.shape_cast %swap3A_176 : vector<1x16xf32> to vector<16xf32>
      %swap3A_178 = vector.shape_cast %broadcast_in_dim3A_173 : vector<16xf32> to vector<1x16xf32>
      tpu.vector_store %arg8[%swap3A_174, %swap3A_175], %swap3A_178 {strides = array<i32>} : memref<80x128xf32, #tpu.memory_space<vmem>>, vector<1x16xf32>,
      %broadcast_in_dim3A_179 = arith.constant 0.000000e+00 : f32
      %broadcast_in_dim3A_180 = vector.broadcast %broadcast_in_dim3A_179 : f32 to vector<16xf32>
      %swap3A_181 = arith.index_cast %scan3A_145 : i32 to index
      %swap3A_182 = arith.constant 80 : index
      %swap3A_183 = tpu.vector_load %arg8[%swap3A_181, %swap3A_182] {strides = array<i32>} : memref<80x128xf32, #tpu.memory_space<vmem>>, vector<1x16xf32>,
      %swap3A_184 = vector.shape_cast %swap3A_183 : vector<1x16xf32> to vector<16xf32>
      %swap3A_185 = vector.shape_cast %broadcast_in_dim3A_180 : vector<16xf32> to vector<1x16xf32>
      tpu.vector_store %arg8[%swap3A_181, %swap3A_182], %swap3A_185 {strides = array<i32>} : memref<80x128xf32, #tpu.memory_space<vmem>>, vector<1x16xf32>,
      %broadcast_in_dim3A_186 = arith.constant 0.000000e+00 : f32
      %broadcast_in_dim3A_187 = vector.broadcast %broadcast_in_dim3A_186 : f32 to vector<16xf32>
      %swap3A_188 = arith.index_cast %scan3A_145 : i32 to index
      %swap3A_189 = arith.constant 96 : index
      %swap3A_190 = tpu.vector_load %arg8[%swap3A_188, %swap3A_189] {strides = array<i32>} : memref<80x128xf32, #tpu.memory_space<vmem>>, vector<1x16xf32>,
      %swap3A_191 = vector.shape_cast %swap3A_190 : vector<1x16xf32> to vector<16xf32>
      %swap3A_192 = vector.shape_cast %broadcast_in_dim3A_187 : vector<16xf32> to vector<1x16xf32>
      tpu.vector_store %arg8[%swap3A_188, %swap3A_189], %swap3A_192 {strides = array<i32>} : memref<80x128xf32, #tpu.memory_space<vmem>>, vector<1x16xf32>,
      %broadcast_in_dim3A_193 = arith.constant 0.000000e+00 : f32
      %broadcast_in_dim3A_194 = vector.broadcast %broadcast_in_dim3A_193 : f32 to vector<16xf32>
      %swap3A_195 = arith.index_cast %scan3A_145 : i32 to index
      %swap3A_196 = arith.constant 112 : index
      %swap3A_197 = tpu.vector_load %arg8[%swap3A_195, %swap3A_196] {strides = array<i32>} : memref<80x128xf32, #tpu.memory_space<vmem>>, vector<1x16xf32>,
      %swap3A_198 = vector.shape_cast %swap3A_197 : vector<1x16xf32> to vector<16xf32>
      %swap3A_199 = vector.shape_cast %broadcast_in_dim3A_194 : vector<16xf32> to vector<1x16xf32>
      tpu.vector_store %arg8[%swap3A_195, %swap3A_196], %swap3A_199 {strides = array<i32>} : memref<80x128xf32, #tpu.memory_space<vmem>>, vector<1x16xf32>,
    }
    %scan3A_18 = arith.constant 80 : i32
    %mul3A_19 = arith.constant 640 : i32
    %mul3A_20 = arith.muli %arg1, %mul3A_19 : i32
    %add3A_21 = arith.constant 0 : i32
    %add3A_22 = arith.addi %mul3A_20, %add3A_21 : i32
    "tpu.region"() ({
      %run_scoped3A = tpu.sem_alloc : memref<!tpu.dma_semaphore, #tpu.memory_space<semaphore_mem>>
      %dma_start3A_145 = arith.constant 0 : i32
      %dma_start3A_146 = tpu.memref_slice %arg10[%add3A_22, %dma_start3A_145] : memref<10240x128xf32, #tpu.memory_space<vmem_shared>> -> memref<80x128xf32, #tpu.memory_space<vmem_shared>>
      %dma_start3A_147 = arith.constant 0 : i32
      %dma_start3A_148 = tpu.memref_slice %arg10[%add3A_22, %dma_start3A_147] : memref<10240x128xf32, #tpu.memory_space<vmem_shared>> -> memref<80x128xf32, #tpu.memory_space<vmem_shared>>
      tpu.enqueue_dma source(%arg8 : memref<80x128xf32, #tpu.memory_space<vmem>>) target(%dma_start3A_148 : memref<80x128xf32, #tpu.memory_space<vmem_shared>>) target_semaphore(%run_scoped3A : memref<!tpu.dma_semaphore, #tpu.memory_space<semaphore_mem>>)
      %dma_wait3A_149 = arith.constant 0 : i32
      %dma_wait3A_150 = tpu.memref_slice %arg10[%add3A_22, %dma_wait3A_149] : memref<10240x128xf32, #tpu.memory_space<vmem_shared>> -> memref<80x128xf32, #tpu.memory_space<vmem_shared>>
      %dma_wait3A_151 = arith.constant 0 : i32
      %dma_wait3A_152 = tpu.memref_slice %arg10[%add3A_22, %dma_wait3A_151] : memref<10240x128xf32, #tpu.memory_space<vmem_shared>> -> memref<80x128xf32, #tpu.memory_space<vmem_shared>>
      tpu.wait_dma2 semaphore(%run_scoped3A : memref<!tpu.dma_semaphore, #tpu.memory_space<semaphore_mem>>) src(%arg8 : memref<80x128xf32, #tpu.memory_space<vmem>>) dst(%dma_wait3A_152 : memref<80x128xf32, #tpu.memory_space<vmem_shared>>)
      tpu.yield
    }) : () -> ()
    %mul3A_23 = arith.constant 640 : i32
    %mul3A_24 = arith.muli %arg1, %mul3A_23 : i32
    %add3A_25 = arith.constant 80 : i32
    %add3A_26 = arith.addi %mul3A_24, %add3A_25 : i32
    "tpu.region"() ({
      %run_scoped3A = tpu.sem_alloc : memref<!tpu.dma_semaphore, #tpu.memory_space<semaphore_mem>>
      %dma_start3A_145 = arith.constant 0 : i32
      %dma_start3A_146 = tpu.memref_slice %arg10[%add3A_26, %dma_start3A_145] : memref<10240x128xf32, #tpu.memory_space<vmem_shared>> -> memref<80x128xf32, #tpu.memory_space<vmem_shared>>
      %dma_start3A_147 = arith.constant 0 : i32
      %dma_start3A_148 = tpu.memref_slice %arg10[%add3A_26, %dma_start3A_147] : memref<10240x128xf32, #tpu.memory_space<vmem_shared>> -> memref<80x128xf32, #tpu.memory_space<vmem_shared>>
      tpu.enqueue_dma source(%arg8 : memref<80x128xf32, #tpu.memory_space<vmem>>) target(%dma_start3A_148 : memref<80x128xf32, #tpu.memory_space<vmem_shared>>) target_semaphore(%run_scoped3A : memref<!tpu.dma_semaphore, #tpu.memory_space<semaphore_mem>>)
      %dma_wait3A_149 = arith.constant 0 : i32
      %dma_wait3A_150 = tpu.memref_slice %arg10[%add3A_26, %dma_wait3A_149] : memref<10240x128xf32, #tpu.memory_space<vmem_shared>> -> memref<80x128xf32, #tpu.memory_space<vmem_shared>>
      %dma_wait3A_151 = arith.constant 0 : i32
      %dma_wait3A_152 = tpu.memref_slice %arg10[%add3A_26, %dma_wait3A_151] : memref<10240x128xf32, #tpu.memory_space<vmem_shared>> -> memref<80x128xf32, #tpu.memory_space<vmem_shared>>
      tpu.wait_dma2 semaphore(%run_scoped3A : memref<!tpu.dma_semaphore, #tpu.memory_space<semaphore_mem>>) src(%arg8 : memref<80x128xf32, #tpu.memory_space<vmem>>) dst(%dma_wait3A_152 : memref<80x128xf32, #tpu.memory_space<vmem_shared>>)
      tpu.yield
    }) : () -> ()
    %mul3A_27 = arith.constant 640 : i32
    %mul3A_28 = arith.muli %arg1, %mul3A_27 : i32
    %add3A_29 = arith.constant 160 : i32
    %add3A_30 = arith.addi %mul3A_28, %add3A_29 : i32
    "tpu.region"() ({
      %run_scoped3A = tpu.sem_alloc : memref<!tpu.dma_semaphore, #tpu.memory_space<semaphore_mem>>
      %dma_start3A_145 = arith.constant 0 : i32
      %dma_start3A_146 = tpu.memref_slice %arg10[%add3A_30, %dma_start3A_145] : memref<10240x128xf32, #tpu.memory_space<vmem_shared>> -> memref<80x128xf32, #tpu.memory_space<vmem_shared>>
      %dma_start3A_147 = arith.constant 0 : i32
      %dma_start3A_148 = tpu.memref_slice %arg10[%add3A_30, %dma_start3A_147] : memref<10240x128xf32, #tpu.memory_space<vmem_shared>> -> memref<80x128xf32, #tpu.memory_space<vmem_shared>>
      tpu.enqueue_dma source(%arg8 : memref<80x128xf32, #tpu.memory_space<vmem>>) target(%dma_start3A_148 : memref<80x128xf32, #tpu.memory_space<vmem_shared>>) target_semaphore(%run_scoped3A : memref<!tpu.dma_semaphore, #tpu.memory_space<semaphore_mem>>)
      %dma_wait3A_149 = arith.constant 0 : i32
      %dma_wait3A_150 = tpu.memref_slice %arg10[%add3A_30, %dma_wait3A_149] : memref<10240x128xf32, #tpu.memory_space<vmem_shared>> -> memref<80x128xf32, #tpu.memory_space<vmem_shared>>
      %dma_wait3A_151 = arith.constant 0 : i32
      %dma_wait3A_152 = tpu.memref_slice %arg10[%add3A_30, %dma_wait3A_151] : memref<10240x128xf32, #tpu.memory_space<vmem_shared>> -> memref<80x128xf32, #tpu.memory_space<vmem_shared>>
      tpu.wait_dma2 semaphore(%run_scoped3A : memref<!tpu.dma_semaphore, #tpu.memory_space<semaphore_mem>>) src(%arg8 : memref<80x128xf32, #tpu.memory_space<vmem>>) dst(%dma_wait3A_152 : memref<80x128xf32, #tpu.memory_space<vmem_shared>>)
      tpu.yield
    }) : () -> ()
    %mul3A_31 = arith.constant 640 : i32
    %mul3A_32 = arith.muli %arg1, %mul3A_31 : i32
    %add3A_33 = arith.constant 240 : i32
    %add3A_34 = arith.addi %mul3A_32, %add3A_33 : i32
    "tpu.region"() ({
      %run_scoped3A = tpu.sem_alloc : memref<!tpu.dma_semaphore, #tpu.memory_space<semaphore_mem>>
      %dma_start3A_145 = arith.constant 0 : i32
      %dma_start3A_146 = tpu.memref_slice %arg10[%add3A_34, %dma_start3A_145] : memref<10240x128xf32, #tpu.memory_space<vmem_shared>> -> memref<80x128xf32, #tpu.memory_space<vmem_shared>>
      %dma_start3A_147 = arith.constant 0 : i32
      %dma_start3A_148 = tpu.memref_slice %arg10[%add3A_34, %dma_start3A_147] : memref<10240x128xf32, #tpu.memory_space<vmem_shared>> -> memref<80x128xf32, #tpu.memory_space<vmem_shared>>
      tpu.enqueue_dma source(%arg8 : memref<80x128xf32, #tpu.memory_space<vmem>>) target(%dma_start3A_148 : memref<80x128xf32, #tpu.memory_space<vmem_shared>>) target_semaphore(%run_scoped3A : memref<!tpu.dma_semaphore, #tpu.memory_space<semaphore_mem>>)
      %dma_wait3A_149 = arith.constant 0 : i32
      %dma_wait3A_150 = tpu.memref_slice %arg10[%add3A_34, %dma_wait3A_149] : memref<10240x128xf32, #tpu.memory_space<vmem_shared>> -> memref<80x128xf32, #tpu.memory_space<vmem_shared>>
      %dma_wait3A_151 = arith.constant 0 : i32
      %dma_wait3A_152 = tpu.memref_slice %arg10[%add3A_34, %dma_wait3A_151] : memref<10240x128xf32, #tpu.memory_space<vmem_shared>> -> memref<80x128xf32, #tpu.memory_space<vmem_shared>>
      tpu.wait_dma2 semaphore(%run_scoped3A : memref<!tpu.dma_semaphore, #tpu.memory_space<semaphore_mem>>) src(%arg8 : memref<80x128xf32, #tpu.memory_space<vmem>>) dst(%dma_wait3A_152 : memref<80x128xf32, #tpu.memory_space<vmem_shared>>)
      tpu.yield
    }) : () -> ()
    %mul3A_35 = arith.constant 640 : i32
    %mul3A_36 = arith.muli %arg1, %mul3A_35 : i32
    %add3A_37 = arith.constant 320 : i32
    %add3A_38 = arith.addi %mul3A_36, %add3A_37 : i32
    "tpu.region"() ({
      %run_scoped3A = tpu.sem_alloc : memref<!tpu.dma_semaphore, #tpu.memory_space<semaphore_mem>>
      %dma_start3A_145 = arith.constant 0 : i32
      %dma_start3A_146 = tpu.memref_slice %arg10[%add3A_38, %dma_start3A_145] : memref<10240x128xf32, #tpu.memory_space<vmem_shared>> -> memref<80x128xf32, #tpu.memory_space<vmem_shared>>
      %dma_start3A_147 = arith.constant 0 : i32
      %dma_start3A_148 = tpu.memref_slice %arg10[%add3A_38, %dma_start3A_147] : memref<10240x128xf32, #tpu.memory_space<vmem_shared>> -> memref<80x128xf32, #tpu.memory_space<vmem_shared>>
      tpu.enqueue_dma source(%arg8 : memref<80x128xf32, #tpu.memory_space<vmem>>) target(%dma_start3A_148 : memref<80x128xf32, #tpu.memory_space<vmem_shared>>) target_semaphore(%run_scoped3A : memref<!tpu.dma_semaphore, #tpu.memory_space<semaphore_mem>>)
      %dma_wait3A_149 = arith.constant 0 : i32
      %dma_wait3A_150 = tpu.memref_slice %arg10[%add3A_38, %dma_wait3A_149] : memref<10240x128xf32, #tpu.memory_space<vmem_shared>> -> memref<80x128xf32, #tpu.memory_space<vmem_shared>>
      %dma_wait3A_151 = arith.constant 0 : i32
      %dma_wait3A_152 = tpu.memref_slice %arg10[%add3A_38, %dma_wait3A_151] : memref<10240x128xf32, #tpu.memory_space<vmem_shared>> -> memref<80x128xf32, #tpu.memory_space<vmem_shared>>
      tpu.wait_dma2 semaphore(%run_scoped3A : memref<!tpu.dma_semaphore, #tpu.memory_space<semaphore_mem>>) src(%arg8 : memref<80x128xf32, #tpu.memory_space<vmem>>) dst(%dma_wait3A_152 : memref<80x128xf32, #tpu.memory_space<vmem_shared>>)
      tpu.yield
    }) : () -> ()
    %mul3A_39 = arith.constant 640 : i32
    %mul3A_40 = arith.muli %arg1, %mul3A_39 : i32
    %add3A_41 = arith.constant 400 : i32
    %add3A_42 = arith.addi %mul3A_40, %add3A_41 : i32
    "tpu.region"() ({
      %run_scoped3A = tpu.sem_alloc : memref<!tpu.dma_semaphore, #tpu.memory_space<semaphore_mem>>
      %dma_start3A_145 = arith.constant 0 : i32
      %dma_start3A_146 = tpu.memref_slice %arg10[%add3A_42, %dma_start3A_145] : memref<10240x128xf32, #tpu.memory_space<vmem_shared>> -> memref<80x128xf32, #tpu.memory_space<vmem_shared>>
      %dma_start3A_147 = arith.constant 0 : i32
      %dma_start3A_148 = tpu.memref_slice %arg10[%add3A_42, %dma_start3A_147] : memref<10240x128xf32, #tpu.memory_space<vmem_shared>> -> memref<80x128xf32, #tpu.memory_space<vmem_shared>>
      tpu.enqueue_dma source(%arg8 : memref<80x128xf32, #tpu.memory_space<vmem>>) target(%dma_start3A_148 : memref<80x128xf32, #tpu.memory_space<vmem_shared>>) target_semaphore(%run_scoped3A : memref<!tpu.dma_semaphore, #tpu.memory_space<semaphore_mem>>)
      %dma_wait3A_149 = arith.constant 0 : i32
      %dma_wait3A_150 = tpu.memref_slice %arg10[%add3A_42, %dma_wait3A_149] : memref<10240x128xf32, #tpu.memory_space<vmem_shared>> -> memref<80x128xf32, #tpu.memory_space<vmem_shared>>
      %dma_wait3A_151 = arith.constant 0 : i32
      %dma_wait3A_152 = tpu.memref_slice %arg10[%add3A_42, %dma_wait3A_151] : memref<10240x128xf32, #tpu.memory_space<vmem_shared>> -> memref<80x128xf32, #tpu.memory_space<vmem_shared>>
      tpu.wait_dma2 semaphore(%run_scoped3A : memref<!tpu.dma_semaphore, #tpu.memory_space<semaphore_mem>>) src(%arg8 : memref<80x128xf32, #tpu.memory_space<vmem>>) dst(%dma_wait3A_152 : memref<80x128xf32, #tpu.memory_space<vmem_shared>>)
      tpu.yield
    }) : () -> ()
    %mul3A_43 = arith.constant 640 : i32
    %mul3A_44 = arith.muli %arg1, %mul3A_43 : i32
    %add3A_45 = arith.constant 480 : i32
    %add3A_46 = arith.addi %mul3A_44, %add3A_45 : i32
    "tpu.region"() ({
      %run_scoped3A = tpu.sem_alloc : memref<!tpu.dma_semaphore, #tpu.memory_space<semaphore_mem>>
      %dma_start3A_145 = arith.constant 0 : i32
      %dma_start3A_146 = tpu.memref_slice %arg10[%add3A_46, %dma_start3A_145] : memref<10240x128xf32, #tpu.memory_space<vmem_shared>> -> memref<80x128xf32, #tpu.memory_space<vmem_shared>>
      %dma_start3A_147 = arith.constant 0 : i32
      %dma_start3A_148 = tpu.memref_slice %arg10[%add3A_46, %dma_start3A_147] : memref<10240x128xf32, #tpu.memory_space<vmem_shared>> -> memref<80x128xf32, #tpu.memory_space<vmem_shared>>
      tpu.enqueue_dma source(%arg8 : memref<80x128xf32, #tpu.memory_space<vmem>>) target(%dma_start3A_148 : memref<80x128xf32, #tpu.memory_space<vmem_shared>>) target_semaphore(%run_scoped3A : memref<!tpu.dma_semaphore, #tpu.memory_space<semaphore_mem>>)
      %dma_wait3A_149 = arith.constant 0 : i32
      %dma_wait3A_150 = tpu.memref_slice %arg10[%add3A_46, %dma_wait3A_149] : memref<10240x128xf32, #tpu.memory_space<vmem_shared>> -> memref<80x128xf32, #tpu.memory_space<vmem_shared>>
      %dma_wait3A_151 = arith.constant 0 : i32
      %dma_wait3A_152 = tpu.memref_slice %arg10[%add3A_46, %dma_wait3A_151] : memref<10240x128xf32, #tpu.memory_space<vmem_shared>> -> memref<80x128xf32, #tpu.memory_space<vmem_shared>>
      tpu.wait_dma2 semaphore(%run_scoped3A : memref<!tpu.dma_semaphore, #tpu.memory_space<semaphore_mem>>) src(%arg8 : memref<80x128xf32, #tpu.memory_space<vmem>>) dst(%dma_wait3A_152 : memref<80x128xf32, #tpu.memory_space<vmem_shared>>)
      tpu.yield
    }) : () -> ()
    %mul3A_47 = arith.constant 640 : i32
    %mul3A_48 = arith.muli %arg1, %mul3A_47 : i32
    %add3A_49 = arith.constant 560 : i32
    %add3A_50 = arith.addi %mul3A_48, %add3A_49 : i32
    "tpu.region"() ({
      %run_scoped3A = tpu.sem_alloc : memref<!tpu.dma_semaphore, #tpu.memory_space<semaphore_mem>>
      %dma_start3A_145 = arith.constant 0 : i32
      %dma_start3A_146 = tpu.memref_slice %arg10[%add3A_50, %dma_start3A_145] : memref<10240x128xf32, #tpu.memory_space<vmem_shared>> -> memref<80x128xf32, #tpu.memory_space<vmem_shared>>
      %dma_start3A_147 = arith.constant 0 : i32
      %dma_start3A_148 = tpu.memref_slice %arg10[%add3A_50, %dma_start3A_147] : memref<10240x128xf32, #tpu.memory_space<vmem_shared>> -> memref<80x128xf32, #tpu.memory_space<vmem_shared>>
      tpu.enqueue_dma source(%arg8 : memref<80x128xf32, #tpu.memory_space<vmem>>) target(%dma_start3A_148 : memref<80x128xf32, #tpu.memory_space<vmem_shared>>) target_semaphore(%run_scoped3A : memref<!tpu.dma_semaphore, #tpu.memory_space<semaphore_mem>>)
      %dma_wait3A_149 = arith.constant 0 : i32
      %dma_wait3A_150 = tpu.memref_slice %arg10[%add3A_50, %dma_wait3A_149] : memref<10240x128xf32, #tpu.memory_space<vmem_shared>> -> memref<80x128xf32, #tpu.memory_space<vmem_shared>>
      %dma_wait3A_151 = arith.constant 0 : i32
      %dma_wait3A_152 = tpu.memref_slice %arg10[%add3A_50, %dma_wait3A_151] : memref<10240x128xf32, #tpu.memory_space<vmem_shared>> -> memref<80x128xf32, #tpu.memory_space<vmem_shared>>
      tpu.wait_dma2 semaphore(%run_scoped3A : memref<!tpu.dma_semaphore, #tpu.memory_space<semaphore_mem>>) src(%arg8 : memref<80x128xf32, #tpu.memory_space<vmem>>) dst(%dma_wait3A_152 : memref<80x128xf32, #tpu.memory_space<vmem_shared>>)
      tpu.yield
    }) : () -> ()
    %dma_wait3A = arith.constant 0 : i32
    %dma_wait3A_51 = tpu.memref_slice %arg3[%add3A, %dma_wait3A] : memref<32x10000xi32, #tpu.memory_space<hbm>> -> memref<1x10000xi32, #tpu.memory_space<hbm>>
    %dma_wait3A_52 = tpu.memref_squeeze %dma_wait3A_51 : memref<1x10000xi32, #tpu.memory_space<hbm>> -> memref<10000xi32, #tpu.memory_space<hbm>>
    %dma_wait3A_53 = arith.constant 0 : i32
    %dma_wait3A_54 = tpu.memref_slice %arg3[%add3A, %dma_wait3A_53] : memref<32x10000xi32, #tpu.memory_space<hbm>> -> memref<1x10000xi32, #tpu.memory_space<hbm>>
    %dma_wait3A_55 = tpu.memref_squeeze %dma_wait3A_54 : memref<1x10000xi32, #tpu.memory_space<hbm>> -> memref<10000xi32, #tpu.memory_space<hbm>>
    tpu.wait_dma2 semaphore(%arg11 : memref<!tpu.dma_semaphore, #tpu.memory_space<semaphore_mem>>) src(%dma_wait3A_55 : memref<10000xi32, #tpu.memory_space<hbm>>) dst(%arg6 : memref<10000xi32, #tpu.memory_space<vmem>>)
    %dma_wait3A_56 = arith.constant 0 : i32
    %dma_wait3A_57 = arith.constant 0 : i32
    %dma_wait3A_58 = tpu.memref_slice %arg4[%add3A, %dma_wait3A_56, %dma_wait3A_57] : memref<32x125x80xi32, #tpu.memory_space<hbm>> -> memref<1x125x80xi32, #tpu.memory_space<hbm>>
    %dma_wait3A_59 = tpu.memref_squeeze %dma_wait3A_58 : memref<1x125x80xi32, #tpu.memory_space<hbm>> -> memref<125x80xi32, #tpu.memory_space<hbm>>
    %dma_wait3A_60 = arith.constant 0 : i32
    %dma_wait3A_61 = arith.constant 0 : i32
    %dma_wait3A_62 = tpu.memref_slice %arg4[%add3A, %dma_wait3A_60, %dma_wait3A_61] : memref<32x125x80xi32, #tpu.memory_space<hbm>> -> memref<1x125x80xi32, #tpu.memory_space<hbm>>
    %dma_wait3A_63 = tpu.memref_squeeze %dma_wait3A_62 : memref<1x125x80xi32, #tpu.memory_space<hbm>> -> memref<125x80xi32, #tpu.memory_space<hbm>>
    tpu.wait_dma2 semaphore(%arg11 : memref<!tpu.dma_semaphore, #tpu.memory_space<semaphore_mem>>) src(%dma_wait3A_63 : memref<125x80xi32, #tpu.memory_space<hbm>>) dst(%arg7 : memref<125x80xi32, #tpu.memory_space<vmem>>)
    %barrier3A = arith.constant 0 : index
    tpu.barrier barrier_id(%barrier3A)
    %dma_start3A_64 = arith.constant 0 : i32
    %dma_start3A_65 = tpu.memref_slice %arg6[%dma_start3A_64] : memref<10000xi32, #tpu.memory_space<vmem>> -> memref<80xi32, #tpu.memory_space<vmem>>
    %dma_start3A_66 = arith.constant 0 : i32
    %dma_start3A_67 = arith.constant 0 : i32
    %dma_start3A_68 = tpu.memref_slice %arg2[%dma_start3A_66, %dma_start3A_67] : memref<10000x128xf32, #tpu.memory_space<hbm>> -> memref<10000x128xf32, #tpu.memory_space<hbm>>
    tpu.enqueue_indirect_dma source(%dma_start3A_68 : memref<10000x128xf32, #tpu.memory_space<hbm>>) target(%arg8 : memref<80x128xf32, #tpu.memory_space<vmem>>) offsets(%dma_start3A_65 : memref<80xi32, #tpu.memory_space<vmem>>) semaphore(%arg12 : memref<!tpu.dma_semaphore, #tpu.memory_space<semaphore_mem>>)
    %dma_wait3A_69 = arith.constant 0 : i32
    %dma_wait3A_70 = tpu.memref_slice %arg6[%dma_wait3A_69] : memref<10000xi32, #tpu.memory_space<vmem>> -> memref<80xi32, #tpu.memory_space<vmem>>
    %dma_wait3A_71 = arith.constant 0 : i32
    %dma_wait3A_72 = arith.constant 0 : i32
    %dma_wait3A_73 = tpu.memref_slice %arg2[%dma_wait3A_71, %dma_wait3A_72] : memref<10000x128xf32, #tpu.memory_space<hbm>> -> memref<10000x128xf32, #tpu.memory_space<hbm>>
    tpu.wait_indirect_dma semaphore(%arg12 : memref<!tpu.dma_semaphore, #tpu.memory_space<semaphore_mem>>) src(%dma_wait3A_73 : memref<10000x128xf32, #tpu.memory_space<hbm>>) dst(%arg8 : memref<80x128xf32, #tpu.memory_space<vmem>>)
    %dma_start3A_74 = arith.constant 80 : i32
    %dma_start3A_75 = tpu.memref_slice %arg6[%dma_start3A_74] : memref<10000xi32, #tpu.memory_space<vmem>> -> memref<80xi32, #tpu.memory_space<vmem>>
    %dma_start3A_76 = arith.constant 0 : i32
    %dma_start3A_77 = arith.constant 0 : i32
    %dma_start3A_78 = tpu.memref_slice %arg2[%dma_start3A_76, %dma_start3A_77] : memref<10000x128xf32, #tpu.memory_space<hbm>> -> memref<10000x128xf32, #tpu.memory_space<hbm>>
    tpu.enqueue_indirect_dma source(%dma_start3A_78 : memref<10000x128xf32, #tpu.memory_space<hbm>>) target(%arg9 : memref<80x128xf32, #tpu.memory_space<vmem>>) offsets(%dma_start3A_75 : memref<80xi32, #tpu.memory_space<vmem>>) semaphore(%arg13 : memref<!tpu.dma_semaphore, #tpu.memory_space<semaphore_mem>>)
    %dma_start3A_79 = arith.constant 0 : i32
    %dma_start3A_80 = arith.constant 0 : i32
    %dma_start3A_81 = tpu.memref_slice %arg7[%dma_start3A_79, %dma_start3A_80] : memref<125x80xi32, #tpu.memory_space<vmem>> -> memref<1x80xi32, #tpu.memory_space<vmem>>
    %dma_start3A_82 = tpu.memref_squeeze %dma_start3A_81 : memref<1x80xi32, #tpu.memory_space<vmem>> -> memref<80xi32, #tpu.memory_space<vmem>>
    %dma_start3A_83 = arith.constant 0 : i32
    %dma_start3A_84 = arith.constant 0 : i32
    %dma_start3A_85 = tpu.memref_slice %arg10[%dma_start3A_83, %dma_start3A_84] : memref<10240x128xf32, #tpu.memory_space<vmem_shared>> -> memref<10240x128xf32, #tpu.memory_space<vmem_shared>>
    tpu.enqueue_indirect_dma source(%arg8 : memref<80x128xf32, #tpu.memory_space<vmem>>) target(%dma_start3A_85 : memref<10240x128xf32, #tpu.memory_space<vmem_shared>>) offsets(%dma_start3A_82 : memref<80xi32, #tpu.memory_space<vmem>>) semaphore(%arg14 : memref<!tpu.dma_semaphore, #tpu.memory_space<semaphore_mem>>) {add = true}
    %scan3A_86 = arith.constant 0 : i32
    %scan3A_87 = arith.constant 0 : i32
    %scan3A_88 = arith.constant 61 : i32
    %scan3A_89 = arith.addi %scan3A_87, %scan3A_88 : i32
    %scan3A_90 = arith.constant 1 : i32
    scf.for %scan3A_145 = %scan3A_87 to %scan3A_89 step %scan3A_90  : i32 {
      %mul3A_146 = arith.constant 2 : i32
      %mul3A_147 = arith.muli %mul3A_146, %scan3A_145 : i32
      %add3A_148 = arith.constant 1 : i32
      %add3A_149 = arith.addi %mul3A_147, %add3A_148 : i32
      %mul3A_150 = arith.constant 80 : i32
      %mul3A_151 = arith.muli %add3A_149, %mul3A_150 : i32
      %dma_wait3A_152 = tpu.memref_slice %arg6[%mul3A_151] : memref<10000xi32, #tpu.memory_space<vmem>> -> memref<80xi32, #tpu.memory_space<vmem>>
      %dma_wait3A_153 = arith.constant 0 : i32
      %dma_wait3A_154 = arith.constant 0 : i32
      %dma_wait3A_155 = tpu.memref_slice %arg2[%dma_wait3A_153, %dma_wait3A_154] : memref<10000x128xf32, #tpu.memory_space<hbm>> -> memref<10000x128xf32, #tpu.memory_space<hbm>>
      tpu.wait_indirect_dma semaphore(%arg13 : memref<!tpu.dma_semaphore, #tpu.memory_space<semaphore_mem>>) src(%dma_wait3A_155 : memref<10000x128xf32, #tpu.memory_space<hbm>>) dst(%arg9 : memref<80x128xf32, #tpu.memory_space<vmem>>)
      %sub3A = arith.constant 1 : i32
      %sub3A_156 = arith.subi %add3A_149, %sub3A : i32
      %dma_wait3A_157 = arith.constant 0 : i32
      %dma_wait3A_158 = tpu.memref_slice %arg7[%sub3A_156, %dma_wait3A_157] : memref<125x80xi32, #tpu.memory_space<vmem>> -> memref<1x80xi32, #tpu.memory_space<vmem>>
      %dma_wait3A_159 = tpu.memref_squeeze %dma_wait3A_158 : memref<1x80xi32, #tpu.memory_space<vmem>> -> memref<80xi32, #tpu.memory_space<vmem>>
      %dma_wait3A_160 = arith.constant 0 : i32
      %dma_wait3A_161 = arith.constant 0 : i32
      %dma_wait3A_162 = tpu.memref_slice %arg10[%dma_wait3A_160, %dma_wait3A_161] : memref<10240x128xf32, #tpu.memory_space<vmem_shared>> -> memref<10240x128xf32, #tpu.memory_space<vmem_shared>>
      tpu.wait_indirect_dma semaphore(%arg14 : memref<!tpu.dma_semaphore, #tpu.memory_space<semaphore_mem>>) src(%arg8 : memref<80x128xf32, #tpu.memory_space<vmem>>) dst(%dma_wait3A_162 : memref<10240x128xf32, #tpu.memory_space<vmem_shared>>)
      %add3A_163 = arith.constant 1 : i32
      %add3A_164 = arith.addi %add3A_149, %add3A_163 : i32
      %mul3A_165 = arith.constant 80 : i32
      %mul3A_166 = arith.muli %add3A_164, %mul3A_165 : i32
      %dma_start3A_167 = tpu.memref_slice %arg6[%mul3A_166] : memref<10000xi32, #tpu.memory_space<vmem>> -> memref<80xi32, #tpu.memory_space<vmem>>
      %dma_start3A_168 = arith.constant 0 : i32
      %dma_start3A_169 = arith.constant 0 : i32
      %dma_start3A_170 = tpu.memref_slice %arg2[%dma_start3A_168, %dma_start3A_169] : memref<10000x128xf32, #tpu.memory_space<hbm>> -> memref<10000x128xf32, #tpu.memory_space<hbm>>
      tpu.enqueue_indirect_dma source(%dma_start3A_170 : memref<10000x128xf32, #tpu.memory_space<hbm>>) target(%arg8 : memref<80x128xf32, #tpu.memory_space<vmem>>) offsets(%dma_start3A_167 : memref<80xi32, #tpu.memory_space<vmem>>) semaphore(%arg12 : memref<!tpu.dma_semaphore, #tpu.memory_space<semaphore_mem>>)
      %dma_start3A_171 = arith.constant 0 : i32
      %dma_start3A_172 = tpu.memref_slice %arg7[%add3A_149, %dma_start3A_171] : memref<125x80xi32, #tpu.memory_space<vmem>> -> memref<1x80xi32, #tpu.memory_space<vmem>>
      %dma_start3A_173 = tpu.memref_squeeze %dma_start3A_172 : memref<1x80xi32, #tpu.memory_space<vmem>> -> memref<80xi32, #tpu.memory_space<vmem>>
      %dma_start3A_174 = arith.constant 0 : i32
      %dma_start3A_175 = arith.constant 0 : i32
      %dma_start3A_176 = tpu.memref_slice %arg10[%dma_start3A_174, %dma_start3A_175] : memref<10240x128xf32, #tpu.memory_space<vmem_shared>> -> memref<10240x128xf32, #tpu.memory_space<vmem_shared>>
      tpu.enqueue_indirect_dma source(%arg9 : memref<80x128xf32, #tpu.memory_space<vmem>>) target(%dma_start3A_176 : memref<10240x128xf32, #tpu.memory_space<vmem_shared>>) offsets(%dma_start3A_173 : memref<80xi32, #tpu.memory_space<vmem>>) semaphore(%arg15 : memref<!tpu.dma_semaphore, #tpu.memory_space<semaphore_mem>>) {add = true}
      %add3A_177 = arith.constant 1 : i32
      %add3A_178 = arith.addi %add3A_149, %add3A_177 : i32
      %mul3A_179 = arith.constant 80 : i32
      %mul3A_180 = arith.muli %add3A_178, %mul3A_179 : i32
      %dma_wait3A_181 = tpu.memref_slice %arg6[%mul3A_180] : memref<10000xi32, #tpu.memory_space<vmem>> -> memref<80xi32, #tpu.memory_space<vmem>>
      %dma_wait3A_182 = arith.constant 0 : i32
      %dma_wait3A_183 = arith.constant 0 : i32
      %dma_wait3A_184 = tpu.memref_slice %arg2[%dma_wait3A_182, %dma_wait3A_183] : memref<10000x128xf32, #tpu.memory_space<hbm>> -> memref<10000x128xf32, #tpu.memory_space<hbm>>
      tpu.wait_indirect_dma semaphore(%arg12 : memref<!tpu.dma_semaphore, #tpu.memory_space<semaphore_mem>>) src(%dma_wait3A_184 : memref<10000x128xf32, #tpu.memory_space<hbm>>) dst(%arg8 : memref<80x128xf32, #tpu.memory_space<vmem>>)
      %dma_wait3A_185 = arith.constant 0 : i32
      %dma_wait3A_186 = tpu.memref_slice %arg7[%add3A_149, %dma_wait3A_185] : memref<125x80xi32, #tpu.memory_space<vmem>> -> memref<1x80xi32, #tpu.memory_space<vmem>>
      %dma_wait3A_187 = tpu.memref_squeeze %dma_wait3A_186 : memref<1x80xi32, #tpu.memory_space<vmem>> -> memref<80xi32, #tpu.memory_space<vmem>>
      %dma_wait3A_188 = arith.constant 0 : i32
      %dma_wait3A_189 = arith.constant 0 : i32
      %dma_wait3A_190 = tpu.memref_slice %arg10[%dma_wait3A_188, %dma_wait3A_189] : memref<10240x128xf32, #tpu.memory_space<vmem_shared>> -> memref<10240x128xf32, #tpu.memory_space<vmem_shared>>
      tpu.wait_indirect_dma semaphore(%arg15 : memref<!tpu.dma_semaphore, #tpu.memory_space<semaphore_mem>>) src(%arg9 : memref<80x128xf32, #tpu.memory_space<vmem>>) dst(%dma_wait3A_190 : memref<10240x128xf32, #tpu.memory_space<vmem_shared>>)
      %add3A_191 = arith.constant 2 : i32
      %add3A_192 = arith.addi %add3A_149, %add3A_191 : i32
      %mul3A_193 = arith.constant 80 : i32
      %mul3A_194 = arith.muli %add3A_192, %mul3A_193 : i32
      %dma_start3A_195 = tpu.memref_slice %arg6[%mul3A_194] : memref<10000xi32, #tpu.memory_space<vmem>> -> memref<80xi32, #tpu.memory_space<vmem>>
      %dma_start3A_196 = arith.constant 0 : i32
      %dma_start3A_197 = arith.constant 0 : i32
      %dma_start3A_198 = tpu.memref_slice %arg2[%dma_start3A_196, %dma_start3A_197] : memref<10000x128xf32, #tpu.memory_space<hbm>> -> memref<10000x128xf32, #tpu.memory_space<hbm>>
      tpu.enqueue_indirect_dma source(%dma_start3A_198 : memref<10000x128xf32, #tpu.memory_space<hbm>>) target(%arg9 : memref<80x128xf32, #tpu.memory_space<vmem>>) offsets(%dma_start3A_195 : memref<80xi32, #tpu.memory_space<vmem>>) semaphore(%arg13 : memref<!tpu.dma_semaphore, #tpu.memory_space<semaphore_mem>>)
      %add3A_199 = arith.constant 1 : i32
      %add3A_200 = arith.addi %add3A_149, %add3A_199 : i32
      %dma_start3A_201 = arith.constant 0 : i32
      %dma_start3A_202 = tpu.memref_slice %arg7[%add3A_200, %dma_start3A_201] : memref<125x80xi32, #tpu.memory_space<vmem>> -> memref<1x80xi32, #tpu.memory_space<vmem>>
      %dma_start3A_203 = tpu.memref_squeeze %dma_start3A_202 : memref<1x80xi32, #tpu.memory_space<vmem>> -> memref<80xi32, #tpu.memory_space<vmem>>
      %dma_start3A_204 = arith.constant 0 : i32
      %dma_start3A_205 = arith.constant 0 : i32
      %dma_start3A_206 = tpu.memref_slice %arg10[%dma_start3A_204, %dma_start3A_205] : memref<10240x128xf32, #tpu.memory_space<vmem_shared>> -> memref<10240x128xf32, #tpu.memory_space<vmem_shared>>
      tpu.enqueue_indirect_dma source(%arg8 : memref<80x128xf32, #tpu.memory_space<vmem>>) target(%dma_start3A_206 : memref<10240x128xf32, #tpu.memory_space<vmem_shared>>) offsets(%dma_start3A_203 : memref<80xi32, #tpu.memory_space<vmem>>) semaphore(%arg14 : memref<!tpu.dma_semaphore, #tpu.memory_space<semaphore_mem>>) {add = true}
    }
    %scan3A_91 = arith.constant 61 : i32
    %dma_wait3A_92 = arith.constant 9840 : i32
    %dma_wait3A_93 = tpu.memref_slice %arg6[%dma_wait3A_92] : memref<10000xi32, #tpu.memory_space<vmem>> -> memref<80xi32, #tpu.memory_space<vmem>>
    %dma_wait3A_94 = arith.constant 0 : i32
    %dma_wait3A_95 = arith.constant 0 : i32
    %dma_wait3A_96 = tpu.memref_slice %arg2[%dma_wait3A_94, %dma_wait3A_95] : memref<10000x128xf32, #tpu.memory_space<hbm>> -> memref<10000x128xf32, #tpu.memory_space<hbm>>
    tpu.wait_indirect_dma semaphore(%arg13 : memref<!tpu.dma_semaphore, #tpu.memory_space<semaphore_mem>>) src(%dma_wait3A_96 : memref<10000x128xf32, #tpu.memory_space<hbm>>) dst(%arg9 : memref<80x128xf32, #tpu.memory_space<vmem>>)
    %dma_wait3A_97 = arith.constant 122 : i32
    %dma_wait3A_98 = arith.constant 0 : i32
    %dma_wait3A_99 = tpu.memref_slice %arg7[%dma_wait3A_97, %dma_wait3A_98] : memref<125x80xi32, #tpu.memory_space<vmem>> -> memref<1x80xi32, #tpu.memory_space<vmem>>
    %dma_wait3A_100 = tpu.memref_squeeze %dma_wait3A_99 : memref<1x80xi32, #tpu.memory_space<vmem>> -> memref<80xi32, #tpu.memory_space<vmem>>
    %dma_wait3A_101 = arith.constant 0 : i32
    %dma_wait3A_102 = arith.constant 0 : i32
    %dma_wait3A_103 = tpu.memref_slice %arg10[%dma_wait3A_101, %dma_wait3A_102] : memref<10240x128xf32, #tpu.memory_space<vmem_shared>> -> memref<10240x128xf32, #tpu.memory_space<vmem_shared>>
    tpu.wait_indirect_dma semaphore(%arg14 : memref<!tpu.dma_semaphore, #tpu.memory_space<semaphore_mem>>) src(%arg8 : memref<80x128xf32, #tpu.memory_space<vmem>>) dst(%dma_wait3A_103 : memref<10240x128xf32, #tpu.memory_space<vmem_shared>>)
    %dma_start3A_104 = arith.constant 9920 : i32
    %dma_start3A_105 = tpu.memref_slice %arg6[%dma_start3A_104] : memref<10000xi32, #tpu.memory_space<vmem>> -> memref<80xi32, #tpu.memory_space<vmem>>
    %dma_start3A_106 = arith.constant 0 : i32
    %dma_start3A_107 = arith.constant 0 : i32
    %dma_start3A_108 = tpu.memref_slice %arg2[%dma_start3A_106, %dma_start3A_107] : memref<10000x128xf32, #tpu.memory_space<hbm>> -> memref<10000x128xf32, #tpu.memory_space<hbm>>
    tpu.enqueue_indirect_dma source(%dma_start3A_108 : memref<10000x128xf32, #tpu.memory_space<hbm>>) target(%arg8 : memref<80x128xf32, #tpu.memory_space<vmem>>) offsets(%dma_start3A_105 : memref<80xi32, #tpu.memory_space<vmem>>) semaphore(%arg12 : memref<!tpu.dma_semaphore, #tpu.memory_space<semaphore_mem>>)
    %dma_start3A_109 = arith.constant 123 : i32
    %dma_start3A_110 = arith.constant 0 : i32
    %dma_start3A_111 = tpu.memref_slice %arg7[%dma_start3A_109, %dma_start3A_110] : memref<125x80xi32, #tpu.memory_space<vmem>> -> memref<1x80xi32, #tpu.memory_space<vmem>>
    %dma_start3A_112 = tpu.memref_squeeze %dma_start3A_111 : memref<1x80xi32, #tpu.memory_space<vmem>> -> memref<80xi32, #tpu.memory_space<vmem>>
    %dma_start3A_113 = arith.constant 0 : i32
    %dma_start3A_114 = arith.constant 0 : i32
    %dma_start3A_115 = tpu.memref_slice %arg10[%dma_start3A_113, %dma_start3A_114] : memref<10240x128xf32, #tpu.memory_space<vmem_shared>> -> memref<10240x128xf32, #tpu.memory_space<vmem_shared>>
    tpu.enqueue_indirect_dma source(%arg9 : memref<80x128xf32, #tpu.memory_space<vmem>>) target(%dma_start3A_115 : memref<10240x128xf32, #tpu.memory_space<vmem_shared>>) offsets(%dma_start3A_112 : memref<80xi32, #tpu.memory_space<vmem>>) semaphore(%arg15 : memref<!tpu.dma_semaphore, #tpu.memory_space<semaphore_mem>>) {add = true}
    %dma_wait3A_116 = arith.constant 9920 : i32
    %dma_wait3A_117 = tpu.memref_slice %arg6[%dma_wait3A_116] : memref<10000xi32, #tpu.memory_space<vmem>> -> memref<80xi32, #tpu.memory_space<vmem>>
    %dma_wait3A_118 = arith.constant 0 : i32
    %dma_wait3A_119 = arith.constant 0 : i32
    %dma_wait3A_120 = tpu.memref_slice %arg2[%dma_wait3A_118, %dma_wait3A_119] : memref<10000x128xf32, #tpu.memory_space<hbm>> -> memref<10000x128xf32, #tpu.memory_space<hbm>>
    tpu.wait_indirect_dma semaphore(%arg12 : memref<!tpu.dma_semaphore, #tpu.memory_space<semaphore_mem>>) src(%dma_wait3A_120 : memref<10000x128xf32, #tpu.memory_space<hbm>>) dst(%arg8 : memref<80x128xf32, #tpu.memory_space<vmem>>)
    %dma_wait3A_121 = arith.constant 123 : i32
    %dma_wait3A_122 = arith.constant 0 : i32
    %dma_wait3A_123 = tpu.memref_slice %arg7[%dma_wait3A_121, %dma_wait3A_122] : memref<125x80xi32, #tpu.memory_space<vmem>> -> memref<1x80xi32, #tpu.memory_space<vmem>>
    %dma_wait3A_124 = tpu.memref_squeeze %dma_wait3A_123 : memref<1x80xi32, #tpu.memory_space<vmem>> -> memref<80xi32, #tpu.memory_space<vmem>>
    %dma_wait3A_125 = arith.constant 0 : i32
    %dma_wait3A_126 = arith.constant 0 : i32
    %dma_wait3A_127 = tpu.memref_slice %arg10[%dma_wait3A_125, %dma_wait3A_126] : memref<10240x128xf32, #tpu.memory_space<vmem_shared>> -> memref<10240x128xf32, #tpu.memory_space<vmem_shared>>
    tpu.wait_indirect_dma semaphore(%arg15 : memref<!tpu.dma_semaphore, #tpu.memory_space<semaphore_mem>>) src(%arg9 : memref<80x128xf32, #tpu.memory_space<vmem>>) dst(%dma_wait3A_127 : memref<10240x128xf32, #tpu.memory_space<vmem_shared>>)
    %dma_start3A_128 = arith.constant 124 : i32
    %dma_start3A_129 = arith.constant 0 : i32
    %dma_start3A_130 = tpu.memref_slice %arg7[%dma_start3A_128, %dma_start3A_129] : memref<125x80xi32, #tpu.memory_space<vmem>> -> memref<1x80xi32, #tpu.memory_space<vmem>>
    %dma_start3A_131 = tpu.memref_squeeze %dma_start3A_130 : memref<1x80xi32, #tpu.memory_space<vmem>> -> memref<80xi32, #tpu.memory_space<vmem>>
    %dma_start3A_132 = arith.constant 0 : i32
    %dma_start3A_133 = arith.constant 0 : i32
    %dma_start3A_134 = tpu.memref_slice %arg10[%dma_start3A_132, %dma_start3A_133] : memref<10240x128xf32, #tpu.memory_space<vmem_shared>> -> memref<10240x128xf32, #tpu.memory_space<vmem_shared>>
    tpu.enqueue_indirect_dma source(%arg8 : memref<80x128xf32, #tpu.memory_space<vmem>>) target(%dma_start3A_134 : memref<10240x128xf32, #tpu.memory_space<vmem_shared>>) offsets(%dma_start3A_131 : memref<80xi32, #tpu.memory_space<vmem>>) semaphore(%arg14 : memref<!tpu.dma_semaphore, #tpu.memory_space<semaphore_mem>>) {add = true}
    %dma_wait3A_135 = arith.constant 124 : i32
    %dma_wait3A_136 = arith.constant 0 : i32
    %dma_wait3A_137 = tpu.memref_slice %arg7[%dma_wait3A_135, %dma_wait3A_136] : memref<125x80xi32, #tpu.memory_space<vmem>> -> memref<1x80xi32, #tpu.memory_space<vmem>>
    %dma_wait3A_138 = tpu.memref_squeeze %dma_wait3A_137 : memref<1x80xi32, #tpu.memory_space<vmem>> -> memref<80xi32, #tpu.memory_space<vmem>>
    %dma_wait3A_139 = arith.constant 0 : i32
    %dma_wait3A_140 = arith.constant 0 : i32
    %dma_wait3A_141 = tpu.memref_slice %arg10[%dma_wait3A_139, %dma_wait3A_140] : memref<10240x128xf32, #tpu.memory_space<vmem_shared>> -> memref<10240x128xf32, #tpu.memory_space<vmem_shared>>
    tpu.wait_indirect_dma semaphore(%arg14 : memref<!tpu.dma_semaphore, #tpu.memory_space<semaphore_mem>>) src(%arg8 : memref<80x128xf32, #tpu.memory_space<vmem>>) dst(%dma_wait3A_141 : memref<10240x128xf32, #tpu.memory_space<vmem_shared>>)
    %barrier3A_142 = arith.constant 0 : index
    tpu.barrier barrier_id(%barrier3A_142)
    %mul3A_143 = arith.constant 640 : i32
    %mul3A_144 = arith.muli %arg1, %mul3A_143 : i32
    "tpu.region"() ({
      %run_scoped3A = tpu.sem_alloc : memref<!tpu.dma_semaphore, #tpu.memory_space<semaphore_mem>>
      %dma_start3A_145 = arith.constant 0 : i32
      %dma_start3A_146 = tpu.memref_slice %arg5[%arg0, %mul3A_144, %dma_start3A_145] : memref<2x10240x128xf32, #tpu.memory_space<hbm>> -> memref<1x640x128xf32, #tpu.memory_space<hbm>>
      %dma_start3A_147 = tpu.memref_squeeze %dma_start3A_146 : memref<1x640x128xf32, #tpu.memory_space<hbm>> -> memref<640x128xf32, #tpu.memory_space<hbm>>
      %dma_start3A_148 = arith.constant 0 : i32
      %dma_start3A_149 = tpu.memref_slice %arg10[%mul3A_144, %dma_start3A_148] : memref<10240x128xf32, #tpu.memory_space<vmem_shared>> -> memref<640x128xf32, #tpu.memory_space<vmem_shared>>
      tpu.enqueue_dma source(%dma_start3A_149 : memref<640x128xf32, #tpu.memory_space<vmem_shared>>) target(%dma_start3A_147 : memref<640x128xf32, #tpu.memory_space<hbm>>) target_semaphore(%run_scoped3A : memref<!tpu.dma_semaphore, #tpu.memory_space<semaphore_mem>>)
      %dma_wait3A_150 = arith.constant 0 : i32
      %dma_wait3A_151 = tpu.memref_slice %arg5[%arg0, %mul3A_144, %dma_wait3A_150] : memref<2x10240x128xf32, #tpu.memory_space<hbm>> -> memref<1x640x128xf32, #tpu.memory_space<hbm>>
      %dma_wait3A_152 = tpu.memref_squeeze %dma_wait3A_151 : memref<1x640x128xf32, #tpu.memory_space<hbm>> -> memref<640x128xf32, #tpu.memory_space<hbm>>
      %dma_wait3A_153 = arith.constant 0 : i32
      %dma_wait3A_154 = tpu.memref_slice %arg10[%mul3A_144, %dma_wait3A_153] : memref<10240x128xf32, #tpu.memory_space<vmem_shared>> -> memref<640x128xf32, #tpu.memory_space<vmem_shared>>
      tpu.wait_dma2 semaphore(%run_scoped3A : memref<!tpu.dma_semaphore, #tpu.memory_space<semaphore_mem>>) src(%dma_wait3A_154 : memref<640x128xf32, #tpu.memory_space<vmem_shared>>) dst(%dma_wait3A_152 : memref<640x128xf32, #tpu.memory_space<hbm>>)
      tpu.yield
    }) : () -> ()
    return
  }
}

#map = affine_map<(d0, d1) -> (0, 0)>
#map1 = affine_map<(d0, d1) -> (0, 0, 0)>
module attributes {stable_mosaic.version = 14 : i64} {
  func.func @body(%arg0: i32, %arg1: i32, %arg2: memref<10000x128xf32, #tpu.memory_space<hbm>>, %arg3: memref<32x10000xi32, #tpu.memory_space<hbm>>, %arg4: memref<32x125x80xi32, #tpu.memory_space<hbm>>, %arg5: memref<2x10240x128xf32, #tpu.memory_space<hbm>>, %arg6: memref<10000xi32, #tpu.memory_space<vmem>>, %arg7: memref<125x80xi32, #tpu.memory_space<vmem>>, %arg8: memref<80x128xf32, #tpu.memory_space<vmem>>, %arg9: memref<80x128xf32, #tpu.memory_space<vmem>>, %arg10: memref<10240x128xf32, #tpu.memory_space<vmem_shared>>, %arg11: memref<!tpu.dma_semaphore, #tpu.memory_space<semaphore_mem>>, %arg12: memref<!tpu.dma_semaphore, #tpu.memory_space<semaphore_mem>>, %arg13: memref<!tpu.dma_semaphore, #tpu.memory_space<semaphore_mem>>, %arg14: memref<!tpu.dma_semaphore, #tpu.memory_space<semaphore_mem>>, %arg15: memref<!tpu.dma_semaphore, #tpu.memory_space<semaphore_mem>>) attributes {dimension_semantics = [#tpu.dimension_semantics<core_parallel>, #tpu.dimension_semantics<subcore_parallel>], iteration_bounds = array<i64: 2, 16>, scalar_prefetch = 0 : i64, scratch_operands = 10 : i64, tpu.core_type = #tpu.core_type<sc_vector_subcore>, window_params = [{transform_indices = #map}, {transform_indices = #map}, {transform_indices = #map1}, {transform_indices = #map1}]} {
    %mul3A = arith.constant 16 : i32
    %mul3A_0 = arith.muli %arg0, %mul3A : i32
    %add3A = arith.addi %mul3A_0, %arg1 : i32
    %dma_start3A = arith.constant 0 : i32
    %dma_start3A_1 = tpu.memref_slice %arg3[%add3A, %dma_start3A] : memref<32x10000xi32, #tpu.memory_space<hbm>> -> memref<1x10000xi32, #tpu.memory_space<hbm>>
    %dma_start3A_2 = tpu.memref_squeeze %dma_start3A_1 : memref<1x10000xi32, #tpu.memory_space<hbm>> -> memref<10000xi32, #tpu.memory_space<hbm>>
    %dma_start3A_3 = arith.constant 0 : i32
    %dma_start3A_4 = tpu.memref_slice %arg3[%add3A, %dma_start3A_3] : memref<32x10000xi32, #tpu.memory_space<hbm>> -> memref<1x10000xi32, #tpu.memory_space<hbm>>
    %dma_start3A_5 = tpu.memref_squeeze %dma_start3A_4 : memref<1x10000xi32, #tpu.memory_space<hbm>> -> memref<10000xi32, #tpu.memory_space<hbm>>
    tpu.enqueue_dma source(%dma_start3A_5 : memref<10000xi32, #tpu.memory_space<hbm>>) target(%arg6 : memref<10000xi32, #tpu.memory_space<vmem>>) target_semaphore(%arg11 : memref<!tpu.dma_semaphore, #tpu.memory_space<semaphore_mem>>)
    %dma_start3A_6 = arith.constant 0 : i32
    %dma_start3A_7 = arith.constant 0 : i32
    %dma_start3A_8 = tpu.memref_slice %arg4[%add3A, %dma_start3A_6, %dma_start3A_7] : memref<32x125x80xi32, #tpu.memory_space<hbm>> -> memref<1x125x80xi32, #tpu.memory_space<hbm>>
    %dma_start3A_9 = tpu.memref_squeeze %dma_start3A_8 : memref<1x125x80xi32, #tpu.memory_space<hbm>> -> memref<125x80xi32, #tpu.memory_space<hbm>>
    %dma_start3A_10 = arith.constant 0 : i32
    %dma_start3A_11 = arith.constant 0 : i32
    %dma_start3A_12 = tpu.memref_slice %arg4[%add3A, %dma_start3A_10, %dma_start3A_11] : memref<32x125x80xi32, #tpu.memory_space<hbm>> -> memref<1x125x80xi32, #tpu.memory_space<hbm>>
    %dma_start3A_13 = tpu.memref_squeeze %dma_start3A_12 : memref<1x125x80xi32, #tpu.memory_space<hbm>> -> memref<125x80xi32, #tpu.memory_space<hbm>>
    tpu.enqueue_dma source(%dma_start3A_13 : memref<125x80xi32, #tpu.memory_space<hbm>>) target(%arg7 : memref<125x80xi32, #tpu.memory_space<vmem>>) target_semaphore(%arg11 : memref<!tpu.dma_semaphore, #tpu.memory_space<semaphore_mem>>)
    %scan3A = arith.constant 0 : i32
    %scan3A_14 = arith.constant 0 : i32
    %scan3A_15 = arith.constant 80 : i32
    %scan3A_16 = arith.addi %scan3A_14, %scan3A_15 : i32
    %scan3A_17 = arith.constant 1 : i32
    scf.for %scan3A_145 = %scan3A_14 to %scan3A_16 step %scan3A_17  : i32 {
      %broadcast_in_dim3A = arith.constant 0.000000e+00 : f32
      %broadcast_in_dim3A_146 = vector.broadcast %broadcast_in_dim3A : f32 to vector<16xf32>
      %swap3A = arith.index_cast %scan3A_145 : i32 to index
      %swap3A_147 = arith.constant 0 : index
      %swap3A_148 = tpu.vector_load %arg8[%swap3A, %swap3A_147] {strides = array<i32>} : memref<80x128xf32, #tpu.memory_space<vmem>>, vector<1x16xf32>,
      %swap3A_149 = vector.shape_cast %swap3A_148 : vector<1x16xf32> to vector<16xf32>
      %swap3A_150 = vector.shape_cast %broadcast_in_dim3A_146 : vector<16xf32> to vector<1x16xf32>
      tpu.vector_store %arg8[%swap3A, %swap3A_147], %swap3A_150 {strides = array<i32>} : memref<80x128xf32, #tpu.memory_space<vmem>>, vector<1x16xf32>,
      %broadcast_in_dim3A_151 = arith.constant 0.000000e+00 : f32
      %broadcast_in_dim3A_152 = vector.broadcast %broadcast_in_dim3A_151 : f32 to vector<16xf32>
      %swap3A_153 = arith.index_cast %scan3A_145 : i32 to index
      %swap3A_154 = arith.constant 16 : index
      %swap3A_155 = tpu.vector_load %arg8[%swap3A_153, %swap3A_154] {strides = array<i32>} : memref<80x128xf32, #tpu.memory_space<vmem>>, vector<1x16xf32>,
      %swap3A_156 = vector.shape_cast %swap3A_155 : vector<1x16xf32> to vector<16xf32>
      %swap3A_157 = vector.shape_cast %broadcast_in_dim3A_152 : vector<16xf32> to vector<1x16xf32>
      tpu.vector_store %arg8[%swap3A_153, %swap3A_154], %swap3A_157 {strides = array<i32>} : memref<80x128xf32, #tpu.memory_space<vmem>>, vector<1x16xf32>,
      %broadcast_in_dim3A_158 = arith.constant 0.000000e+00 : f32
      %broadcast_in_dim3A_159 = vector.broadcast %broadcast_in_dim3A_158 : f32 to vector<16xf32>
      %swap3A_160 = arith.index_cast %scan3A_145 : i32 to index
      %swap3A_161 = arith.constant 32 : index
      %swap3A_162 = tpu.vector_load %arg8[%swap3A_160, %swap3A_161] {strides = array<i32>} : memref<80x128xf32, #tpu.memory_space<vmem>>, vector<1x16xf32>,
      %swap3A_163 = vector.shape_cast %swap3A_162 : vector<1x16xf32> to vector<16xf32>
      %swap3A_164 = vector.shape_cast %broadcast_in_dim3A_159 : vector<16xf32> to vector<1x16xf32>
      tpu.vector_store %arg8[%swap3A_160, %swap3A_161], %swap3A_164 {strides = array<i32>} : memref<80x128xf32, #tpu.memory_space<vmem>>, vector<1x16xf32>,
      %broadcast_in_dim3A_165 = arith.constant 0.000000e+00 : f32
      %broadcast_in_dim3A_166 = vector.broadcast %broadcast_in_dim3A_165 : f32 to vector<16xf32>
      %swap3A_167 = arith.index_cast %scan3A_145 : i32 to index
      %swap3A_168 = arith.constant 48 : index
      %swap3A_169 = tpu.vector_load %arg8[%swap3A_167, %swap3A_168] {strides = array<i32>} : memref<80x128xf32, #tpu.memory_space<vmem>>, vector<1x16xf32>,
      %swap3A_170 = vector.shape_cast %swap3A_169 : vector<1x16xf32> to vector<16xf32>
      %swap3A_171 = vector.shape_cast %broadcast_in_dim3A_166 : vector<16xf32> to vector<1x16xf32>
      tpu.vector_store %arg8[%swap3A_167, %swap3A_168], %swap3A_171 {strides = array<i32>} : memref<80x128xf32, #tpu.memory_space<vmem>>, vector<1x16xf32>,
      %broadcast_in_dim3A_172 = arith.constant 0.000000e+00 : f32
      %broadcast_in_dim3A_173 = vector.broadcast %broadcast_in_dim3A_172 : f32 to vector<16xf32>
      %swap3A_174 = arith.index_cast %scan3A_145 : i32 to index
      %swap3A_175 = arith.constant 64 : index
      %swap3A_176 = tpu.vector_load %arg8[%swap3A_174, %swap3A_175] {strides = array<i32>} : memref<80x128xf32, #tpu.memory_space<vmem>>, vector<1x16xf32>,
      %swap3A_177 = vector.shape_cast %swap3A_176 : vector<1x16xf32> to vector<16xf32>
      %swap3A_178 = vector.shape_cast %broadcast_in_dim3A_173 : vector<16xf32> to vector<1x16xf32>
      tpu.vector_store %arg8[%swap3A_174, %swap3A_175], %swap3A_178 {strides = array<i32>} : memref<80x128xf32, #tpu.memory_space<vmem>>, vector<1x16xf32>,
      %broadcast_in_dim3A_179 = arith.constant 0.000000e+00 : f32
      %broadcast_in_dim3A_180 = vector.broadcast %broadcast_in_dim3A_179 : f32 to vector<16xf32>
      %swap3A_181 = arith.index_cast %scan3A_145 : i32 to index
      %swap3A_182 = arith.constant 80 : index
      %swap3A_183 = tpu.vector_load %arg8[%swap3A_181, %swap3A_182] {strides = array<i32>} : memref<80x128xf32, #tpu.memory_space<vmem>>, vector<1x16xf32>,
      %swap3A_184 = vector.shape_cast %swap3A_183 : vector<1x16xf32> to vector<16xf32>
      %swap3A_185 = vector.shape_cast %broadcast_in_dim3A_180 : vector<16xf32> to vector<1x16xf32>
      tpu.vector_store %arg8[%swap3A_181, %swap3A_182], %swap3A_185 {strides = array<i32>} : memref<80x128xf32, #tpu.memory_space<vmem>>, vector<1x16xf32>,
      %broadcast_in_dim3A_186 = arith.constant 0.000000e+00 : f32
      %broadcast_in_dim3A_187 = vector.broadcast %broadcast_in_dim3A_186 : f32 to vector<16xf32>
      %swap3A_188 = arith.index_cast %scan3A_145 : i32 to index
      %swap3A_189 = arith.constant 96 : index
      %swap3A_190 = tpu.vector_load %arg8[%swap3A_188, %swap3A_189] {strides = array<i32>} : memref<80x128xf32, #tpu.memory_space<vmem>>, vector<1x16xf32>,
      %swap3A_191 = vector.shape_cast %swap3A_190 : vector<1x16xf32> to vector<16xf32>
      %swap3A_192 = vector.shape_cast %broadcast_in_dim3A_187 : vector<16xf32> to vector<1x16xf32>
      tpu.vector_store %arg8[%swap3A_188, %swap3A_189], %swap3A_192 {strides = array<i32>} : memref<80x128xf32, #tpu.memory_space<vmem>>, vector<1x16xf32>,
      %broadcast_in_dim3A_193 = arith.constant 0.000000e+00 : f32
      %broadcast_in_dim3A_194 = vector.broadcast %broadcast_in_dim3A_193 : f32 to vector<16xf32>
      %swap3A_195 = arith.index_cast %scan3A_145 : i32 to index
      %swap3A_196 = arith.constant 112 : index
      %swap3A_197 = tpu.vector_load %arg8[%swap3A_195, %swap3A_196] {strides = array<i32>} : memref<80x128xf32, #tpu.memory_space<vmem>>, vector<1x16xf32>,
      %swap3A_198 = vector.shape_cast %swap3A_197 : vector<1x16xf32> to vector<16xf32>
      %swap3A_199 = vector.shape_cast %broadcast_in_dim3A_194 : vector<16xf32> to vector<1x16xf32>
      tpu.vector_store %arg8[%swap3A_195, %swap3A_196], %swap3A_199 {strides = array<i32>} : memref<80x128xf32, #tpu.memory_space<vmem>>, vector<1x16xf32>,
    }
    %scan3A_18 = arith.constant 80 : i32
    %mul3A_19 = arith.constant 640 : i32
    %mul3A_20 = arith.muli %arg1, %mul3A_19 : i32
    %add3A_21 = arith.constant 0 : i32
    %add3A_22 = arith.addi %mul3A_20, %add3A_21 : i32
    "tpu.region"() ({
      %run_scoped3A = tpu.sem_alloc : memref<!tpu.dma_semaphore, #tpu.memory_space<semaphore_mem>>
      %dma_start3A_145 = arith.constant 0 : i32
      %dma_start3A_146 = tpu.memref_slice %arg10[%add3A_22, %dma_start3A_145] : memref<10240x128xf32, #tpu.memory_space<vmem_shared>> -> memref<80x128xf32, #tpu.memory_space<vmem_shared>>
      %dma_start3A_147 = arith.constant 0 : i32
      %dma_start3A_148 = tpu.memref_slice %arg10[%add3A_22, %dma_start3A_147] : memref<10240x128xf32, #tpu.memory_space<vmem_shared>> -> memref<80x128xf32, #tpu.memory_space<vmem_shared>>
      tpu.enqueue_dma source(%arg8 : memref<80x128xf32, #tpu.memory_space<vmem>>) target(%dma_start3A_148 : memref<80x128xf32, #tpu.memory_space<vmem_shared>>) target_semaphore(%run_scoped3A : memref<!tpu.dma_semaphore, #tpu.memory_space<semaphore_mem>>)
      %dma_wait3A_149 = arith.constant 0 : i32
      %dma_wait3A_150 = tpu.memref_slice %arg10[%add3A_22, %dma_wait3A_149] : memref<10240x128xf32, #tpu.memory_space<vmem_shared>> -> memref<80x128xf32, #tpu.memory_space<vmem_shared>>
      %dma_wait3A_151 = arith.constant 0 : i32
      %dma_wait3A_152 = tpu.memref_slice %arg10[%add3A_22, %dma_wait3A_151] : memref<10240x128xf32, #tpu.memory_space<vmem_shared>> -> memref<80x128xf32, #tpu.memory_space<vmem_shared>>
      tpu.wait_dma2 semaphore(%run_scoped3A : memref<!tpu.dma_semaphore, #tpu.memory_space<semaphore_mem>>) src(%arg8 : memref<80x128xf32, #tpu.memory_space<vmem>>) dst(%dma_wait3A_152 : memref<80x128xf32, #tpu.memory_space<vmem_shared>>)
      tpu.yield
    }) : () -> ()
    %mul3A_23 = arith.constant 640 : i32
    %mul3A_24 = arith.muli %arg1, %mul3A_23 : i32
    %add3A_25 = arith.constant 80 : i32
    %add3A_26 = arith.addi %mul3A_24, %add3A_25 : i32
    "tpu.region"() ({
      %run_scoped3A = tpu.sem_alloc : memref<!tpu.dma_semaphore, #tpu.memory_space<semaphore_mem>>
      %dma_start3A_145 = arith.constant 0 : i32
      %dma_start3A_146 = tpu.memref_slice %arg10[%add3A_26, %dma_start3A_145] : memref<10240x128xf32, #tpu.memory_space<vmem_shared>> -> memref<80x128xf32, #tpu.memory_space<vmem_shared>>
      %dma_start3A_147 = arith.constant 0 : i32
      %dma_start3A_148 = tpu.memref_slice %arg10[%add3A_26, %dma_start3A_147] : memref<10240x128xf32, #tpu.memory_space<vmem_shared>> -> memref<80x128xf32, #tpu.memory_space<vmem_shared>>
      tpu.enqueue_dma source(%arg8 : memref<80x128xf32, #tpu.memory_space<vmem>>) target(%dma_start3A_148 : memref<80x128xf32, #tpu.memory_space<vmem_shared>>) target_semaphore(%run_scoped3A : memref<!tpu.dma_semaphore, #tpu.memory_space<semaphore_mem>>)
      %dma_wait3A_149 = arith.constant 0 : i32
      %dma_wait3A_150 = tpu.memref_slice %arg10[%add3A_26, %dma_wait3A_149] : memref<10240x128xf32, #tpu.memory_space<vmem_shared>> -> memref<80x128xf32, #tpu.memory_space<vmem_shared>>
      %dma_wait3A_151 = arith.constant 0 : i32
      %dma_wait3A_152 = tpu.memref_slice %arg10[%add3A_26, %dma_wait3A_151] : memref<10240x128xf32, #tpu.memory_space<vmem_shared>> -> memref<80x128xf32, #tpu.memory_space<vmem_shared>>
      tpu.wait_dma2 semaphore(%run_scoped3A : memref<!tpu.dma_semaphore, #tpu.memory_space<semaphore_mem>>) src(%arg8 : memref<80x128xf32, #tpu.memory_space<vmem>>) dst(%dma_wait3A_152 : memref<80x128xf32, #tpu.memory_space<vmem_shared>>)
      tpu.yield
    }) : () -> ()
    %mul3A_27 = arith.constant 640 : i32
    %mul3A_28 = arith.muli %arg1, %mul3A_27 : i32
    %add3A_29 = arith.constant 160 : i32
    %add3A_30 = arith.addi %mul3A_28, %add3A_29 : i32
    "tpu.region"() ({
      %run_scoped3A = tpu.sem_alloc : memref<!tpu.dma_semaphore, #tpu.memory_space<semaphore_mem>>
      %dma_start3A_145 = arith.constant 0 : i32
      %dma_start3A_146 = tpu.memref_slice %arg10[%add3A_30, %dma_start3A_145] : memref<10240x128xf32, #tpu.memory_space<vmem_shared>> -> memref<80x128xf32, #tpu.memory_space<vmem_shared>>
      %dma_start3A_147 = arith.constant 0 : i32
      %dma_start3A_148 = tpu.memref_slice %arg10[%add3A_30, %dma_start3A_147] : memref<10240x128xf32, #tpu.memory_space<vmem_shared>> -> memref<80x128xf32, #tpu.memory_space<vmem_shared>>
      tpu.enqueue_dma source(%arg8 : memref<80x128xf32, #tpu.memory_space<vmem>>) target(%dma_start3A_148 : memref<80x128xf32, #tpu.memory_space<vmem_shared>>) target_semaphore(%run_scoped3A : memref<!tpu.dma_semaphore, #tpu.memory_space<semaphore_mem>>)
      %dma_wait3A_149 = arith.constant 0 : i32
      %dma_wait3A_150 = tpu.memref_slice %arg10[%add3A_30, %dma_wait3A_149] : memref<10240x128xf32, #tpu.memory_space<vmem_shared>> -> memref<80x128xf32, #tpu.memory_space<vmem_shared>>
      %dma_wait3A_151 = arith.constant 0 : i32
      %dma_wait3A_152 = tpu.memref_slice %arg10[%add3A_30, %dma_wait3A_151] : memref<10240x128xf32, #tpu.memory_space<vmem_shared>> -> memref<80x128xf32, #tpu.memory_space<vmem_shared>>
      tpu.wait_dma2 semaphore(%run_scoped3A : memref<!tpu.dma_semaphore, #tpu.memory_space<semaphore_mem>>) src(%arg8 : memref<80x128xf32, #tpu.memory_space<vmem>>) dst(%dma_wait3A_152 : memref<80x128xf32, #tpu.memory_space<vmem_shared>>)
      tpu.yield
    }) : () -> ()
    %mul3A_31 = arith.constant 640 : i32
    %mul3A_32 = arith.muli %arg1, %mul3A_31 : i32
    %add3A_33 = arith.constant 240 : i32
    %add3A_34 = arith.addi %mul3A_32, %add3A_33 : i32
    "tpu.region"() ({
      %run_scoped3A = tpu.sem_alloc : memref<!tpu.dma_semaphore, #tpu.memory_space<semaphore_mem>>
      %dma_start3A_145 = arith.constant 0 : i32
      %dma_start3A_146 = tpu.memref_slice %arg10[%add3A_34, %dma_start3A_145] : memref<10240x128xf32, #tpu.memory_space<vmem_shared>> -> memref<80x128xf32, #tpu.memory_space<vmem_shared>>
      %dma_start3A_147 = arith.constant 0 : i32
      %dma_start3A_148 = tpu.memref_slice %arg10[%add3A_34, %dma_start3A_147] : memref<10240x128xf32, #tpu.memory_space<vmem_shared>> -> memref<80x128xf32, #tpu.memory_space<vmem_shared>>
      tpu.enqueue_dma source(%arg8 : memref<80x128xf32, #tpu.memory_space<vmem>>) target(%dma_start3A_148 : memref<80x128xf32, #tpu.memory_space<vmem_shared>>) target_semaphore(%run_scoped3A : memref<!tpu.dma_semaphore, #tpu.memory_space<semaphore_mem>>)
      %dma_wait3A_149 = arith.constant 0 : i32
      %dma_wait3A_150 = tpu.memref_slice %arg10[%add3A_34, %dma_wait3A_149] : memref<10240x128xf32, #tpu.memory_space<vmem_shared>> -> memref<80x128xf32, #tpu.memory_space<vmem_shared>>
      %dma_wait3A_151 = arith.constant 0 : i32
      %dma_wait3A_152 = tpu.memref_slice %arg10[%add3A_34, %dma_wait3A_151] : memref<10240x128xf32, #tpu.memory_space<vmem_shared>> -> memref<80x128xf32, #tpu.memory_space<vmem_shared>>
      tpu.wait_dma2 semaphore(%run_scoped3A : memref<!tpu.dma_semaphore, #tpu.memory_space<semaphore_mem>>) src(%arg8 : memref<80x128xf32, #tpu.memory_space<vmem>>) dst(%dma_wait3A_152 : memref<80x128xf32, #tpu.memory_space<vmem_shared>>)
      tpu.yield
    }) : () -> ()
    %mul3A_35 = arith.constant 640 : i32
    %mul3A_36 = arith.muli %arg1, %mul3A_35 : i32
    %add3A_37 = arith.constant 320 : i32
    %add3A_38 = arith.addi %mul3A_36, %add3A_37 : i32
    "tpu.region"() ({
      %run_scoped3A = tpu.sem_alloc : memref<!tpu.dma_semaphore, #tpu.memory_space<semaphore_mem>>
      %dma_start3A_145 = arith.constant 0 : i32
      %dma_start3A_146 = tpu.memref_slice %arg10[%add3A_38, %dma_start3A_145] : memref<10240x128xf32, #tpu.memory_space<vmem_shared>> -> memref<80x128xf32, #tpu.memory_space<vmem_shared>>
      %dma_start3A_147 = arith.constant 0 : i32
      %dma_start3A_148 = tpu.memref_slice %arg10[%add3A_38, %dma_start3A_147] : memref<10240x128xf32, #tpu.memory_space<vmem_shared>> -> memref<80x128xf32, #tpu.memory_space<vmem_shared>>
      tpu.enqueue_dma source(%arg8 : memref<80x128xf32, #tpu.memory_space<vmem>>) target(%dma_start3A_148 : memref<80x128xf32, #tpu.memory_space<vmem_shared>>) target_semaphore(%run_scoped3A : memref<!tpu.dma_semaphore, #tpu.memory_space<semaphore_mem>>)
      %dma_wait3A_149 = arith.constant 0 : i32
      %dma_wait3A_150 = tpu.memref_slice %arg10[%add3A_38, %dma_wait3A_149] : memref<10240x128xf32, #tpu.memory_space<vmem_shared>> -> memref<80x128xf32, #tpu.memory_space<vmem_shared>>
      %dma_wait3A_151 = arith.constant 0 : i32
      %dma_wait3A_152 = tpu.memref_slice %arg10[%add3A_38, %dma_wait3A_151] : memref<10240x128xf32, #tpu.memory_space<vmem_shared>> -> memref<80x128xf32, #tpu.memory_space<vmem_shared>>
      tpu.wait_dma2 semaphore(%run_scoped3A : memref<!tpu.dma_semaphore, #tpu.memory_space<semaphore_mem>>) src(%arg8 : memref<80x128xf32, #tpu.memory_space<vmem>>) dst(%dma_wait3A_152 : memref<80x128xf32, #tpu.memory_space<vmem_shared>>)
      tpu.yield
    }) : () -> ()
    %mul3A_39 = arith.constant 640 : i32
    %mul3A_40 = arith.muli %arg1, %mul3A_39 : i32
    %add3A_41 = arith.constant 400 : i32
    %add3A_42 = arith.addi %mul3A_40, %add3A_41 : i32
    "tpu.region"() ({
      %run_scoped3A = tpu.sem_alloc : memref<!tpu.dma_semaphore, #tpu.memory_space<semaphore_mem>>
      %dma_start3A_145 = arith.constant 0 : i32
      %dma_start3A_146 = tpu.memref_slice %arg10[%add3A_42, %dma_start3A_145] : memref<10240x128xf32, #tpu.memory_space<vmem_shared>> -> memref<80x128xf32, #tpu.memory_space<vmem_shared>>
      %dma_start3A_147 = arith.constant 0 : i32
      %dma_start3A_148 = tpu.memref_slice %arg10[%add3A_42, %dma_start3A_147] : memref<10240x128xf32, #tpu.memory_space<vmem_shared>> -> memref<80x128xf32, #tpu.memory_space<vmem_shared>>
      tpu.enqueue_dma source(%arg8 : memref<80x128xf32, #tpu.memory_space<vmem>>) target(%dma_start3A_148 : memref<80x128xf32, #tpu.memory_space<vmem_shared>>) target_semaphore(%run_scoped3A : memref<!tpu.dma_semaphore, #tpu.memory_space<semaphore_mem>>)
      %dma_wait3A_149 = arith.constant 0 : i32
      %dma_wait3A_150 = tpu.memref_slice %arg10[%add3A_42, %dma_wait3A_149] : memref<10240x128xf32, #tpu.memory_space<vmem_shared>> -> memref<80x128xf32, #tpu.memory_space<vmem_shared>>
      %dma_wait3A_151 = arith.constant 0 : i32
      %dma_wait3A_152 = tpu.memref_slice %arg10[%add3A_42, %dma_wait3A_151] : memref<10240x128xf32, #tpu.memory_space<vmem_shared>> -> memref<80x128xf32, #tpu.memory_space<vmem_shared>>
      tpu.wait_dma2 semaphore(%run_scoped3A : memref<!tpu.dma_semaphore, #tpu.memory_space<semaphore_mem>>) src(%arg8 : memref<80x128xf32, #tpu.memory_space<vmem>>) dst(%dma_wait3A_152 : memref<80x128xf32, #tpu.memory_space<vmem_shared>>)
      tpu.yield
    }) : () -> ()
    %mul3A_43 = arith.constant 640 : i32
    %mul3A_44 = arith.muli %arg1, %mul3A_43 : i32
    %add3A_45 = arith.constant 480 : i32
    %add3A_46 = arith.addi %mul3A_44, %add3A_45 : i32
    "tpu.region"() ({
      %run_scoped3A = tpu.sem_alloc : memref<!tpu.dma_semaphore, #tpu.memory_space<semaphore_mem>>
      %dma_start3A_145 = arith.constant 0 : i32
      %dma_start3A_146 = tpu.memref_slice %arg10[%add3A_46, %dma_start3A_145] : memref<10240x128xf32, #tpu.memory_space<vmem_shared>> -> memref<80x128xf32, #tpu.memory_space<vmem_shared>>
      %dma_start3A_147 = arith.constant 0 : i32
      %dma_start3A_148 = tpu.memref_slice %arg10[%add3A_46, %dma_start3A_147] : memref<10240x128xf32, #tpu.memory_space<vmem_shared>> -> memref<80x128xf32, #tpu.memory_space<vmem_shared>>
      tpu.enqueue_dma source(%arg8 : memref<80x128xf32, #tpu.memory_space<vmem>>) target(%dma_start3A_148 : memref<80x128xf32, #tpu.memory_space<vmem_shared>>) target_semaphore(%run_scoped3A : memref<!tpu.dma_semaphore, #tpu.memory_space<semaphore_mem>>)
      %dma_wait3A_149 = arith.constant 0 : i32
      %dma_wait3A_150 = tpu.memref_slice %arg10[%add3A_46, %dma_wait3A_149] : memref<10240x128xf32, #tpu.memory_space<vmem_shared>> -> memref<80x128xf32, #tpu.memory_space<vmem_shared>>
      %dma_wait3A_151 = arith.constant 0 : i32
      %dma_wait3A_152 = tpu.memref_slice %arg10[%add3A_46, %dma_wait3A_151] : memref<10240x128xf32, #tpu.memory_space<vmem_shared>> -> memref<80x128xf32, #tpu.memory_space<vmem_shared>>
      tpu.wait_dma2 semaphore(%run_scoped3A : memref<!tpu.dma_semaphore, #tpu.memory_space<semaphore_mem>>) src(%arg8 : memref<80x128xf32, #tpu.memory_space<vmem>>) dst(%dma_wait3A_152 : memref<80x128xf32, #tpu.memory_space<vmem_shared>>)
      tpu.yield
    }) : () -> ()
    %mul3A_47 = arith.constant 640 : i32
    %mul3A_48 = arith.muli %arg1, %mul3A_47 : i32
    %add3A_49 = arith.constant 560 : i32
    %add3A_50 = arith.addi %mul3A_48, %add3A_49 : i32
    "tpu.region"() ({
      %run_scoped3A = tpu.sem_alloc : memref<!tpu.dma_semaphore, #tpu.memory_space<semaphore_mem>>
      %dma_start3A_145 = arith.constant 0 : i32
      %dma_start3A_146 = tpu.memref_slice %arg10[%add3A_50, %dma_start3A_145] : memref<10240x128xf32, #tpu.memory_space<vmem_shared>> -> memref<80x128xf32, #tpu.memory_space<vmem_shared>>
      %dma_start3A_147 = arith.constant 0 : i32
      %dma_start3A_148 = tpu.memref_slice %arg10[%add3A_50, %dma_start3A_147] : memref<10240x128xf32, #tpu.memory_space<vmem_shared>> -> memref<80x128xf32, #tpu.memory_space<vmem_shared>>
      tpu.enqueue_dma source(%arg8 : memref<80x128xf32, #tpu.memory_space<vmem>>) target(%dma_start3A_148 : memref<80x128xf32, #tpu.memory_space<vmem_shared>>) target_semaphore(%run_scoped3A : memref<!tpu.dma_semaphore, #tpu.memory_space<semaphore_mem>>)
      %dma_wait3A_149 = arith.constant 0 : i32
      %dma_wait3A_150 = tpu.memref_slice %arg10[%add3A_50, %dma_wait3A_149] : memref<10240x128xf32, #tpu.memory_space<vmem_shared>> -> memref<80x128xf32, #tpu.memory_space<vmem_shared>>
      %dma_wait3A_151 = arith.constant 0 : i32
      %dma_wait3A_152 = tpu.memref_slice %arg10[%add3A_50, %dma_wait3A_151] : memref<10240x128xf32, #tpu.memory_space<vmem_shared>> -> memref<80x128xf32, #tpu.memory_space<vmem_shared>>
      tpu.wait_dma2 semaphore(%run_scoped3A : memref<!tpu.dma_semaphore, #tpu.memory_space<semaphore_mem>>) src(%arg8 : memref<80x128xf32, #tpu.memory_space<vmem>>) dst(%dma_wait3A_152 : memref<80x128xf32, #tpu.memory_space<vmem_shared>>)
      tpu.yield
    }) : () -> ()
    %dma_wait3A = arith.constant 0 : i32
    %dma_wait3A_51 = tpu.memref_slice %arg3[%add3A, %dma_wait3A] : memref<32x10000xi32, #tpu.memory_space<hbm>> -> memref<1x10000xi32, #tpu.memory_space<hbm>>
    %dma_wait3A_52 = tpu.memref_squeeze %dma_wait3A_51 : memref<1x10000xi32, #tpu.memory_space<hbm>> -> memref<10000xi32, #tpu.memory_space<hbm>>
    %dma_wait3A_53 = arith.constant 0 : i32
    %dma_wait3A_54 = tpu.memref_slice %arg3[%add3A, %dma_wait3A_53] : memref<32x10000xi32, #tpu.memory_space<hbm>> -> memref<1x10000xi32, #tpu.memory_space<hbm>>
    %dma_wait3A_55 = tpu.memref_squeeze %dma_wait3A_54 : memref<1x10000xi32, #tpu.memory_space<hbm>> -> memref<10000xi32, #tpu.memory_space<hbm>>
    tpu.wait_dma2 semaphore(%arg11 : memref<!tpu.dma_semaphore, #tpu.memory_space<semaphore_mem>>) src(%dma_wait3A_55 : memref<10000xi32, #tpu.memory_space<hbm>>) dst(%arg6 : memref<10000xi32, #tpu.memory_space<vmem>>)
    %dma_wait3A_56 = arith.constant 0 : i32
    %dma_wait3A_57 = arith.constant 0 : i32
    %dma_wait3A_58 = tpu.memref_slice %arg4[%add3A, %dma_wait3A_56, %dma_wait3A_57] : memref<32x125x80xi32, #tpu.memory_space<hbm>> -> memref<1x125x80xi32, #tpu.memory_space<hbm>>
    %dma_wait3A_59 = tpu.memref_squeeze %dma_wait3A_58 : memref<1x125x80xi32, #tpu.memory_space<hbm>> -> memref<125x80xi32, #tpu.memory_space<hbm>>
    %dma_wait3A_60 = arith.constant 0 : i32
    %dma_wait3A_61 = arith.constant 0 : i32
    %dma_wait3A_62 = tpu.memref_slice %arg4[%add3A, %dma_wait3A_60, %dma_wait3A_61] : memref<32x125x80xi32, #tpu.memory_space<hbm>> -> memref<1x125x80xi32, #tpu.memory_space<hbm>>
    %dma_wait3A_63 = tpu.memref_squeeze %dma_wait3A_62 : memref<1x125x80xi32, #tpu.memory_space<hbm>> -> memref<125x80xi32, #tpu.memory_space<hbm>>
    tpu.wait_dma2 semaphore(%arg11 : memref<!tpu.dma_semaphore, #tpu.memory_space<semaphore_mem>>) src(%dma_wait3A_63 : memref<125x80xi32, #tpu.memory_space<hbm>>) dst(%arg7 : memref<125x80xi32, #tpu.memory_space<vmem>>)
    %barrier3A = arith.constant 0 : index
    tpu.barrier barrier_id(%barrier3A)
    %dma_start3A_64 = arith.constant 0 : i32
    %dma_start3A_65 = tpu.memref_slice %arg6[%dma_start3A_64] : memref<10000xi32, #tpu.memory_space<vmem>> -> memref<80xi32, #tpu.memory_space<vmem>>
    %dma_start3A_66 = arith.constant 0 : i32
    %dma_start3A_67 = arith.constant 0 : i32
    %dma_start3A_68 = tpu.memref_slice %arg2[%dma_start3A_66, %dma_start3A_67] : memref<10000x128xf32, #tpu.memory_space<hbm>> -> memref<10000x128xf32, #tpu.memory_space<hbm>>
    tpu.enqueue_indirect_dma source(%dma_start3A_68 : memref<10000x128xf32, #tpu.memory_space<hbm>>) target(%arg8 : memref<80x128xf32, #tpu.memory_space<vmem>>) offsets(%dma_start3A_65 : memref<80xi32, #tpu.memory_space<vmem>>) semaphore(%arg12 : memref<!tpu.dma_semaphore, #tpu.memory_space<semaphore_mem>>)
    %dma_wait3A_69 = arith.constant 0 : i32
    %dma_wait3A_70 = tpu.memref_slice %arg6[%dma_wait3A_69] : memref<10000xi32, #tpu.memory_space<vmem>> -> memref<80xi32, #tpu.memory_space<vmem>>
    %dma_wait3A_71 = arith.constant 0 : i32
    %dma_wait3A_72 = arith.constant 0 : i32
    %dma_wait3A_73 = tpu.memref_slice %arg2[%dma_wait3A_71, %dma_wait3A_72] : memref<10000x128xf32, #tpu.memory_space<hbm>> -> memref<10000x128xf32, #tpu.memory_space<hbm>>
    tpu.wait_indirect_dma semaphore(%arg12 : memref<!tpu.dma_semaphore, #tpu.memory_space<semaphore_mem>>) src(%dma_wait3A_73 : memref<10000x128xf32, #tpu.memory_space<hbm>>) dst(%arg8 : memref<80x128xf32, #tpu.memory_space<vmem>>)
    %dma_start3A_74 = arith.constant 80 : i32
    %dma_start3A_75 = tpu.memref_slice %arg6[%dma_start3A_74] : memref<10000xi32, #tpu.memory_space<vmem>> -> memref<80xi32, #tpu.memory_space<vmem>>
    %dma_start3A_76 = arith.constant 0 : i32
    %dma_start3A_77 = arith.constant 0 : i32
    %dma_start3A_78 = tpu.memref_slice %arg2[%dma_start3A_76, %dma_start3A_77] : memref<10000x128xf32, #tpu.memory_space<hbm>> -> memref<10000x128xf32, #tpu.memory_space<hbm>>
    tpu.enqueue_indirect_dma source(%dma_start3A_78 : memref<10000x128xf32, #tpu.memory_space<hbm>>) target(%arg9 : memref<80x128xf32, #tpu.memory_space<vmem>>) offsets(%dma_start3A_75 : memref<80xi32, #tpu.memory_space<vmem>>) semaphore(%arg13 : memref<!tpu.dma_semaphore, #tpu.memory_space<semaphore_mem>>)
    %dma_start3A_79 = arith.constant 0 : i32
    %dma_start3A_80 = arith.constant 0 : i32
    %dma_start3A_81 = tpu.memref_slice %arg7[%dma_start3A_79, %dma_start3A_80] : memref<125x80xi32, #tpu.memory_space<vmem>> -> memref<1x80xi32, #tpu.memory_space<vmem>>
    %dma_start3A_82 = tpu.memref_squeeze %dma_start3A_81 : memref<1x80xi32, #tpu.memory_space<vmem>> -> memref<80xi32, #tpu.memory_space<vmem>>
    %dma_start3A_83 = arith.constant 0 : i32
    %dma_start3A_84 = arith.constant 0 : i32
    %dma_start3A_85 = tpu.memref_slice %arg10[%dma_start3A_83, %dma_start3A_84] : memref<10240x128xf32, #tpu.memory_space<vmem_shared>> -> memref<10240x128xf32, #tpu.memory_space<vmem_shared>>
    tpu.enqueue_indirect_dma source(%arg8 : memref<80x128xf32, #tpu.memory_space<vmem>>) target(%dma_start3A_85 : memref<10240x128xf32, #tpu.memory_space<vmem_shared>>) offsets(%dma_start3A_82 : memref<80xi32, #tpu.memory_space<vmem>>) semaphore(%arg14 : memref<!tpu.dma_semaphore, #tpu.memory_space<semaphore_mem>>) {add = true}
    %scan3A_86 = arith.constant 0 : i32
    %scan3A_87 = arith.constant 0 : i32
    %scan3A_88 = arith.constant 61 : i32
    %scan3A_89 = arith.addi %scan3A_87, %scan3A_88 : i32
    %scan3A_90 = arith.constant 1 : i32
    scf.for %scan3A_145 = %scan3A_87 to %scan3A_89 step %scan3A_90  : i32 {
      %mul3A_146 = arith.constant 2 : i32
      %mul3A_147 = arith.muli %mul3A_146, %scan3A_145 : i32
      %add3A_148 = arith.constant 1 : i32
      %add3A_149 = arith.addi %mul3A_147, %add3A_148 : i32
      %mul3A_150 = arith.constant 80 : i32
      %mul3A_151 = arith.muli %add3A_149, %mul3A_150 : i32
      %dma_wait3A_152 = tpu.memref_slice %arg6[%mul3A_151] : memref<10000xi32, #tpu.memory_space<vmem>> -> memref<80xi32, #tpu.memory_space<vmem>>
      %dma_wait3A_153 = arith.constant 0 : i32
      %dma_wait3A_154 = arith.constant 0 : i32
      %dma_wait3A_155 = tpu.memref_slice %arg2[%dma_wait3A_153, %dma_wait3A_154] : memref<10000x128xf32, #tpu.memory_space<hbm>> -> memref<10000x128xf32, #tpu.memory_space<hbm>>
      tpu.wait_indirect_dma semaphore(%arg13 : memref<!tpu.dma_semaphore, #tpu.memory_space<semaphore_mem>>) src(%dma_wait3A_155 : memref<10000x128xf32, #tpu.memory_space<hbm>>) dst(%arg9 : memref<80x128xf32, #tpu.memory_space<vmem>>)
      %sub3A = arith.constant 1 : i32
      %sub3A_156 = arith.subi %add3A_149, %sub3A : i32
      %dma_wait3A_157 = arith.constant 0 : i32
      %dma_wait3A_158 = tpu.memref_slice %arg7[%sub3A_156, %dma_wait3A_157] : memref<125x80xi32, #tpu.memory_space<vmem>> -> memref<1x80xi32, #tpu.memory_space<vmem>>
      %dma_wait3A_159 = tpu.memref_squeeze %dma_wait3A_158 : memref<1x80xi32, #tpu.memory_space<vmem>> -> memref<80xi32, #tpu.memory_space<vmem>>
      %dma_wait3A_160 = arith.constant 0 : i32
      %dma_wait3A_161 = arith.constant 0 : i32
      %dma_wait3A_162 = tpu.memref_slice %arg10[%dma_wait3A_160, %dma_wait3A_161] : memref<10240x128xf32, #tpu.memory_space<vmem_shared>> -> memref<10240x128xf32, #tpu.memory_space<vmem_shared>>
      tpu.wait_indirect_dma semaphore(%arg14 : memref<!tpu.dma_semaphore, #tpu.memory_space<semaphore_mem>>) src(%arg8 : memref<80x128xf32, #tpu.memory_space<vmem>>) dst(%dma_wait3A_162 : memref<10240x128xf32, #tpu.memory_space<vmem_shared>>)
      %add3A_163 = arith.constant 1 : i32
      %add3A_164 = arith.addi %add3A_149, %add3A_163 : i32
      %mul3A_165 = arith.constant 80 : i32
      %mul3A_166 = arith.muli %add3A_164, %mul3A_165 : i32
      %dma_start3A_167 = tpu.memref_slice %arg6[%mul3A_166] : memref<10000xi32, #tpu.memory_space<vmem>> -> memref<80xi32, #tpu.memory_space<vmem>>
      %dma_start3A_168 = arith.constant 0 : i32
      %dma_start3A_169 = arith.constant 0 : i32
      %dma_start3A_170 = tpu.memref_slice %arg2[%dma_start3A_168, %dma_start3A_169] : memref<10000x128xf32, #tpu.memory_space<hbm>> -> memref<10000x128xf32, #tpu.memory_space<hbm>>
      tpu.enqueue_indirect_dma source(%dma_start3A_170 : memref<10000x128xf32, #tpu.memory_space<hbm>>) target(%arg8 : memref<80x128xf32, #tpu.memory_space<vmem>>) offsets(%dma_start3A_167 : memref<80xi32, #tpu.memory_space<vmem>>) semaphore(%arg12 : memref<!tpu.dma_semaphore, #tpu.memory_space<semaphore_mem>>)
      %dma_start3A_171 = arith.constant 0 : i32
      %dma_start3A_172 = tpu.memref_slice %arg7[%add3A_149, %dma_start3A_171] : memref<125x80xi32, #tpu.memory_space<vmem>> -> memref<1x80xi32, #tpu.memory_space<vmem>>
      %dma_start3A_173 = tpu.memref_squeeze %dma_start3A_172 : memref<1x80xi32, #tpu.memory_space<vmem>> -> memref<80xi32, #tpu.memory_space<vmem>>
      %dma_start3A_174 = arith.constant 0 : i32
      %dma_start3A_175 = arith.constant 0 : i32
      %dma_start3A_176 = tpu.memref_slice %arg10[%dma_start3A_174, %dma_start3A_175] : memref<10240x128xf32, #tpu.memory_space<vmem_shared>> -> memref<10240x128xf32, #tpu.memory_space<vmem_shared>>
      tpu.enqueue_indirect_dma source(%arg9 : memref<80x128xf32, #tpu.memory_space<vmem>>) target(%dma_start3A_176 : memref<10240x128xf32, #tpu.memory_space<vmem_shared>>) offsets(%dma_start3A_173 : memref<80xi32, #tpu.memory_space<vmem>>) semaphore(%arg15 : memref<!tpu.dma_semaphore, #tpu.memory_space<semaphore_mem>>) {add = true}
      %add3A_177 = arith.constant 1 : i32
      %add3A_178 = arith.addi %add3A_149, %add3A_177 : i32
      %mul3A_179 = arith.constant 80 : i32
      %mul3A_180 = arith.muli %add3A_178, %mul3A_179 : i32
      %dma_wait3A_181 = tpu.memref_slice %arg6[%mul3A_180] : memref<10000xi32, #tpu.memory_space<vmem>> -> memref<80xi32, #tpu.memory_space<vmem>>
      %dma_wait3A_182 = arith.constant 0 : i32
      %dma_wait3A_183 = arith.constant 0 : i32
      %dma_wait3A_184 = tpu.memref_slice %arg2[%dma_wait3A_182, %dma_wait3A_183] : memref<10000x128xf32, #tpu.memory_space<hbm>> -> memref<10000x128xf32, #tpu.memory_space<hbm>>
      tpu.wait_indirect_dma semaphore(%arg12 : memref<!tpu.dma_semaphore, #tpu.memory_space<semaphore_mem>>) src(%dma_wait3A_184 : memref<10000x128xf32, #tpu.memory_space<hbm>>) dst(%arg8 : memref<80x128xf32, #tpu.memory_space<vmem>>)
      %dma_wait3A_185 = arith.constant 0 : i32
      %dma_wait3A_186 = tpu.memref_slice %arg7[%add3A_149, %dma_wait3A_185] : memref<125x80xi32, #tpu.memory_space<vmem>> -> memref<1x80xi32, #tpu.memory_space<vmem>>
      %dma_wait3A_187 = tpu.memref_squeeze %dma_wait3A_186 : memref<1x80xi32, #tpu.memory_space<vmem>> -> memref<80xi32, #tpu.memory_space<vmem>>
      %dma_wait3A_188 = arith.constant 0 : i32
      %dma_wait3A_189 = arith.constant 0 : i32
      %dma_wait3A_190 = tpu.memref_slice %arg10[%dma_wait3A_188, %dma_wait3A_189] : memref<10240x128xf32, #tpu.memory_space<vmem_shared>> -> memref<10240x128xf32, #tpu.memory_space<vmem_shared>>
      tpu.wait_indirect_dma semaphore(%arg15 : memref<!tpu.dma_semaphore, #tpu.memory_space<semaphore_mem>>) src(%arg9 : memref<80x128xf32, #tpu.memory_space<vmem>>) dst(%dma_wait3A_190 : memref<10240x128xf32, #tpu.memory_space<vmem_shared>>)
      %add3A_191 = arith.constant 2 : i32
      %add3A_192 = arith.addi %add3A_149, %add3A_191 : i32
      %mul3A_193 = arith.constant 80 : i32
      %mul3A_194 = arith.muli %add3A_192, %mul3A_193 : i32
      %dma_start3A_195 = tpu.memref_slice %arg6[%mul3A_194] : memref<10000xi32, #tpu.memory_space<vmem>> -> memref<80xi32, #tpu.memory_space<vmem>>
      %dma_start3A_196 = arith.constant 0 : i32
      %dma_start3A_197 = arith.constant 0 : i32
      %dma_start3A_198 = tpu.memref_slice %arg2[%dma_start3A_196, %dma_start3A_197] : memref<10000x128xf32, #tpu.memory_space<hbm>> -> memref<10000x128xf32, #tpu.memory_space<hbm>>
      tpu.enqueue_indirect_dma source(%dma_start3A_198 : memref<10000x128xf32, #tpu.memory_space<hbm>>) target(%arg9 : memref<80x128xf32, #tpu.memory_space<vmem>>) offsets(%dma_start3A_195 : memref<80xi32, #tpu.memory_space<vmem>>) semaphore(%arg13 : memref<!tpu.dma_semaphore, #tpu.memory_space<semaphore_mem>>)
      %add3A_199 = arith.constant 1 : i32
      %add3A_200 = arith.addi %add3A_149, %add3A_199 : i32
      %dma_start3A_201 = arith.constant 0 : i32
      %dma_start3A_202 = tpu.memref_slice %arg7[%add3A_200, %dma_start3A_201] : memref<125x80xi32, #tpu.memory_space<vmem>> -> memref<1x80xi32, #tpu.memory_space<vmem>>
      %dma_start3A_203 = tpu.memref_squeeze %dma_start3A_202 : memref<1x80xi32, #tpu.memory_space<vmem>> -> memref<80xi32, #tpu.memory_space<vmem>>
      %dma_start3A_204 = arith.constant 0 : i32
      %dma_start3A_205 = arith.constant 0 : i32
      %dma_start3A_206 = tpu.memref_slice %arg10[%dma_start3A_204, %dma_start3A_205] : memref<10240x128xf32, #tpu.memory_space<vmem_shared>> -> memref<10240x128xf32, #tpu.memory_space<vmem_shared>>
      tpu.enqueue_indirect_dma source(%arg8 : memref<80x128xf32, #tpu.memory_space<vmem>>) target(%dma_start3A_206 : memref<10240x128xf32, #tpu.memory_space<vmem_shared>>) offsets(%dma_start3A_203 : memref<80xi32, #tpu.memory_space<vmem>>) semaphore(%arg14 : memref<!tpu.dma_semaphore, #tpu.memory_space<semaphore_mem>>) {add = true}
    }
    %scan3A_91 = arith.constant 61 : i32
    %dma_wait3A_92 = arith.constant 9840 : i32
    %dma_wait3A_93 = tpu.memref_slice %arg6[%dma_wait3A_92] : memref<10000xi32, #tpu.memory_space<vmem>> -> memref<80xi32, #tpu.memory_space<vmem>>
    %dma_wait3A_94 = arith.constant 0 : i32
    %dma_wait3A_95 = arith.constant 0 : i32
    %dma_wait3A_96 = tpu.memref_slice %arg2[%dma_wait3A_94, %dma_wait3A_95] : memref<10000x128xf32, #tpu.memory_space<hbm>> -> memref<10000x128xf32, #tpu.memory_space<hbm>>
    tpu.wait_indirect_dma semaphore(%arg13 : memref<!tpu.dma_semaphore, #tpu.memory_space<semaphore_mem>>) src(%dma_wait3A_96 : memref<10000x128xf32, #tpu.memory_space<hbm>>) dst(%arg9 : memref<80x128xf32, #tpu.memory_space<vmem>>)
    %dma_wait3A_97 = arith.constant 122 : i32
    %dma_wait3A_98 = arith.constant 0 : i32
    %dma_wait3A_99 = tpu.memref_slice %arg7[%dma_wait3A_97, %dma_wait3A_98] : memref<125x80xi32, #tpu.memory_space<vmem>> -> memref<1x80xi32, #tpu.memory_space<vmem>>
    %dma_wait3A_100 = tpu.memref_squeeze %dma_wait3A_99 : memref<1x80xi32, #tpu.memory_space<vmem>> -> memref<80xi32, #tpu.memory_space<vmem>>
    %dma_wait3A_101 = arith.constant 0 : i32
    %dma_wait3A_102 = arith.constant 0 : i32
    %dma_wait3A_103 = tpu.memref_slice %arg10[%dma_wait3A_101, %dma_wait3A_102] : memref<10240x128xf32, #tpu.memory_space<vmem_shared>> -> memref<10240x128xf32, #tpu.memory_space<vmem_shared>>
    tpu.wait_indirect_dma semaphore(%arg14 : memref<!tpu.dma_semaphore, #tpu.memory_space<semaphore_mem>>) src(%arg8 : memref<80x128xf32, #tpu.memory_space<vmem>>) dst(%dma_wait3A_103 : memref<10240x128xf32, #tpu.memory_space<vmem_shared>>)
    %dma_start3A_104 = arith.constant 9920 : i32
    %dma_start3A_105 = tpu.memref_slice %arg6[%dma_start3A_104] : memref<10000xi32, #tpu.memory_space<vmem>> -> memref<80xi32, #tpu.memory_space<vmem>>
    %dma_start3A_106 = arith.constant 0 : i32
    %dma_start3A_107 = arith.constant 0 : i32
    %dma_start3A_108 = tpu.memref_slice %arg2[%dma_start3A_106, %dma_start3A_107] : memref<10000x128xf32, #tpu.memory_space<hbm>> -> memref<10000x128xf32, #tpu.memory_space<hbm>>
    tpu.enqueue_indirect_dma source(%dma_start3A_108 : memref<10000x128xf32, #tpu.memory_space<hbm>>) target(%arg8 : memref<80x128xf32, #tpu.memory_space<vmem>>) offsets(%dma_start3A_105 : memref<80xi32, #tpu.memory_space<vmem>>) semaphore(%arg12 : memref<!tpu.dma_semaphore, #tpu.memory_space<semaphore_mem>>)
    %dma_start3A_109 = arith.constant 123 : i32
    %dma_start3A_110 = arith.constant 0 : i32
    %dma_start3A_111 = tpu.memref_slice %arg7[%dma_start3A_109, %dma_start3A_110] : memref<125x80xi32, #tpu.memory_space<vmem>> -> memref<1x80xi32, #tpu.memory_space<vmem>>
    %dma_start3A_112 = tpu.memref_squeeze %dma_start3A_111 : memref<1x80xi32, #tpu.memory_space<vmem>> -> memref<80xi32, #tpu.memory_space<vmem>>
    %dma_start3A_113 = arith.constant 0 : i32
    %dma_start3A_114 = arith.constant 0 : i32
    %dma_start3A_115 = tpu.memref_slice %arg10[%dma_start3A_113, %dma_start3A_114] : memref<10240x128xf32, #tpu.memory_space<vmem_shared>> -> memref<10240x128xf32, #tpu.memory_space<vmem_shared>>
    tpu.enqueue_indirect_dma source(%arg9 : memref<80x128xf32, #tpu.memory_space<vmem>>) target(%dma_start3A_115 : memref<10240x128xf32, #tpu.memory_space<vmem_shared>>) offsets(%dma_start3A_112 : memref<80xi32, #tpu.memory_space<vmem>>) semaphore(%arg15 : memref<!tpu.dma_semaphore, #tpu.memory_space<semaphore_mem>>) {add = true}
    %dma_wait3A_116 = arith.constant 9920 : i32
    %dma_wait3A_117 = tpu.memref_slice %arg6[%dma_wait3A_116] : memref<10000xi32, #tpu.memory_space<vmem>> -> memref<80xi32, #tpu.memory_space<vmem>>
    %dma_wait3A_118 = arith.constant 0 : i32
    %dma_wait3A_119 = arith.constant 0 : i32
    %dma_wait3A_120 = tpu.memref_slice %arg2[%dma_wait3A_118, %dma_wait3A_119] : memref<10000x128xf32, #tpu.memory_space<hbm>> -> memref<10000x128xf32, #tpu.memory_space<hbm>>
    tpu.wait_indirect_dma semaphore(%arg12 : memref<!tpu.dma_semaphore, #tpu.memory_space<semaphore_mem>>) src(%dma_wait3A_120 : memref<10000x128xf32, #tpu.memory_space<hbm>>) dst(%arg8 : memref<80x128xf32, #tpu.memory_space<vmem>>)
    %dma_wait3A_121 = arith.constant 123 : i32
    %dma_wait3A_122 = arith.constant 0 : i32
    %dma_wait3A_123 = tpu.memref_slice %arg7[%dma_wait3A_121, %dma_wait3A_122] : memref<125x80xi32, #tpu.memory_space<vmem>> -> memref<1x80xi32, #tpu.memory_space<vmem>>
    %dma_wait3A_124 = tpu.memref_squeeze %dma_wait3A_123 : memref<1x80xi32, #tpu.memory_space<vmem>> -> memref<80xi32, #tpu.memory_space<vmem>>
    %dma_wait3A_125 = arith.constant 0 : i32
    %dma_wait3A_126 = arith.constant 0 : i32
    %dma_wait3A_127 = tpu.memref_slice %arg10[%dma_wait3A_125, %dma_wait3A_126] : memref<10240x128xf32, #tpu.memory_space<vmem_shared>> -> memref<10240x128xf32, #tpu.memory_space<vmem_shared>>
    tpu.wait_indirect_dma semaphore(%arg15 : memref<!tpu.dma_semaphore, #tpu.memory_space<semaphore_mem>>) src(%arg9 : memref<80x128xf32, #tpu.memory_space<vmem>>) dst(%dma_wait3A_127 : memref<10240x128xf32, #tpu.memory_space<vmem_shared>>)
    %dma_start3A_128 = arith.constant 124 : i32
    %dma_start3A_129 = arith.constant 0 : i32
    %dma_start3A_130 = tpu.memref_slice %arg7[%dma_start3A_128, %dma_start3A_129] : memref<125x80xi32, #tpu.memory_space<vmem>> -> memref<1x80xi32, #tpu.memory_space<vmem>>
    %dma_start3A_131 = tpu.memref_squeeze %dma_start3A_130 : memref<1x80xi32, #tpu.memory_space<vmem>> -> memref<80xi32, #tpu.memory_space<vmem>>
    %dma_start3A_132 = arith.constant 0 : i32
    %dma_start3A_133 = arith.constant 0 : i32
    %dma_start3A_134 = tpu.memref_slice %arg10[%dma_start3A_132, %dma_start3A_133] : memref<10240x128xf32, #tpu.memory_space<vmem_shared>> -> memref<10240x128xf32, #tpu.memory_space<vmem_shared>>
    tpu.enqueue_indirect_dma source(%arg8 : memref<80x128xf32, #tpu.memory_space<vmem>>) target(%dma_start3A_134 : memref<10240x128xf32, #tpu.memory_space<vmem_shared>>) offsets(%dma_start3A_131 : memref<80xi32, #tpu.memory_space<vmem>>) semaphore(%arg14 : memref<!tpu.dma_semaphore, #tpu.memory_space<semaphore_mem>>) {add = true}
    %dma_wait3A_135 = arith.constant 124 : i32
    %dma_wait3A_136 = arith.constant 0 : i32
    %dma_wait3A_137 = tpu.memref_slice %arg7[%dma_wait3A_135, %dma_wait3A_136] : memref<125x80xi32, #tpu.memory_space<vmem>> -> memref<1x80xi32, #tpu.memory_space<vmem>>
    %dma_wait3A_138 = tpu.memref_squeeze %dma_wait3A_137 : memref<1x80xi32, #tpu.memory_space<vmem>> -> memref<80xi32, #tpu.memory_space<vmem>>
    %dma_wait3A_139 = arith.constant 0 : i32
    %dma_wait3A_140 = arith.constant 0 : i32
    %dma_wait3A_141 = tpu.memref_slice %arg10[%dma_wait3A_139, %dma_wait3A_140] : memref<10240x128xf32, #tpu.memory_space<vmem_shared>> -> memref<10240x128xf32, #tpu.memory_space<vmem_shared>>
    tpu.wait_indirect_dma semaphore(%arg14 : memref<!tpu.dma_semaphore, #tpu.memory_space<semaphore_mem>>) src(%arg8 : memref<80x128xf32, #tpu.memory_space<vmem>>) dst(%dma_wait3A_141 : memref<10240x128xf32, #tpu.memory_space<vmem_shared>>)
    %barrier3A_142 = arith.constant 0 : index
    tpu.barrier barrier_id(%barrier3A_142)
    %mul3A_143 = arith.constant 640 : i32
    %mul3A_144 = arith.muli %arg1, %mul3A_143 : i32
    "tpu.region"() ({
      %run_scoped3A = tpu.sem_alloc : memref<!tpu.dma_semaphore, #tpu.memory_space<semaphore_mem>>
      %dma_start3A_145 = arith.constant 0 : i32
      %dma_start3A_146 = tpu.memref_slice %arg5[%arg0, %mul3A_144, %dma_start3A_145] : memref<2x10240x128xf32, #tpu.memory_space<hbm>> -> memref<1x640x128xf32, #tpu.memory_space<hbm>>
      %dma_start3A_147 = tpu.memref_squeeze %dma_start3A_146 : memref<1x640x128xf32, #tpu.memory_space<hbm>> -> memref<640x128xf32, #tpu.memory_space<hbm>>
      %dma_start3A_148 = arith.constant 0 : i32
      %dma_start3A_149 = tpu.memref_slice %arg10[%mul3A_144, %dma_start3A_148] : memref<10240x128xf32, #tpu.memory_space<vmem_shared>> -> memref<640x128xf32, #tpu.memory_space<vmem_shared>>
      tpu.enqueue_dma source(%dma_start3A_149 : memref<640x128xf32, #tpu.memory_space<vmem_shared>>) target(%dma_start3A_147 : memref<640x128xf32, #tpu.memory_space<hbm>>) target_semaphore(%run_scoped3A : memref<!tpu.dma_semaphore, #tpu.memory_space<semaphore_mem>>)
      %dma_wait3A_150 = arith.constant 0 : i32
      %dma_wait3A_151 = tpu.memref_slice %arg5[%arg0, %mul3A_144, %dma_wait3A_150] : memref<2x10240x128xf32, #tpu.memory_space<hbm>> -> memref<1x640x128xf32, #tpu.memory_space<hbm>>
      %dma_wait3A_152 = tpu.memref_squeeze %dma_wait3A_151 : memref<1x640x128xf32, #tpu.memory_space<hbm>> -> memref<640x128xf32, #tpu.memory_space<hbm>>
      %dma_wait3A_153 = arith.constant 0 : i32
      %dma_wait3A_154 = tpu.memref_slice %arg10[%mul3A_144, %dma_wait3A_153] : memref<10240x128xf32, #tpu.memory_space<vmem_shared>> -> memref<640x128xf32, #tpu.memory_space<vmem_shared>>
      tpu.wait_dma2 semaphore(%run_scoped3A : memref<!tpu.dma_semaphore, #tpu.memory_space<semaphore_mem>>) src(%dma_wait3A_154 : memref<640x128xf32, #tpu.memory_space<vmem_shared>>) dst(%dma_wait3A_152 : memref<640x128xf32, #tpu.memory_space<hbm>>)
      tpu.yield
    }) : () -> ()
    return
  }
}

module attributes {stable_mosaic.version = 14 : i64} {
  func.func @body(%arg0: i32, %arg1: memref<1000x128xf32, #tpu.memory_space<vmem>>, %arg2: memref<128x128xf32, #tpu.memory_space<vmem>>, %arg3: memref<1x128xf32, #tpu.memory_space<vmem>>, %arg4: memref<1x128xf32, #tpu.memory_space<vmem>>, %arg5: memref<1x128xf32, #tpu.memory_space<vmem>>, %arg6: memref<128x128xf32, #tpu.memory_space<vmem>>, %arg7: memref<1x128xf32, #tpu.memory_space<vmem>>, %arg8: memref<1x128xf32, #tpu.memory_space<vmem>>, %arg9: memref<1x128xf32, #tpu.memory_space<vmem>>, %arg10: memref<1000x128xf32, #tpu.memory_space<vmem>>, %arg11: memref<1000x128xf32, #tpu.memory_space<vmem>>) attributes {dimension_semantics = [#tpu.dimension_semantics<arbitrary>], iteration_bounds = array<i64: 10>, scalar_prefetch = 0 : i64, scratch_operands = 0 : i64, tpu.core_type = #tpu.core_type<tc>, window_params = [{transform_indices = @transform_0, window_bounds = array<i64: 1000, 128>}, {pipeline_mode = #tpu.pipeline_mode<synchronous>, transform_indices = @transform_1, window_bounds = array<i64: 128, 128>}, {pipeline_mode = #tpu.pipeline_mode<synchronous>, transform_indices = @transform_2, window_bounds = array<i64: 1, 128>}, {pipeline_mode = #tpu.pipeline_mode<synchronous>, transform_indices = @transform_3, window_bounds = array<i64: 1, 128>}, {pipeline_mode = #tpu.pipeline_mode<synchronous>, transform_indices = @transform_4, window_bounds = array<i64: 1, 128>}, {pipeline_mode = #tpu.pipeline_mode<synchronous>, transform_indices = @transform_5, window_bounds = array<i64: 128, 128>}, {pipeline_mode = #tpu.pipeline_mode<synchronous>, transform_indices = @transform_6, window_bounds = array<i64: 1, 128>}, {pipeline_mode = #tpu.pipeline_mode<synchronous>, transform_indices = @transform_7, window_bounds = array<i64: 1, 128>}, {pipeline_mode = #tpu.pipeline_mode<synchronous>, transform_indices = @transform_8, window_bounds = array<i64: 1, 128>}, {transform_indices = @transform_9, window_bounds = array<i64: 1000, 128>}, {transform_indices = @transform_10, window_bounds = array<i64: 1000, 128>}]} {
    %get3A = arith.constant 0 : index
    %get3A_0 = arith.constant 0 : index
    %get3A_1 = vector.load %arg1[%get3A, %get3A_0] : memref<1000x128xf32, #tpu.memory_space<vmem>>, vector<1000x128xf32>
    %get3A_2 = arith.constant 0 : index
    %get3A_3 = arith.constant 0 : index
    %get3A_4 = vector.load %arg2[%get3A_2, %get3A_3] : memref<128x128xf32, #tpu.memory_space<vmem>>, vector<128x128xf32>
    %dot_general3A = arith.constant dense<0.000000e+00> : vector<1000x128xf32>
    %dot_general3A_5 = tpu.matmul %get3A_1, %get3A_4, %dot_general3A {dimension_numbers = #tpu.dot_dimension_numbers<[1], [0], [0], [1], [0, 0, 1, 1], [], []>, transpose_lhs_hint = false} : vector<1000x128xf32>, vector<128x128xf32>, vector<1000x128xf32> -> vector<1000x128xf32>
    %get3A_6 = arith.constant 0 : index
    %get3A_7 = arith.constant 0 : index
    %get3A_8 = vector.load %arg3[%get3A_6, %get3A_7] : memref<1x128xf32, #tpu.memory_space<vmem>>, vector<1x128xf32>
    %add3A = vector.broadcast %get3A_8 : vector<1x128xf32> to vector<1000x128xf32>
    %add3A_9 = arith.addf %dot_general3A_5, %add3A : vector<1000x128xf32>
    %get3A_10 = arith.constant 0 : index
    %get3A_11 = arith.constant 0 : index
    %get3A_12 = vector.load %arg4[%get3A_10, %get3A_11] : memref<1x128xf32, #tpu.memory_space<vmem>>, vector<1x128xf32>
    %get3A_13 = arith.constant 0 : index
    %get3A_14 = arith.constant 0 : index
    %get3A_15 = vector.load %arg5[%get3A_13, %get3A_14] : memref<1x128xf32, #tpu.memory_space<vmem>>, vector<1x128xf32>
    %neg3A = arith.constant 0.000000e+00 : f32
    %neg3A_16 = vector.broadcast %neg3A : f32 to vector<1000x128xf32>
    %neg3A_17 = arith.subf %neg3A_16, %add3A_9 : vector<1000x128xf32>
    %exp3A = math.exp %neg3A_17 : vector<1000x128xf32>
    %add3A_18 = arith.constant 1.000000e+00 : f32
    %add3A_19 = vector.broadcast %add3A_18 : f32 to vector<1000x128xf32>
    %add3A_20 = arith.addf %add3A_19, %exp3A : vector<1000x128xf32>
    %div3A = arith.constant 1.000000e+00 : f32
    %div3A_21 = vector.broadcast %div3A : f32 to vector<1000x128xf32>
    %div3A_22 = arith.divf %div3A_21, %add3A_20 : vector<1000x128xf32>
    %mul3A = arith.mulf %add3A_9, %div3A_22 : vector<1000x128xf32>
    %reduce_sum3A = arith.constant dense<0.000000e+00> : vector<1000xf32>
    %reduce_sum3A_23 = vector.multi_reduction <add>, %mul3A, %reduce_sum3A [1] : vector<1000x128xf32> to vector<1000xf32>
    %broadcast_in_dim3A = vector.shape_cast %reduce_sum3A_23 : vector<1000xf32> to vector<1000x1xf32>
    %div3A_24 = arith.constant 1.280000e+02 : f32
    %div3A_25 = vector.broadcast %div3A_24 : f32 to vector<1000x1xf32>
    %div3A_26 = arith.divf %broadcast_in_dim3A, %div3A_25 : vector<1000x1xf32>
    %sub3A = vector.broadcast %div3A_26 : vector<1000x1xf32> to vector<1000x128xf32>
    %sub3A_27 = arith.subf %mul3A, %sub3A : vector<1000x128xf32>
    %mul3A_28 = arith.mulf %sub3A_27, %sub3A_27 : vector<1000x128xf32>
    %reduce_sum3A_29 = arith.constant dense<0.000000e+00> : vector<1000xf32>
    %reduce_sum3A_30 = vector.multi_reduction <add>, %mul3A_28, %reduce_sum3A_29 [1] : vector<1000x128xf32> to vector<1000xf32>
    %broadcast_in_dim3A_31 = vector.shape_cast %reduce_sum3A_30 : vector<1000xf32> to vector<1000x1xf32>
    %div3A_32 = arith.constant 1.280000e+02 : f32
    %div3A_33 = vector.broadcast %div3A_32 : f32 to vector<1000x1xf32>
    %div3A_34 = arith.divf %broadcast_in_dim3A_31, %div3A_33 : vector<1000x1xf32>
    %add3A_35 = arith.constant 9.99999974E-6 : f32
    %add3A_36 = vector.broadcast %add3A_35 : f32 to vector<1000x1xf32>
    %add3A_37 = arith.addf %div3A_34, %add3A_36 : vector<1000x1xf32>
    %rsqrt3A = math.rsqrt %add3A_37 : vector<1000x1xf32>
    %mul3A_38 = vector.broadcast %rsqrt3A : vector<1000x1xf32> to vector<1000x128xf32>
    %mul3A_39 = arith.mulf %sub3A_27, %mul3A_38 : vector<1000x128xf32>
    %mul3A_40 = vector.broadcast %get3A_12 : vector<1x128xf32> to vector<1000x128xf32>
    %mul3A_41 = arith.mulf %mul3A_39, %mul3A_40 : vector<1000x128xf32>
    %add3A_42 = vector.broadcast %get3A_15 : vector<1x128xf32> to vector<1000x128xf32>
    %add3A_43 = arith.addf %mul3A_41, %add3A_42 : vector<1000x128xf32>
    %swap3A = arith.constant 0 : index
    %swap3A_44 = arith.constant 0 : index
    %swap3A_45 = vector.load %arg10[%swap3A, %swap3A_44] : memref<1000x128xf32, #tpu.memory_space<vmem>>, vector<1000x128xf32>
    tpu.vector_store %arg10[%swap3A, %swap3A_44], %add3A_43 {strides = array<i32>} : memref<1000x128xf32, #tpu.memory_space<vmem>>, vector<1000x128xf32>,
    %get3A_46 = arith.constant 0 : index
    %get3A_47 = arith.constant 0 : index
    %get3A_48 = vector.load %arg6[%get3A_46, %get3A_47] : memref<128x128xf32, #tpu.memory_space<vmem>>, vector<128x128xf32>
    %dot_general3A_49 = arith.constant dense<0.000000e+00> : vector<1000x128xf32>
    %dot_general3A_50 = tpu.matmul %add3A_43, %get3A_48, %dot_general3A_49 {dimension_numbers = #tpu.dot_dimension_numbers<[1], [0], [0], [1], [0, 0, 1, 1], [], []>, transpose_lhs_hint = false} : vector<1000x128xf32>, vector<128x128xf32>, vector<1000x128xf32> -> vector<1000x128xf32>
    %get3A_51 = arith.constant 0 : index
    %get3A_52 = arith.constant 0 : index
    %get3A_53 = vector.load %arg7[%get3A_51, %get3A_52] : memref<1x128xf32, #tpu.memory_space<vmem>>, vector<1x128xf32>
    %add3A_54 = vector.broadcast %get3A_53 : vector<1x128xf32> to vector<1000x128xf32>
    %add3A_55 = arith.addf %dot_general3A_50, %add3A_54 : vector<1000x128xf32>
    %get3A_56 = arith.constant 0 : index
    %get3A_57 = arith.constant 0 : index
    %get3A_58 = vector.load %arg8[%get3A_56, %get3A_57] : memref<1x128xf32, #tpu.memory_space<vmem>>, vector<1x128xf32>
    %get3A_59 = arith.constant 0 : index
    %get3A_60 = arith.constant 0 : index
    %get3A_61 = vector.load %arg9[%get3A_59, %get3A_60] : memref<1x128xf32, #tpu.memory_space<vmem>>, vector<1x128xf32>
    %neg3A_62 = arith.constant 0.000000e+00 : f32
    %neg3A_63 = vector.broadcast %neg3A_62 : f32 to vector<1000x128xf32>
    %neg3A_64 = arith.subf %neg3A_63, %add3A_55 : vector<1000x128xf32>
    %exp3A_65 = math.exp %neg3A_64 : vector<1000x128xf32>
    %add3A_66 = arith.constant 1.000000e+00 : f32
    %add3A_67 = vector.broadcast %add3A_66 : f32 to vector<1000x128xf32>
    %add3A_68 = arith.addf %add3A_67, %exp3A_65 : vector<1000x128xf32>
    %div3A_69 = arith.constant 1.000000e+00 : f32
    %div3A_70 = vector.broadcast %div3A_69 : f32 to vector<1000x128xf32>
    %div3A_71 = arith.divf %div3A_70, %add3A_68 : vector<1000x128xf32>
    %mul3A_72 = arith.mulf %add3A_55, %div3A_71 : vector<1000x128xf32>
    %reduce_sum3A_73 = arith.constant dense<0.000000e+00> : vector<1000xf32>
    %reduce_sum3A_74 = vector.multi_reduction <add>, %mul3A_72, %reduce_sum3A_73 [1] : vector<1000x128xf32> to vector<1000xf32>
    %broadcast_in_dim3A_75 = vector.shape_cast %reduce_sum3A_74 : vector<1000xf32> to vector<1000x1xf32>
    %div3A_76 = arith.constant 1.280000e+02 : f32
    %div3A_77 = vector.broadcast %div3A_76 : f32 to vector<1000x1xf32>
    %div3A_78 = arith.divf %broadcast_in_dim3A_75, %div3A_77 : vector<1000x1xf32>
    %sub3A_79 = vector.broadcast %div3A_78 : vector<1000x1xf32> to vector<1000x128xf32>
    %sub3A_80 = arith.subf %mul3A_72, %sub3A_79 : vector<1000x128xf32>
    %mul3A_81 = arith.mulf %sub3A_80, %sub3A_80 : vector<1000x128xf32>
    %reduce_sum3A_82 = arith.constant dense<0.000000e+00> : vector<1000xf32>
    %reduce_sum3A_83 = vector.multi_reduction <add>, %mul3A_81, %reduce_sum3A_82 [1] : vector<1000x128xf32> to vector<1000xf32>
    %broadcast_in_dim3A_84 = vector.shape_cast %reduce_sum3A_83 : vector<1000xf32> to vector<1000x1xf32>
    %div3A_85 = arith.constant 1.280000e+02 : f32
    %div3A_86 = vector.broadcast %div3A_85 : f32 to vector<1000x1xf32>
    %div3A_87 = arith.divf %broadcast_in_dim3A_84, %div3A_86 : vector<1000x1xf32>
    %add3A_88 = arith.constant 9.99999974E-6 : f32
    %add3A_89 = vector.broadcast %add3A_88 : f32 to vector<1000x1xf32>
    %add3A_90 = arith.addf %div3A_87, %add3A_89 : vector<1000x1xf32>
    %rsqrt3A_91 = math.rsqrt %add3A_90 : vector<1000x1xf32>
    %mul3A_92 = vector.broadcast %rsqrt3A_91 : vector<1000x1xf32> to vector<1000x128xf32>
    %mul3A_93 = arith.mulf %sub3A_80, %mul3A_92 : vector<1000x128xf32>
    %mul3A_94 = vector.broadcast %get3A_58 : vector<1x128xf32> to vector<1000x128xf32>
    %mul3A_95 = arith.mulf %mul3A_93, %mul3A_94 : vector<1000x128xf32>
    %add3A_96 = vector.broadcast %get3A_61 : vector<1x128xf32> to vector<1000x128xf32>
    %add3A_97 = arith.addf %mul3A_95, %add3A_96 : vector<1000x128xf32>
    %swap3A_98 = arith.constant 0 : index
    %swap3A_99 = arith.constant 0 : index
    %swap3A_100 = vector.load %arg11[%swap3A_98, %swap3A_99] : memref<1000x128xf32, #tpu.memory_space<vmem>>, vector<1000x128xf32>
    tpu.vector_store %arg11[%swap3A_98, %swap3A_99], %add3A_97 {strides = array<i32>} : memref<1000x128xf32, #tpu.memory_space<vmem>>, vector<1000x128xf32>,
    return
  }
  func.func @transform_0(%arg0: i32) -> (i32, i32) {
    %c0_i32 = arith.constant 0 : i32
    %c0_i32_0 = arith.constant 0 : i32
    return %arg0, %c0_i32 : i32, i32
  }
  func.func @transform_1(%arg0: i32) -> (i32, i32) {
    %c0_i32 = arith.constant 0 : i32
    %c0_i32_0 = arith.constant 0 : i32
    %c0_i32_1 = arith.constant 0 : i32
    return %c0_i32, %c0_i32_0 : i32, i32
  }
  func.func @transform_2(%arg0: i32) -> (i32, i32) {
    %c0_i32 = arith.constant 0 : i32
    %c0_i32_0 = arith.constant 0 : i32
    %c0_i32_1 = arith.constant 0 : i32
    return %c0_i32, %c0_i32_0 : i32, i32
  }
  func.func @transform_3(%arg0: i32) -> (i32, i32) {
    %c0_i32 = arith.constant 0 : i32
    %c0_i32_0 = arith.constant 0 : i32
    %c0_i32_1 = arith.constant 0 : i32
    return %c0_i32, %c0_i32_0 : i32, i32
  }
  func.func @transform_4(%arg0: i32) -> (i32, i32) {
    %c0_i32 = arith.constant 0 : i32
    %c0_i32_0 = arith.constant 0 : i32
    %c0_i32_1 = arith.constant 0 : i32
    return %c0_i32, %c0_i32_0 : i32, i32
  }
  func.func @transform_5(%arg0: i32) -> (i32, i32) {
    %c0_i32 = arith.constant 0 : i32
    %c0_i32_0 = arith.constant 0 : i32
    %c0_i32_1 = arith.constant 0 : i32
    return %c0_i32, %c0_i32_0 : i32, i32
  }
  func.func @transform_6(%arg0: i32) -> (i32, i32) {
    %c0_i32 = arith.constant 0 : i32
    %c0_i32_0 = arith.constant 0 : i32
    %c0_i32_1 = arith.constant 0 : i32
    return %c0_i32, %c0_i32_0 : i32, i32
  }
  func.func @transform_7(%arg0: i32) -> (i32, i32) {
    %c0_i32 = arith.constant 0 : i32
    %c0_i32_0 = arith.constant 0 : i32
    %c0_i32_1 = arith.constant 0 : i32
    return %c0_i32, %c0_i32_0 : i32, i32
  }
  func.func @transform_8(%arg0: i32) -> (i32, i32) {
    %c0_i32 = arith.constant 0 : i32
    %c0_i32_0 = arith.constant 0 : i32
    %c0_i32_1 = arith.constant 0 : i32
    return %c0_i32, %c0_i32_0 : i32, i32
  }
  func.func @transform_9(%arg0: i32) -> (i32, i32) {
    %c0_i32 = arith.constant 0 : i32
    %c0_i32_0 = arith.constant 0 : i32
    return %arg0, %c0_i32 : i32, i32
  }
  func.func @transform_10(%arg0: i32) -> (i32, i32) {
    %c0_i32 = arith.constant 0 : i32
    %c0_i32_0 = arith.constant 0 : i32
    return %arg0, %c0_i32 : i32, i32
  }
}

module attributes {stable_mosaic.version = 14 : i64} {
  func.func @body(%arg0: i32, %arg1: memref<2x1000x128xf32, #tpu.memory_space<vmem>>, %arg2: memref<2x1000x128xf32, #tpu.memory_space<vmem>>, %arg3: memref<1000x128xf32, #tpu.memory_space<vmem>>, %arg4: memref<128x128xf32, #tpu.memory_space<vmem>>, %arg5: memref<1x128xf32, #tpu.memory_space<vmem>>, %arg6: memref<1x128xf32, #tpu.memory_space<vmem>>, %arg7: memref<1x128xf32, #tpu.memory_space<vmem>>, %arg8: memref<1000x128xf32, #tpu.memory_space<vmem>>, %arg9: memref<1000x128xf32, #tpu.memory_space<vmem>>) attributes {dimension_semantics = [#tpu.dimension_semantics<arbitrary>], iteration_bounds = array<i64: 10>, scalar_prefetch = 0 : i64, scratch_operands = 0 : i64, tpu.core_type = #tpu.core_type<tc>, window_params = [{transform_indices = @transform_0, window_bounds = array<i64: 2, 1000, 128>}, {transform_indices = @transform_1, window_bounds = array<i64: 2, 1000, 128>}, {transform_indices = @transform_2, window_bounds = array<i64: 1000, 128>}, {pipeline_mode = #tpu.pipeline_mode<synchronous>, transform_indices = @transform_3, window_bounds = array<i64: 128, 128>}, {pipeline_mode = #tpu.pipeline_mode<synchronous>, transform_indices = @transform_4, window_bounds = array<i64: 1, 128>}, {pipeline_mode = #tpu.pipeline_mode<synchronous>, transform_indices = @transform_5, window_bounds = array<i64: 1, 128>}, {pipeline_mode = #tpu.pipeline_mode<synchronous>, transform_indices = @transform_6, window_bounds = array<i64: 1, 128>}, {transform_indices = @transform_7, window_bounds = array<i64: 1000, 128>}, {transform_indices = @transform_8, window_bounds = array<i64: 1000, 128>}]} {
    %get3A = arith.constant 0 : index
    %get3A_0 = arith.constant 0 : index
    %get3A_1 = arith.constant 0 : index
    %get3A_2 = vector.load %arg2[%get3A, %get3A_0, %get3A_1] : memref<2x1000x128xf32, #tpu.memory_space<vmem>>, vector<1x1000x1xf32>
    %get3A_3 = vector.shape_cast %get3A_2 : vector<1x1000x1xf32> to vector<1000x1xf32>
    %get3A_4 = arith.constant 1 : index
    %get3A_5 = arith.constant 0 : index
    %get3A_6 = arith.constant 0 : index
    %get3A_7 = vector.load %arg2[%get3A_4, %get3A_5, %get3A_6] : memref<2x1000x128xf32, #tpu.memory_space<vmem>>, vector<1x1000x1xf32>
    %get3A_8 = vector.shape_cast %get3A_7 : vector<1x1000x1xf32> to vector<1000x1xf32>
    %add3A = arith.addf %get3A_3, %get3A_8 : vector<1000x1xf32>
    %get3A_9 = arith.constant 0 : index
    %get3A_10 = arith.constant 0 : index
    %get3A_11 = arith.constant 0 : index
    %get3A_12 = vector.load %arg1[%get3A_9, %get3A_10, %get3A_11] : memref<2x1000x128xf32, #tpu.memory_space<vmem>>, vector<1x1000x128xf32>
    %get3A_13 = vector.shape_cast %get3A_12 : vector<1x1000x128xf32> to vector<1000x128xf32>
    %get3A_14 = arith.constant 1 : index
    %get3A_15 = arith.constant 0 : index
    %get3A_16 = arith.constant 0 : index
    %get3A_17 = vector.load %arg1[%get3A_14, %get3A_15, %get3A_16] : memref<2x1000x128xf32, #tpu.memory_space<vmem>>, vector<1x1000x128xf32>
    %get3A_18 = vector.shape_cast %get3A_17 : vector<1x1000x128xf32> to vector<1000x128xf32>
    %add3A_19 = arith.addf %get3A_13, %get3A_18 : vector<1000x128xf32>
    %max3A = arith.constant 1.000000e+00 : f32
    %max3A_20 = vector.broadcast %max3A : f32 to vector<1000x1xf32>
    %max3A_21 = arith.maximumf %add3A, %max3A_20 : vector<1000x1xf32>
    %div3A = vector.broadcast %max3A_21 : vector<1000x1xf32> to vector<1000x128xf32>
    %div3A_22 = arith.divf %add3A_19, %div3A : vector<1000x128xf32>
    %get3A_23 = arith.constant 0 : index
    %get3A_24 = arith.constant 0 : index
    %get3A_25 = vector.load %arg3[%get3A_23, %get3A_24] : memref<1000x128xf32, #tpu.memory_space<vmem>>, vector<1000x128xf32>
    %add3A_26 = arith.addf %div3A_22, %get3A_25 : vector<1000x128xf32>
    %swap3A = arith.constant 0 : index
    %swap3A_27 = arith.constant 0 : index
    %swap3A_28 = vector.load %arg8[%swap3A, %swap3A_27] : memref<1000x128xf32, #tpu.memory_space<vmem>>, vector<1000x128xf32>
    tpu.vector_store %arg8[%swap3A, %swap3A_27], %add3A_26 {strides = array<i32>} : memref<1000x128xf32, #tpu.memory_space<vmem>>, vector<1000x128xf32>,
    %get3A_29 = arith.constant 0 : index
    %get3A_30 = arith.constant 0 : index
    %get3A_31 = vector.load %arg4[%get3A_29, %get3A_30] : memref<128x128xf32, #tpu.memory_space<vmem>>, vector<128x128xf32>
    %dot_general3A = arith.constant dense<0.000000e+00> : vector<1000x128xf32>
    %dot_general3A_32 = tpu.matmul %add3A_26, %get3A_31, %dot_general3A {dimension_numbers = #tpu.dot_dimension_numbers<[1], [0], [0], [1], [0, 0, 1, 1], [], []>, transpose_lhs_hint = false} : vector<1000x128xf32>, vector<128x128xf32>, vector<1000x128xf32> -> vector<1000x128xf32>
    %get3A_33 = arith.constant 0 : index
    %get3A_34 = arith.constant 0 : index
    %get3A_35 = vector.load %arg5[%get3A_33, %get3A_34] : memref<1x128xf32, #tpu.memory_space<vmem>>, vector<1x128xf32>
    %add3A_36 = vector.broadcast %get3A_35 : vector<1x128xf32> to vector<1000x128xf32>
    %add3A_37 = arith.addf %dot_general3A_32, %add3A_36 : vector<1000x128xf32>
    %get3A_38 = arith.constant 0 : index
    %get3A_39 = arith.constant 0 : index
    %get3A_40 = vector.load %arg6[%get3A_38, %get3A_39] : memref<1x128xf32, #tpu.memory_space<vmem>>, vector<1x128xf32>
    %get3A_41 = arith.constant 0 : index
    %get3A_42 = arith.constant 0 : index
    %get3A_43 = vector.load %arg7[%get3A_41, %get3A_42] : memref<1x128xf32, #tpu.memory_space<vmem>>, vector<1x128xf32>
    %neg3A = arith.constant 0.000000e+00 : f32
    %neg3A_44 = vector.broadcast %neg3A : f32 to vector<1000x128xf32>
    %neg3A_45 = arith.subf %neg3A_44, %add3A_37 : vector<1000x128xf32>
    %exp3A = math.exp %neg3A_45 : vector<1000x128xf32>
    %add3A_46 = arith.constant 1.000000e+00 : f32
    %add3A_47 = vector.broadcast %add3A_46 : f32 to vector<1000x128xf32>
    %add3A_48 = arith.addf %add3A_47, %exp3A : vector<1000x128xf32>
    %div3A_49 = arith.constant 1.000000e+00 : f32
    %div3A_50 = vector.broadcast %div3A_49 : f32 to vector<1000x128xf32>
    %div3A_51 = arith.divf %div3A_50, %add3A_48 : vector<1000x128xf32>
    %mul3A = arith.mulf %add3A_37, %div3A_51 : vector<1000x128xf32>
    %reduce_sum3A = arith.constant dense<0.000000e+00> : vector<1000xf32>
    %reduce_sum3A_52 = vector.multi_reduction <add>, %mul3A, %reduce_sum3A [1] : vector<1000x128xf32> to vector<1000xf32>
    %broadcast_in_dim3A = vector.shape_cast %reduce_sum3A_52 : vector<1000xf32> to vector<1000x1xf32>
    %div3A_53 = arith.constant 1.280000e+02 : f32
    %div3A_54 = vector.broadcast %div3A_53 : f32 to vector<1000x1xf32>
    %div3A_55 = arith.divf %broadcast_in_dim3A, %div3A_54 : vector<1000x1xf32>
    %sub3A = vector.broadcast %div3A_55 : vector<1000x1xf32> to vector<1000x128xf32>
    %sub3A_56 = arith.subf %mul3A, %sub3A : vector<1000x128xf32>
    %mul3A_57 = arith.mulf %sub3A_56, %sub3A_56 : vector<1000x128xf32>
    %reduce_sum3A_58 = arith.constant dense<0.000000e+00> : vector<1000xf32>
    %reduce_sum3A_59 = vector.multi_reduction <add>, %mul3A_57, %reduce_sum3A_58 [1] : vector<1000x128xf32> to vector<1000xf32>
    %broadcast_in_dim3A_60 = vector.shape_cast %reduce_sum3A_59 : vector<1000xf32> to vector<1000x1xf32>
    %div3A_61 = arith.constant 1.280000e+02 : f32
    %div3A_62 = vector.broadcast %div3A_61 : f32 to vector<1000x1xf32>
    %div3A_63 = arith.divf %broadcast_in_dim3A_60, %div3A_62 : vector<1000x1xf32>
    %add3A_64 = arith.constant 9.99999974E-6 : f32
    %add3A_65 = vector.broadcast %add3A_64 : f32 to vector<1000x1xf32>
    %add3A_66 = arith.addf %div3A_63, %add3A_65 : vector<1000x1xf32>
    %rsqrt3A = math.rsqrt %add3A_66 : vector<1000x1xf32>
    %mul3A_67 = vector.broadcast %rsqrt3A : vector<1000x1xf32> to vector<1000x128xf32>
    %mul3A_68 = arith.mulf %sub3A_56, %mul3A_67 : vector<1000x128xf32>
    %mul3A_69 = vector.broadcast %get3A_40 : vector<1x128xf32> to vector<1000x128xf32>
    %mul3A_70 = arith.mulf %mul3A_68, %mul3A_69 : vector<1000x128xf32>
    %add3A_71 = vector.broadcast %get3A_43 : vector<1x128xf32> to vector<1000x128xf32>
    %add3A_72 = arith.addf %mul3A_70, %add3A_71 : vector<1000x128xf32>
    %swap3A_73 = arith.constant 0 : index
    %swap3A_74 = arith.constant 0 : index
    %swap3A_75 = vector.load %arg9[%swap3A_73, %swap3A_74] : memref<1000x128xf32, #tpu.memory_space<vmem>>, vector<1000x128xf32>
    tpu.vector_store %arg9[%swap3A_73, %swap3A_74], %add3A_72 {strides = array<i32>} : memref<1000x128xf32, #tpu.memory_space<vmem>>, vector<1000x128xf32>,
    return
  }
  func.func @transform_0(%arg0: i32) -> (i32, i32, i32) {
    %c0_i32 = arith.constant 0 : i32
    %c0_i32_0 = arith.constant 0 : i32
    %c0_i32_1 = arith.constant 0 : i32
    return %c0_i32, %arg0, %c0_i32_0 : i32, i32, i32
  }
  func.func @transform_1(%arg0: i32) -> (i32, i32, i32) {
    %c0_i32 = arith.constant 0 : i32
    %c0_i32_0 = arith.constant 0 : i32
    %c0_i32_1 = arith.constant 0 : i32
    return %c0_i32, %arg0, %c0_i32_0 : i32, i32, i32
  }
  func.func @transform_2(%arg0: i32) -> (i32, i32) {
    %c0_i32 = arith.constant 0 : i32
    %c0_i32_0 = arith.constant 0 : i32
    return %arg0, %c0_i32 : i32, i32
  }
  func.func @transform_3(%arg0: i32) -> (i32, i32) {
    %c0_i32 = arith.constant 0 : i32
    %c0_i32_0 = arith.constant 0 : i32
    %c0_i32_1 = arith.constant 0 : i32
    return %c0_i32, %c0_i32_0 : i32, i32
  }
  func.func @transform_4(%arg0: i32) -> (i32, i32) {
    %c0_i32 = arith.constant 0 : i32
    %c0_i32_0 = arith.constant 0 : i32
    %c0_i32_1 = arith.constant 0 : i32
    return %c0_i32, %c0_i32_0 : i32, i32
  }
  func.func @transform_5(%arg0: i32) -> (i32, i32) {
    %c0_i32 = arith.constant 0 : i32
    %c0_i32_0 = arith.constant 0 : i32
    %c0_i32_1 = arith.constant 0 : i32
    return %c0_i32, %c0_i32_0 : i32, i32
  }
  func.func @transform_6(%arg0: i32) -> (i32, i32) {
    %c0_i32 = arith.constant 0 : i32
    %c0_i32_0 = arith.constant 0 : i32
    %c0_i32_1 = arith.constant 0 : i32
    return %c0_i32, %c0_i32_0 : i32, i32
  }
  func.func @transform_7(%arg0: i32) -> (i32, i32) {
    %c0_i32 = arith.constant 0 : i32
    %c0_i32_0 = arith.constant 0 : i32
    return %arg0, %c0_i32 : i32, i32
  }
  func.func @transform_8(%arg0: i32) -> (i32, i32) {
    %c0_i32 = arith.constant 0 : i32
    %c0_i32_0 = arith.constant 0 : i32
    return %arg0, %c0_i32 : i32, i32
  }
}

module attributes {stable_mosaic.version = 14 : i64} {
  func.func @body(%arg0: i32, %arg1: memref<2x1000x128xf32, #tpu.memory_space<vmem>>, %arg2: memref<2x1000x128xf32, #tpu.memory_space<vmem>>, %arg3: memref<1000x128xf32, #tpu.memory_space<vmem>>, %arg4: memref<1000x128xf32, #tpu.memory_space<vmem>>) attributes {dimension_semantics = [#tpu.dimension_semantics<arbitrary>], iteration_bounds = array<i64: 10>, scalar_prefetch = 0 : i64, scratch_operands = 0 : i64, tpu.core_type = #tpu.core_type<tc>, window_params = [{transform_indices = @transform_0, window_bounds = array<i64: 2, 1000, 128>}, {transform_indices = @transform_1, window_bounds = array<i64: 2, 1000, 128>}, {transform_indices = @transform_2, window_bounds = array<i64: 1000, 128>}, {transform_indices = @transform_3, window_bounds = array<i64: 1000, 128>}]} {
    %get3A = arith.constant 0 : index
    %get3A_0 = arith.constant 0 : index
    %get3A_1 = arith.constant 0 : index
    %get3A_2 = vector.load %arg2[%get3A, %get3A_0, %get3A_1] : memref<2x1000x128xf32, #tpu.memory_space<vmem>>, vector<1x1000x1xf32>
    %get3A_3 = vector.shape_cast %get3A_2 : vector<1x1000x1xf32> to vector<1000x1xf32>
    %get3A_4 = arith.constant 1 : index
    %get3A_5 = arith.constant 0 : index
    %get3A_6 = arith.constant 0 : index
    %get3A_7 = vector.load %arg2[%get3A_4, %get3A_5, %get3A_6] : memref<2x1000x128xf32, #tpu.memory_space<vmem>>, vector<1x1000x1xf32>
    %get3A_8 = vector.shape_cast %get3A_7 : vector<1x1000x1xf32> to vector<1000x1xf32>
    %add3A = arith.addf %get3A_3, %get3A_8 : vector<1000x1xf32>
    %get3A_9 = arith.constant 0 : index
    %get3A_10 = arith.constant 0 : index
    %get3A_11 = arith.constant 0 : index
    %get3A_12 = vector.load %arg1[%get3A_9, %get3A_10, %get3A_11] : memref<2x1000x128xf32, #tpu.memory_space<vmem>>, vector<1x1000x128xf32>
    %get3A_13 = vector.shape_cast %get3A_12 : vector<1x1000x128xf32> to vector<1000x128xf32>
    %get3A_14 = arith.constant 1 : index
    %get3A_15 = arith.constant 0 : index
    %get3A_16 = arith.constant 0 : index
    %get3A_17 = vector.load %arg1[%get3A_14, %get3A_15, %get3A_16] : memref<2x1000x128xf32, #tpu.memory_space<vmem>>, vector<1x1000x128xf32>
    %get3A_18 = vector.shape_cast %get3A_17 : vector<1x1000x128xf32> to vector<1000x128xf32>
    %add3A_19 = arith.addf %get3A_13, %get3A_18 : vector<1000x128xf32>
    %max3A = arith.constant 1.000000e+00 : f32
    %max3A_20 = vector.broadcast %max3A : f32 to vector<1000x1xf32>
    %max3A_21 = arith.maximumf %add3A, %max3A_20 : vector<1000x1xf32>
    %div3A = vector.broadcast %max3A_21 : vector<1000x1xf32> to vector<1000x128xf32>
    %div3A_22 = arith.divf %add3A_19, %div3A : vector<1000x128xf32>
    %get3A_23 = arith.constant 0 : index
    %get3A_24 = arith.constant 0 : index
    %get3A_25 = vector.load %arg3[%get3A_23, %get3A_24] : memref<1000x128xf32, #tpu.memory_space<vmem>>, vector<1000x128xf32>
    %add3A_26 = arith.addf %div3A_22, %get3A_25 : vector<1000x128xf32>
    %swap3A = arith.constant 0 : index
    %swap3A_27 = arith.constant 0 : index
    %swap3A_28 = vector.load %arg4[%swap3A, %swap3A_27] : memref<1000x128xf32, #tpu.memory_space<vmem>>, vector<1000x128xf32>
    tpu.vector_store %arg4[%swap3A, %swap3A_27], %add3A_26 {strides = array<i32>} : memref<1000x128xf32, #tpu.memory_space<vmem>>, vector<1000x128xf32>,
    return
  }
  func.func @transform_0(%arg0: i32) -> (i32, i32, i32) {
    %c0_i32 = arith.constant 0 : i32
    %c0_i32_0 = arith.constant 0 : i32
    %c0_i32_1 = arith.constant 0 : i32
    return %c0_i32, %arg0, %c0_i32_0 : i32, i32, i32
  }
  func.func @transform_1(%arg0: i32) -> (i32, i32, i32) {
    %c0_i32 = arith.constant 0 : i32
    %c0_i32_0 = arith.constant 0 : i32
    %c0_i32_1 = arith.constant 0 : i32
    return %c0_i32, %arg0, %c0_i32_0 : i32, i32, i32
  }
  func.func @transform_2(%arg0: i32) -> (i32, i32) {
    %c0_i32 = arith.constant 0 : i32
    %c0_i32_0 = arith.constant 0 : i32
    return %arg0, %c0_i32 : i32, i32
  }
  func.func @transform_3(%arg0: i32) -> (i32, i32) {
    %c0_i32 = arith.constant 0 : i32
    %c0_i32_0 = arith.constant 0 : i32
    return %arg0, %c0_i32 : i32, i32
  }
}

</mosaic_0001>

<sc_bundles>
// kernel: kernel.10.cloned.1.call-start
scs
__scs_entry_jumppad:
0x0: {  	(pc) =	sbr.rel $0x88, $3  }
0x1: {  	(tag) =	ssettag $0x0;
	lr =	simm.s32 $0x1  }
0x2: {  	[smem:$0x3F97] =	sst lr;
	_ =	strace $0xD0000000  }
0x3: {  	_ = 	snop  }
0x4: {  	_ = 	snop  }
0x5: {  	_ = 	snop  }
0x6: {  	_ = 	snop  }
0x7: {  	_ = 	snop  }
__scs_overlays_trampoline_lowered:
0x8: {  	[smem:$0x3FA6] =	sst s0  }
0x9: {  	[smem:$0x3FA7] =	sst s1  }
0xa: {  	[smem:$0x3FA8] =	sst s2  }
0xb: {  	[smem:$0x3FA9] =	sst s3  }
0xc: {  	[smem:$0x3FAA] =	sst s4  }
0xd: {  	[smem:$0x3FAB] =	sst s5  }
0xe: {  	[smem:$0x3FAC] =	sst s6  }
0xf: {  	[smem:$0x3FAD] =	sst s7  }
0x10: {  	[smem:$0x3FAE] =	sst s8  }
0x11: {  	[smem:$0x3FAF] =	sst s9;
	s0 =	simm.s32 @!p0 $0x0  }
0x12: {  	s1 =	sld [smem:$0x3F95];
	s0 =	simm.s32 @p0 $0x1  }
0x13: {  	[smem:$0x3FB0] =	sst s0;
	s0 =	simm.s32 @!p1 $0x0  }
0x14: {  	s2 =	sld [smem:$0x3F94];
	s0 =	simm.s32 @p1 $0x1  }
0x15: {  	[smem:$0x3FB1] =	sst s0;
	s0 =	simm.s32 @!p2 $0x0  }
0x16: {  	s3 =	sld [smem:$0x3FDB];
	s0 =	simm.s32 @p2 $0x1  }
0x17: {  	s4 =	simm.s32 $0x1BF5;
	[smem:$0x3FB3] =	sst s0  }
0x18: {  	s0 =	sld [smem:$0x3F96];
	_ =	swait.ge [sflag:s4], $0x0  }
0x19: {  	s7 =	sld [smem:$0x3F97]  }
0x1a: {  	s8 =	sadd.s32 $0xFFFFE003, lr  }
0x1b: {  	s9 =	sadd.s32 $0xFFFFFEF7, lr;
	s5 =	simm.s32 $0xFFFFFFFF;
	p2 =	slt.u32 s8, $0xFFFFF086  }
0x1c: {  	p1 =	slt.u32 s9, $0xF7A;
	s5 =	simm.s32 @!p2 $0x0  }
0x1d: {  	s5 =	simm.s32 @p1 $0x1;
	p0 =	seq.s32 s7, s2  }
0x1e: {  	s7 =	smul.u32 @!p0 $0xF7A, s2;
	p2 =	seq.s32 @!p0 s5, $0x0  }
0x1f: {  	s9 =	smul.u32 $0xF7A, s1;
	s8 =	simm.s32 @!p0 $0x1BF5;
	p2 =	por !p2, p0  }
0x20: {  	[sflag:s8] =	ssyncset.s32 @!p0 $0xFFFFF086;
	s6 =	sadd.s32 @!p0 s3, s7;
	s7 =	simm.s32 @!p0 $0x108  }
0x21: {  	s3 =	sadd.s32 s3, s9;
	s6 =	sadd.s32 @!p0 $0x88, s6;
	s7 =	simm.s32 @p2 $0x1082  }
0x22: {  	[simem:s7], [sflag:s8] =	dma.local @!p0 [hbm:s6], $0xF7A  }
0x23: {  	s9 =	sor.u32 $0xD0000000, s2;
	s6 =	simm.s32 $0x108;
	_ =	swait.ge @!p0 [sflag:s8], $0x0  }
0x24: {  	s3 =	sadd.s32 $0x88, s3;
	s6 =	simm.s32 @!p1 $0x1082;
	[sflag:s4] =	ssyncset.s32 $0xFFFFF086  }
0x25: {  	[simem:s6], [sflag:s4] =	dma.local [hbm:s3], $0xF7A  }
0x26: {  	[smem:$0x3F97] =	sst s1;
	(tag) =	ssettag s2;
	_ =	strace s9  }
0x27: {  	s1 =	sld [smem:$0x3FA7]  }
0x28: {  	s2 =	sld [smem:$0x3FA8]  }
0x29: {  	s4 =	sld [smem:$0x3FAA]  }
0x2a: {  	p0 =	seq.s32 s5, $0x0;
	s5 =	sld [smem:$0x3FAB]  }
0x2b: {  	s6 =	sld [smem:$0x3FAC]  }
0x2c: {  	s7 =	sld [smem:$0x3FAD]  }
0x2d: {  	s3 =	simm.s32 $0x108;
	s8 =	sld [smem:$0x3FAE]  }
0x2e: {  	s3 =	simm.s32 @!p0 $0x1082;
	s9 =	sld [smem:$0x3FAF]  }
0x2f: {  	lr =	sadd.s32 s0, s3;
	s0 =	sld [smem:$0x3FA6]  }
0x30: {  	s3 =	sld [smem:$0x3FA9]  }
0x31: {  	[smem:$0x3FB2] =	sst s10  }
0x32: {  	s10 =	sld [smem:$0x3FB0];
	_ =	sdelay $0x3  }
0x33: {  	p0 =	seq.s32 s10, $0x1;
	s10 =	sld [smem:$0x3FB2];
	_ =	sdelay $0x3  }
0x34: {  	[smem:$0x3FB2] =	sst s10  }
0x35: {  	s10 =	sld [smem:$0x3FB1];
	_ =	sdelay $0x3  }
0x36: {  	p1 =	seq.s32 s10, $0x1;
	s10 =	sld [smem:$0x3FB2];
	_ =	sdelay $0x3  }
0x37: {  	[smem:$0x3FB2] =	sst s10  }
0x38: {  	s10 =	sld [smem:$0x3FB3]  }
0x39: {  	_ = 	snop;
	(pc) =	sbr.ind lr, $3  }
0x3a: {  	_ = 	snop  }
0x3b: {  	_ = 	snop  }
0x3c: {  	p2 =	seq.s32 s10, $0x1;
	s10 =	sld [smem:$0x3FB2]  }
0x3d: {  	_ =	shalt  }
0x3e: {  	_ =	shalt  }
0x3f: {  	_ =	shalt  }
0x40: {  	_ =	shalt  }
0x41: {  	_ =	shalt  }
0x42: {  	_ =	shalt  }
0x43: {  	_ =	shalt  }
0x44: {  	_ =	shalt  }
0x45: {  	_ =	shalt  }
0x46: {  	_ =	shalt  }
0x47: {  	_ =	shalt  }
0x48: {  	_ =	shalt  }
0x49: {  	_ =	shalt  }
0x4a: {  	_ =	shalt  }
0x4b: {  	_ =	shalt  }
0x4c: {  	_ =	shalt  }
0x4d: {  	_ =	shalt  }
0x4e: {  	_ =	shalt  }
0x4f: {  	_ =	shalt  }
0x50: {  	_ =	shalt  }
0x51: {  	_ =	shalt  }
0x52: {  	_ =	shalt  }
0x53: {  	_ =	shalt  }
0x54: {  	_ =	shalt  }
0x55: {  	_ =	shalt  }
0x56: {  	_ =	shalt  }
0x57: {  	_ =	shalt  }
0x58: {  	_ =	shalt  }
0x59: {  	_ =	shalt  }
0x5a: {  	_ =	shalt  }
0x5b: {  	_ =	shalt  }
0x5c: {  	_ =	shalt  }
0x5d: {  	_ =	shalt  }
0x5e: {  	_ =	shalt  }
0x5f: {  	_ =	shalt  }
0x60: {  	_ =	shalt  }
0x61: {  	_ =	shalt  }
0x62: {  	_ =	shalt  }
0x63: {  	_ =	shalt  }
0x64: {  	_ =	shalt  }
0x65: {  	_ =	shalt  }
0x66: {  	_ =	shalt  }
0x67: {  	_ =	shalt  }
0x68: {  	_ =	shalt  }
0x69: {  	_ =	shalt  }
0x6a: {  	_ =	shalt  }
0x6b: {  	_ =	shalt  }
0x6c: {  	_ =	shalt  }
0x6d: {  	_ =	shalt  }
0x6e: {  	_ =	shalt  }
0x6f: {  	_ =	shalt  }
0x70: {  	_ =	shalt  }
0x71: {  	_ =	shalt  }
0x72: {  	_ =	shalt  }
0x73: {  	_ =	shalt  }
0x74: {  	_ =	shalt  }
0x75: {  	_ =	shalt  }
0x76: {  	_ =	shalt  }
0x77: {  	_ =	shalt  }
0x78: {  	_ =	shalt  }
0x79: {  	_ =	shalt  }
0x7a: {  	_ =	shalt  }
0x7b: {  	_ =	shalt  }
0x7c: {  	_ =	shalt  }
0x7d: {  	_ =	shalt  }
0x7e: {  	_ =	shalt  }
0x7f: {  	_ =	shalt  }
0x80: {  	_ =	shalt  }
0x81: {  	_ =	shalt  }
0x82: {  	_ =	shalt  }
0x83: {  	_ =	shalt  }
0x84: {  	_ =	shalt  }
0x85: {  	_ =	shalt  }
0x86: {  	_ =	shalt  }
0x87: {  	_ =	shalt  }
.Lfunc_end0:
.L_simem_size_0:
called_computation_lowered:
.L_overlay_start_0:
0x88: {  	s2 =	sld [smem:$0x3FD9]  }
0x89: {  	s3 =	sld [smem:$0x3FFE];
	_ =	sdelay $0x1  }
0x8a: {  	s1 =	srdreg.scid  }
0x8b: {  	s0 =	sand.u32 $0x1, s1  }
0x8c: {  	s17 =	sshll.u32 s0, $0xA;
	s2 =	sadd.s32 s3, s2  }
0x8d: {  	s2 =	sadd.s32 s2, s17  }
0x8e: {  	[smem:$0x3FBE] =	sst s2  }
0x8f: {  	_ = 	snop  }
0x90: {  	(tm) =	ssettm $0x1  }
0x91: {  	s18 =	sld [smem:$0x3FFB];
	_ =	sdelay $0x3  }
0x92: {  	_ =	strace s18  }
0x93: {  	s2 =	sld [smem:$0x3FFC];
	_ =	sdelay $0x3  }
0x94: {  	_ =	strace s2  }
0x95: {  	s2 =	sld [smem:$0x3FFD];
	_ =	sdelay $0x3  }
0x96: {  	_ =	strace s2  }
0x97: {  	_ =	strace $0x8FFFFFFF  }
0x98: {  	s19 =	sld [smem:$0x3FDB];
	_ =	sdelay $0x1  }
0x99: {  	s20 =	simm.s32 $_scs_section_size  }
0x9a: {  	s4 =	simm.s32 $_size__tile_overlayer_lowered;
	s5 =	simm.s32 $_tile_overlayer_lowered  }
0x9b: {  	s6 =	simm.s32 $0x1BFF;
	s21 =	sshll.u32 s5, $0x1;
	s3 =	sadd.s32 s20, s19  }
0x9c: {  	s22 =	simm.s32 $0x0;
	s4 =	sshll.u32 s4, $0x1;
	s5 =	sadd.s32 s21, s3  }
0x9d: {  	[timem:s22], [sflag:s6] =	dma.local [hbm:s5], s4  }
0x9e: {  	_ =	swait.ge [sflag:s6], s4  }
0x9f: {  	s4 =	ssub.s32 $0x0, s4;
	[sflag:s6] =	ssyncset.done $0x0  }
0xa0: {  	[sflag:s6] =	ssyncadd.s32 s4;
	_ =	sdelay $0x1  }
0xa1: {  	s23 =	simm.s32 $0x1B8B  }
0xa2: {  	_ =	swait.ge [sflag:s23], $0x1  }
0xa3: {  	[sflag:s23] =	ssyncset.done $0x0  }
0xa4: {  	[sflag:s23] =	ssyncadd.s32 $0xFFFFFFFF  }
0xa5: {  	s4 =	sld [smem:$0x0]  }
0xa6: {  	s5 =	sand.u32 $0xFFFFFFFE, s1  }
0xa7: {  	p0 =	sne.s32 s1, s5  }
0xa8: {  	s5 =	sshll.u32 @p0 s5, $0xE  }
0xa9: {  	s5 =	sadd.s32 @p0 $0x11B8D, s5;
	s6 =	sshll.u32 @p0 s4, $0x11  }
0xaa: {  	s5 =	sor.u32 @p0 s6, s5  }
0xab: {  	[sflag:s5] =	ssyncadd.remote.s32 @p0 $0x1;
	_ =	sdelay $0x1  }
0xac: {  	s5 =	simm.s32 @p0 $0x1B8D  }
0xad: {  	_ =	swait.eq @p0 [sflag:s5], $0x1  }
0xae: {  	[sflag:s5] =	ssyncadd.s32 @p0 $0xFFFFFFFF  }
0xaf: {  	s6 =	sshll.u32 @!p0 s1, $0xE  }
0xb0: {  	s6 =	sor.u32 @!p0 $0x4000, s6;
	s5 =	simm.s32 @!p0 $0x1B8D  }
0xb1: {  	s4 =	sshll.u32 @!p0 s4, $0x11;
	s6 =	sadd.s32 @!p0 $0x11B8D, s6;
	_ =	swait.eq @!p0 [sflag:s5], $0x1  }
0xb2: {  	s4 =	sor.u32 @!p0 s4, s6;
	[sflag:s5] =	ssyncadd.s32 @!p0 $0xFFFFFFFF  }
0xb3: {  	s25 =	simm.s32 $0x1B8E;
	s24 =	sld [smem:$0x3FFE];
	[sflag:s4] =	ssyncadd.remote.s32 @!p0 $0x1  }
0xb4: {  	s26 =	simm.s32 $execute0_lowered;
	[smem:$0x3FD2] =	sst s25  }
0xb5: {  	s5 =	sshll.u32 s26, $0x1;
	_ =	strace $0x80000049;
	[dreg:$0x1] =	wrdreg $0xFFFFFFFF  }
0xb6: {  	s28 =	simm.s32 $_size_execute0_lowered;
	s3 =	sadd.s32 s3, s5;
	[dreg:$0x0] =	wrdreg $0x0  }
0xb7: {  	s5 =	sshll.u32 s28, $0x1;
	[dreg:$0x2] =	wrdreg s3  }
0xb8: {  	[dreg:$0x3] =	wrdreg s5  }
0xb9: {  	[dreg:$0x4] =	wrdreg $0xC0  }
0xba: {  	_ =	task [dreg:s22], $0x5FFFF  }
0xbb: {  	[dreg:$0x1] =	wrdreg $0xFFFFFFFF  }
0xbc: {  	[dreg:$0x0] =	wrdreg $0x60  }
0xbd: {  	[dreg:$0x2] =	wrdreg s24  }
0xbe: {  	[dreg:$0x3] =	wrdreg $0x68000  }
0xbf: {  	[dreg:$0x4] =	wrdreg $0x9  }
0xc0: {  	_ =	task.clear_ibuf [dreg:s22], $0x5FFFF;
	_ =	strace $0x90000049  }
0xc1: {  	s29 =	simm.s32 $0x9;
	_ =	strace $0x8000004B  }
0xc2: {  	_ =	swait.ge [sflag:s29], $0x1  }
0xc3: {  	[sflag:s29] =	ssyncadd.s32 $0xFFFFFFFF  }
0xc4: {  	_ =	strace $0x9000004B  }
0xc5: {  	_ =	sfence  }
0xc6: {  	s30 =	sld [smem:$0x0];
	_ =	sdelay $0x2  }
0xc7: {  	s31 =	sshll.u32 s1, $0xD;
	s1 =	sshrl.u32 s1, $0x2  }
0xc8: {  	s4 =	sand.u32 $0x4000, s31;
	s1 =	sadd.s32 s1, s30  }
0xc9: {  	s0 =	sor.u32 s4, s0;
	s1 =	sshll.u32 s1, $0x11  }
0xca: {  	s0 =	sor.u32 s1, s0  }
0xcb: {  	s0 =	sadd.s32 $0x8F2B, s0  }
0xcc: {  	[sflag:s0] =	ssyncadd.remote.s32 $0x1  }
0xcd: {  	_ =	sfence.sel $0xFFFF  }
0xce: {  	[dreg:$0x0] =	wrdreg $0xFFFFFFFF;
	(pc) =	sbr.abs _section_cstart, $3  }
0xcf: {  	[dreg:$0x1] =	wrdreg $0xFFFFFFFF  }
0xd0: {  	_ =	task.clear_ibuf [dreg:s22], $0x2FFFF;
	_ =	strace $0x9FFFFFFF  }
0xd1: {  	(tm) =	ssettm $0x7FFFFFFF  }
tec
execute0_lowered:
.L_overlay_start_1:
0x0: {  	(tag) =	ssettag $0x1  }
0x1: {  	s4 =	rddreg [dreg:$0x0]  }
0x2: {  	s2 =	rddreg [dreg:$0x1]  }
0x3: {  	s0 =	srdreg.scid;
	s1 =	rddreg [dreg:$0x2];
	s3 =	simm.s32 $0x0  }
0x4: {  	s15 =	simm.s32 $0x4000;
	s16 =	simm.s32 $0x2;
	s17 =	simm.s32 $0x1  }
0x5: {  	s18 =	simm.s32 $0x50;
	s19 =	simm.s32 $0x3C00;
	s20 =	simm.s32 $0x3C80  }
0x6: {  	s21 =	simm.s32 $0x3D00;
	s22 =	simm.s32 $0x3D80;
	s5 =	sand.u32 $0x1, s0  }
0x7: {  	s23 =	simm.s32 $0x3E00;
	s0 =	stileid.u32;
	s6 =	smul.u32 $0x140000, s5  }
0x8: {  	s24 =	simm.s32 $0x0;
	[smem:$0x7FF] =	sst s3;
	s7 =	smul.u32 $0x14000, s0  }
0x9: {  	s26 =	sshll.u32 s0, $0xB;
	s8 =	smul.u32 $0x50000, s0;
	s28 =	ssub.s32 $0x2, s5  }
0xa: {  	_ =	strace $0x8000004A;
	s29 =	sshll.u32 s5, $0xF;
	s31 =	sshrl.u32 s28, $0x1  }
0xb: {  	s6 =	sadd.s32 s7, s6;
	s7 =	sadd.s32 s26, s4;
	s30 =	sshrl.u32 s8, $0x2  }
0xc: {  	s14 =	ssub.s32 s28, s31;
	s6 =	sshrl.u32 s6, $0x3;
	s7 =	sadd.s32 s29, s7  }
0xd: {  	s14 =	smax.u32 s14, $0x1;
	s13 =	sadd.s32 s6, s4;
	s4 =	sadd.s32 s30, s2  }
0xe: {  	s5 =	sadd.s32 $0x2A00, s7;
	s6 =	sadd.s32 $0x2800, s4;
	s7 =	sadd.s32 $0x5000, s4  }
0xf: {  	s8 =	sadd.s32 $0x7800, s4;
	s9 =	sadd.s32 $0xA000, s4;
	s10 =	sadd.s32 $0xC800, s4  }
0x10: {  	v0 =	vimm.f32 $0.0e+00;
	v1 =	vimm.f32 $1.000000000e+00;
	s11 =	sadd.s32 $0xF000, s4;
	s12 =	sadd.s32 $0x11800, s4;
	s13 =	sadd.s32 $0x6C800, s13  }
.LBB2_1:
0x11: {  	[tilespmem:s3], [sflag:$0x1] =	stream.linear.gather [hbm4b:s5+s3], $0x3E80, $0x38;
	[tilespmem:$0x1A800] =	vst v63  }
0x12: {  	s25 =	simm.s32 $0x0;
	s26 =	simm.s32 $0x200  }
.LBB2_2:
0x13: {  	p0 =	sne.s32 s26, $0x9E00;
	[tilespmem:s25+$0x4070] =	vst v0  }
0x14: {  	[tilespmem:s25+$0x4000] =	vst v0  }
0x15: {  	[tilespmem:s25+$0x4010] =	vst v0  }
.Ltmp0:
0x16: {  	[tilespmem:s25+$0x4020] =	vst v0;
	(pc) =	sbr.rel @p0 .LBB2_2-.Ltmp0, $4  }
0x17: {  	[tilespmem:s25+$0x4030] =	vst v0  }
0x18: {  	[tilespmem:s25+$0x4040] =	vst v0  }
0x19: {  	[tilespmem:s25+$0x4050] =	vst v0  }
0x1a: {  	[tilespmem:s25+$0x4060] =	vst v0;
	s25 =	sshra.s32 s26, $0x2;
	s26 =	sadd.s32 $0x200, s26  }
0x1b: {  	[tilespmem:s25+$0x4070] =	vst v0  }
0x1c: {  	[tilespmem:s25+$0x4000] =	vst v0  }
0x1d: {  	[tilespmem:s25+$0x4010] =	vst v0  }
0x1e: {  	[tilespmem:s25+$0x4020] =	vst v0  }
0x1f: {  	[tilespmem:s25+$0x4030] =	vst v0  }
0x20: {  	[tilespmem:s25+$0x4040] =	vst v0  }
0x21: {  	[tilespmem:s25+$0x4050] =	vst v0  }
0x22: {  	[tilespmem:s25+$0x4060] =	vst v0  }
0x23: {  	[spmem:s4] =	stream.linear.scatter [tilespmem:s15], [sflag:$0x2], $0x2800, $0x38;
	[tilespmem:$0x1A800] =	vst v63  }
0x24: {  	_ =	swait.ge [sflag:s16], $0x2800  }
0x25: {  	[sflag:s16] =	ssyncset.done $0x0  }
0x26: {  	[sflag:s16] =	ssyncadd.s32 $0xFFFFD800  }
0x27: {  	[spmem:s6] =	stream.linear.scatter [tilespmem:s15], [sflag:$0x2], $0x2800, $0x38;
	[tilespmem:$0x1A800] =	vst v63  }
0x28: {  	_ =	swait.ge [sflag:s16], $0x2800  }
0x29: {  	[sflag:s16] =	ssyncset.done $0x0  }
0x2a: {  	[sflag:s16] =	ssyncadd.s32 $0xFFFFD800  }
0x2b: {  	[spmem:s7] =	stream.linear.scatter [tilespmem:s15], [sflag:$0x2], $0x2800, $0x38;
	[tilespmem:$0x1A800] =	vst v63  }
0x2c: {  	_ =	swait.ge [sflag:s16], $0x2800  }
0x2d: {  	[sflag:s16] =	ssyncset.done $0x0  }
0x2e: {  	[sflag:s16] =	ssyncadd.s32 $0xFFFFD800  }
0x2f: {  	[spmem:s8] =	stream.linear.scatter [tilespmem:s15], [sflag:$0x2], $0x2800, $0x38;
	[tilespmem:$0x1A800] =	vst v63  }
0x30: {  	_ =	swait.ge [sflag:s16], $0x2800  }
0x31: {  	[sflag:s16] =	ssyncset.done $0x0  }
0x32: {  	[sflag:s16] =	ssyncadd.s32 $0xFFFFD800  }
0x33: {  	[spmem:s9] =	stream.linear.scatter [tilespmem:s15], [sflag:$0x2], $0x2800, $0x38;
	[tilespmem:$0x1A800] =	vst v63  }
0x34: {  	_ =	swait.ge [sflag:s16], $0x2800  }
0x35: {  	[sflag:s16] =	ssyncset.done $0x0  }
0x36: {  	[sflag:s16] =	ssyncadd.s32 $0xFFFFD800  }
0x37: {  	[spmem:s10] =	stream.linear.scatter [tilespmem:s15], [sflag:$0x2], $0x2800, $0x38;
	[tilespmem:$0x1A800] =	vst v63  }
0x38: {  	_ =	swait.ge [sflag:s16], $0x2800  }
0x39: {  	[sflag:s16] =	ssyncset.done $0x0  }
0x3a: {  	[sflag:s16] =	ssyncadd.s32 $0xFFFFD800  }
0x3b: {  	[spmem:s11] =	stream.linear.scatter [tilespmem:s15], [sflag:$0x2], $0x2800, $0x38;
	[tilespmem:$0x1A800] =	vst v63  }
0x3c: {  	_ =	swait.ge [sflag:s16], $0x2800  }
0x3d: {  	[sflag:s16] =	ssyncset.done $0x0  }
0x3e: {  	[sflag:s16] =	ssyncadd.s32 $0xFFFFD800  }
0x3f: {  	[spmem:s12] =	stream.linear.scatter [tilespmem:s15], [sflag:$0x2], $0x2800, $0x38;
	[tilespmem:$0x1A800] =	vst v63  }
0x40: {  	_ =	swait.ge [sflag:s16], $0x2800  }
0x41: {  	[sflag:s16] =	ssyncset.done $0x0  }
0x42: {  	s25 =	simm.s32 $0x0;
	s26 =	simm.s32 $0x200;
	[sflag:s16] =	ssyncadd.s32 $0xFFFFD800  }
.LBB2_4:
0x43: {  	p0 =	sne.s32 s26, $0x9E00;
	[tilespmem:s25+$0x4070] =	vst v1  }
0x44: {  	[tilespmem:s25+$0x4000] =	vst v1  }
0x45: {  	[tilespmem:s25+$0x4010] =	vst v1  }
.Ltmp1:
0x46: {  	[tilespmem:s25+$0x4020] =	vst v1;
	(pc) =	sbr.rel @p0 .LBB2_4-.Ltmp1, $4  }
0x47: {  	[tilespmem:s25+$0x4030] =	vst v1  }
0x48: {  	[tilespmem:s25+$0x4040] =	vst v1  }
0x49: {  	[tilespmem:s25+$0x4050] =	vst v1  }
0x4a: {  	[tilespmem:s25+$0x4060] =	vst v1;
	s25 =	sshra.s32 s26, $0x2;
	s26 =	sadd.s32 $0x200, s26  }
0x4b: {  	[tilespmem:s25+$0x4070] =	vst v1  }
0x4c: {  	[tilespmem:s25+$0x4000] =	vst v1  }
0x4d: {  	[tilespmem:s25+$0x4010] =	vst v1  }
0x4e: {  	[tilespmem:s25+$0x4020] =	vst v1  }
0x4f: {  	[tilespmem:s25+$0x4030] =	vst v1  }
0x50: {  	[tilespmem:s25+$0x4040] =	vst v1  }
0x51: {  	[tilespmem:s25+$0x4050] =	vst v1  }
0x52: {  	[tilespmem:s25+$0x4060] =	vst v1  }
0x53: {  	_ =	swait.ge [sflag:s17], $0x3E80  }
0x54: {  	[sflag:s17] =	ssyncset.done $0x0  }
0x55: {  	[sflag:s17] =	ssyncadd.s32 $0xFFFFC180  }
0x56: {  	s26 =	simm.s32 $0x0;
	[bflag:$0x0] =	sbarrier.arrive $0xFFFF  }
0x57: {  	[spmem:s2] =	stream.indirect.scatter.add.f32 [tilespmem:s15], [sflag:$0x1], $0x80, s26, s18, $0xb8;
	[tilespmem:$0x1A800] =	vst v63  }
0x58: {  	s29 =	simm.s32 $0x80  }
0x59: {  	[spmem:s2] =	stream.indirect.scatter.add.f32 [tilespmem:s15], [sflag:$0x1], $0x80, s29, s18, $0xb8;
	[tilespmem:$0x1A800] =	vst v63  }
0x5a: {  	s30 =	simm.s32 $0x100  }
0x5b: {  	[spmem:s2] =	stream.indirect.scatter.add.f32 [tilespmem:s15], [sflag:$0x1], $0x80, s30, s18, $0xb8;
	[tilespmem:$0x1A800] =	vst v63  }
0x5c: {  	s31 =	simm.s32 $0x180  }
0x5d: {  	[spmem:s2] =	stream.indirect.scatter.add.f32 [tilespmem:s15], [sflag:$0x1], $0x80, s31, s18, $0xb8;
	[tilespmem:$0x1A800] =	vst v63  }
0x5e: {  	s26 =	simm.s32 $0x200  }
0x5f: {  	[spmem:s2] =	stream.indirect.scatter.add.f32 [tilespmem:s15], [sflag:$0x1], $0x80, s26, s18, $0xb8;
	[tilespmem:$0x1A800] =	vst v63  }
0x60: {  	s29 =	simm.s32 $0x280  }
0x61: {  	[spmem:s2] =	stream.indirect.scatter.add.f32 [tilespmem:s15], [sflag:$0x1], $0x80, s29, s18, $0xb8;
	[tilespmem:$0x1A800] =	vst v63  }
0x62: {  	s30 =	simm.s32 $0x300  }
0x63: {  	[spmem:s2] =	stream.indirect.scatter.add.f32 [tilespmem:s15], [sflag:$0x1], $0x80, s30, s18, $0xb8;
	[tilespmem:$0x1A800] =	vst v63  }
0x64: {  	s31 =	simm.s32 $0x380  }
0x65: {  	[spmem:s2] =	stream.indirect.scatter.add.f32 [tilespmem:s15], [sflag:$0x1], $0x80, s31, s18, $0xb8;
	[tilespmem:$0x1A800] =	vst v63  }
0x66: {  	_ =	swait.ge [sflag:s17], $0x2800  }
0x67: {  	[sflag:s17] =	ssyncset.done $0x0  }
0x68: {  	[sflag:s17] =	ssyncadd.s32 $0xFFFFD800  }
0x69: {  	_ =	swait.ge [sflag:s17], $0x2800  }
0x6a: {  	[sflag:s17] =	ssyncset.done $0x0  }
0x6b: {  	[sflag:s17] =	ssyncadd.s32 $0xFFFFD800  }
0x6c: {  	_ =	swait.ge [sflag:s17], $0x2800  }
0x6d: {  	[sflag:s17] =	ssyncset.done $0x0  }
0x6e: {  	[sflag:s17] =	ssyncadd.s32 $0xFFFFD800  }
0x6f: {  	_ =	swait.ge [sflag:s17], $0x2800  }
0x70: {  	[sflag:s17] =	ssyncset.done $0x0  }
0x71: {  	[sflag:s17] =	ssyncadd.s32 $0xFFFFD800  }
0x72: {  	_ =	swait.ge [sflag:s17], $0x2800  }
0x73: {  	[sflag:s17] =	ssyncset.done $0x0  }
0x74: {  	[sflag:s17] =	ssyncadd.s32 $0xFFFFD800  }
0x75: {  	_ =	swait.ge [sflag:s17], $0x2800  }
0x76: {  	[sflag:s17] =	ssyncset.done $0x0  }
0x77: {  	[sflag:s17] =	ssyncadd.s32 $0xFFFFD800  }
0x78: {  	_ =	swait.ge [sflag:s17], $0x2800  }
0x79: {  	[sflag:s17] =	ssyncset.done $0x0  }
0x7a: {  	[sflag:s17] =	ssyncadd.s32 $0xFFFFD800  }
0x7b: {  	_ =	swait.ge [sflag:s17], $0x2800  }
0x7c: {  	s25 =	simm.s32 $0x1000;
	s28 =	simm.s32 $0x2000;
	[sflag:s17] =	ssyncset.done $0x0  }
.LBB2_6:
0x7d: {  	s29 =	sshra.s32 s25, $0x2  }
0x7e: {  	[sflag:s17] =	ssyncadd.s32 $0xFFFFD800;
	s25 =	smov.u32 s28;
	s26 =	sadd.s32 $0x1000, s28  }
0x7f: {  	[spmem:s2] =	stream.indirect.scatter.add.f32 [tilespmem:s15], [sflag:$0x1], $0x80, s29, s18, $0xb8;
	[tilespmem:$0x1A800] =	vst v63  }
0x80: {  	p0 =	sne.s32 s28, $0xE000;
	s28 =	sadd.s32 $0x80, s29  }
0x81: {  	[spmem:s2] =	stream.indirect.scatter.add.f32 [tilespmem:s15], [sflag:$0x1], $0x80, s28, s18, $0xb8;
	[tilespmem:$0x1A800] =	vst v63  }
0x82: {  	s28 =	sadd.s32 $0x100, s29  }
0x83: {  	[spmem:s2] =	stream.indirect.scatter.add.f32 [tilespmem:s15], [sflag:$0x1], $0x80, s28, s18, $0xb8;
	[tilespmem:$0x1A800] =	vst v63  }
0x84: {  	s28 =	sadd.s32 $0x180, s29  }
0x85: {  	[spmem:s2] =	stream.indirect.scatter.add.f32 [tilespmem:s15], [sflag:$0x1], $0x80, s28, s18, $0xb8;
	[tilespmem:$0x1A800] =	vst v63  }
0x86: {  	s28 =	sadd.s32 $0x200, s29  }
0x87: {  	[spmem:s2] =	stream.indirect.scatter.add.f32 [tilespmem:s15], [sflag:$0x1], $0x80, s28, s18, $0xb8;
	[tilespmem:$0x1A800] =	vst v63  }
0x88: {  	s28 =	sadd.s32 $0x280, s29  }
0x89: {  	[spmem:s2] =	stream.indirect.scatter.add.f32 [tilespmem:s15], [sflag:$0x1], $0x80, s28, s18, $0xb8;
	[tilespmem:$0x1A800] =	vst v63  }
0x8a: {  	s28 =	sadd.s32 $0x300, s29  }
0x8b: {  	[spmem:s2] =	stream.indirect.scatter.add.f32 [tilespmem:s15], [sflag:$0x1], $0x80, s28, s18, $0xb8;
	[tilespmem:$0x1A800] =	vst v63  }
0x8c: {  	s28 =	sadd.s32 $0x380, s29  }
0x8d: {  	[spmem:s2] =	stream.indirect.scatter.add.f32 [tilespmem:s15], [sflag:$0x1], $0x80, s28, s18, $0xb8;
	[tilespmem:$0x1A800] =	vst v63  }
0x8e: {  	_ =	swait.ge [sflag:s17], $0x2800  }
0x8f: {  	[sflag:s17] =	ssyncset.done $0x0  }
0x90: {  	[sflag:s17] =	ssyncadd.s32 $0xFFFFD800  }
0x91: {  	_ =	swait.ge [sflag:s17], $0x2800  }
0x92: {  	[sflag:s17] =	ssyncset.done $0x0  }
0x93: {  	[sflag:s17] =	ssyncadd.s32 $0xFFFFD800  }
0x94: {  	_ =	swait.ge [sflag:s17], $0x2800  }
0x95: {  	[sflag:s17] =	ssyncset.done $0x0  }
0x96: {  	[sflag:s17] =	ssyncadd.s32 $0xFFFFD800  }
0x97: {  	_ =	swait.ge [sflag:s17], $0x2800  }
0x98: {  	[sflag:s17] =	ssyncset.done $0x0  }
0x99: {  	[sflag:s17] =	ssyncadd.s32 $0xFFFFD800  }
0x9a: {  	_ =	swait.ge [sflag:s17], $0x2800  }
0x9b: {  	[sflag:s17] =	ssyncset.done $0x0  }
0x9c: {  	[sflag:s17] =	ssyncadd.s32 $0xFFFFD800  }
0x9d: {  	_ =	swait.ge [sflag:s17], $0x2800  }
0x9e: {  	[sflag:s17] =	ssyncset.done $0x0  }
0x9f: {  	[sflag:s17] =	ssyncadd.s32 $0xFFFFD800  }
.Ltmp2:
0xa0: {  	_ =	swait.ge [sflag:s17], $0x2800;
	(pc) =	sbr.rel @p0 .LBB2_6-.Ltmp2, $4  }
0xa1: {  	[sflag:s17] =	ssyncset.done $0x0  }
0xa2: {  	[sflag:s17] =	ssyncadd.s32 $0xFFFFD800  }
0xa3: {  	_ =	swait.ge [sflag:s17], $0x2800  }
0xa4: {  	s28 =	smov.u32 s26;
	[sflag:s17] =	ssyncset.done $0x0  }
0xa5: {  	s25 =	sshra.s32 s25, $0x2;
	[sflag:s17] =	ssyncadd.s32 $0xFFFFD800  }
0xa6: {  	[spmem:s2] =	stream.indirect.scatter.add.f32 [tilespmem:s15], [sflag:$0x1], $0x80, s25, s18, $0xb8;
	[tilespmem:$0x1A800] =	vst v63  }
0xa7: {  	s26 =	sadd.s32 $0x80, s25  }
0xa8: {  	[spmem:s2] =	stream.indirect.scatter.add.f32 [tilespmem:s15], [sflag:$0x1], $0x80, s26, s18, $0xb8;
	[tilespmem:$0x1A800] =	vst v63  }
0xa9: {  	s29 =	sadd.s32 $0x100, s25  }
0xaa: {  	[spmem:s2] =	stream.indirect.scatter.add.f32 [tilespmem:s15], [sflag:$0x1], $0x80, s29, s18, $0xb8;
	[tilespmem:$0x1A800] =	vst v63  }
0xab: {  	s30 =	sadd.s32 $0x180, s25  }
0xac: {  	[spmem:s2] =	stream.indirect.scatter.add.f32 [tilespmem:s15], [sflag:$0x1], $0x80, s30, s18, $0xb8;
	[tilespmem:$0x1A800] =	vst v63  }
0xad: {  	s31 =	sadd.s32 $0x200, s25  }
0xae: {  	[spmem:s2] =	stream.indirect.scatter.add.f32 [tilespmem:s15], [sflag:$0x1], $0x80, s31, s18, $0xb8;
	[tilespmem:$0x1A800] =	vst v63  }
0xaf: {  	s28 =	sadd.s32 $0x280, s25  }
0xb0: {  	[spmem:s2] =	stream.indirect.scatter.add.f32 [tilespmem:s15], [sflag:$0x1], $0x80, s28, s18, $0xb8;
	[tilespmem:$0x1A800] =	vst v63  }
0xb1: {  	s29 =	sadd.s32 $0x300, s25  }
0xb2: {  	[spmem:s2] =	stream.indirect.scatter.add.f32 [tilespmem:s15], [sflag:$0x1], $0x80, s29, s18, $0xb8;
	[tilespmem:$0x1A800] =	vst v63  }
0xb3: {  	s25 =	sadd.s32 $0x380, s25  }
0xb4: {  	[spmem:s2] =	stream.indirect.scatter.add.f32 [tilespmem:s15], [sflag:$0x1], $0x80, s25, s18, $0xb8;
	[tilespmem:$0x1A800] =	vst v63  }
0xb5: {  	_ =	swait.ge [sflag:s17], $0x2800  }
0xb6: {  	[sflag:s17] =	ssyncset.done $0x0  }
0xb7: {  	[sflag:s17] =	ssyncadd.s32 $0xFFFFD800  }
0xb8: {  	_ =	swait.ge [sflag:s17], $0x2800  }
0xb9: {  	[sflag:s17] =	ssyncset.done $0x0  }
0xba: {  	[sflag:s17] =	ssyncadd.s32 $0xFFFFD800  }
0xbb: {  	_ =	swait.ge [sflag:s17], $0x2800  }
0xbc: {  	[sflag:s17] =	ssyncset.done $0x0  }
0xbd: {  	[sflag:s17] =	ssyncadd.s32 $0xFFFFD800  }
0xbe: {  	_ =	swait.ge [sflag:s17], $0x2800  }
0xbf: {  	[sflag:s17] =	ssyncset.done $0x0  }
0xc0: {  	[sflag:s17] =	ssyncadd.s32 $0xFFFFD800  }
0xc1: {  	_ =	swait.ge [sflag:s17], $0x2800  }
0xc2: {  	[sflag:s17] =	ssyncset.done $0x0  }
0xc3: {  	[sflag:s17] =	ssyncadd.s32 $0xFFFFD800  }
0xc4: {  	_ =	swait.ge [sflag:s17], $0x2800  }
0xc5: {  	[sflag:s17] =	ssyncset.done $0x0  }
0xc6: {  	[sflag:s17] =	ssyncadd.s32 $0xFFFFD800  }
0xc7: {  	_ =	swait.ge [sflag:s17], $0x2800  }
0xc8: {  	[sflag:s17] =	ssyncset.done $0x0  }
0xc9: {  	[sflag:s17] =	ssyncadd.s32 $0xFFFFD800  }
0xca: {  	_ =	swait.ge [sflag:s17], $0x2800  }
0xcb: {  	[sflag:s17] =	ssyncset.done $0x0  }
0xcc: {  	[sflag:s17] =	ssyncadd.s32 $0xFFFFD800  }
0xcd: {  	[spmem:s2] =	stream.indirect.scatter.add.f32 [tilespmem:s15], [sflag:$0x2], $0x80, s19, s18, $0xb8;
	[tilespmem:$0x1A800] =	vst v63  }
0xce: {  	_ =	swait.ge [sflag:s16], $0x2800  }
0xcf: {  	[sflag:s16] =	ssyncset.done $0x0  }
0xd0: {  	[sflag:s16] =	ssyncadd.s32 $0xFFFFD800  }
0xd1: {  	[spmem:s2] =	stream.indirect.scatter.add.f32 [tilespmem:s15], [sflag:$0x2], $0x80, s20, s18, $0xb8;
	[tilespmem:$0x1A800] =	vst v63  }
0xd2: {  	_ =	swait.ge [sflag:s16], $0x2800  }
0xd3: {  	[sflag:s16] =	ssyncset.done $0x0  }
0xd4: {  	[sflag:s16] =	ssyncadd.s32 $0xFFFFD800  }
0xd5: {  	[spmem:s2] =	stream.indirect.scatter.add.f32 [tilespmem:s15], [sflag:$0x2], $0x80, s21, s18, $0xb8;
	[tilespmem:$0x1A800] =	vst v63  }
0xd6: {  	_ =	swait.ge [sflag:s16], $0x2800  }
0xd7: {  	[sflag:s16] =	ssyncset.done $0x0  }
0xd8: {  	[sflag:s16] =	ssyncadd.s32 $0xFFFFD800  }
0xd9: {  	[spmem:s2] =	stream.indirect.scatter.add.f32 [tilespmem:s15], [sflag:$0x2], $0x80, s22, s18, $0xb8;
	[tilespmem:$0x1A800] =	vst v63  }
0xda: {  	_ =	swait.ge [sflag:s16], $0x2800  }
0xdb: {  	[sflag:s16] =	ssyncset.done $0x0  }
0xdc: {  	[sflag:s16] =	ssyncadd.s32 $0xFFFFD800  }
0xdd: {  	[spmem:s2] =	stream.indirect.scatter.add.f32 [tilespmem:s15], [sflag:$0x2], $0x80, s23, s18, $0xb8;
	[tilespmem:$0x1A800] =	vst v63  }
0xde: {  	s24 =	sadd.s32 $0x1, s24;
	_ =	swait.ge [sflag:s16], $0x2800  }
0xdf: {  	p0 =	sne.s32 s24, s14;
	[sflag:s16] =	ssyncset.done $0x0  }
0xe0: {  	s30 =	sshll.u32 s0, $0x6;
	s31 =	sshrl.u32 s4, $0x3;
	[sflag:s16] =	ssyncadd.s32 $0xFFFFD800  }
.Ltmp3:
0xe1: {  	s25 =	sor.u32 $0x1C02, s30;
	[bflag:$0x0] =	sbarrier.arrive $0xFFFF;
	(pc) =	sbr.rel @p0 .LBB2_1-.Ltmp3, $4  }
0xe2: {  	[hbm:s13], [sflag:s25] =	dma.local [spmem:s31], $0x2800  }
0xe3: {  	_ =	swait.ge [sflag:s16], $0x2800  }
0xe4: {  	[sflag:s16] =	ssyncset.done $0x0  }
0xe5: {  	[sflag:s16] =	ssyncadd.s32 $0xFFFFD800  }
0xe6: {  	_ =	sfence.sel $0x180000  }
0xe7: {  	[bflag:$0x0] =	sbarrier.arrive $0xFFFF  }
0xe8: {  	p0 =	sne.s32 s0, $0x0;
	_ =	strace $0x9000004A  }
0xe9: {  	s0 =	sadd.s32 @!p0 $0x100000, s1;
	[bflag:$0x2] =	sbarrier.arrive $0xFFFF  }
0xea: {  	[sflag:s0] =	ssyncadd.tile.s32 @!p0 $0x1;
	_ =	shalt  }
.Lfunc_end2:
_tile_overlayer_lowered:
.L_overlay_start_2:
0xeb: {  	(tag) =	ssettag $0x2  }
0xec: {  	s0 =	rddreg [dreg:$0x0];
	s2 =	stileid.u32  }
0xed: {  	s1 =	rddreg [dreg:$0x1];
	p0 =	sne.s32 s2, $0x0  }
0xee: {  	s3 =	rddreg [dreg:$0x2];
	[bflag:$0x3] =	sbarrier.arrive $0xFFFF;
	s2 =	simm.s32 @!p0 $0x1C02  }
0xef: {  	[timem:s3], [sflag:s2] =	dma.local @!p0 [hbm:s0], s1  }
0xf0: {  	s0 =	simm.s32 @!p0 $0x2  }
0xf1: {  	_ =	swait.ge @!p0 [sflag:s0], s1  }
0xf2: {  	s1 =	ssub.s32 @!p0 $0x0, s1;
	[sflag:s0] =	ssyncset.done @!p0 $0x0  }
0xf3: {  	[sflag:s0] =	ssyncadd.s32 @!p0 s1  }
0xf4: {  	[bflag:$0x3] =	sbarrier.arrive $0xFFFF  }
0xf5: {  	_ =	shalt  }

// kernel: kernel.13.cloned.1.call-start
scs
__scs_entry_jumppad:
0x0: {  	(pc) =	sbr.rel $0x88, $3  }
0x1: {  	(tag) =	ssettag $0x0;
	lr =	simm.s32 $0x1  }
0x2: {  	[smem:$0x3F97] =	sst lr;
	_ =	strace $0xD0000000  }
0x3: {  	_ = 	snop  }
0x4: {  	_ = 	snop  }
0x5: {  	_ = 	snop  }
0x6: {  	_ = 	snop  }
0x7: {  	_ = 	snop  }
__scs_overlays_trampoline_lowered:
0x8: {  	[smem:$0x3FA6] =	sst s0  }
0x9: {  	[smem:$0x3FA7] =	sst s1  }
0xa: {  	[smem:$0x3FA8] =	sst s2  }
0xb: {  	[smem:$0x3FA9] =	sst s3  }
0xc: {  	[smem:$0x3FAA] =	sst s4  }
0xd: {  	[smem:$0x3FAB] =	sst s5  }
0xe: {  	[smem:$0x3FAC] =	sst s6  }
0xf: {  	[smem:$0x3FAD] =	sst s7  }
0x10: {  	[smem:$0x3FAE] =	sst s8  }
0x11: {  	[smem:$0x3FAF] =	sst s9;
	s0 =	simm.s32 @!p0 $0x0  }
0x12: {  	s1 =	sld [smem:$0x3F95];
	s0 =	simm.s32 @p0 $0x1  }
0x13: {  	[smem:$0x3FB0] =	sst s0;
	s0 =	simm.s32 @!p1 $0x0  }
0x14: {  	s2 =	sld [smem:$0x3F94];
	s0 =	simm.s32 @p1 $0x1  }
0x15: {  	[smem:$0x3FB1] =	sst s0;
	s0 =	simm.s32 @!p2 $0x0  }
0x16: {  	s3 =	sld [smem:$0x3FDB];
	s0 =	simm.s32 @p2 $0x1  }
0x17: {  	s4 =	simm.s32 $0x1BF5;
	[smem:$0x3FB3] =	sst s0  }
0x18: {  	s0 =	sld [smem:$0x3F96];
	_ =	swait.ge [sflag:s4], $0x0  }
0x19: {  	s7 =	sld [smem:$0x3F97]  }
0x1a: {  	s8 =	sadd.s32 $0xFFFFE003, lr  }
0x1b: {  	s9 =	sadd.s32 $0xFFFFFEF7, lr;
	s5 =	simm.s32 $0xFFFFFFFF;
	p2 =	slt.u32 s8, $0xFFFFF086  }
0x1c: {  	p1 =	slt.u32 s9, $0xF7A;
	s5 =	simm.s32 @!p2 $0x0  }
0x1d: {  	s5 =	simm.s32 @p1 $0x1;
	p0 =	seq.s32 s7, s2  }
0x1e: {  	s7 =	smul.u32 @!p0 $0xF7A, s2;
	p2 =	seq.s32 @!p0 s5, $0x0  }
0x1f: {  	s9 =	smul.u32 $0xF7A, s1;
	s8 =	simm.s32 @!p0 $0x1BF5;
	p2 =	por !p2, p0  }
0x20: {  	[sflag:s8] =	ssyncset.s32 @!p0 $0xFFFFF086;
	s6 =	sadd.s32 @!p0 s3, s7;
	s7 =	simm.s32 @!p0 $0x108  }
0x21: {  	s3 =	sadd.s32 s3, s9;
	s6 =	sadd.s32 @!p0 $0x88, s6;
	s7 =	simm.s32 @p2 $0x1082  }
0x22: {  	[simem:s7], [sflag:s8] =	dma.local @!p0 [hbm:s6], $0xF7A  }
0x23: {  	s9 =	sor.u32 $0xD0000000, s2;
	s6 =	simm.s32 $0x108;
	_ =	swait.ge @!p0 [sflag:s8], $0x0  }
0x24: {  	s3 =	sadd.s32 $0x88, s3;
	s6 =	simm.s32 @!p1 $0x1082;
	[sflag:s4] =	ssyncset.s32 $0xFFFFF086  }
0x25: {  	[simem:s6], [sflag:s4] =	dma.local [hbm:s3], $0xF7A  }
0x26: {  	[smem:$0x3F97] =	sst s1;
	(tag) =	ssettag s2;
	_ =	strace s9  }
0x27: {  	s1 =	sld [smem:$0x3FA7]  }
0x28: {  	s2 =	sld [smem:$0x3FA8]  }
0x29: {  	s4 =	sld [smem:$0x3FAA]  }
0x2a: {  	p0 =	seq.s32 s5, $0x0;
	s5 =	sld [smem:$0x3FAB]  }
0x2b: {  	s6 =	sld [smem:$0x3FAC]  }
0x2c: {  	s7 =	sld [smem:$0x3FAD]  }
0x2d: {  	s3 =	simm.s32 $0x108;
	s8 =	sld [smem:$0x3FAE]  }
0x2e: {  	s3 =	simm.s32 @!p0 $0x1082;
	s9 =	sld [smem:$0x3FAF]  }
0x2f: {  	lr =	sadd.s32 s0, s3;
	s0 =	sld [smem:$0x3FA6]  }
0x30: {  	s3 =	sld [smem:$0x3FA9]  }
0x31: {  	[smem:$0x3FB2] =	sst s10  }
0x32: {  	s10 =	sld [smem:$0x3FB0];
	_ =	sdelay $0x3  }
0x33: {  	p0 =	seq.s32 s10, $0x1;
	s10 =	sld [smem:$0x3FB2];
	_ =	sdelay $0x3  }
0x34: {  	[smem:$0x3FB2] =	sst s10  }
0x35: {  	s10 =	sld [smem:$0x3FB1];
	_ =	sdelay $0x3  }
0x36: {  	p1 =	seq.s32 s10, $0x1;
	s10 =	sld [smem:$0x3FB2];
	_ =	sdelay $0x3  }
0x37: {  	[smem:$0x3FB2] =	sst s10  }
0x38: {  	s10 =	sld [smem:$0x3FB3]  }
0x39: {  	_ = 	snop;
	(pc) =	sbr.ind lr, $3  }
0x3a: {  	_ = 	snop  }
0x3b: {  	_ = 	snop  }
0x3c: {  	p2 =	seq.s32 s10, $0x1;
	s10 =	sld [smem:$0x3FB2]  }
0x3d: {  	_ =	shalt  }
0x3e: {  	_ =	shalt  }
0x3f: {  	_ =	shalt  }
0x40: {  	_ =	shalt  }
0x41: {  	_ =	shalt  }
0x42: {  	_ =	shalt  }
0x43: {  	_ =	shalt  }
0x44: {  	_ =	shalt  }
0x45: {  	_ =	shalt  }
0x46: {  	_ =	shalt  }
0x47: {  	_ =	shalt  }
0x48: {  	_ =	shalt  }
0x49: {  	_ =	shalt  }
0x4a: {  	_ =	shalt  }
0x4b: {  	_ =	shalt  }
0x4c: {  	_ =	shalt  }
0x4d: {  	_ =	shalt  }
0x4e: {  	_ =	shalt  }
0x4f: {  	_ =	shalt  }
0x50: {  	_ =	shalt  }
0x51: {  	_ =	shalt  }
0x52: {  	_ =	shalt  }
0x53: {  	_ =	shalt  }
0x54: {  	_ =	shalt  }
0x55: {  	_ =	shalt  }
0x56: {  	_ =	shalt  }
0x57: {  	_ =	shalt  }
0x58: {  	_ =	shalt  }
0x59: {  	_ =	shalt  }
0x5a: {  	_ =	shalt  }
0x5b: {  	_ =	shalt  }
0x5c: {  	_ =	shalt  }
0x5d: {  	_ =	shalt  }
0x5e: {  	_ =	shalt  }
0x5f: {  	_ =	shalt  }
0x60: {  	_ =	shalt  }
0x61: {  	_ =	shalt  }
0x62: {  	_ =	shalt  }
0x63: {  	_ =	shalt  }
0x64: {  	_ =	shalt  }
0x65: {  	_ =	shalt  }
0x66: {  	_ =	shalt  }
0x67: {  	_ =	shalt  }
0x68: {  	_ =	shalt  }
0x69: {  	_ =	shalt  }
0x6a: {  	_ =	shalt  }
0x6b: {  	_ =	shalt  }
0x6c: {  	_ =	shalt  }
0x6d: {  	_ =	shalt  }
0x6e: {  	_ =	shalt  }
0x6f: {  	_ =	shalt  }
0x70: {  	_ =	shalt  }
0x71: {  	_ =	shalt  }
0x72: {  	_ =	shalt  }
0x73: {  	_ =	shalt  }
0x74: {  	_ =	shalt  }
0x75: {  	_ =	shalt  }
0x76: {  	_ =	shalt  }
0x77: {  	_ =	shalt  }
0x78: {  	_ =	shalt  }
0x79: {  	_ =	shalt  }
0x7a: {  	_ =	shalt  }
0x7b: {  	_ =	shalt  }
0x7c: {  	_ =	shalt  }
0x7d: {  	_ =	shalt  }
0x7e: {  	_ =	shalt  }
0x7f: {  	_ =	shalt  }
0x80: {  	_ =	shalt  }
0x81: {  	_ =	shalt  }
0x82: {  	_ =	shalt  }
0x83: {  	_ =	shalt  }
0x84: {  	_ =	shalt  }
0x85: {  	_ =	shalt  }
0x86: {  	_ =	shalt  }
0x87: {  	_ =	shalt  }
.Lfunc_end0:
.L_simem_size_0:
called_computation.1_lowered:
.L_overlay_start_0:
0x88: {  	s2 =	sld [smem:$0x3FD9]  }
0x89: {  	s3 =	sld [smem:$0x3FFE];
	_ =	sdelay $0x1  }
0x8a: {  	s1 =	srdreg.scid  }
0x8b: {  	s0 =	sand.u32 $0x1, s1  }
0x8c: {  	s17 =	sshll.u32 s0, $0xA;
	s2 =	sadd.s32 s3, s2  }
0x8d: {  	s2 =	sadd.s32 s2, s17  }
0x8e: {  	[smem:$0x3FBE] =	sst s2  }
0x8f: {  	_ = 	snop  }
0x90: {  	s2 =	sld [smem:$0x3FD0];
	(tm) =	ssettm $0x1  }
0x91: {  	s18 =	sld [smem:$0x3FFB];
	_ =	sdelay $0x3  }
0x92: {  	_ =	strace s18  }
0x93: {  	s3 =	sld [smem:$0x3FFC];
	_ =	sdelay $0x3  }
0x94: {  	_ =	strace s3  }
0x95: {  	s3 =	sld [smem:$0x3FFD];
	_ =	sdelay $0x3  }
0x96: {  	_ =	strace s3  }
0x97: {  	_ =	strace $0x8FFFFFFF  }
0x98: {  	s19 =	sld [smem:$0x3FDB];
	_ =	sdelay $0x1  }
0x99: {  	s4 =	simm.s32 $_scs_section_size  }
0x9a: {  	s5 =	simm.s32 $_size__tile_overlayer_lowered;
	s6 =	simm.s32 $_tile_overlayer_lowered  }
0x9b: {  	s22 =	simm.s32 $0x1BFF;
	s21 =	sshll.u32 s6, $0x1;
	s3 =	sadd.s32 s4, s19  }
0x9c: {  	s7 =	simm.s32 $0x0;
	s20 =	sshll.u32 s5, $0x1;
	s5 =	sadd.s32 s21, s3  }
0x9d: {  	[timem:s7], [sflag:s22] =	dma.local [hbm:s5], s20  }
0x9e: {  	_ =	swait.ge [sflag:s22], s20  }
0x9f: {  	s4 =	ssub.s32 $0x0, s20;
	[sflag:s22] =	ssyncset.done $0x0  }
0xa0: {  	[sflag:s22] =	ssyncadd.s32 s4;
	_ =	sdelay $0x1  }
0xa1: {  	s23 =	simm.s32 $0x1B8B  }
0xa2: {  	_ =	swait.ge [sflag:s23], $0x1  }
0xa3: {  	[sflag:s23] =	ssyncset.done $0x0  }
0xa4: {  	s25 =	simm.s32 $0x1B8E;
	s24 =	sld [smem:$0x3FFE];
	[sflag:s23] =	ssyncadd.s32 $0xFFFFFFFF  }
0xa5: {  	s26 =	simm.s32 $execute0_lowered;
	[smem:$0x3FD2] =	sst s25  }
0xa6: {  	s5 =	sshll.u32 s26, $0x1;
	_ =	strace $0x80000046;
	[dreg:$0x1] =	wrdreg $0xFFFFFFFF  }
0xa7: {  	s28 =	simm.s32 $_size_execute0_lowered;
	s3 =	sadd.s32 s3, s5;
	[dreg:$0x0] =	wrdreg $0x0  }
0xa8: {  	s5 =	sshll.u32 s28, $0x1;
	[dreg:$0x2] =	wrdreg s3  }
0xa9: {  	[dreg:$0x3] =	wrdreg s5  }
0xaa: {  	[dreg:$0x4] =	wrdreg $0xC0  }
0xab: {  	_ =	task [dreg:s7], $0x5FFFF  }
0xac: {  	[dreg:$0x1] =	wrdreg $0xFFFFFFFF  }
0xad: {  	[dreg:$0x0] =	wrdreg $0x60  }
0xae: {  	[dreg:$0x2] =	wrdreg s2  }
0xaf: {  	[dreg:$0x3] =	wrdreg s24  }
0xb0: {  	[dreg:$0x4] =	wrdreg $0xB7800  }
0xb1: {  	[dreg:$0x5] =	wrdreg $0xA  }
0xb2: {  	_ =	task.clear_ibuf [dreg:s7], $0x6FFFF;
	_ =	strace $0x90000046  }
0xb3: {  	s29 =	simm.s32 $0xA;
	_ =	strace $0x80000048  }
0xb4: {  	_ =	swait.ge [sflag:s29], $0x1  }
0xb5: {  	[sflag:s29] =	ssyncadd.s32 $0xFFFFFFFF  }
0xb6: {  	_ =	strace $0x90000048  }
0xb7: {  	_ =	sfence  }
0xb8: {  	s30 =	sld [smem:$0x0];
	_ =	sdelay $0x2  }
0xb9: {  	s31 =	sshll.u32 s1, $0xD;
	s1 =	sshrl.u32 s1, $0x2  }
0xba: {  	s3 =	sand.u32 $0x4000, s31;
	s1 =	sadd.s32 s1, s30  }
0xbb: {  	s0 =	sor.u32 s3, s0;
	s1 =	sshll.u32 s1, $0x11  }
0xbc: {  	s0 =	sor.u32 s1, s0  }
0xbd: {  	s0 =	sadd.s32 $0x8F2B, s0  }
0xbe: {  	[sflag:s0] =	ssyncadd.remote.s32 $0x1  }
0xbf: {  	_ =	sfence.sel $0xFFFF  }
0xc0: {  	[dreg:$0x0] =	wrdreg $0xFFFFFFFF;
	(pc) =	sbr.abs _section_cstart, $3  }
0xc1: {  	[dreg:$0x1] =	wrdreg $0xFFFFFFFF  }
0xc2: {  	_ =	task.clear_ibuf [dreg:s7], $0x2FFFF;
	_ =	strace $0x9FFFFFFF  }
0xc3: {  	(tm) =	ssettm $0x7FFFFFFF  }
tec
execute0_lowered:
.L_overlay_start_1:
0x0: {  	(tag) =	ssettag $0x1  }
0x1: {  	s1 =	rddreg [dreg:$0x0]  }
0x2: {  	s0 =	srdreg.scid;
	s5 =	rddreg [dreg:$0x1]  }
0x3: {  	s9 =	stileid.u32;
	s3 =	rddreg [dreg:$0x2];
	s19 =	simm.s32 $0x2780  }
0x4: {  	s20 =	simm.s32 $0x6780;
	s21 =	simm.s32 $0x6;
	s22 =	simm.s32 $0x1  }
0x5: {  	s23 =	simm.s32 $0x50;
	s24 =	simm.s32 $0x2;
	s25 =	simm.s32 $0x8F80  }
0x6: {  	s26 =	simm.s32 $0x3;
	s28 =	simm.s32 $0x4;
	s29 =	simm.s32 $0x5  }
0x7: {  	s0 =	sand.u32 $0x1, s0;
	s7 =	sshll.u32 s9, $0x7;
	s8 =	smul.u32 $0x14000, s9  }
0x8: {  	s2 =	sshll.u32 s0, $0x4;
	s7 =	sand.u32 $0x380, s7;
	s30 =	smul.u32 $0x140000, s0  }
0x9: {  	s0 =	ssub.s32 $0x2, s0;
	s2 =	sor.u32 s9, s2;
	s9 =	smul.u32 $0x50000, s9  }
0xa: {  	s31 =	sshrl.u32 s0, $0x1;
	s4 =	sshrl.u32 s2, $0x3;
	s2 =	sshll.u32 s2, $0xB  }
0xb: {  	s0 =	ssub.s32 s0, s31;
	s6 =	smul.u32 $0x13C00, s4;
	s4 =	simm.s32 $0x0  }
0xc: {  	s2 =	sadd.s32 s2, s5;
	s9 =	sshrl.u32 s9, $0x2;
	s16 =	smax.u32 s0, $0x1  }
0xd: {  	s0 =	simm.s32 $0x0;
	s6 =	sor.u32 s7, s6;
	s7 =	sadd.s32 s8, s30  }
0xe: {  	[smem:$0x7FF] =	sst s4;
	s6 =	sshrl.u32 s6, $0x3;
	s7 =	sshrl.u32 s7, $0x3  }
0xf: {  	_ =	strace $0x80000047;
	s6 =	sadd.s32 s6, s5;
	s15 =	sadd.s32 s7, s5  }
0x10: {  	s5 =	sadd.s32 s9, s3;
	s7 =	sadd.s32 $0x2A00, s2;
	s2 =	simm.s32 $0x6580  }
0x11: {  	s6 =	sadd.s32 $0x12A00, s6;
	s8 =	sadd.s32 $0x2800, s5;
	s9 =	sadd.s32 $0x5000, s5  }
0x12: {  	s10 =	sadd.s32 $0x7800, s5;
	s11 =	sadd.s32 $0xA000, s5;
	s12 =	sadd.s32 $0xC800, s5  }
0x13: {  	v0 =	vimm.f32 $0.0e+00;
	s13 =	sadd.s32 $0xF000, s5;
	s14 =	sadd.s32 $0x11800, s5;
	s15 =	sadd.s32 $0x1C800, s15  }
.LBB2_1:
0x14: {  	s17 =	simm.s32 $0x80;
	s18 =	simm.s32 $0x400  }
0x15: {  	[tilespmem:s4], [sflag:$0x1] =	stream.strided.gather [hbm4b:s6+s17], $0x2780, s18, s17, $0x38;
	[tilespmem:$0x1F780] =	vst v63  }
0x16: {  	s17 =	simm.s32 $0x0;
	s18 =	simm.s32 $0x200  }
0x17: {  	[tilespmem:s19], [sflag:$0x1] =	stream.linear.gather [hbm4b:s7+s4], $0x3E80, $0x38;
	[tilespmem:$0x1F780] =	vst v63  }
.LBB2_2:
0x18: {  	p0 =	sne.s32 s18, $0x9E00;
	[tilespmem:s17+$0x67F0] =	vst v0  }
0x19: {  	[tilespmem:s17+$0x6780] =	vst v0  }
0x1a: {  	[tilespmem:s17+$0x6790] =	vst v0  }
.Ltmp0:
0x1b: {  	[tilespmem:s17+$0x67A0] =	vst v0;
	(pc) =	sbr.rel @p0 .LBB2_2-.Ltmp0, $4  }
0x1c: {  	[tilespmem:s17+$0x67B0] =	vst v0  }
0x1d: {  	[tilespmem:s17+$0x67C0] =	vst v0  }
0x1e: {  	[tilespmem:s17+$0x67D0] =	vst v0  }
0x1f: {  	[tilespmem:s17+$0x67E0] =	vst v0;
	s17 =	sshra.s32 s18, $0x2;
	s18 =	sadd.s32 $0x200, s18  }
0x20: {  	[tilespmem:s17+$0x67F0] =	vst v0  }
0x21: {  	[tilespmem:s17+$0x6780] =	vst v0  }
0x22: {  	[tilespmem:s17+$0x6790] =	vst v0  }
0x23: {  	[tilespmem:s17+$0x67A0] =	vst v0  }
0x24: {  	[tilespmem:s17+$0x67B0] =	vst v0  }
0x25: {  	[tilespmem:s17+$0x67C0] =	vst v0  }
0x26: {  	[tilespmem:s17+$0x67D0] =	vst v0  }
0x27: {  	[tilespmem:s17+$0x67E0] =	vst v0  }
0x28: {  	[spmem:s5] =	stream.linear.scatter [tilespmem:s20], [sflag:$0x6], $0x2800, $0x38;
	[tilespmem:$0x1F780] =	vst v63  }
0x29: {  	_ =	swait.ge [sflag:s21], $0x2800  }
0x2a: {  	[sflag:s21] =	ssyncset.done $0x0  }
0x2b: {  	[sflag:s21] =	ssyncadd.s32 $0xFFFFD800  }
0x2c: {  	[spmem:s8] =	stream.linear.scatter [tilespmem:s20], [sflag:$0x6], $0x2800, $0x38;
	[tilespmem:$0x1F780] =	vst v63  }
0x2d: {  	_ =	swait.ge [sflag:s21], $0x2800  }
0x2e: {  	[sflag:s21] =	ssyncset.done $0x0  }
0x2f: {  	[sflag:s21] =	ssyncadd.s32 $0xFFFFD800  }
0x30: {  	[spmem:s9] =	stream.linear.scatter [tilespmem:s20], [sflag:$0x6], $0x2800, $0x38;
	[tilespmem:$0x1F780] =	vst v63  }
0x31: {  	_ =	swait.ge [sflag:s21], $0x2800  }
0x32: {  	[sflag:s21] =	ssyncset.done $0x0  }
0x33: {  	[sflag:s21] =	ssyncadd.s32 $0xFFFFD800  }
0x34: {  	[spmem:s10] =	stream.linear.scatter [tilespmem:s20], [sflag:$0x6], $0x2800, $0x38;
	[tilespmem:$0x1F780] =	vst v63  }
0x35: {  	_ =	swait.ge [sflag:s21], $0x2800  }
0x36: {  	[sflag:s21] =	ssyncset.done $0x0  }
0x37: {  	[sflag:s21] =	ssyncadd.s32 $0xFFFFD800  }
0x38: {  	[spmem:s11] =	stream.linear.scatter [tilespmem:s20], [sflag:$0x6], $0x2800, $0x38;
	[tilespmem:$0x1F780] =	vst v63  }
0x39: {  	_ =	swait.ge [sflag:s21], $0x2800  }
0x3a: {  	[sflag:s21] =	ssyncset.done $0x0  }
0x3b: {  	[sflag:s21] =	ssyncadd.s32 $0xFFFFD800  }
0x3c: {  	[spmem:s12] =	stream.linear.scatter [tilespmem:s20], [sflag:$0x6], $0x2800, $0x38;
	[tilespmem:$0x1F780] =	vst v63  }
0x3d: {  	_ =	swait.ge [sflag:s21], $0x2800  }
0x3e: {  	[sflag:s21] =	ssyncset.done $0x0  }
0x3f: {  	[sflag:s21] =	ssyncadd.s32 $0xFFFFD800  }
0x40: {  	[spmem:s13] =	stream.linear.scatter [tilespmem:s20], [sflag:$0x6], $0x2800, $0x38;
	[tilespmem:$0x1F780] =	vst v63  }
0x41: {  	_ =	swait.ge [sflag:s21], $0x2800  }
0x42: {  	[sflag:s21] =	ssyncset.done $0x0  }
0x43: {  	[sflag:s21] =	ssyncadd.s32 $0xFFFFD800  }
0x44: {  	[spmem:s14] =	stream.linear.scatter [tilespmem:s20], [sflag:$0x6], $0x2800, $0x38;
	[tilespmem:$0x1F780] =	vst v63  }
0x45: {  	_ =	swait.ge [sflag:s21], $0x2800  }
0x46: {  	[sflag:s21] =	ssyncset.done $0x0  }
0x47: {  	[sflag:s21] =	ssyncadd.s32 $0xFFFFD800  }
0x48: {  	_ =	swait.ge [sflag:s22], $0x2780  }
0x49: {  	[sflag:s22] =	ssyncset.done $0x0  }
0x4a: {  	[sflag:s22] =	ssyncadd.s32 $0xFFFFD880  }
0x4b: {  	_ =	swait.ge [sflag:s22], $0x3E80  }
0x4c: {  	[sflag:s22] =	ssyncset.done $0x0  }
0x4d: {  	[sflag:s22] =	ssyncadd.s32 $0xFFFFC180  }
0x4e: {  	[bflag:$0x0] =	sbarrier.arrive $0xFFFF  }
0x4f: {  	[tilespmem:s20], [sflag:$0x2] =	stream.indirect.gather [hbm4b:s1+s23], $0x80, s4, s23, $0xb8;
	[tilespmem:$0x1F780] =	vst v63  }
0x50: {  	_ =	swait.ge [sflag:s24], $0x2800  }
0x51: {  	[sflag:s24] =	ssyncset.done $0x0  }
0x52: {  	[sflag:s24] =	ssyncadd.s32 $0xFFFFD800  }
0x53: {  	[tilespmem:s25], [sflag:$0x3] =	stream.indirect.gather [hbm4b:s1+s23], $0x80, s23, s23, $0xb8;
	[tilespmem:$0x1F780] =	vst v63  }
0x54: {  	_ = 	snop  }
0x55: {  	[spmem:s3] =	stream.indirect.scatter.add.f32 [tilespmem:s20], [sflag:$0x4], $0x80, s19, s23, $0xb8;
	[tilespmem:$0x1F780] =	vst v63  }
0x56: {  	_ =	swait.ge [sflag:s26], $0x2800  }
0x57: {  	[sflag:s26] =	ssyncset.done $0x0  }
0x58: {  	[sflag:s26] =	ssyncadd.s32 $0xFFFFD800  }
0x59: {  	_ =	swait.ge [sflag:s28], $0x2800  }
0x5a: {  	[sflag:s28] =	ssyncset.done $0x0  }
0x5b: {  	s31 =	simm.s32 $0xA0;
	[sflag:s28] =	ssyncadd.s32 $0xFFFFD800  }
0x5c: {  	[tilespmem:s20], [sflag:$0x2] =	stream.indirect.gather [hbm4b:s1+s23], $0x80, s31, s23, $0xb8;
	[tilespmem:$0x1F780] =	vst v63  }
0x5d: {  	s18 =	simm.s32 $0x2800  }
0x5e: {  	[spmem:s3] =	stream.indirect.scatter.add.f32 [tilespmem:s25], [sflag:$0x5], $0x80, s18, s23, $0xb8;
	[tilespmem:$0x1F780] =	vst v63  }
0x5f: {  	_ =	swait.ge [sflag:s24], $0x2800  }
0x60: {  	[sflag:s24] =	ssyncset.done $0x0  }
0x61: {  	[sflag:s24] =	ssyncadd.s32 $0xFFFFD800  }
0x62: {  	_ =	swait.ge [sflag:s29], $0x2800  }
0x63: {  	s17 =	simm.s32 $0xFFFF6A00;
	s30 =	simm.s32 $0x2880;
	[sflag:s29] =	ssyncset.done $0x0  }
0x64: {  	s31 =	simm.s32 $0xF0;
	s18 =	simm.s32 $0x2900;
	[sflag:s29] =	ssyncadd.s32 $0xFFFFD800  }
0x65: {  	[tilespmem:s25], [sflag:$0x3] =	stream.indirect.gather [hbm4b:s1+s23], $0x80, s31, s23, $0xb8;
	[tilespmem:$0x1F780] =	vst v63  }
.LBB2_4:
0x66: {  	[spmem:s3] =	stream.indirect.scatter.add.f32 [tilespmem:s20], [sflag:$0x4], $0x80, s30, s23, $0xb8;
	[tilespmem:$0x1F780] =	vst v63  }
0x67: {  	s30 =	smov.u32 s17  }
0x68: {  	p0 =	sne.s32 s17, $0xFFFFFD80;
	s17 =	sadd.s32 $0x280, s17;
	_ =	swait.ge [sflag:s26], $0x2800  }
0x69: {  	[sflag:s26] =	ssyncset.done $0x0  }
0x6a: {  	[sflag:s26] =	ssyncadd.s32 $0xFFFFD800  }
0x6b: {  	_ =	swait.ge [sflag:s28], $0x2800  }
0x6c: {  	s30 =	sshra.s32 s30, $0x2;
	[sflag:s28] =	ssyncset.done $0x0  }
0x6d: {  	s31 =	sadd.s32 $0x26C0, s30;
	[sflag:s28] =	ssyncadd.s32 $0xFFFFD800  }
0x6e: {  	[tilespmem:s20], [sflag:$0x2] =	stream.indirect.gather [hbm4b:s1+s23], $0x80, s31, s23, $0xb8;
	[tilespmem:$0x1F780] =	vst v63  }
0x6f: {  	_ = 	snop  }
0x70: {  	[spmem:s3] =	stream.indirect.scatter.add.f32 [tilespmem:s25], [sflag:$0x5], $0x80, s18, s23, $0xb8;
	[tilespmem:$0x1F780] =	vst v63  }
0x71: {  	_ =	swait.ge [sflag:s24], $0x2800  }
0x72: {  	[sflag:s24] =	ssyncset.done $0x0  }
0x73: {  	[sflag:s24] =	ssyncadd.s32 $0xFFFFD800  }
.Ltmp1:
0x74: {  	_ =	swait.ge [sflag:s29], $0x2800;
	(pc) =	sbr.rel @p0 .LBB2_4-.Ltmp1, $4  }
0x75: {  	[sflag:s29] =	ssyncset.done $0x0  }
0x76: {  	s30 =	sadd.s32 $0x2710, s30;
	[sflag:s29] =	ssyncadd.s32 $0xFFFFD800  }
0x77: {  	[tilespmem:s25], [sflag:$0x3] =	stream.indirect.gather [hbm4b:s1+s23], $0x80, s30, s23, $0xb8;
	[tilespmem:$0x1F780] =	vst v63  }
0x78: {  	s30 =	sadd.s32 $0x80, s18;
	s18 =	sadd.s32 $0x100, s18  }
0x79: {  	[spmem:s3] =	stream.indirect.scatter.add.f32 [tilespmem:s20], [sflag:$0x4], $0x80, s30, s23, $0xb8;
	[tilespmem:$0x1F780] =	vst v63  }
0x7a: {  	_ =	swait.ge [sflag:s26], $0x2800  }
0x7b: {  	[sflag:s26] =	ssyncset.done $0x0  }
0x7c: {  	[sflag:s26] =	ssyncadd.s32 $0xFFFFD800  }
0x7d: {  	_ =	swait.ge [sflag:s28], $0x2800  }
0x7e: {  	[sflag:s28] =	ssyncset.done $0x0  }
0x7f: {  	s17 =	simm.s32 $0x26C0;
	[sflag:s28] =	ssyncadd.s32 $0xFFFFD800  }
0x80: {  	[tilespmem:s20], [sflag:$0x2] =	stream.indirect.gather [hbm4b:s1+s23], $0x80, s17, s23, $0xb8;
	[tilespmem:$0x1F780] =	vst v63  }
0x81: {  	s30 =	simm.s32 $0x6500  }
0x82: {  	[spmem:s3] =	stream.indirect.scatter.add.f32 [tilespmem:s25], [sflag:$0x5], $0x80, s30, s23, $0xb8;
	[tilespmem:$0x1F780] =	vst v63  }
0x83: {  	_ =	swait.ge [sflag:s24], $0x2800  }
0x84: {  	[sflag:s24] =	ssyncset.done $0x0  }
0x85: {  	[sflag:s24] =	ssyncadd.s32 $0xFFFFD800  }
0x86: {  	_ =	swait.ge [sflag:s29], $0x2800  }
0x87: {  	[sflag:s29] =	ssyncset.done $0x0  }
0x88: {  	[sflag:s29] =	ssyncadd.s32 $0xFFFFD800  }
0x89: {  	[spmem:s3] =	stream.indirect.scatter.add.f32 [tilespmem:s20], [sflag:$0x4], $0x80, s2, s23, $0xb8;
	[tilespmem:$0x1F780] =	vst v63  }
0x8a: {  	s31 =	stileid.u32;
	_ =	swait.ge [sflag:s28], $0x2800  }
0x8b: {  	s18 =	sshrl.u32 s5, $0x3;
	s0 =	sadd.s32 $0x1, s0;
	[sflag:s28] =	ssyncset.done $0x0  }
0x8c: {  	p0 =	sne.s32 s0, s16;
	s17 =	sshll.u32 s31, $0x6;
	[sflag:s28] =	ssyncadd.s32 $0xFFFFD800  }
.Ltmp2:
0x8d: {  	s17 =	sor.u32 $0x1C06, s17;
	[bflag:$0x0] =	sbarrier.arrive $0xFFFF;
	(pc) =	sbr.rel @p0 .LBB2_1-.Ltmp2, $4  }
0x8e: {  	[hbm:s15], [sflag:s17] =	dma.local [spmem:s18], $0x2800  }
0x8f: {  	_ =	swait.ge [sflag:s21], $0x2800  }
0x90: {  	[sflag:s21] =	ssyncset.done $0x0  }
0x91: {  	[sflag:s21] =	ssyncadd.s32 $0xFFFFD800  }
0x92: {  	_ =	sfence.sel $0x180000  }
0x93: {  	[bflag:$0x0] =	sbarrier.arrive $0xFFFF  }
0x94: {  	_ =	strace $0x90000047  }
0x95: {  	s0 =	stileid.u32;
	[bflag:$0x2] =	sbarrier.arrive $0xFFFF  }
0x96: {  	p0 =	sne.s32 s0, $0x0;
	s0 =	rddreg [dreg:$0x3]  }
0x97: {  	s0 =	sadd.s32 @!p0 $0x100000, s0  }
0x98: {  	[sflag:s0] =	ssyncadd.tile.s32 @!p0 $0x1;
	_ =	shalt  }
.Lfunc_end2:
_tile_overlayer_lowered:
.L_overlay_start_2:
0x99: {  	(tag) =	ssettag $0x2  }
0x9a: {  	s0 =	rddreg [dreg:$0x0];
	s2 =	stileid.u32  }
0x9b: {  	s1 =	rddreg [dreg:$0x1];
	p0 =	sne.s32 s2, $0x0  }
0x9c: {  	s3 =	rddreg [dreg:$0x2];
	[bflag:$0x3] =	sbarrier.arrive $0xFFFF;
	s2 =	simm.s32 @!p0 $0x1C06  }
0x9d: {  	[timem:s3], [sflag:s2] =	dma.local @!p0 [hbm:s0], s1  }
0x9e: {  	s0 =	simm.s32 @!p0 $0x6  }
0x9f: {  	_ =	swait.ge @!p0 [sflag:s0], s1  }
0xa0: {  	s1 =	ssub.s32 @!p0 $0x0, s1;
	[sflag:s0] =	ssyncset.done @!p0 $0x0  }
0xa1: {  	[sflag:s0] =	ssyncadd.s32 @!p0 s1  }
0xa2: {  	[bflag:$0x3] =	sbarrier.arrive $0xFFFF  }
0xa3: {  	_ =	shalt  }

// kernel: kernel.16.cloned.1.call-start
scs
__scs_entry_jumppad:
0x0: {  	(pc) =	sbr.rel $0x88, $3  }
0x1: {  	(tag) =	ssettag $0x0;
	lr =	simm.s32 $0x1  }
0x2: {  	[smem:$0x3F97] =	sst lr;
	_ =	strace $0xD0000000  }
0x3: {  	_ = 	snop  }
0x4: {  	_ = 	snop  }
0x5: {  	_ = 	snop  }
0x6: {  	_ = 	snop  }
0x7: {  	_ = 	snop  }
__scs_overlays_trampoline_lowered:
0x8: {  	[smem:$0x3FA6] =	sst s0  }
0x9: {  	[smem:$0x3FA7] =	sst s1  }
0xa: {  	[smem:$0x3FA8] =	sst s2  }
0xb: {  	[smem:$0x3FA9] =	sst s3  }
0xc: {  	[smem:$0x3FAA] =	sst s4  }
0xd: {  	[smem:$0x3FAB] =	sst s5  }
0xe: {  	[smem:$0x3FAC] =	sst s6  }
0xf: {  	[smem:$0x3FAD] =	sst s7  }
0x10: {  	[smem:$0x3FAE] =	sst s8  }
0x11: {  	[smem:$0x3FAF] =	sst s9;
	s0 =	simm.s32 @!p0 $0x0  }
0x12: {  	s1 =	sld [smem:$0x3F95];
	s0 =	simm.s32 @p0 $0x1  }
0x13: {  	[smem:$0x3FB0] =	sst s0;
	s0 =	simm.s32 @!p1 $0x0  }
0x14: {  	s2 =	sld [smem:$0x3F94];
	s0 =	simm.s32 @p1 $0x1  }
0x15: {  	[smem:$0x3FB1] =	sst s0;
	s0 =	simm.s32 @!p2 $0x0  }
0x16: {  	s3 =	sld [smem:$0x3FDB];
	s0 =	simm.s32 @p2 $0x1  }
0x17: {  	s4 =	simm.s32 $0x1BF5;
	[smem:$0x3FB3] =	sst s0  }
0x18: {  	s0 =	sld [smem:$0x3F96];
	_ =	swait.ge [sflag:s4], $0x0  }
0x19: {  	s7 =	sld [smem:$0x3F97]  }
0x1a: {  	s8 =	sadd.s32 $0xFFFFE003, lr  }
0x1b: {  	s9 =	sadd.s32 $0xFFFFFEF7, lr;
	s5 =	simm.s32 $0xFFFFFFFF;
	p2 =	slt.u32 s8, $0xFFFFF086  }
0x1c: {  	p1 =	slt.u32 s9, $0xF7A;
	s5 =	simm.s32 @!p2 $0x0  }
0x1d: {  	s5 =	simm.s32 @p1 $0x1;
	p0 =	seq.s32 s7, s2  }
0x1e: {  	s7 =	smul.u32 @!p0 $0xF7A, s2;
	p2 =	seq.s32 @!p0 s5, $0x0  }
0x1f: {  	s9 =	smul.u32 $0xF7A, s1;
	s8 =	simm.s32 @!p0 $0x1BF5;
	p2 =	por !p2, p0  }
0x20: {  	[sflag:s8] =	ssyncset.s32 @!p0 $0xFFFFF086;
	s6 =	sadd.s32 @!p0 s3, s7;
	s7 =	simm.s32 @!p0 $0x108  }
0x21: {  	s3 =	sadd.s32 s3, s9;
	s6 =	sadd.s32 @!p0 $0x88, s6;
	s7 =	simm.s32 @p2 $0x1082  }
0x22: {  	[simem:s7], [sflag:s8] =	dma.local @!p0 [hbm:s6], $0xF7A  }
0x23: {  	s9 =	sor.u32 $0xD0000000, s2;
	s6 =	simm.s32 $0x108;
	_ =	swait.ge @!p0 [sflag:s8], $0x0  }
0x24: {  	s3 =	sadd.s32 $0x88, s3;
	s6 =	simm.s32 @!p1 $0x1082;
	[sflag:s4] =	ssyncset.s32 $0xFFFFF086  }
0x25: {  	[simem:s6], [sflag:s4] =	dma.local [hbm:s3], $0xF7A  }
0x26: {  	[smem:$0x3F97] =	sst s1;
	(tag) =	ssettag s2;
	_ =	strace s9  }
0x27: {  	s1 =	sld [smem:$0x3FA7]  }
0x28: {  	s2 =	sld [smem:$0x3FA8]  }
0x29: {  	s4 =	sld [smem:$0x3FAA]  }
0x2a: {  	p0 =	seq.s32 s5, $0x0;
	s5 =	sld [smem:$0x3FAB]  }
0x2b: {  	s6 =	sld [smem:$0x3FAC]  }
0x2c: {  	s7 =	sld [smem:$0x3FAD]  }
0x2d: {  	s3 =	simm.s32 $0x108;
	s8 =	sld [smem:$0x3FAE]  }
0x2e: {  	s3 =	simm.s32 @!p0 $0x1082;
	s9 =	sld [smem:$0x3FAF]  }
0x2f: {  	lr =	sadd.s32 s0, s3;
	s0 =	sld [smem:$0x3FA6]  }
0x30: {  	s3 =	sld [smem:$0x3FA9]  }
0x31: {  	[smem:$0x3FB2] =	sst s10  }
0x32: {  	s10 =	sld [smem:$0x3FB0];
	_ =	sdelay $0x3  }
0x33: {  	p0 =	seq.s32 s10, $0x1;
	s10 =	sld [smem:$0x3FB2];
	_ =	sdelay $0x3  }
0x34: {  	[smem:$0x3FB2] =	sst s10  }
0x35: {  	s10 =	sld [smem:$0x3FB1];
	_ =	sdelay $0x3  }
0x36: {  	p1 =	seq.s32 s10, $0x1;
	s10 =	sld [smem:$0x3FB2];
	_ =	sdelay $0x3  }
0x37: {  	[smem:$0x3FB2] =	sst s10  }
0x38: {  	s10 =	sld [smem:$0x3FB3]  }
0x39: {  	_ = 	snop;
	(pc) =	sbr.ind lr, $3  }
0x3a: {  	_ = 	snop  }
0x3b: {  	_ = 	snop  }
0x3c: {  	p2 =	seq.s32 s10, $0x1;
	s10 =	sld [smem:$0x3FB2]  }
0x3d: {  	_ =	shalt  }
0x3e: {  	_ =	shalt  }
0x3f: {  	_ =	shalt  }
0x40: {  	_ =	shalt  }
0x41: {  	_ =	shalt  }
0x42: {  	_ =	shalt  }
0x43: {  	_ =	shalt  }
0x44: {  	_ =	shalt  }
0x45: {  	_ =	shalt  }
0x46: {  	_ =	shalt  }
0x47: {  	_ =	shalt  }
0x48: {  	_ =	shalt  }
0x49: {  	_ =	shalt  }
0x4a: {  	_ =	shalt  }
0x4b: {  	_ =	shalt  }
0x4c: {  	_ =	shalt  }
0x4d: {  	_ =	shalt  }
0x4e: {  	_ =	shalt  }
0x4f: {  	_ =	shalt  }
0x50: {  	_ =	shalt  }
0x51: {  	_ =	shalt  }
0x52: {  	_ =	shalt  }
0x53: {  	_ =	shalt  }
0x54: {  	_ =	shalt  }
0x55: {  	_ =	shalt  }
0x56: {  	_ =	shalt  }
0x57: {  	_ =	shalt  }
0x58: {  	_ =	shalt  }
0x59: {  	_ =	shalt  }
0x5a: {  	_ =	shalt  }
0x5b: {  	_ =	shalt  }
0x5c: {  	_ =	shalt  }
0x5d: {  	_ =	shalt  }
0x5e: {  	_ =	shalt  }
0x5f: {  	_ =	shalt  }
0x60: {  	_ =	shalt  }
0x61: {  	_ =	shalt  }
0x62: {  	_ =	shalt  }
0x63: {  	_ =	shalt  }
0x64: {  	_ =	shalt  }
0x65: {  	_ =	shalt  }
0x66: {  	_ =	shalt  }
0x67: {  	_ =	shalt  }
0x68: {  	_ =	shalt  }
0x69: {  	_ =	shalt  }
0x6a: {  	_ =	shalt  }
0x6b: {  	_ =	shalt  }
0x6c: {  	_ =	shalt  }
0x6d: {  	_ =	shalt  }
0x6e: {  	_ =	shalt  }
0x6f: {  	_ =	shalt  }
0x70: {  	_ =	shalt  }
0x71: {  	_ =	shalt  }
0x72: {  	_ =	shalt  }
0x73: {  	_ =	shalt  }
0x74: {  	_ =	shalt  }
0x75: {  	_ =	shalt  }
0x76: {  	_ =	shalt  }
0x77: {  	_ =	shalt  }
0x78: {  	_ =	shalt  }
0x79: {  	_ =	shalt  }
0x7a: {  	_ =	shalt  }
0x7b: {  	_ =	shalt  }
0x7c: {  	_ =	shalt  }
0x7d: {  	_ =	shalt  }
0x7e: {  	_ =	shalt  }
0x7f: {  	_ =	shalt  }
0x80: {  	_ =	shalt  }
0x81: {  	_ =	shalt  }
0x82: {  	_ =	shalt  }
0x83: {  	_ =	shalt  }
0x84: {  	_ =	shalt  }
0x85: {  	_ =	shalt  }
0x86: {  	_ =	shalt  }
0x87: {  	_ =	shalt  }
.Lfunc_end0:
.L_simem_size_0:
called_computation.2_lowered:
.L_overlay_start_0:
0x88: {  	s2 =	sld [smem:$0x3FD9]  }
0x89: {  	s3 =	sld [smem:$0x3FFE];
	_ =	sdelay $0x1  }
0x8a: {  	s1 =	srdreg.scid  }
0x8b: {  	s0 =	sand.u32 $0x1, s1  }
0x8c: {  	s17 =	sshll.u32 s0, $0xA;
	s2 =	sadd.s32 s3, s2  }
0x8d: {  	s2 =	sadd.s32 s2, s17  }
0x8e: {  	[smem:$0x3FBE] =	sst s2  }
0x8f: {  	_ = 	snop  }
0x90: {  	s2 =	sld [smem:$0x3FD0];
	(tm) =	ssettm $0x1  }
0x91: {  	s18 =	sld [smem:$0x3FFB];
	_ =	sdelay $0x3  }
0x92: {  	_ =	strace s18  }
0x93: {  	s3 =	sld [smem:$0x3FFC];
	_ =	sdelay $0x3  }
0x94: {  	_ =	strace s3  }
0x95: {  	s3 =	sld [smem:$0x3FFD];
	_ =	sdelay $0x3  }
0x96: {  	_ =	strace s3  }
0x97: {  	_ =	strace $0x8FFFFFFF  }
0x98: {  	s19 =	sld [smem:$0x3FDB];
	_ =	sdelay $0x1  }
0x99: {  	s4 =	simm.s32 $_scs_section_size  }
0x9a: {  	s5 =	simm.s32 $_size__tile_overlayer_lowered;
	s6 =	simm.s32 $_tile_overlayer_lowered  }
0x9b: {  	s22 =	simm.s32 $0x1BFF;
	s21 =	sshll.u32 s6, $0x1;
	s3 =	sadd.s32 s4, s19  }
0x9c: {  	s7 =	simm.s32 $0x0;
	s20 =	sshll.u32 s5, $0x1;
	s5 =	sadd.s32 s21, s3  }
0x9d: {  	[timem:s7], [sflag:s22] =	dma.local [hbm:s5], s20  }
0x9e: {  	_ =	swait.ge [sflag:s22], s20  }
0x9f: {  	s4 =	ssub.s32 $0x0, s20;
	[sflag:s22] =	ssyncset.done $0x0  }
0xa0: {  	[sflag:s22] =	ssyncadd.s32 s4;
	_ =	sdelay $0x1  }
0xa1: {  	s23 =	simm.s32 $0x1B8B  }
0xa2: {  	_ =	swait.ge [sflag:s23], $0x1  }
0xa3: {  	[sflag:s23] =	ssyncset.done $0x0  }
0xa4: {  	s25 =	simm.s32 $0x1B8E;
	s24 =	sld [smem:$0x3FFE];
	[sflag:s23] =	ssyncadd.s32 $0xFFFFFFFF  }
0xa5: {  	s26 =	simm.s32 $execute0_lowered;
	[smem:$0x3FD2] =	sst s25  }
0xa6: {  	s5 =	sshll.u32 s26, $0x1;
	_ =	strace $0x8000004C;
	[dreg:$0x1] =	wrdreg $0xFFFFFFFF  }
0xa7: {  	s28 =	simm.s32 $_size_execute0_lowered;
	s3 =	sadd.s32 s3, s5;
	[dreg:$0x0] =	wrdreg $0x0  }
0xa8: {  	s5 =	sshll.u32 s28, $0x1;
	[dreg:$0x2] =	wrdreg s3  }
0xa9: {  	[dreg:$0x3] =	wrdreg s5  }
0xaa: {  	[dreg:$0x4] =	wrdreg $0xC0  }
0xab: {  	_ =	task [dreg:s7], $0x5FFFF  }
0xac: {  	[dreg:$0x1] =	wrdreg $0xFFFFFFFF  }
0xad: {  	[dreg:$0x0] =	wrdreg $0x60  }
0xae: {  	[dreg:$0x2] =	wrdreg s2  }
0xaf: {  	[dreg:$0x3] =	wrdreg s24  }
0xb0: {  	[dreg:$0x4] =	wrdreg $0xB7800  }
0xb1: {  	[dreg:$0x5] =	wrdreg $0x9  }
0xb2: {  	_ =	task.clear_ibuf [dreg:s7], $0x6FFFF;
	_ =	strace $0x9000004C  }
0xb3: {  	s29 =	simm.s32 $0x9;
	_ =	strace $0x8000004E  }
0xb4: {  	_ =	swait.ge [sflag:s29], $0x1  }
0xb5: {  	[sflag:s29] =	ssyncadd.s32 $0xFFFFFFFF  }
0xb6: {  	_ =	strace $0x9000004E  }
0xb7: {  	_ =	sfence  }
0xb8: {  	s30 =	sld [smem:$0x0];
	_ =	sdelay $0x2  }
0xb9: {  	s31 =	sshll.u32 s1, $0xD;
	s1 =	sshrl.u32 s1, $0x2  }
0xba: {  	s3 =	sand.u32 $0x4000, s31;
	s1 =	sadd.s32 s1, s30  }
0xbb: {  	s0 =	sor.u32 s3, s0;
	s1 =	sshll.u32 s1, $0x11  }
0xbc: {  	s0 =	sor.u32 s1, s0  }
0xbd: {  	s0 =	sadd.s32 $0x8F2B, s0  }
0xbe: {  	[sflag:s0] =	ssyncadd.remote.s32 $0x1  }
0xbf: {  	_ =	sfence.sel $0xFFFF  }
0xc0: {  	[dreg:$0x0] =	wrdreg $0xFFFFFFFF;
	(pc) =	sbr.abs _section_cstart, $3  }
0xc1: {  	[dreg:$0x1] =	wrdreg $0xFFFFFFFF  }
0xc2: {  	_ =	task.clear_ibuf [dreg:s7], $0x2FFFF;
	_ =	strace $0x9FFFFFFF  }
0xc3: {  	(tm) =	ssettm $0x7FFFFFFF  }
tec
execute0_lowered:
.L_overlay_start_1:
0x0: {  	(tag) =	ssettag $0x1  }
0x1: {  	s1 =	rddreg [dreg:$0x0]  }
0x2: {  	s0 =	srdreg.scid;
	s5 =	rddreg [dreg:$0x1]  }
0x3: {  	s9 =	stileid.u32;
	s3 =	rddreg [dreg:$0x2];
	s19 =	simm.s32 $0x2780  }
0x4: {  	s20 =	simm.s32 $0x6780;
	s21 =	simm.s32 $0x6;
	s22 =	simm.s32 $0x1  }
0x5: {  	s23 =	simm.s32 $0x50;
	s24 =	simm.s32 $0x2;
	s25 =	simm.s32 $0x8F80  }
0x6: {  	s26 =	simm.s32 $0x3;
	s28 =	simm.s32 $0x4;
	s29 =	simm.s32 $0x5  }
0x7: {  	s0 =	sand.u32 $0x1, s0;
	s7 =	sshll.u32 s9, $0x7;
	s8 =	smul.u32 $0x14000, s9  }
0x8: {  	s2 =	sshll.u32 s0, $0x4;
	s7 =	sand.u32 $0x380, s7;
	s30 =	smul.u32 $0x140000, s0  }
0x9: {  	s0 =	ssub.s32 $0x2, s0;
	s2 =	sor.u32 s9, s2;
	s9 =	smul.u32 $0x50000, s9  }
0xa: {  	s31 =	sshrl.u32 s0, $0x1;
	s4 =	sshrl.u32 s2, $0x3;
	s2 =	sshll.u32 s2, $0xB  }
0xb: {  	s0 =	ssub.s32 s0, s31;
	s6 =	smul.u32 $0x13C00, s4;
	s4 =	simm.s32 $0x0  }
0xc: {  	s2 =	sadd.s32 s2, s5;
	s9 =	sshrl.u32 s9, $0x2;
	s16 =	smax.u32 s0, $0x1  }
0xd: {  	s0 =	simm.s32 $0x0;
	s6 =	sor.u32 s7, s6;
	s7 =	sadd.s32 s8, s30  }
0xe: {  	[smem:$0x7FF] =	sst s4;
	s6 =	sshrl.u32 s6, $0x3;
	s7 =	sshrl.u32 s7, $0x3  }
0xf: {  	_ =	strace $0x8000004D;
	s6 =	sadd.s32 s6, s5;
	s15 =	sadd.s32 s7, s5  }
0x10: {  	s5 =	sadd.s32 s9, s3;
	s7 =	sadd.s32 $0x2A00, s2;
	s2 =	simm.s32 $0x6580  }
0x11: {  	s6 =	sadd.s32 $0x12A00, s6;
	s8 =	sadd.s32 $0x2800, s5;
	s9 =	sadd.s32 $0x5000, s5  }
0x12: {  	s10 =	sadd.s32 $0x7800, s5;
	s11 =	sadd.s32 $0xA000, s5;
	s12 =	sadd.s32 $0xC800, s5  }
0x13: {  	v0 =	vimm.f32 $0.0e+00;
	s13 =	sadd.s32 $0xF000, s5;
	s14 =	sadd.s32 $0x11800, s5;
	s15 =	sadd.s32 $0x1C800, s15  }
.LBB2_1:
0x14: {  	s17 =	simm.s32 $0x80;
	s18 =	simm.s32 $0x400  }
0x15: {  	[tilespmem:s4], [sflag:$0x1] =	stream.strided.gather [hbm4b:s6+s17], $0x2780, s18, s17, $0x38;
	[tilespmem:$0x1F780] =	vst v63  }
0x16: {  	s17 =	simm.s32 $0x0;
	s18 =	simm.s32 $0x200  }
0x17: {  	[tilespmem:s19], [sflag:$0x1] =	stream.linear.gather [hbm4b:s7+s4], $0x3E80, $0x38;
	[tilespmem:$0x1F780] =	vst v63  }
.LBB2_2:
0x18: {  	p0 =	sne.s32 s18, $0x9E00;
	[tilespmem:s17+$0x67F0] =	vst v0  }
0x19: {  	[tilespmem:s17+$0x6780] =	vst v0  }
0x1a: {  	[tilespmem:s17+$0x6790] =	vst v0  }
.Ltmp0:
0x1b: {  	[tilespmem:s17+$0x67A0] =	vst v0;
	(pc) =	sbr.rel @p0 .LBB2_2-.Ltmp0, $4  }
0x1c: {  	[tilespmem:s17+$0x67B0] =	vst v0  }
0x1d: {  	[tilespmem:s17+$0x67C0] =	vst v0  }
0x1e: {  	[tilespmem:s17+$0x67D0] =	vst v0  }
0x1f: {  	[tilespmem:s17+$0x67E0] =	vst v0;
	s17 =	sshra.s32 s18, $0x2;
	s18 =	sadd.s32 $0x200, s18  }
0x20: {  	[tilespmem:s17+$0x67F0] =	vst v0  }
0x21: {  	[tilespmem:s17+$0x6780] =	vst v0  }
0x22: {  	[tilespmem:s17+$0x6790] =	vst v0  }
0x23: {  	[tilespmem:s17+$0x67A0] =	vst v0  }
0x24: {  	[tilespmem:s17+$0x67B0] =	vst v0  }
0x25: {  	[tilespmem:s17+$0x67C0] =	vst v0  }
0x26: {  	[tilespmem:s17+$0x67D0] =	vst v0  }
0x27: {  	[tilespmem:s17+$0x67E0] =	vst v0  }
0x28: {  	[spmem:s5] =	stream.linear.scatter [tilespmem:s20], [sflag:$0x6], $0x2800, $0x38;
	[tilespmem:$0x1F780] =	vst v63  }
0x29: {  	_ =	swait.ge [sflag:s21], $0x2800  }
0x2a: {  	[sflag:s21] =	ssyncset.done $0x0  }
0x2b: {  	[sflag:s21] =	ssyncadd.s32 $0xFFFFD800  }
0x2c: {  	[spmem:s8] =	stream.linear.scatter [tilespmem:s20], [sflag:$0x6], $0x2800, $0x38;
	[tilespmem:$0x1F780] =	vst v63  }
0x2d: {  	_ =	swait.ge [sflag:s21], $0x2800  }
0x2e: {  	[sflag:s21] =	ssyncset.done $0x0  }
0x2f: {  	[sflag:s21] =	ssyncadd.s32 $0xFFFFD800  }
0x30: {  	[spmem:s9] =	stream.linear.scatter [tilespmem:s20], [sflag:$0x6], $0x2800, $0x38;
	[tilespmem:$0x1F780] =	vst v63  }
0x31: {  	_ =	swait.ge [sflag:s21], $0x2800  }
0x32: {  	[sflag:s21] =	ssyncset.done $0x0  }
0x33: {  	[sflag:s21] =	ssyncadd.s32 $0xFFFFD800  }
0x34: {  	[spmem:s10] =	stream.linear.scatter [tilespmem:s20], [sflag:$0x6], $0x2800, $0x38;
	[tilespmem:$0x1F780] =	vst v63  }
0x35: {  	_ =	swait.ge [sflag:s21], $0x2800  }
0x36: {  	[sflag:s21] =	ssyncset.done $0x0  }
0x37: {  	[sflag:s21] =	ssyncadd.s32 $0xFFFFD800  }
0x38: {  	[spmem:s11] =	stream.linear.scatter [tilespmem:s20], [sflag:$0x6], $0x2800, $0x38;
	[tilespmem:$0x1F780] =	vst v63  }
0x39: {  	_ =	swait.ge [sflag:s21], $0x2800  }
0x3a: {  	[sflag:s21] =	ssyncset.done $0x0  }
0x3b: {  	[sflag:s21] =	ssyncadd.s32 $0xFFFFD800  }
0x3c: {  	[spmem:s12] =	stream.linear.scatter [tilespmem:s20], [sflag:$0x6], $0x2800, $0x38;
	[tilespmem:$0x1F780] =	vst v63  }
0x3d: {  	_ =	swait.ge [sflag:s21], $0x2800  }
0x3e: {  	[sflag:s21] =	ssyncset.done $0x0  }
0x3f: {  	[sflag:s21] =	ssyncadd.s32 $0xFFFFD800  }
0x40: {  	[spmem:s13] =	stream.linear.scatter [tilespmem:s20], [sflag:$0x6], $0x2800, $0x38;
	[tilespmem:$0x1F780] =	vst v63  }
0x41: {  	_ =	swait.ge [sflag:s21], $0x2800  }
0x42: {  	[sflag:s21] =	ssyncset.done $0x0  }
0x43: {  	[sflag:s21] =	ssyncadd.s32 $0xFFFFD800  }
0x44: {  	[spmem:s14] =	stream.linear.scatter [tilespmem:s20], [sflag:$0x6], $0x2800, $0x38;
	[tilespmem:$0x1F780] =	vst v63  }
0x45: {  	_ =	swait.ge [sflag:s21], $0x2800  }
0x46: {  	[sflag:s21] =	ssyncset.done $0x0  }
0x47: {  	[sflag:s21] =	ssyncadd.s32 $0xFFFFD800  }
0x48: {  	_ =	swait.ge [sflag:s22], $0x2780  }
0x49: {  	[sflag:s22] =	ssyncset.done $0x0  }
0x4a: {  	[sflag:s22] =	ssyncadd.s32 $0xFFFFD880  }
0x4b: {  	_ =	swait.ge [sflag:s22], $0x3E80  }
0x4c: {  	[sflag:s22] =	ssyncset.done $0x0  }
0x4d: {  	[sflag:s22] =	ssyncadd.s32 $0xFFFFC180  }
0x4e: {  	[bflag:$0x0] =	sbarrier.arrive $0xFFFF  }
0x4f: {  	[tilespmem:s20], [sflag:$0x2] =	stream.indirect.gather [hbm4b:s1+s23], $0x80, s4, s23, $0xb8;
	[tilespmem:$0x1F780] =	vst v63  }
0x50: {  	_ =	swait.ge [sflag:s24], $0x2800  }
0x51: {  	[sflag:s24] =	ssyncset.done $0x0  }
0x52: {  	[sflag:s24] =	ssyncadd.s32 $0xFFFFD800  }
0x53: {  	[tilespmem:s25], [sflag:$0x3] =	stream.indirect.gather [hbm4b:s1+s23], $0x80, s23, s23, $0xb8;
	[tilespmem:$0x1F780] =	vst v63  }
0x54: {  	_ = 	snop  }
0x55: {  	[spmem:s3] =	stream.indirect.scatter.add.f32 [tilespmem:s20], [sflag:$0x4], $0x80, s19, s23, $0xb8;
	[tilespmem:$0x1F780] =	vst v63  }
0x56: {  	_ =	swait.ge [sflag:s26], $0x2800  }
0x57: {  	[sflag:s26] =	ssyncset.done $0x0  }
0x58: {  	[sflag:s26] =	ssyncadd.s32 $0xFFFFD800  }
0x59: {  	_ =	swait.ge [sflag:s28], $0x2800  }
0x5a: {  	[sflag:s28] =	ssyncset.done $0x0  }
0x5b: {  	s31 =	simm.s32 $0xA0;
	[sflag:s28] =	ssyncadd.s32 $0xFFFFD800  }
0x5c: {  	[tilespmem:s20], [sflag:$0x2] =	stream.indirect.gather [hbm4b:s1+s23], $0x80, s31, s23, $0xb8;
	[tilespmem:$0x1F780] =	vst v63  }
0x5d: {  	s18 =	simm.s32 $0x2800  }
0x5e: {  	[spmem:s3] =	stream.indirect.scatter.add.f32 [tilespmem:s25], [sflag:$0x5], $0x80, s18, s23, $0xb8;
	[tilespmem:$0x1F780] =	vst v63  }
0x5f: {  	_ =	swait.ge [sflag:s24], $0x2800  }
0x60: {  	[sflag:s24] =	ssyncset.done $0x0  }
0x61: {  	[sflag:s24] =	ssyncadd.s32 $0xFFFFD800  }
0x62: {  	_ =	swait.ge [sflag:s29], $0x2800  }
0x63: {  	s17 =	simm.s32 $0xFFFF6A00;
	s30 =	simm.s32 $0x2880;
	[sflag:s29] =	ssyncset.done $0x0  }
0x64: {  	s31 =	simm.s32 $0xF0;
	s18 =	simm.s32 $0x2900;
	[sflag:s29] =	ssyncadd.s32 $0xFFFFD800  }
0x65: {  	[tilespmem:s25], [sflag:$0x3] =	stream.indirect.gather [hbm4b:s1+s23], $0x80, s31, s23, $0xb8;
	[tilespmem:$0x1F780] =	vst v63  }
.LBB2_4:
0x66: {  	[spmem:s3] =	stream.indirect.scatter.add.f32 [tilespmem:s20], [sflag:$0x4], $0x80, s30, s23, $0xb8;
	[tilespmem:$0x1F780] =	vst v63  }
0x67: {  	s30 =	smov.u32 s17  }
0x68: {  	p0 =	sne.s32 s17, $0xFFFFFD80;
	s17 =	sadd.s32 $0x280, s17;
	_ =	swait.ge [sflag:s26], $0x2800  }
0x69: {  	[sflag:s26] =	ssyncset.done $0x0  }
0x6a: {  	[sflag:s26] =	ssyncadd.s32 $0xFFFFD800  }
0x6b: {  	_ =	swait.ge [sflag:s28], $0x2800  }
0x6c: {  	s30 =	sshra.s32 s30, $0x2;
	[sflag:s28] =	ssyncset.done $0x0  }
0x6d: {  	s31 =	sadd.s32 $0x26C0, s30;
	[sflag:s28] =	ssyncadd.s32 $0xFFFFD800  }
0x6e: {  	[tilespmem:s20], [sflag:$0x2] =	stream.indirect.gather [hbm4b:s1+s23], $0x80, s31, s23, $0xb8;
	[tilespmem:$0x1F780] =	vst v63  }
0x6f: {  	_ = 	snop  }
0x70: {  	[spmem:s3] =	stream.indirect.scatter.add.f32 [tilespmem:s25], [sflag:$0x5], $0x80, s18, s23, $0xb8;
	[tilespmem:$0x1F780] =	vst v63  }
0x71: {  	_ =	swait.ge [sflag:s24], $0x2800  }
0x72: {  	[sflag:s24] =	ssyncset.done $0x0  }
0x73: {  	[sflag:s24] =	ssyncadd.s32 $0xFFFFD800  }
.Ltmp1:
0x74: {  	_ =	swait.ge [sflag:s29], $0x2800;
	(pc) =	sbr.rel @p0 .LBB2_4-.Ltmp1, $4  }
0x75: {  	[sflag:s29] =	ssyncset.done $0x0  }
0x76: {  	s30 =	sadd.s32 $0x2710, s30;
	[sflag:s29] =	ssyncadd.s32 $0xFFFFD800  }
0x77: {  	[tilespmem:s25], [sflag:$0x3] =	stream.indirect.gather [hbm4b:s1+s23], $0x80, s30, s23, $0xb8;
	[tilespmem:$0x1F780] =	vst v63  }
0x78: {  	s30 =	sadd.s32 $0x80, s18;
	s18 =	sadd.s32 $0x100, s18  }
0x79: {  	[spmem:s3] =	stream.indirect.scatter.add.f32 [tilespmem:s20], [sflag:$0x4], $0x80, s30, s23, $0xb8;
	[tilespmem:$0x1F780] =	vst v63  }
0x7a: {  	_ =	swait.ge [sflag:s26], $0x2800  }
0x7b: {  	[sflag:s26] =	ssyncset.done $0x0  }
0x7c: {  	[sflag:s26] =	ssyncadd.s32 $0xFFFFD800  }
0x7d: {  	_ =	swait.ge [sflag:s28], $0x2800  }
0x7e: {  	[sflag:s28] =	ssyncset.done $0x0  }
0x7f: {  	s17 =	simm.s32 $0x26C0;
	[sflag:s28] =	ssyncadd.s32 $0xFFFFD800  }
0x80: {  	[tilespmem:s20], [sflag:$0x2] =	stream.indirect.gather [hbm4b:s1+s23], $0x80, s17, s23, $0xb8;
	[tilespmem:$0x1F780] =	vst v63  }
0x81: {  	s30 =	simm.s32 $0x6500  }
0x82: {  	[spmem:s3] =	stream.indirect.scatter.add.f32 [tilespmem:s25], [sflag:$0x5], $0x80, s30, s23, $0xb8;
	[tilespmem:$0x1F780] =	vst v63  }
0x83: {  	_ =	swait.ge [sflag:s24], $0x2800  }
0x84: {  	[sflag:s24] =	ssyncset.done $0x0  }
0x85: {  	[sflag:s24] =	ssyncadd.s32 $0xFFFFD800  }
0x86: {  	_ =	swait.ge [sflag:s29], $0x2800  }
0x87: {  	[sflag:s29] =	ssyncset.done $0x0  }
0x88: {  	[sflag:s29] =	ssyncadd.s32 $0xFFFFD800  }
0x89: {  	[spmem:s3] =	stream.indirect.scatter.add.f32 [tilespmem:s20], [sflag:$0x4], $0x80, s2, s23, $0xb8;
	[tilespmem:$0x1F780] =	vst v63  }
0x8a: {  	s31 =	stileid.u32;
	_ =	swait.ge [sflag:s28], $0x2800  }
0x8b: {  	s18 =	sshrl.u32 s5, $0x3;
	s0 =	sadd.s32 $0x1, s0;
	[sflag:s28] =	ssyncset.done $0x0  }
0x8c: {  	p0 =	sne.s32 s0, s16;
	s17 =	sshll.u32 s31, $0x6;
	[sflag:s28] =	ssyncadd.s32 $0xFFFFD800  }
.Ltmp2:
0x8d: {  	s17 =	sor.u32 $0x1C06, s17;
	[bflag:$0x0] =	sbarrier.arrive $0xFFFF;
	(pc) =	sbr.rel @p0 .LBB2_1-.Ltmp2, $4  }
0x8e: {  	[hbm:s15], [sflag:s17] =	dma.local [spmem:s18], $0x2800  }
0x8f: {  	_ =	swait.ge [sflag:s21], $0x2800  }
0x90: {  	[sflag:s21] =	ssyncset.done $0x0  }
0x91: {  	[sflag:s21] =	ssyncadd.s32 $0xFFFFD800  }
0x92: {  	_ =	sfence.sel $0x180000  }
0x93: {  	[bflag:$0x0] =	sbarrier.arrive $0xFFFF  }
0x94: {  	_ =	strace $0x9000004D  }
0x95: {  	s0 =	stileid.u32;
	[bflag:$0x2] =	sbarrier.arrive $0xFFFF  }
0x96: {  	p0 =	sne.s32 s0, $0x0;
	s0 =	rddreg [dreg:$0x3]  }
0x97: {  	s0 =	sadd.s32 @!p0 $0x100000, s0  }
0x98: {  	[sflag:s0] =	ssyncadd.tile.s32 @!p0 $0x1;
	_ =	shalt  }
.Lfunc_end2:
_tile_overlayer_lowered:
.L_overlay_start_2:
0x99: {  	(tag) =	ssettag $0x2  }
0x9a: {  	s0 =	rddreg [dreg:$0x0];
	s2 =	stileid.u32  }
0x9b: {  	s1 =	rddreg [dreg:$0x1];
	p0 =	sne.s32 s2, $0x0  }
0x9c: {  	s3 =	rddreg [dreg:$0x2];
	[bflag:$0x3] =	sbarrier.arrive $0xFFFF;
	s2 =	simm.s32 @!p0 $0x1C06  }
0x9d: {  	[timem:s3], [sflag:s2] =	dma.local @!p0 [hbm:s0], s1  }
0x9e: {  	s0 =	simm.s32 @!p0 $0x6  }
0x9f: {  	_ =	swait.ge @!p0 [sflag:s0], s1  }
0xa0: {  	s1 =	ssub.s32 @!p0 $0x0, s1;
	[sflag:s0] =	ssyncset.done @!p0 $0x0  }
0xa1: {  	[sflag:s0] =	ssyncadd.s32 @!p0 s1  }
0xa2: {  	[bflag:$0x3] =	sbarrier.arrive $0xFFFF  }
0xa3: {  	_ =	shalt  }

// kernel: kernel.19.cloned.1.call-start
scs
__scs_entry_jumppad:
0x0: {  	(pc) =	sbr.rel $0x88, $3  }
0x1: {  	(tag) =	ssettag $0x0;
	lr =	simm.s32 $0x1  }
0x2: {  	[smem:$0x3F97] =	sst lr;
	_ =	strace $0xD0000000  }
0x3: {  	_ = 	snop  }
0x4: {  	_ = 	snop  }
0x5: {  	_ = 	snop  }
0x6: {  	_ = 	snop  }
0x7: {  	_ = 	snop  }
__scs_overlays_trampoline_lowered:
0x8: {  	[smem:$0x3FA6] =	sst s0  }
0x9: {  	[smem:$0x3FA7] =	sst s1  }
0xa: {  	[smem:$0x3FA8] =	sst s2  }
0xb: {  	[smem:$0x3FA9] =	sst s3  }
0xc: {  	[smem:$0x3FAA] =	sst s4  }
0xd: {  	[smem:$0x3FAB] =	sst s5  }
0xe: {  	[smem:$0x3FAC] =	sst s6  }
0xf: {  	[smem:$0x3FAD] =	sst s7  }
0x10: {  	[smem:$0x3FAE] =	sst s8  }
0x11: {  	[smem:$0x3FAF] =	sst s9;
	s0 =	simm.s32 @!p0 $0x0  }
0x12: {  	s1 =	sld [smem:$0x3F95];
	s0 =	simm.s32 @p0 $0x1  }
0x13: {  	[smem:$0x3FB0] =	sst s0;
	s0 =	simm.s32 @!p1 $0x0  }
0x14: {  	s2 =	sld [smem:$0x3F94];
	s0 =	simm.s32 @p1 $0x1  }
0x15: {  	[smem:$0x3FB1] =	sst s0;
	s0 =	simm.s32 @!p2 $0x0  }
0x16: {  	s3 =	sld [smem:$0x3FDB];
	s0 =	simm.s32 @p2 $0x1  }
0x17: {  	s4 =	simm.s32 $0x1BF5;
	[smem:$0x3FB3] =	sst s0  }
0x18: {  	s0 =	sld [smem:$0x3F96];
	_ =	swait.ge [sflag:s4], $0x0  }
0x19: {  	s7 =	sld [smem:$0x3F97]  }
0x1a: {  	s8 =	sadd.s32 $0xFFFFE003, lr  }
0x1b: {  	s9 =	sadd.s32 $0xFFFFFEF7, lr;
	s5 =	simm.s32 $0xFFFFFFFF;
	p2 =	slt.u32 s8, $0xFFFFF086  }
0x1c: {  	p1 =	slt.u32 s9, $0xF7A;
	s5 =	simm.s32 @!p2 $0x0  }
0x1d: {  	s5 =	simm.s32 @p1 $0x1;
	p0 =	seq.s32 s7, s2  }
0x1e: {  	s7 =	smul.u32 @!p0 $0xF7A, s2;
	p2 =	seq.s32 @!p0 s5, $0x0  }
0x1f: {  	s9 =	smul.u32 $0xF7A, s1;
	s8 =	simm.s32 @!p0 $0x1BF5;
	p2 =	por !p2, p0  }
0x20: {  	[sflag:s8] =	ssyncset.s32 @!p0 $0xFFFFF086;
	s6 =	sadd.s32 @!p0 s3, s7;
	s7 =	simm.s32 @!p0 $0x108  }
0x21: {  	s3 =	sadd.s32 s3, s9;
	s6 =	sadd.s32 @!p0 $0x88, s6;
	s7 =	simm.s32 @p2 $0x1082  }
0x22: {  	[simem:s7], [sflag:s8] =	dma.local @!p0 [hbm:s6], $0xF7A  }
0x23: {  	s9 =	sor.u32 $0xD0000000, s2;
	s6 =	simm.s32 $0x108;
	_ =	swait.ge @!p0 [sflag:s8], $0x0  }
0x24: {  	s3 =	sadd.s32 $0x88, s3;
	s6 =	simm.s32 @!p1 $0x1082;
	[sflag:s4] =	ssyncset.s32 $0xFFFFF086  }
0x25: {  	[simem:s6], [sflag:s4] =	dma.local [hbm:s3], $0xF7A  }
0x26: {  	[smem:$0x3F97] =	sst s1;
	(tag) =	ssettag s2;
	_ =	strace s9  }
0x27: {  	s1 =	sld [smem:$0x3FA7]  }
0x28: {  	s2 =	sld [smem:$0x3FA8]  }
0x29: {  	s4 =	sld [smem:$0x3FAA]  }
0x2a: {  	p0 =	seq.s32 s5, $0x0;
	s5 =	sld [smem:$0x3FAB]  }
0x2b: {  	s6 =	sld [smem:$0x3FAC]  }
0x2c: {  	s7 =	sld [smem:$0x3FAD]  }
0x2d: {  	s3 =	simm.s32 $0x108;
	s8 =	sld [smem:$0x3FAE]  }
0x2e: {  	s3 =	simm.s32 @!p0 $0x1082;
	s9 =	sld [smem:$0x3FAF]  }
0x2f: {  	lr =	sadd.s32 s0, s3;
	s0 =	sld [smem:$0x3FA6]  }
0x30: {  	s3 =	sld [smem:$0x3FA9]  }
0x31: {  	[smem:$0x3FB2] =	sst s10  }
0x32: {  	s10 =	sld [smem:$0x3FB0];
	_ =	sdelay $0x3  }
0x33: {  	p0 =	seq.s32 s10, $0x1;
	s10 =	sld [smem:$0x3FB2];
	_ =	sdelay $0x3  }
0x34: {  	[smem:$0x3FB2] =	sst s10  }
0x35: {  	s10 =	sld [smem:$0x3FB1];
	_ =	sdelay $0x3  }
0x36: {  	p1 =	seq.s32 s10, $0x1;
	s10 =	sld [smem:$0x3FB2];
	_ =	sdelay $0x3  }
0x37: {  	[smem:$0x3FB2] =	sst s10  }
0x38: {  	s10 =	sld [smem:$0x3FB3]  }
0x39: {  	_ = 	snop;
	(pc) =	sbr.ind lr, $3  }
0x3a: {  	_ = 	snop  }
0x3b: {  	_ = 	snop  }
0x3c: {  	p2 =	seq.s32 s10, $0x1;
	s10 =	sld [smem:$0x3FB2]  }
0x3d: {  	_ =	shalt  }
0x3e: {  	_ =	shalt  }
0x3f: {  	_ =	shalt  }
0x40: {  	_ =	shalt  }
0x41: {  	_ =	shalt  }
0x42: {  	_ =	shalt  }
0x43: {  	_ =	shalt  }
0x44: {  	_ =	shalt  }
0x45: {  	_ =	shalt  }
0x46: {  	_ =	shalt  }
0x47: {  	_ =	shalt  }
0x48: {  	_ =	shalt  }
0x49: {  	_ =	shalt  }
0x4a: {  	_ =	shalt  }
0x4b: {  	_ =	shalt  }
0x4c: {  	_ =	shalt  }
0x4d: {  	_ =	shalt  }
0x4e: {  	_ =	shalt  }
0x4f: {  	_ =	shalt  }
0x50: {  	_ =	shalt  }
0x51: {  	_ =	shalt  }
0x52: {  	_ =	shalt  }
0x53: {  	_ =	shalt  }
0x54: {  	_ =	shalt  }
0x55: {  	_ =	shalt  }
0x56: {  	_ =	shalt  }
0x57: {  	_ =	shalt  }
0x58: {  	_ =	shalt  }
0x59: {  	_ =	shalt  }
0x5a: {  	_ =	shalt  }
0x5b: {  	_ =	shalt  }
0x5c: {  	_ =	shalt  }
0x5d: {  	_ =	shalt  }
0x5e: {  	_ =	shalt  }
0x5f: {  	_ =	shalt  }
0x60: {  	_ =	shalt  }
0x61: {  	_ =	shalt  }
0x62: {  	_ =	shalt  }
0x63: {  	_ =	shalt  }
0x64: {  	_ =	shalt  }
0x65: {  	_ =	shalt  }
0x66: {  	_ =	shalt  }
0x67: {  	_ =	shalt  }
0x68: {  	_ =	shalt  }
0x69: {  	_ =	shalt  }
0x6a: {  	_ =	shalt  }
0x6b: {  	_ =	shalt  }
0x6c: {  	_ =	shalt  }
0x6d: {  	_ =	shalt  }
0x6e: {  	_ =	shalt  }
0x6f: {  	_ =	shalt  }
0x70: {  	_ =	shalt  }
0x71: {  	_ =	shalt  }
0x72: {  	_ =	shalt  }
0x73: {  	_ =	shalt  }
0x74: {  	_ =	shalt  }
0x75: {  	_ =	shalt  }
0x76: {  	_ =	shalt  }
0x77: {  	_ =	shalt  }
0x78: {  	_ =	shalt  }
0x79: {  	_ =	shalt  }
0x7a: {  	_ =	shalt  }
0x7b: {  	_ =	shalt  }
0x7c: {  	_ =	shalt  }
0x7d: {  	_ =	shalt  }
0x7e: {  	_ =	shalt  }
0x7f: {  	_ =	shalt  }
0x80: {  	_ =	shalt  }
0x81: {  	_ =	shalt  }
0x82: {  	_ =	shalt  }
0x83: {  	_ =	shalt  }
0x84: {  	_ =	shalt  }
0x85: {  	_ =	shalt  }
0x86: {  	_ =	shalt  }
0x87: {  	_ =	shalt  }
.Lfunc_end0:
.L_simem_size_0:
called_computation.3_lowered:
.L_overlay_start_0:
0x88: {  	s2 =	sld [smem:$0x3FD9]  }
0x89: {  	s3 =	sld [smem:$0x3FFE];
	_ =	sdelay $0x1  }
0x8a: {  	s1 =	srdreg.scid  }
0x8b: {  	s0 =	sand.u32 $0x1, s1  }
0x8c: {  	s17 =	sshll.u32 s0, $0xA;
	s2 =	sadd.s32 s3, s2  }
0x8d: {  	s2 =	sadd.s32 s2, s17  }
0x8e: {  	[smem:$0x3FBE] =	sst s2  }
0x8f: {  	_ = 	snop  }
0x90: {  	s2 =	sld [smem:$0x3FD0];
	(tm) =	ssettm $0x1  }
0x91: {  	s18 =	sld [smem:$0x3FFB];
	_ =	sdelay $0x3  }
0x92: {  	_ =	strace s18  }
0x93: {  	s3 =	sld [smem:$0x3FFC];
	_ =	sdelay $0x3  }
0x94: {  	_ =	strace s3  }
0x95: {  	s3 =	sld [smem:$0x3FFD];
	_ =	sdelay $0x3  }
0x96: {  	_ =	strace s3  }
0x97: {  	_ =	strace $0x8FFFFFFF  }
0x98: {  	s19 =	sld [smem:$0x3FDB];
	_ =	sdelay $0x1  }
0x99: {  	s4 =	simm.s32 $_scs_section_size  }
0x9a: {  	s5 =	simm.s32 $_size__tile_overlayer_lowered;
	s6 =	simm.s32 $_tile_overlayer_lowered  }
0x9b: {  	s22 =	simm.s32 $0x1BFF;
	s21 =	sshll.u32 s6, $0x1;
	s3 =	sadd.s32 s4, s19  }
0x9c: {  	s7 =	simm.s32 $0x0;
	s20 =	sshll.u32 s5, $0x1;
	s5 =	sadd.s32 s21, s3  }
0x9d: {  	[timem:s7], [sflag:s22] =	dma.local [hbm:s5], s20  }
0x9e: {  	_ =	swait.ge [sflag:s22], s20  }
0x9f: {  	s4 =	ssub.s32 $0x0, s20;
	[sflag:s22] =	ssyncset.done $0x0  }
0xa0: {  	[sflag:s22] =	ssyncadd.s32 s4;
	_ =	sdelay $0x1  }
0xa1: {  	s23 =	simm.s32 $0x1B8B  }
0xa2: {  	_ =	swait.ge [sflag:s23], $0x1  }
0xa3: {  	[sflag:s23] =	ssyncset.done $0x0  }
0xa4: {  	s25 =	simm.s32 $0x1B8E;
	s24 =	sld [smem:$0x3FFE];
	[sflag:s23] =	ssyncadd.s32 $0xFFFFFFFF  }
0xa5: {  	s26 =	simm.s32 $execute0_lowered;
	[smem:$0x3FD2] =	sst s25  }
0xa6: {  	s5 =	sshll.u32 s26, $0x1;
	_ =	strace $0x8000004F;
	[dreg:$0x1] =	wrdreg $0xFFFFFFFF  }
0xa7: {  	s28 =	simm.s32 $_size_execute0_lowered;
	s3 =	sadd.s32 s3, s5;
	[dreg:$0x0] =	wrdreg $0x0  }
0xa8: {  	s5 =	sshll.u32 s28, $0x1;
	[dreg:$0x2] =	wrdreg s3  }
0xa9: {  	[dreg:$0x3] =	wrdreg s5  }
0xaa: {  	[dreg:$0x4] =	wrdreg $0xC0  }
0xab: {  	_ =	task [dreg:s7], $0x5FFFF  }
0xac: {  	[dreg:$0x1] =	wrdreg $0xFFFFFFFF  }
0xad: {  	[dreg:$0x0] =	wrdreg $0x60  }
0xae: {  	[dreg:$0x2] =	wrdreg s2  }
0xaf: {  	[dreg:$0x3] =	wrdreg s24  }
0xb0: {  	[dreg:$0x4] =	wrdreg $0xB7800  }
0xb1: {  	[dreg:$0x5] =	wrdreg $0x9  }
0xb2: {  	_ =	task.clear_ibuf [dreg:s7], $0x6FFFF;
	_ =	strace $0x9000004F  }
0xb3: {  	s29 =	simm.s32 $0x9;
	_ =	strace $0x80000051  }
0xb4: {  	_ =	swait.ge [sflag:s29], $0x1  }
0xb5: {  	[sflag:s29] =	ssyncadd.s32 $0xFFFFFFFF  }
0xb6: {  	_ =	strace $0x90000051  }
0xb7: {  	_ =	sfence  }
0xb8: {  	s30 =	sld [smem:$0x0];
	_ =	sdelay $0x2  }
0xb9: {  	s31 =	sshll.u32 s1, $0xD;
	s1 =	sshrl.u32 s1, $0x2  }
0xba: {  	s3 =	sand.u32 $0x4000, s31;
	s1 =	sadd.s32 s1, s30  }
0xbb: {  	s0 =	sor.u32 s3, s0;
	s1 =	sshll.u32 s1, $0x11  }
0xbc: {  	s0 =	sor.u32 s1, s0  }
0xbd: {  	s0 =	sadd.s32 $0x8F2B, s0  }
0xbe: {  	[sflag:s0] =	ssyncadd.remote.s32 $0x1  }
0xbf: {  	_ =	sfence.sel $0xFFFF  }
0xc0: {  	[dreg:$0x0] =	wrdreg $0xFFFFFFFF;
	(pc) =	sbr.abs _section_cstart, $3  }
0xc1: {  	[dreg:$0x1] =	wrdreg $0xFFFFFFFF  }
0xc2: {  	_ =	task.clear_ibuf [dreg:s7], $0x2FFFF;
	_ =	strace $0x9FFFFFFF  }
0xc3: {  	(tm) =	ssettm $0x7FFFFFFF  }
tec
execute0_lowered:
.L_overlay_start_1:
0x0: {  	(tag) =	ssettag $0x1  }
0x1: {  	s1 =	rddreg [dreg:$0x0]  }
0x2: {  	s0 =	srdreg.scid;
	s5 =	rddreg [dreg:$0x1]  }
0x3: {  	s9 =	stileid.u32;
	s3 =	rddreg [dreg:$0x2];
	s19 =	simm.s32 $0x2780  }
0x4: {  	s20 =	simm.s32 $0x6780;
	s21 =	simm.s32 $0x6;
	s22 =	simm.s32 $0x1  }
0x5: {  	s23 =	simm.s32 $0x50;
	s24 =	simm.s32 $0x2;
	s25 =	simm.s32 $0x8F80  }
0x6: {  	s26 =	simm.s32 $0x3;
	s28 =	simm.s32 $0x4;
	s29 =	simm.s32 $0x5  }
0x7: {  	s0 =	sand.u32 $0x1, s0;
	s7 =	sshll.u32 s9, $0x7;
	s8 =	smul.u32 $0x14000, s9  }
0x8: {  	s2 =	sshll.u32 s0, $0x4;
	s7 =	sand.u32 $0x380, s7;
	s30 =	smul.u32 $0x140000, s0  }
0x9: {  	s0 =	ssub.s32 $0x2, s0;
	s2 =	sor.u32 s9, s2;
	s9 =	smul.u32 $0x50000, s9  }
0xa: {  	s31 =	sshrl.u32 s0, $0x1;
	s4 =	sshrl.u32 s2, $0x3;
	s2 =	sshll.u32 s2, $0xB  }
0xb: {  	s0 =	ssub.s32 s0, s31;
	s6 =	smul.u32 $0x13C00, s4;
	s4 =	simm.s32 $0x0  }
0xc: {  	s2 =	sadd.s32 s2, s5;
	s9 =	sshrl.u32 s9, $0x2;
	s16 =	smax.u32 s0, $0x1  }
0xd: {  	s0 =	simm.s32 $0x0;
	s6 =	sor.u32 s7, s6;
	s7 =	sadd.s32 s8, s30  }
0xe: {  	[smem:$0x7FF] =	sst s4;
	s6 =	sshrl.u32 s6, $0x3;
	s7 =	sshrl.u32 s7, $0x3  }
0xf: {  	_ =	strace $0x80000050;
	s6 =	sadd.s32 s6, s5;
	s15 =	sadd.s32 s7, s5  }
0x10: {  	s5 =	sadd.s32 s9, s3;
	s7 =	sadd.s32 $0x2A00, s2;
	s2 =	simm.s32 $0x6580  }
0x11: {  	s6 =	sadd.s32 $0x12A00, s6;
	s8 =	sadd.s32 $0x2800, s5;
	s9 =	sadd.s32 $0x5000, s5  }
0x12: {  	s10 =	sadd.s32 $0x7800, s5;
	s11 =	sadd.s32 $0xA000, s5;
	s12 =	sadd.s32 $0xC800, s5  }
0x13: {  	v0 =	vimm.f32 $0.0e+00;
	s13 =	sadd.s32 $0xF000, s5;
	s14 =	sadd.s32 $0x11800, s5;
	s15 =	sadd.s32 $0x1C800, s15  }
.LBB2_1:
0x14: {  	s17 =	simm.s32 $0x80;
	s18 =	simm.s32 $0x400  }
0x15: {  	[tilespmem:s4], [sflag:$0x1] =	stream.strided.gather [hbm4b:s6+s17], $0x2780, s18, s17, $0x38;
	[tilespmem:$0x1F780] =	vst v63  }
0x16: {  	s17 =	simm.s32 $0x0;
	s18 =	simm.s32 $0x200  }
0x17: {  	[tilespmem:s19], [sflag:$0x1] =	stream.linear.gather [hbm4b:s7+s4], $0x3E80, $0x38;
	[tilespmem:$0x1F780] =	vst v63  }
.LBB2_2:
0x18: {  	p0 =	sne.s32 s18, $0x9E00;
	[tilespmem:s17+$0x67F0] =	vst v0  }
0x19: {  	[tilespmem:s17+$0x6780] =	vst v0  }
0x1a: {  	[tilespmem:s17+$0x6790] =	vst v0  }
.Ltmp0:
0x1b: {  	[tilespmem:s17+$0x67A0] =	vst v0;
	(pc) =	sbr.rel @p0 .LBB2_2-.Ltmp0, $4  }
0x1c: {  	[tilespmem:s17+$0x67B0] =	vst v0  }
0x1d: {  	[tilespmem:s17+$0x67C0] =	vst v0  }
0x1e: {  	[tilespmem:s17+$0x67D0] =	vst v0  }
0x1f: {  	[tilespmem:s17+$0x67E0] =	vst v0;
	s17 =	sshra.s32 s18, $0x2;
	s18 =	sadd.s32 $0x200, s18  }
0x20: {  	[tilespmem:s17+$0x67F0] =	vst v0  }
0x21: {  	[tilespmem:s17+$0x6780] =	vst v0  }
0x22: {  	[tilespmem:s17+$0x6790] =	vst v0  }
0x23: {  	[tilespmem:s17+$0x67A0] =	vst v0  }
0x24: {  	[tilespmem:s17+$0x67B0] =	vst v0  }
0x25: {  	[tilespmem:s17+$0x67C0] =	vst v0  }
0x26: {  	[tilespmem:s17+$0x67D0] =	vst v0  }
0x27: {  	[tilespmem:s17+$0x67E0] =	vst v0  }
0x28: {  	[spmem:s5] =	stream.linear.scatter [tilespmem:s20], [sflag:$0x6], $0x2800, $0x38;
	[tilespmem:$0x1F780] =	vst v63  }
0x29: {  	_ =	swait.ge [sflag:s21], $0x2800  }
0x2a: {  	[sflag:s21] =	ssyncset.done $0x0  }
0x2b: {  	[sflag:s21] =	ssyncadd.s32 $0xFFFFD800  }
0x2c: {  	[spmem:s8] =	stream.linear.scatter [tilespmem:s20], [sflag:$0x6], $0x2800, $0x38;
	[tilespmem:$0x1F780] =	vst v63  }
0x2d: {  	_ =	swait.ge [sflag:s21], $0x2800  }
0x2e: {  	[sflag:s21] =	ssyncset.done $0x0  }
0x2f: {  	[sflag:s21] =	ssyncadd.s32 $0xFFFFD800  }
0x30: {  	[spmem:s9] =	stream.linear.scatter [tilespmem:s20], [sflag:$0x6], $0x2800, $0x38;
	[tilespmem:$0x1F780] =	vst v63  }
0x31: {  	_ =	swait.ge [sflag:s21], $0x2800  }
0x32: {  	[sflag:s21] =	ssyncset.done $0x0  }
0x33: {  	[sflag:s21] =	ssyncadd.s32 $0xFFFFD800  }
0x34: {  	[spmem:s10] =	stream.linear.scatter [tilespmem:s20], [sflag:$0x6], $0x2800, $0x38;
	[tilespmem:$0x1F780] =	vst v63  }
0x35: {  	_ =	swait.ge [sflag:s21], $0x2800  }
0x36: {  	[sflag:s21] =	ssyncset.done $0x0  }
0x37: {  	[sflag:s21] =	ssyncadd.s32 $0xFFFFD800  }
0x38: {  	[spmem:s11] =	stream.linear.scatter [tilespmem:s20], [sflag:$0x6], $0x2800, $0x38;
	[tilespmem:$0x1F780] =	vst v63  }
0x39: {  	_ =	swait.ge [sflag:s21], $0x2800  }
0x3a: {  	[sflag:s21] =	ssyncset.done $0x0  }
0x3b: {  	[sflag:s21] =	ssyncadd.s32 $0xFFFFD800  }
0x3c: {  	[spmem:s12] =	stream.linear.scatter [tilespmem:s20], [sflag:$0x6], $0x2800, $0x38;
	[tilespmem:$0x1F780] =	vst v63  }
0x3d: {  	_ =	swait.ge [sflag:s21], $0x2800  }
0x3e: {  	[sflag:s21] =	ssyncset.done $0x0  }
0x3f: {  	[sflag:s21] =	ssyncadd.s32 $0xFFFFD800  }
0x40: {  	[spmem:s13] =	stream.linear.scatter [tilespmem:s20], [sflag:$0x6], $0x2800, $0x38;
	[tilespmem:$0x1F780] =	vst v63  }
0x41: {  	_ =	swait.ge [sflag:s21], $0x2800  }
0x42: {  	[sflag:s21] =	ssyncset.done $0x0  }
0x43: {  	[sflag:s21] =	ssyncadd.s32 $0xFFFFD800  }
0x44: {  	[spmem:s14] =	stream.linear.scatter [tilespmem:s20], [sflag:$0x6], $0x2800, $0x38;
	[tilespmem:$0x1F780] =	vst v63  }
0x45: {  	_ =	swait.ge [sflag:s21], $0x2800  }
0x46: {  	[sflag:s21] =	ssyncset.done $0x0  }
0x47: {  	[sflag:s21] =	ssyncadd.s32 $0xFFFFD800  }
0x48: {  	_ =	swait.ge [sflag:s22], $0x2780  }
0x49: {  	[sflag:s22] =	ssyncset.done $0x0  }
0x4a: {  	[sflag:s22] =	ssyncadd.s32 $0xFFFFD880  }
0x4b: {  	_ =	swait.ge [sflag:s22], $0x3E80  }
0x4c: {  	[sflag:s22] =	ssyncset.done $0x0  }
0x4d: {  	[sflag:s22] =	ssyncadd.s32 $0xFFFFC180  }
0x4e: {  	[bflag:$0x0] =	sbarrier.arrive $0xFFFF  }
0x4f: {  	[tilespmem:s20], [sflag:$0x2] =	stream.indirect.gather [hbm4b:s1+s23], $0x80, s4, s23, $0xb8;
	[tilespmem:$0x1F780] =	vst v63  }
0x50: {  	_ =	swait.ge [sflag:s24], $0x2800  }
0x51: {  	[sflag:s24] =	ssyncset.done $0x0  }
0x52: {  	[sflag:s24] =	ssyncadd.s32 $0xFFFFD800  }
0x53: {  	[tilespmem:s25], [sflag:$0x3] =	stream.indirect.gather [hbm4b:s1+s23], $0x80, s23, s23, $0xb8;
	[tilespmem:$0x1F780] =	vst v63  }
0x54: {  	_ = 	snop  }
0x55: {  	[spmem:s3] =	stream.indirect.scatter.add.f32 [tilespmem:s20], [sflag:$0x4], $0x80, s19, s23, $0xb8;
	[tilespmem:$0x1F780] =	vst v63  }
0x56: {  	_ =	swait.ge [sflag:s26], $0x2800  }
0x57: {  	[sflag:s26] =	ssyncset.done $0x0  }
0x58: {  	[sflag:s26] =	ssyncadd.s32 $0xFFFFD800  }
0x59: {  	_ =	swait.ge [sflag:s28], $0x2800  }
0x5a: {  	[sflag:s28] =	ssyncset.done $0x0  }
0x5b: {  	s31 =	simm.s32 $0xA0;
	[sflag:s28] =	ssyncadd.s32 $0xFFFFD800  }
0x5c: {  	[tilespmem:s20], [sflag:$0x2] =	stream.indirect.gather [hbm4b:s1+s23], $0x80, s31, s23, $0xb8;
	[tilespmem:$0x1F780] =	vst v63  }
0x5d: {  	s18 =	simm.s32 $0x2800  }
0x5e: {  	[spmem:s3] =	stream.indirect.scatter.add.f32 [tilespmem:s25], [sflag:$0x5], $0x80, s18, s23, $0xb8;
	[tilespmem:$0x1F780] =	vst v63  }
0x5f: {  	_ =	swait.ge [sflag:s24], $0x2800  }
0x60: {  	[sflag:s24] =	ssyncset.done $0x0  }
0x61: {  	[sflag:s24] =	ssyncadd.s32 $0xFFFFD800  }
0x62: {  	_ =	swait.ge [sflag:s29], $0x2800  }
0x63: {  	s17 =	simm.s32 $0xFFFF6A00;
	s30 =	simm.s32 $0x2880;
	[sflag:s29] =	ssyncset.done $0x0  }
0x64: {  	s31 =	simm.s32 $0xF0;
	s18 =	simm.s32 $0x2900;
	[sflag:s29] =	ssyncadd.s32 $0xFFFFD800  }
0x65: {  	[tilespmem:s25], [sflag:$0x3] =	stream.indirect.gather [hbm4b:s1+s23], $0x80, s31, s23, $0xb8;
	[tilespmem:$0x1F780] =	vst v63  }
.LBB2_4:
0x66: {  	[spmem:s3] =	stream.indirect.scatter.add.f32 [tilespmem:s20], [sflag:$0x4], $0x80, s30, s23, $0xb8;
	[tilespmem:$0x1F780] =	vst v63  }
0x67: {  	s30 =	smov.u32 s17  }
0x68: {  	p0 =	sne.s32 s17, $0xFFFFFD80;
	s17 =	sadd.s32 $0x280, s17;
	_ =	swait.ge [sflag:s26], $0x2800  }
0x69: {  	[sflag:s26] =	ssyncset.done $0x0  }
0x6a: {  	[sflag:s26] =	ssyncadd.s32 $0xFFFFD800  }
0x6b: {  	_ =	swait.ge [sflag:s28], $0x2800  }
0x6c: {  	s30 =	sshra.s32 s30, $0x2;
	[sflag:s28] =	ssyncset.done $0x0  }
0x6d: {  	s31 =	sadd.s32 $0x26C0, s30;
	[sflag:s28] =	ssyncadd.s32 $0xFFFFD800  }
0x6e: {  	[tilespmem:s20], [sflag:$0x2] =	stream.indirect.gather [hbm4b:s1+s23], $0x80, s31, s23, $0xb8;
	[tilespmem:$0x1F780] =	vst v63  }
0x6f: {  	_ = 	snop  }
0x70: {  	[spmem:s3] =	stream.indirect.scatter.add.f32 [tilespmem:s25], [sflag:$0x5], $0x80, s18, s23, $0xb8;
	[tilespmem:$0x1F780] =	vst v63  }
0x71: {  	_ =	swait.ge [sflag:s24], $0x2800  }
0x72: {  	[sflag:s24] =	ssyncset.done $0x0  }
0x73: {  	[sflag:s24] =	ssyncadd.s32 $0xFFFFD800  }
.Ltmp1:
0x74: {  	_ =	swait.ge [sflag:s29], $0x2800;
	(pc) =	sbr.rel @p0 .LBB2_4-.Ltmp1, $4  }
0x75: {  	[sflag:s29] =	ssyncset.done $0x0  }
0x76: {  	s30 =	sadd.s32 $0x2710, s30;
	[sflag:s29] =	ssyncadd.s32 $0xFFFFD800  }
0x77: {  	[tilespmem:s25], [sflag:$0x3] =	stream.indirect.gather [hbm4b:s1+s23], $0x80, s30, s23, $0xb8;
	[tilespmem:$0x1F780] =	vst v63  }
0x78: {  	s30 =	sadd.s32 $0x80, s18;
	s18 =	sadd.s32 $0x100, s18  }
0x79: {  	[spmem:s3] =	stream.indirect.scatter.add.f32 [tilespmem:s20], [sflag:$0x4], $0x80, s30, s23, $0xb8;
	[tilespmem:$0x1F780] =	vst v63  }
0x7a: {  	_ =	swait.ge [sflag:s26], $0x2800  }
0x7b: {  	[sflag:s26] =	ssyncset.done $0x0  }
0x7c: {  	[sflag:s26] =	ssyncadd.s32 $0xFFFFD800  }
0x7d: {  	_ =	swait.ge [sflag:s28], $0x2800  }
0x7e: {  	[sflag:s28] =	ssyncset.done $0x0  }
0x7f: {  	s17 =	simm.s32 $0x26C0;
	[sflag:s28] =	ssyncadd.s32 $0xFFFFD800  }
0x80: {  	[tilespmem:s20], [sflag:$0x2] =	stream.indirect.gather [hbm4b:s1+s23], $0x80, s17, s23, $0xb8;
	[tilespmem:$0x1F780] =	vst v63  }
0x81: {  	s30 =	simm.s32 $0x6500  }
0x82: {  	[spmem:s3] =	stream.indirect.scatter.add.f32 [tilespmem:s25], [sflag:$0x5], $0x80, s30, s23, $0xb8;
	[tilespmem:$0x1F780] =	vst v63  }
0x83: {  	_ =	swait.ge [sflag:s24], $0x2800  }
0x84: {  	[sflag:s24] =	ssyncset.done $0x0  }
0x85: {  	[sflag:s24] =	ssyncadd.s32 $0xFFFFD800  }
0x86: {  	_ =	swait.ge [sflag:s29], $0x2800  }
0x87: {  	[sflag:s29] =	ssyncset.done $0x0  }
0x88: {  	[sflag:s29] =	ssyncadd.s32 $0xFFFFD800  }
0x89: {  	[spmem:s3] =	stream.indirect.scatter.add.f32 [tilespmem:s20], [sflag:$0x4], $0x80, s2, s23, $0xb8;
	[tilespmem:$0x1F780] =	vst v63  }
0x8a: {  	s31 =	stileid.u32;
	_ =	swait.ge [sflag:s28], $0x2800  }
0x8b: {  	s18 =	sshrl.u32 s5, $0x3;
	s0 =	sadd.s32 $0x1, s0;
	[sflag:s28] =	ssyncset.done $0x0  }
0x8c: {  	p0 =	sne.s32 s0, s16;
	s17 =	sshll.u32 s31, $0x6;
	[sflag:s28] =	ssyncadd.s32 $0xFFFFD800  }
.Ltmp2:
0x8d: {  	s17 =	sor.u32 $0x1C06, s17;
	[bflag:$0x0] =	sbarrier.arrive $0xFFFF;
	(pc) =	sbr.rel @p0 .LBB2_1-.Ltmp2, $4  }
0x8e: {  	[hbm:s15], [sflag:s17] =	dma.local [spmem:s18], $0x2800  }
0x8f: {  	_ =	swait.ge [sflag:s21], $0x2800  }
0x90: {  	[sflag:s21] =	ssyncset.done $0x0  }
0x91: {  	[sflag:s21] =	ssyncadd.s32 $0xFFFFD800  }
0x92: {  	_ =	sfence.sel $0x180000  }
0x93: {  	[bflag:$0x0] =	sbarrier.arrive $0xFFFF  }
0x94: {  	_ =	strace $0x90000050  }
0x95: {  	s0 =	stileid.u32;
	[bflag:$0x2] =	sbarrier.arrive $0xFFFF  }
0x96: {  	p0 =	sne.s32 s0, $0x0;
	s0 =	rddreg [dreg:$0x3]  }
0x97: {  	s0 =	sadd.s32 @!p0 $0x100000, s0  }
0x98: {  	[sflag:s0] =	ssyncadd.tile.s32 @!p0 $0x1;
	_ =	shalt  }
.Lfunc_end2:
_tile_overlayer_lowered:
.L_overlay_start_2:
0x99: {  	(tag) =	ssettag $0x2  }
0x9a: {  	s0 =	rddreg [dreg:$0x0];
	s2 =	stileid.u32  }
0x9b: {  	s1 =	rddreg [dreg:$0x1];
	p0 =	sne.s32 s2, $0x0  }
0x9c: {  	s3 =	rddreg [dreg:$0x2];
	[bflag:$0x3] =	sbarrier.arrive $0xFFFF;
	s2 =	simm.s32 @!p0 $0x1C06  }
0x9d: {  	[timem:s3], [sflag:s2] =	dma.local @!p0 [hbm:s0], s1  }
0x9e: {  	s0 =	simm.s32 @!p0 $0x6  }
0x9f: {  	_ =	swait.ge @!p0 [sflag:s0], s1  }
0xa0: {  	s1 =	ssub.s32 @!p0 $0x0, s1;
	[sflag:s0] =	ssyncset.done @!p0 $0x0  }
0xa1: {  	[sflag:s0] =	ssyncadd.s32 @!p0 s1  }
0xa2: {  	[bflag:$0x3] =	sbarrier.arrive $0xFFFF  }
0xa3: {  	_ =	shalt  }

</sc_bundles>
